<compile_context>
chip_gen: v7x
topology: tpu7x:2x2x1
jax: 0.10.2.dev20260603
libtpu: 0.0.44.dev20260713+nightly
codegen_flags: <defaults>
</compile_context>

<pallas_src>
import functools

import jax
import jax.numpy as jnp
from jax import lax
from jax.experimental import pallas as pl
from jax.experimental.pallas import tpu as pltpu
from jax.experimental.pallas import tpu_sc as plsc


def _make_agg(N, D, E, with_cnt):
    info = plsc.get_sparse_core_info()
    NC, NS = info.num_cores, info.num_subcores
    NW = NC * NS
    EPW = E // NW
    K = 80
    NCH = EPW // K
    RPT = -(-N // (NS * 8)) * 8
    NP = RPT * NS

    NB = 4
    LAG = 3
    NCHP = -(-NCH // NB) * NB

    outs = [jax.ShapeDtypeStruct((NC, NP, D), jnp.float32)]
    scratch = (
        [pltpu.VMEM((K,), jnp.int32) for _ in range(NB)]
        + [pltpu.VMEM((K,), jnp.int32) for _ in range(NB)]
        + [pltpu.VMEM((K, D), jnp.float32) for _ in range(NB)]
        + [pltpu.VMEM_SHARED((NP, D), jnp.float32)]
        + [pltpu.SemaphoreType.DMA for _ in range(NB)]
        + [pltpu.SemaphoreType.DMA for _ in range(NB)]
        + [pltpu.SemaphoreType.DMA]
    )
    if with_cnt:
        outs.append(jax.ShapeDtypeStruct((NC * NP,), jnp.float32))
        scratch.append(pltpu.VMEM((K,), jnp.float32))
        scratch.append(pltpu.VMEM((RPT,), jnp.float32))
        scratch.append(pltpu.VMEM_SHARED((NP,), jnp.float32))

    mesh = plsc.VectorSubcoreMesh(core_axis_name="c", subcore_axis_name="s")

    @functools.partial(
        pl.kernel, mesh=mesh,
        out_type=tuple(outs) if len(outs) > 1 else outs[0],
        scratch_types=scratch)
    def agg(h_hbm, src_hbm, dst_hbm, *rest):
        if with_cnt:
            (out_hbm, cnt_hbm), rest = rest[:2], rest[2:]
        else:
            (out_hbm,), rest = rest[:1], rest[1:]
        sidx = rest[0:NB]
        didx = rest[NB:2 * NB]
        rows = rest[2 * NB:3 * NB]
        acc = rest[3 * NB]
        semg = rest[3 * NB + 1:4 * NB + 1]
        sems = rest[4 * NB + 1:5 * NB + 1]
        semi = rest[5 * NB + 1]
        if with_cnt:
            ones, zcol, cnt = rest[5 * NB + 2:]
        c = lax.axis_index("c")
        s = lax.axis_index("s")
        base = (s * NC + c) * EPW

        def idx_load(j, u):
            pltpu.make_async_copy(
                src_hbm.at[pl.ds(base + j * K, K)], sidx[u], semi).start()
            pltpu.make_async_copy(
                dst_hbm.at[pl.ds(base + j * K, K)], didx[u], semi).start()

        def idx_wait(u):
            pltpu.make_async_copy(
                src_hbm.at[pl.ds(base, K)], sidx[u], semi).wait()
            pltpu.make_async_copy(
                dst_hbm.at[pl.ds(base, K)], didx[u], semi).wait()

        def gather_start(u):
            pltpu.async_copy(h_hbm.at[sidx[u]], rows[u], semg[u])

        def gather_wait(u):
            pltpu.make_async_copy(h_hbm.at[sidx[u]], rows[u], semg[u]).wait()

        def scatter_start(u):
            pltpu.async_copy(rows[u], acc.at[didx[u]], sems[u], add=True)
            if with_cnt:
                pltpu.sync_copy(ones, cnt.at[didx[u]], add=True)

        def scatter_wait(u):
            pltpu.make_async_copy(rows[u], acc.at[didx[u]], sems[u]).wait()

        zero16 = jnp.zeros((16,), jnp.float32)

        def zr(r, carry):
            for cc in range(D // 16):
                rows[0][r, pl.ds(cc * 16, 16)] = zero16
            return carry

        lax.fori_loop(0, K, zr, 0)
        for t in range(-(-RPT // K)):
            sz = min(K, RPT - t * K)
            pltpu.sync_copy(rows[0].at[pl.ds(0, sz)],
                            acc.at[pl.ds(s * RPT + t * K, sz)])
        if with_cnt:
            ones16 = jnp.ones((16,), jnp.float32)
            for g in range(K // 16):
                ones[pl.ds(g * 16, 16)] = ones16

            def zc(i, carry):
                zcol[pl.ds(i * 16, 16)] = zero16
                return carry

            lax.fori_loop(0, RPT // 16, zc, 0)
            if RPT % 16:
                zcol[pl.ds(RPT - 16, 16)] = zero16
            pltpu.sync_copy(zcol, cnt.at[pl.ds(s * RPT, RPT)])
        plsc.subcore_barrier()

        padN = jnp.full((16,), N, jnp.int32)

        def body(i, carry):
            for u in range(NB):
                j = i * NB + u
                v = (u + NB - LAG) % NB

                @pl.when(j >= NB)
                def _():
                    scatter_wait(u)

                idx_load(jnp.minimum(j, NCH - 1), u)

                @pl.when(j >= LAG)
                def _():
                    gather_wait(v)
                    scatter_start(v)

                idx_wait(u)
                if NCHP != NCH:
                    @pl.when(j >= NCH)
                    def _():
                        for g in range(K // 16):
                            didx[u][pl.ds(g * 16, 16)] = padN

                gather_start(u)
            return carry

        lax.fori_loop(0, NCHP // NB, body, 0)
        for t in range(LAG):
            u = (NCHP - LAG + t) % NB
            gather_wait(u)
            scatter_start(u)
        for u in range(NB):
            scatter_wait(u)
        plsc.subcore_barrier()

        pltpu.sync_copy(acc.at[pl.ds(s * RPT, RPT)],
                        out_hbm.at[c, pl.ds(s * RPT, RPT)])
        if with_cnt:
            pltpu.sync_copy(cnt.at[pl.ds(s * RPT, RPT)], zcol)
            pltpu.sync_copy(zcol, cnt_hbm.at[pl.ds(c * NP + s * RPT, RPT)])

    return agg


def _dense(parts, cntparts_t, h, Wl, bl, Wr, a):
    N, D = h.shape
    NC = parts.shape[0]
    NW = cntparts_t.shape[1]
    R = 1000
    grid = N // R

    def body(p_ref, c_ref, h_ref, wl_ref, bl_ref, wr_ref, a_ref, o_ref):
        agg = p_ref[0] + p_ref[1]
        cnt = jnp.sum(c_ref[...], axis=1)
        mean = agg / jnp.maximum(cnt, 1.0)[:, None]
        y = (jnp.dot(mean, wl_ref[...], preferred_element_type=jnp.float32)
             + bl_ref[...][None, :]
             + jnp.dot(h_ref[...], wr_ref[...],
                       preferred_element_type=jnp.float32))
        av = a_ref[...][None, :]
        o_ref[...] = jnp.where(y >= 0, y, av * y)

    return pl.pallas_call(
        body,
        grid=(grid,),
        in_specs=[
            pl.BlockSpec((NC, R, D), lambda i: (0, i, 0)),
            pl.BlockSpec((R, NW), lambda i: (i, 0)),
            pl.BlockSpec((R, D), lambda i: (i, 0)),
            pl.BlockSpec((D, D), lambda i: (0, 0)),
            pl.BlockSpec((D,), lambda i: (0,)),
            pl.BlockSpec((D, D), lambda i: (0, 0)),
            pl.BlockSpec((D,), lambda i: (0,)),
        ],
        out_specs=pl.BlockSpec((R, D), lambda i: (i, 0)),
        out_shape=jax.ShapeDtypeStruct((N, D), jnp.float32),
    )(parts, cntparts_t, h, Wl, bl, Wr, a)


def kernel(x, edge_index, batch_size, Wl0, bl0, Wr0, a0,
           Wl1, bl1, Wr1, a1, Wl2, bl2, Wr2, a2):
    N, D = x.shape
    E = edge_index.shape[1]

    info = plsc.get_sparse_core_info()
    NC = info.num_cores
    NW = NC * info.num_subcores
    NP = -(-N // (info.num_subcores * 8)) * 8 * info.num_subcores
    src = edge_index[0].astype(jnp.int32)
    dst = edge_index[1].astype(jnp.int32)

    agg0 = _make_agg(N, D, E, with_cnt=True)
    agg = _make_agg(N, D, E, with_cnt=False)

    parts, cntflat = agg0(x, src, dst)
    cntparts_t = cntflat.reshape(NC, NP)[:, :N].T
    h1 = _dense(parts, cntparts_t, x, Wl0, bl0, Wr0, a0)
    parts = agg(h1, src, dst)
    h2 = _dense(parts, cntparts_t, h1, Wl1, bl1, Wr1, a1)
    parts = agg(h2, src, dst)
    h3 = _dense(parts, cntparts_t, h2, Wl2, bl2, Wr2, a2)
    return lax.dynamic_slice_in_dim(h3, batch_size - 1024, 1024, axis=0)

# --- scband reference (transcript-rebuilt; emitter-appended) ---
"""Pipeline reference for scband-encoder-50242527428945 (READ-ONLY COPY).

The authoritative reference and input builder live on the scoring server;
editing this copy changes nothing except your own understanding.
"""

import jax, jax.numpy as jnp
import numpy as np

N = 10000
E = 320000
D_IN = 128
D_H = 128


def _lin_init(key, fan_in, fan_out):
    s = 1.0 / np.sqrt(fan_in)
    return jax.random.uniform(key, (fan_in, fan_out), minval=-s, maxval=s, dtype=jnp.float32)


def setup_inputs(seed: int = 0):
    key = jax.random.key(seed)
    ks = jax.random.split(key, 16)
    x = jax.random.normal(ks[0], (N, D_IN), dtype=jnp.float32)
    edge_index = jax.random.randint(ks[1], (2, E), 0, N, dtype=jnp.int32).astype(jnp.int64)
    inp = {"x": x, "edge_index": edge_index, "batch_size": 1024}
    dims = [(D_IN, D_H), (D_H, D_H), (D_H, D_H)]
    for i, (din, dout) in enumerate(dims):
        s = 1.0 / np.sqrt(din)
        inp[f"Wl{i}"] = _lin_init(ks[2 + 4 * i], din, dout)
        inp[f"bl{i}"] = jax.random.uniform(ks[3 + 4 * i], (dout,), minval=-s, maxval=s, dtype=jnp.float32)
        inp[f"Wr{i}"] = _lin_init(ks[4 + 4 * i], din, dout)
        inp[f"a{i}"] = jnp.full((dout,), 0.25, dtype=jnp.float32)
    return inp


def _sage_conv(x, src, dst, Wl, bl, Wr):
    # SAGEConv with mean aggregation: out = lin_l(mean_{j in N(i)} x_j) + lin_r(x_i)
    msg = x[src]
    agg = jax.ops.segment_sum(msg, dst, num_segments=N)
    cnt = jax.ops.segment_sum(jnp.ones((dst.shape[0],), dtype=x.dtype), dst, num_segments=N)
    mean = agg / jnp.maximum(cnt, 1.0)[:, None]
    return mean @ Wl + bl + x @ Wr


def _prelu(x, a):
    return jnp.where(x >= 0, x, a * x)


def reference(x, edge_index, batch_size, Wl0, bl0, Wr0, a0, Wl1, bl1, Wr1, a1, Wl2, bl2, Wr2, a2):
    src = edge_index[0]
    dst = edge_index[1]
    h = _prelu(_sage_conv(x, src, dst, Wl0, bl0, Wr0), a0)
    h = _prelu(_sage_conv(h, src, dst, Wl1, bl1, Wr1), a1)
    h = _prelu(_sage_conv(h, src, dst, Wl2, bl2, Wr2), a2)
    return jax.lax.dynamic_slice_in_dim(h, batch_size - 1024, 1024, axis=0)

if __name__ == "__main__":
    import jax
    _d = setup_inputs()
    print(jax.jit(kernel)(*tuple(_d.values())))

</pallas_src>

<mosaic_0001>
#map = affine_map<(d0, d1) -> (0, 0)>
#map1 = affine_map<(d0, d1) -> (0)>
#map2 = affine_map<(d0, d1) -> (0, 0, 0)>
module attributes {stable_mosaic.version = 14 : i64} {
  func.func @agg(%arg0: i32, %arg1: i32, %arg2: memref<10000x128xf32, #tpu.memory_space<hbm>>, %arg3: memref<320000xi32, #tpu.memory_space<hbm>>, %arg4: memref<320000xi32, #tpu.memory_space<hbm>>, %arg5: memref<2x10112x128xf32, #tpu.memory_space<hbm>>, %arg6: memref<80xi32, #tpu.memory_space<vmem>>, %arg7: memref<80xi32, #tpu.memory_space<vmem>>, %arg8: memref<80xi32, #tpu.memory_space<vmem>>, %arg9: memref<80xi32, #tpu.memory_space<vmem>>, %arg10: memref<80xi32, #tpu.memory_space<vmem>>, %arg11: memref<80xi32, #tpu.memory_space<vmem>>, %arg12: memref<80xi32, #tpu.memory_space<vmem>>, %arg13: memref<80xi32, #tpu.memory_space<vmem>>, %arg14: memref<80x128xf32, #tpu.memory_space<vmem>>, %arg15: memref<80x128xf32, #tpu.memory_space<vmem>>, %arg16: memref<80x128xf32, #tpu.memory_space<vmem>>, %arg17: memref<80x128xf32, #tpu.memory_space<vmem>>, %arg18: memref<10112x128xf32, #tpu.memory_space<vmem_shared>>, %arg19: memref<!tpu.dma_semaphore, #tpu.memory_space<semaphore_mem>>, %arg20: memref<!tpu.dma_semaphore, #tpu.memory_space<semaphore_mem>>, %arg21: memref<!tpu.dma_semaphore, #tpu.memory_space<semaphore_mem>>, %arg22: memref<!tpu.dma_semaphore, #tpu.memory_space<semaphore_mem>>, %arg23: memref<!tpu.dma_semaphore, #tpu.memory_space<semaphore_mem>>, %arg24: memref<!tpu.dma_semaphore, #tpu.memory_space<semaphore_mem>>, %arg25: memref<!tpu.dma_semaphore, #tpu.memory_space<semaphore_mem>>, %arg26: memref<!tpu.dma_semaphore, #tpu.memory_space<semaphore_mem>>, %arg27: memref<!tpu.dma_semaphore, #tpu.memory_space<semaphore_mem>>) attributes {dimension_semantics = [#tpu.dimension_semantics<core_parallel>, #tpu.dimension_semantics<subcore_parallel>], iteration_bounds = array<i64: 2, 16>, scalar_prefetch = 0 : i64, scratch_operands = 22 : i64, tpu.core_type = #tpu.core_type<sc_vector_subcore>, window_params = [{transform_indices = #map}, {transform_indices = #map1}, {transform_indices = #map1}, {transform_indices = #map2}]} {
    %mul3A = arith.constant 2 : i32
    %mul3A_0 = arith.muli %arg1, %mul3A : i32
    %add3A = arith.addi %mul3A_0, %arg0 : i32
    %mul3A_1 = arith.constant 10000 : i32
    %mul3A_2 = arith.muli %add3A, %mul3A_1 : i32
    %broadcast_in_dim3A = arith.constant 0.000000e+00 : f32
    %broadcast_in_dim3A_3 = vector.broadcast %broadcast_in_dim3A : f32 to vector<16xf32>
    %scan3A = arith.constant 0 : i32
    %scan3A_4 = arith.constant 0 : i32
    %scan3A_5 = arith.constant 80 : i32
    %scan3A_6 = arith.addi %scan3A_4, %scan3A_5 : i32
    %scan3A_7 = arith.constant 1 : i32
    scf.for %scan3A_82 = %scan3A_4 to %scan3A_6 step %scan3A_7  : i32 {
      %swap3A = arith.index_cast %scan3A_82 : i32 to index
      %swap3A_83 = arith.constant 0 : index
      %swap3A_84 = tpu.vector_load %arg14[%swap3A, %swap3A_83] {strides = array<i32>} : memref<80x128xf32, #tpu.memory_space<vmem>>, vector<1x16xf32>,
      %swap3A_85 = vector.shape_cast %swap3A_84 : vector<1x16xf32> to vector<16xf32>
      %swap3A_86 = vector.shape_cast %broadcast_in_dim3A_3 : vector<16xf32> to vector<1x16xf32>
      tpu.vector_store %arg14[%swap3A, %swap3A_83], %swap3A_86 {strides = array<i32>} : memref<80x128xf32, #tpu.memory_space<vmem>>, vector<1x16xf32>,
      %swap3A_87 = arith.index_cast %scan3A_82 : i32 to index
      %swap3A_88 = arith.constant 16 : index
      %swap3A_89 = tpu.vector_load %arg14[%swap3A_87, %swap3A_88] {strides = array<i32>} : memref<80x128xf32, #tpu.memory_space<vmem>>, vector<1x16xf32>,
      %swap3A_90 = vector.shape_cast %swap3A_89 : vector<1x16xf32> to vector<16xf32>
      %swap3A_91 = vector.shape_cast %broadcast_in_dim3A_3 : vector<16xf32> to vector<1x16xf32>
      tpu.vector_store %arg14[%swap3A_87, %swap3A_88], %swap3A_91 {strides = array<i32>} : memref<80x128xf32, #tpu.memory_space<vmem>>, vector<1x16xf32>,
      %swap3A_92 = arith.index_cast %scan3A_82 : i32 to index
      %swap3A_93 = arith.constant 32 : index
      %swap3A_94 = tpu.vector_load %arg14[%swap3A_92, %swap3A_93] {strides = array<i32>} : memref<80x128xf32, #tpu.memory_space<vmem>>, vector<1x16xf32>,
      %swap3A_95 = vector.shape_cast %swap3A_94 : vector<1x16xf32> to vector<16xf32>
      %swap3A_96 = vector.shape_cast %broadcast_in_dim3A_3 : vector<16xf32> to vector<1x16xf32>
      tpu.vector_store %arg14[%swap3A_92, %swap3A_93], %swap3A_96 {strides = array<i32>} : memref<80x128xf32, #tpu.memory_space<vmem>>, vector<1x16xf32>,
      %swap3A_97 = arith.index_cast %scan3A_82 : i32 to index
      %swap3A_98 = arith.constant 48 : index
      %swap3A_99 = tpu.vector_load %arg14[%swap3A_97, %swap3A_98] {strides = array<i32>} : memref<80x128xf32, #tpu.memory_space<vmem>>, vector<1x16xf32>,
      %swap3A_100 = vector.shape_cast %swap3A_99 : vector<1x16xf32> to vector<16xf32>
      %swap3A_101 = vector.shape_cast %broadcast_in_dim3A_3 : vector<16xf32> to vector<1x16xf32>
      tpu.vector_store %arg14[%swap3A_97, %swap3A_98], %swap3A_101 {strides = array<i32>} : memref<80x128xf32, #tpu.memory_space<vmem>>, vector<1x16xf32>,
      %swap3A_102 = arith.index_cast %scan3A_82 : i32 to index
      %swap3A_103 = arith.constant 64 : index
      %swap3A_104 = tpu.vector_load %arg14[%swap3A_102, %swap3A_103] {strides = array<i32>} : memref<80x128xf32, #tpu.memory_space<vmem>>, vector<1x16xf32>,
      %swap3A_105 = vector.shape_cast %swap3A_104 : vector<1x16xf32> to vector<16xf32>
      %swap3A_106 = vector.shape_cast %broadcast_in_dim3A_3 : vector<16xf32> to vector<1x16xf32>
      tpu.vector_store %arg14[%swap3A_102, %swap3A_103], %swap3A_106 {strides = array<i32>} : memref<80x128xf32, #tpu.memory_space<vmem>>, vector<1x16xf32>,
      %swap3A_107 = arith.index_cast %scan3A_82 : i32 to index
      %swap3A_108 = arith.constant 80 : index
      %swap3A_109 = tpu.vector_load %arg14[%swap3A_107, %swap3A_108] {strides = array<i32>} : memref<80x128xf32, #tpu.memory_space<vmem>>, vector<1x16xf32>,
      %swap3A_110 = vector.shape_cast %swap3A_109 : vector<1x16xf32> to vector<16xf32>
      %swap3A_111 = vector.shape_cast %broadcast_in_dim3A_3 : vector<16xf32> to vector<1x16xf32>
      tpu.vector_store %arg14[%swap3A_107, %swap3A_108], %swap3A_111 {strides = array<i32>} : memref<80x128xf32, #tpu.memory_space<vmem>>, vector<1x16xf32>,
      %swap3A_112 = arith.index_cast %scan3A_82 : i32 to index
      %swap3A_113 = arith.constant 96 : index
      %swap3A_114 = tpu.vector_load %arg14[%swap3A_112, %swap3A_113] {strides = array<i32>} : memref<80x128xf32, #tpu.memory_space<vmem>>, vector<1x16xf32>,
      %swap3A_115 = vector.shape_cast %swap3A_114 : vector<1x16xf32> to vector<16xf32>
      %swap3A_116 = vector.shape_cast %broadcast_in_dim3A_3 : vector<16xf32> to vector<1x16xf32>
      tpu.vector_store %arg14[%swap3A_112, %swap3A_113], %swap3A_116 {strides = array<i32>} : memref<80x128xf32, #tpu.memory_space<vmem>>, vector<1x16xf32>,
      %swap3A_117 = arith.index_cast %scan3A_82 : i32 to index
      %swap3A_118 = arith.constant 112 : index
      %swap3A_119 = tpu.vector_load %arg14[%swap3A_117, %swap3A_118] {strides = array<i32>} : memref<80x128xf32, #tpu.memory_space<vmem>>, vector<1x16xf32>,
      %swap3A_120 = vector.shape_cast %swap3A_119 : vector<1x16xf32> to vector<16xf32>
      %swap3A_121 = vector.shape_cast %broadcast_in_dim3A_3 : vector<16xf32> to vector<1x16xf32>
      tpu.vector_store %arg14[%swap3A_117, %swap3A_118], %swap3A_121 {strides = array<i32>} : memref<80x128xf32, #tpu.memory_space<vmem>>, vector<1x16xf32>,
    }
    %scan3A_8 = arith.constant 80 : i32
    %mul3A_9 = arith.constant 632 : i32
    %mul3A_10 = arith.muli %arg1, %mul3A_9 : i32
    %add3A_11 = arith.constant 0 : i32
    %add3A_12 = arith.addi %mul3A_10, %add3A_11 : i32
    "tpu.region"() ({
      %run_scoped3A = tpu.sem_alloc : memref<!tpu.dma_semaphore, #tpu.memory_space<semaphore_mem>>
      %dma_start3A_82 = arith.constant 0 : i32
      %dma_start3A_83 = arith.constant 0 : i32
      %dma_start3A_84 = tpu.memref_slice %arg14[%dma_start3A_82, %dma_start3A_83] : memref<80x128xf32, #tpu.memory_space<vmem>> -> memref<80x128xf32, #tpu.memory_space<vmem>>
      %dma_start3A_85 = arith.constant 0 : i32
      %dma_start3A_86 = tpu.memref_slice %arg18[%add3A_12, %dma_start3A_85] : memref<10112x128xf32, #tpu.memory_space<vmem_shared>> -> memref<80x128xf32, #tpu.memory_space<vmem_shared>>
      %dma_start3A_87 = arith.constant 0 : i32
      %dma_start3A_88 = tpu.memref_slice %arg18[%add3A_12, %dma_start3A_87] : memref<10112x128xf32, #tpu.memory_space<vmem_shared>> -> memref<80x128xf32, #tpu.memory_space<vmem_shared>>
      %dma_start3A_89 = arith.constant 0 : i32
      %dma_start3A_90 = arith.constant 0 : i32
      %dma_start3A_91 = tpu.memref_slice %arg14[%dma_start3A_89, %dma_start3A_90] : memref<80x128xf32, #tpu.memory_space<vmem>> -> memref<80x128xf32, #tpu.memory_space<vmem>>
      tpu.enqueue_dma source(%dma_start3A_91 : memref<80x128xf32, #tpu.memory_space<vmem>>) target(%dma_start3A_88 : memref<80x128xf32, #tpu.memory_space<vmem_shared>>) target_semaphore(%run_scoped3A : memref<!tpu.dma_semaphore, #tpu.memory_space<semaphore_mem>>)
      %dma_wait3A_92 = arith.constant 0 : i32
      %dma_wait3A_93 = arith.constant 0 : i32
      %dma_wait3A_94 = tpu.memref_slice %arg14[%dma_wait3A_92, %dma_wait3A_93] : memref<80x128xf32, #tpu.memory_space<vmem>> -> memref<80x128xf32, #tpu.memory_space<vmem>>
      %dma_wait3A_95 = arith.constant 0 : i32
      %dma_wait3A_96 = tpu.memref_slice %arg18[%add3A_12, %dma_wait3A_95] : memref<10112x128xf32, #tpu.memory_space<vmem_shared>> -> memref<80x128xf32, #tpu.memory_space<vmem_shared>>
      %dma_wait3A_97 = arith.constant 0 : i32
      %dma_wait3A_98 = tpu.memref_slice %arg18[%add3A_12, %dma_wait3A_97] : memref<10112x128xf32, #tpu.memory_space<vmem_shared>> -> memref<80x128xf32, #tpu.memory_space<vmem_shared>>
      %dma_wait3A_99 = arith.constant 0 : i32
      %dma_wait3A_100 = arith.constant 0 : i32
      %dma_wait3A_101 = tpu.memref_slice %arg14[%dma_wait3A_99, %dma_wait3A_100] : memref<80x128xf32, #tpu.memory_space<vmem>> -> memref<80x128xf32, #tpu.memory_space<vmem>>
      tpu.wait_dma2 semaphore(%run_scoped3A : memref<!tpu.dma_semaphore, #tpu.memory_space<semaphore_mem>>) src(%dma_wait3A_101 : memref<80x128xf32, #tpu.memory_space<vmem>>) dst(%dma_wait3A_98 : memref<80x128xf32, #tpu.memory_space<vmem_shared>>)
      tpu.yield
    }) : () -> ()
    %mul3A_13 = arith.constant 632 : i32
    %mul3A_14 = arith.muli %arg1, %mul3A_13 : i32
    %add3A_15 = arith.constant 80 : i32
    %add3A_16 = arith.addi %mul3A_14, %add3A_15 : i32
    "tpu.region"() ({
      %run_scoped3A = tpu.sem_alloc : memref<!tpu.dma_semaphore, #tpu.memory_space<semaphore_mem>>
      %dma_start3A_82 = arith.constant 0 : i32
      %dma_start3A_83 = arith.constant 0 : i32
      %dma_start3A_84 = tpu.memref_slice %arg14[%dma_start3A_82, %dma_start3A_83] : memref<80x128xf32, #tpu.memory_space<vmem>> -> memref<80x128xf32, #tpu.memory_space<vmem>>
      %dma_start3A_85 = arith.constant 0 : i32
      %dma_start3A_86 = tpu.memref_slice %arg18[%add3A_16, %dma_start3A_85] : memref<10112x128xf32, #tpu.memory_space<vmem_shared>> -> memref<80x128xf32, #tpu.memory_space<vmem_shared>>
      %dma_start3A_87 = arith.constant 0 : i32
      %dma_start3A_88 = tpu.memref_slice %arg18[%add3A_16, %dma_start3A_87] : memref<10112x128xf32, #tpu.memory_space<vmem_shared>> -> memref<80x128xf32, #tpu.memory_space<vmem_shared>>
      %dma_start3A_89 = arith.constant 0 : i32
      %dma_start3A_90 = arith.constant 0 : i32
      %dma_start3A_91 = tpu.memref_slice %arg14[%dma_start3A_89, %dma_start3A_90] : memref<80x128xf32, #tpu.memory_space<vmem>> -> memref<80x128xf32, #tpu.memory_space<vmem>>
      tpu.enqueue_dma source(%dma_start3A_91 : memref<80x128xf32, #tpu.memory_space<vmem>>) target(%dma_start3A_88 : memref<80x128xf32, #tpu.memory_space<vmem_shared>>) target_semaphore(%run_scoped3A : memref<!tpu.dma_semaphore, #tpu.memory_space<semaphore_mem>>)
      %dma_wait3A_92 = arith.constant 0 : i32
      %dma_wait3A_93 = arith.constant 0 : i32
      %dma_wait3A_94 = tpu.memref_slice %arg14[%dma_wait3A_92, %dma_wait3A_93] : memref<80x128xf32, #tpu.memory_space<vmem>> -> memref<80x128xf32, #tpu.memory_space<vmem>>
      %dma_wait3A_95 = arith.constant 0 : i32
      %dma_wait3A_96 = tpu.memref_slice %arg18[%add3A_16, %dma_wait3A_95] : memref<10112x128xf32, #tpu.memory_space<vmem_shared>> -> memref<80x128xf32, #tpu.memory_space<vmem_shared>>
      %dma_wait3A_97 = arith.constant 0 : i32
      %dma_wait3A_98 = tpu.memref_slice %arg18[%add3A_16, %dma_wait3A_97] : memref<10112x128xf32, #tpu.memory_space<vmem_shared>> -> memref<80x128xf32, #tpu.memory_space<vmem_shared>>
      %dma_wait3A_99 = arith.constant 0 : i32
      %dma_wait3A_100 = arith.constant 0 : i32
      %dma_wait3A_101 = tpu.memref_slice %arg14[%dma_wait3A_99, %dma_wait3A_100] : memref<80x128xf32, #tpu.memory_space<vmem>> -> memref<80x128xf32, #tpu.memory_space<vmem>>
      tpu.wait_dma2 semaphore(%run_scoped3A : memref<!tpu.dma_semaphore, #tpu.memory_space<semaphore_mem>>) src(%dma_wait3A_101 : memref<80x128xf32, #tpu.memory_space<vmem>>) dst(%dma_wait3A_98 : memref<80x128xf32, #tpu.memory_space<vmem_shared>>)
      tpu.yield
    }) : () -> ()
    %mul3A_17 = arith.constant 632 : i32
    %mul3A_18 = arith.muli %arg1, %mul3A_17 : i32
    %add3A_19 = arith.constant 160 : i32
    %add3A_20 = arith.addi %mul3A_18, %add3A_19 : i32
    "tpu.region"() ({
      %run_scoped3A = tpu.sem_alloc : memref<!tpu.dma_semaphore, #tpu.memory_space<semaphore_mem>>
      %dma_start3A_82 = arith.constant 0 : i32
      %dma_start3A_83 = arith.constant 0 : i32
      %dma_start3A_84 = tpu.memref_slice %arg14[%dma_start3A_82, %dma_start3A_83] : memref<80x128xf32, #tpu.memory_space<vmem>> -> memref<80x128xf32, #tpu.memory_space<vmem>>
      %dma_start3A_85 = arith.constant 0 : i32
      %dma_start3A_86 = tpu.memref_slice %arg18[%add3A_20, %dma_start3A_85] : memref<10112x128xf32, #tpu.memory_space<vmem_shared>> -> memref<80x128xf32, #tpu.memory_space<vmem_shared>>
      %dma_start3A_87 = arith.constant 0 : i32
      %dma_start3A_88 = tpu.memref_slice %arg18[%add3A_20, %dma_start3A_87] : memref<10112x128xf32, #tpu.memory_space<vmem_shared>> -> memref<80x128xf32, #tpu.memory_space<vmem_shared>>
      %dma_start3A_89 = arith.constant 0 : i32
      %dma_start3A_90 = arith.constant 0 : i32
      %dma_start3A_91 = tpu.memref_slice %arg14[%dma_start3A_89, %dma_start3A_90] : memref<80x128xf32, #tpu.memory_space<vmem>> -> memref<80x128xf32, #tpu.memory_space<vmem>>
      tpu.enqueue_dma source(%dma_start3A_91 : memref<80x128xf32, #tpu.memory_space<vmem>>) target(%dma_start3A_88 : memref<80x128xf32, #tpu.memory_space<vmem_shared>>) target_semaphore(%run_scoped3A : memref<!tpu.dma_semaphore, #tpu.memory_space<semaphore_mem>>)
      %dma_wait3A_92 = arith.constant 0 : i32
      %dma_wait3A_93 = arith.constant 0 : i32
      %dma_wait3A_94 = tpu.memref_slice %arg14[%dma_wait3A_92, %dma_wait3A_93] : memref<80x128xf32, #tpu.memory_space<vmem>> -> memref<80x128xf32, #tpu.memory_space<vmem>>
      %dma_wait3A_95 = arith.constant 0 : i32
      %dma_wait3A_96 = tpu.memref_slice %arg18[%add3A_20, %dma_wait3A_95] : memref<10112x128xf32, #tpu.memory_space<vmem_shared>> -> memref<80x128xf32, #tpu.memory_space<vmem_shared>>
      %dma_wait3A_97 = arith.constant 0 : i32
      %dma_wait3A_98 = tpu.memref_slice %arg18[%add3A_20, %dma_wait3A_97] : memref<10112x128xf32, #tpu.memory_space<vmem_shared>> -> memref<80x128xf32, #tpu.memory_space<vmem_shared>>
      %dma_wait3A_99 = arith.constant 0 : i32
      %dma_wait3A_100 = arith.constant 0 : i32
      %dma_wait3A_101 = tpu.memref_slice %arg14[%dma_wait3A_99, %dma_wait3A_100] : memref<80x128xf32, #tpu.memory_space<vmem>> -> memref<80x128xf32, #tpu.memory_space<vmem>>
      tpu.wait_dma2 semaphore(%run_scoped3A : memref<!tpu.dma_semaphore, #tpu.memory_space<semaphore_mem>>) src(%dma_wait3A_101 : memref<80x128xf32, #tpu.memory_space<vmem>>) dst(%dma_wait3A_98 : memref<80x128xf32, #tpu.memory_space<vmem_shared>>)
      tpu.yield
    }) : () -> ()
    %mul3A_21 = arith.constant 632 : i32
    %mul3A_22 = arith.muli %arg1, %mul3A_21 : i32
    %add3A_23 = arith.constant 240 : i32
    %add3A_24 = arith.addi %mul3A_22, %add3A_23 : i32
    "tpu.region"() ({
      %run_scoped3A = tpu.sem_alloc : memref<!tpu.dma_semaphore, #tpu.memory_space<semaphore_mem>>
      %dma_start3A_82 = arith.constant 0 : i32
      %dma_start3A_83 = arith.constant 0 : i32
      %dma_start3A_84 = tpu.memref_slice %arg14[%dma_start3A_82, %dma_start3A_83] : memref<80x128xf32, #tpu.memory_space<vmem>> -> memref<80x128xf32, #tpu.memory_space<vmem>>
      %dma_start3A_85 = arith.constant 0 : i32
      %dma_start3A_86 = tpu.memref_slice %arg18[%add3A_24, %dma_start3A_85] : memref<10112x128xf32, #tpu.memory_space<vmem_shared>> -> memref<80x128xf32, #tpu.memory_space<vmem_shared>>
      %dma_start3A_87 = arith.constant 0 : i32
      %dma_start3A_88 = tpu.memref_slice %arg18[%add3A_24, %dma_start3A_87] : memref<10112x128xf32, #tpu.memory_space<vmem_shared>> -> memref<80x128xf32, #tpu.memory_space<vmem_shared>>
      %dma_start3A_89 = arith.constant 0 : i32
      %dma_start3A_90 = arith.constant 0 : i32
      %dma_start3A_91 = tpu.memref_slice %arg14[%dma_start3A_89, %dma_start3A_90] : memref<80x128xf32, #tpu.memory_space<vmem>> -> memref<80x128xf32, #tpu.memory_space<vmem>>
      tpu.enqueue_dma source(%dma_start3A_91 : memref<80x128xf32, #tpu.memory_space<vmem>>) target(%dma_start3A_88 : memref<80x128xf32, #tpu.memory_space<vmem_shared>>) target_semaphore(%run_scoped3A : memref<!tpu.dma_semaphore, #tpu.memory_space<semaphore_mem>>)
      %dma_wait3A_92 = arith.constant 0 : i32
      %dma_wait3A_93 = arith.constant 0 : i32
      %dma_wait3A_94 = tpu.memref_slice %arg14[%dma_wait3A_92, %dma_wait3A_93] : memref<80x128xf32, #tpu.memory_space<vmem>> -> memref<80x128xf32, #tpu.memory_space<vmem>>
      %dma_wait3A_95 = arith.constant 0 : i32
      %dma_wait3A_96 = tpu.memref_slice %arg18[%add3A_24, %dma_wait3A_95] : memref<10112x128xf32, #tpu.memory_space<vmem_shared>> -> memref<80x128xf32, #tpu.memory_space<vmem_shared>>
      %dma_wait3A_97 = arith.constant 0 : i32
      %dma_wait3A_98 = tpu.memref_slice %arg18[%add3A_24, %dma_wait3A_97] : memref<10112x128xf32, #tpu.memory_space<vmem_shared>> -> memref<80x128xf32, #tpu.memory_space<vmem_shared>>
      %dma_wait3A_99 = arith.constant 0 : i32
      %dma_wait3A_100 = arith.constant 0 : i32
      %dma_wait3A_101 = tpu.memref_slice %arg14[%dma_wait3A_99, %dma_wait3A_100] : memref<80x128xf32, #tpu.memory_space<vmem>> -> memref<80x128xf32, #tpu.memory_space<vmem>>
      tpu.wait_dma2 semaphore(%run_scoped3A : memref<!tpu.dma_semaphore, #tpu.memory_space<semaphore_mem>>) src(%dma_wait3A_101 : memref<80x128xf32, #tpu.memory_space<vmem>>) dst(%dma_wait3A_98 : memref<80x128xf32, #tpu.memory_space<vmem_shared>>)
      tpu.yield
    }) : () -> ()
    %mul3A_25 = arith.constant 632 : i32
    %mul3A_26 = arith.muli %arg1, %mul3A_25 : i32
    %add3A_27 = arith.constant 320 : i32
    %add3A_28 = arith.addi %mul3A_26, %add3A_27 : i32
    "tpu.region"() ({
      %run_scoped3A = tpu.sem_alloc : memref<!tpu.dma_semaphore, #tpu.memory_space<semaphore_mem>>
      %dma_start3A_82 = arith.constant 0 : i32
      %dma_start3A_83 = arith.constant 0 : i32
      %dma_start3A_84 = tpu.memref_slice %arg14[%dma_start3A_82, %dma_start3A_83] : memref<80x128xf32, #tpu.memory_space<vmem>> -> memref<80x128xf32, #tpu.memory_space<vmem>>
      %dma_start3A_85 = arith.constant 0 : i32
      %dma_start3A_86 = tpu.memref_slice %arg18[%add3A_28, %dma_start3A_85] : memref<10112x128xf32, #tpu.memory_space<vmem_shared>> -> memref<80x128xf32, #tpu.memory_space<vmem_shared>>
      %dma_start3A_87 = arith.constant 0 : i32
      %dma_start3A_88 = tpu.memref_slice %arg18[%add3A_28, %dma_start3A_87] : memref<10112x128xf32, #tpu.memory_space<vmem_shared>> -> memref<80x128xf32, #tpu.memory_space<vmem_shared>>
      %dma_start3A_89 = arith.constant 0 : i32
      %dma_start3A_90 = arith.constant 0 : i32
      %dma_start3A_91 = tpu.memref_slice %arg14[%dma_start3A_89, %dma_start3A_90] : memref<80x128xf32, #tpu.memory_space<vmem>> -> memref<80x128xf32, #tpu.memory_space<vmem>>
      tpu.enqueue_dma source(%dma_start3A_91 : memref<80x128xf32, #tpu.memory_space<vmem>>) target(%dma_start3A_88 : memref<80x128xf32, #tpu.memory_space<vmem_shared>>) target_semaphore(%run_scoped3A : memref<!tpu.dma_semaphore, #tpu.memory_space<semaphore_mem>>)
      %dma_wait3A_92 = arith.constant 0 : i32
      %dma_wait3A_93 = arith.constant 0 : i32
      %dma_wait3A_94 = tpu.memref_slice %arg14[%dma_wait3A_92, %dma_wait3A_93] : memref<80x128xf32, #tpu.memory_space<vmem>> -> memref<80x128xf32, #tpu.memory_space<vmem>>
      %dma_wait3A_95 = arith.constant 0 : i32
      %dma_wait3A_96 = tpu.memref_slice %arg18[%add3A_28, %dma_wait3A_95] : memref<10112x128xf32, #tpu.memory_space<vmem_shared>> -> memref<80x128xf32, #tpu.memory_space<vmem_shared>>
      %dma_wait3A_97 = arith.constant 0 : i32
      %dma_wait3A_98 = tpu.memref_slice %arg18[%add3A_28, %dma_wait3A_97] : memref<10112x128xf32, #tpu.memory_space<vmem_shared>> -> memref<80x128xf32, #tpu.memory_space<vmem_shared>>
      %dma_wait3A_99 = arith.constant 0 : i32
      %dma_wait3A_100 = arith.constant 0 : i32
      %dma_wait3A_101 = tpu.memref_slice %arg14[%dma_wait3A_99, %dma_wait3A_100] : memref<80x128xf32, #tpu.memory_space<vmem>> -> memref<80x128xf32, #tpu.memory_space<vmem>>
      tpu.wait_dma2 semaphore(%run_scoped3A : memref<!tpu.dma_semaphore, #tpu.memory_space<semaphore_mem>>) src(%dma_wait3A_101 : memref<80x128xf32, #tpu.memory_space<vmem>>) dst(%dma_wait3A_98 : memref<80x128xf32, #tpu.memory_space<vmem_shared>>)
      tpu.yield
    }) : () -> ()
    %mul3A_29 = arith.constant 632 : i32
    %mul3A_30 = arith.muli %arg1, %mul3A_29 : i32
    %add3A_31 = arith.constant 400 : i32
    %add3A_32 = arith.addi %mul3A_30, %add3A_31 : i32
    "tpu.region"() ({
      %run_scoped3A = tpu.sem_alloc : memref<!tpu.dma_semaphore, #tpu.memory_space<semaphore_mem>>
      %dma_start3A_82 = arith.constant 0 : i32
      %dma_start3A_83 = arith.constant 0 : i32
      %dma_start3A_84 = tpu.memref_slice %arg14[%dma_start3A_82, %dma_start3A_83] : memref<80x128xf32, #tpu.memory_space<vmem>> -> memref<80x128xf32, #tpu.memory_space<vmem>>
      %dma_start3A_85 = arith.constant 0 : i32
      %dma_start3A_86 = tpu.memref_slice %arg18[%add3A_32, %dma_start3A_85] : memref<10112x128xf32, #tpu.memory_space<vmem_shared>> -> memref<80x128xf32, #tpu.memory_space<vmem_shared>>
      %dma_start3A_87 = arith.constant 0 : i32
      %dma_start3A_88 = tpu.memref_slice %arg18[%add3A_32, %dma_start3A_87] : memref<10112x128xf32, #tpu.memory_space<vmem_shared>> -> memref<80x128xf32, #tpu.memory_space<vmem_shared>>
      %dma_start3A_89 = arith.constant 0 : i32
      %dma_start3A_90 = arith.constant 0 : i32
      %dma_start3A_91 = tpu.memref_slice %arg14[%dma_start3A_89, %dma_start3A_90] : memref<80x128xf32, #tpu.memory_space<vmem>> -> memref<80x128xf32, #tpu.memory_space<vmem>>
      tpu.enqueue_dma source(%dma_start3A_91 : memref<80x128xf32, #tpu.memory_space<vmem>>) target(%dma_start3A_88 : memref<80x128xf32, #tpu.memory_space<vmem_shared>>) target_semaphore(%run_scoped3A : memref<!tpu.dma_semaphore, #tpu.memory_space<semaphore_mem>>)
      %dma_wait3A_92 = arith.constant 0 : i32
      %dma_wait3A_93 = arith.constant 0 : i32
      %dma_wait3A_94 = tpu.memref_slice %arg14[%dma_wait3A_92, %dma_wait3A_93] : memref<80x128xf32, #tpu.memory_space<vmem>> -> memref<80x128xf32, #tpu.memory_space<vmem>>
      %dma_wait3A_95 = arith.constant 0 : i32
      %dma_wait3A_96 = tpu.memref_slice %arg18[%add3A_32, %dma_wait3A_95] : memref<10112x128xf32, #tpu.memory_space<vmem_shared>> -> memref<80x128xf32, #tpu.memory_space<vmem_shared>>
      %dma_wait3A_97 = arith.constant 0 : i32
      %dma_wait3A_98 = tpu.memref_slice %arg18[%add3A_32, %dma_wait3A_97] : memref<10112x128xf32, #tpu.memory_space<vmem_shared>> -> memref<80x128xf32, #tpu.memory_space<vmem_shared>>
      %dma_wait3A_99 = arith.constant 0 : i32
      %dma_wait3A_100 = arith.constant 0 : i32
      %dma_wait3A_101 = tpu.memref_slice %arg14[%dma_wait3A_99, %dma_wait3A_100] : memref<80x128xf32, #tpu.memory_space<vmem>> -> memref<80x128xf32, #tpu.memory_space<vmem>>
      tpu.wait_dma2 semaphore(%run_scoped3A : memref<!tpu.dma_semaphore, #tpu.memory_space<semaphore_mem>>) src(%dma_wait3A_101 : memref<80x128xf32, #tpu.memory_space<vmem>>) dst(%dma_wait3A_98 : memref<80x128xf32, #tpu.memory_space<vmem_shared>>)
      tpu.yield
    }) : () -> ()
    %mul3A_33 = arith.constant 632 : i32
    %mul3A_34 = arith.muli %arg1, %mul3A_33 : i32
    %add3A_35 = arith.constant 480 : i32
    %add3A_36 = arith.addi %mul3A_34, %add3A_35 : i32
    "tpu.region"() ({
      %run_scoped3A = tpu.sem_alloc : memref<!tpu.dma_semaphore, #tpu.memory_space<semaphore_mem>>
      %dma_start3A_82 = arith.constant 0 : i32
      %dma_start3A_83 = arith.constant 0 : i32
      %dma_start3A_84 = tpu.memref_slice %arg14[%dma_start3A_82, %dma_start3A_83] : memref<80x128xf32, #tpu.memory_space<vmem>> -> memref<80x128xf32, #tpu.memory_space<vmem>>
      %dma_start3A_85 = arith.constant 0 : i32
      %dma_start3A_86 = tpu.memref_slice %arg18[%add3A_36, %dma_start3A_85] : memref<10112x128xf32, #tpu.memory_space<vmem_shared>> -> memref<80x128xf32, #tpu.memory_space<vmem_shared>>
      %dma_start3A_87 = arith.constant 0 : i32
      %dma_start3A_88 = tpu.memref_slice %arg18[%add3A_36, %dma_start3A_87] : memref<10112x128xf32, #tpu.memory_space<vmem_shared>> -> memref<80x128xf32, #tpu.memory_space<vmem_shared>>
      %dma_start3A_89 = arith.constant 0 : i32
      %dma_start3A_90 = arith.constant 0 : i32
      %dma_start3A_91 = tpu.memref_slice %arg14[%dma_start3A_89, %dma_start3A_90] : memref<80x128xf32, #tpu.memory_space<vmem>> -> memref<80x128xf32, #tpu.memory_space<vmem>>
      tpu.enqueue_dma source(%dma_start3A_91 : memref<80x128xf32, #tpu.memory_space<vmem>>) target(%dma_start3A_88 : memref<80x128xf32, #tpu.memory_space<vmem_shared>>) target_semaphore(%run_scoped3A : memref<!tpu.dma_semaphore, #tpu.memory_space<semaphore_mem>>)
      %dma_wait3A_92 = arith.constant 0 : i32
      %dma_wait3A_93 = arith.constant 0 : i32
      %dma_wait3A_94 = tpu.memref_slice %arg14[%dma_wait3A_92, %dma_wait3A_93] : memref<80x128xf32, #tpu.memory_space<vmem>> -> memref<80x128xf32, #tpu.memory_space<vmem>>
      %dma_wait3A_95 = arith.constant 0 : i32
      %dma_wait3A_96 = tpu.memref_slice %arg18[%add3A_36, %dma_wait3A_95] : memref<10112x128xf32, #tpu.memory_space<vmem_shared>> -> memref<80x128xf32, #tpu.memory_space<vmem_shared>>
      %dma_wait3A_97 = arith.constant 0 : i32
      %dma_wait3A_98 = tpu.memref_slice %arg18[%add3A_36, %dma_wait3A_97] : memref<10112x128xf32, #tpu.memory_space<vmem_shared>> -> memref<80x128xf32, #tpu.memory_space<vmem_shared>>
      %dma_wait3A_99 = arith.constant 0 : i32
      %dma_wait3A_100 = arith.constant 0 : i32
      %dma_wait3A_101 = tpu.memref_slice %arg14[%dma_wait3A_99, %dma_wait3A_100] : memref<80x128xf32, #tpu.memory_space<vmem>> -> memref<80x128xf32, #tpu.memory_space<vmem>>
      tpu.wait_dma2 semaphore(%run_scoped3A : memref<!tpu.dma_semaphore, #tpu.memory_space<semaphore_mem>>) src(%dma_wait3A_101 : memref<80x128xf32, #tpu.memory_space<vmem>>) dst(%dma_wait3A_98 : memref<80x128xf32, #tpu.memory_space<vmem_shared>>)
      tpu.yield
    }) : () -> ()
    %mul3A_37 = arith.constant 632 : i32
    %mul3A_38 = arith.muli %arg1, %mul3A_37 : i32
    %add3A_39 = arith.constant 560 : i32
    %add3A_40 = arith.addi %mul3A_38, %add3A_39 : i32
    "tpu.region"() ({
      %run_scoped3A = tpu.sem_alloc : memref<!tpu.dma_semaphore, #tpu.memory_space<semaphore_mem>>
      %dma_start3A_82 = arith.constant 0 : i32
      %dma_start3A_83 = arith.constant 0 : i32
      %dma_start3A_84 = tpu.memref_slice %arg14[%dma_start3A_82, %dma_start3A_83] : memref<80x128xf32, #tpu.memory_space<vmem>> -> memref<72x128xf32, #tpu.memory_space<vmem>>
      %dma_start3A_85 = arith.constant 0 : i32
      %dma_start3A_86 = tpu.memref_slice %arg18[%add3A_40, %dma_start3A_85] : memref<10112x128xf32, #tpu.memory_space<vmem_shared>> -> memref<72x128xf32, #tpu.memory_space<vmem_shared>>
      %dma_start3A_87 = arith.constant 0 : i32
      %dma_start3A_88 = tpu.memref_slice %arg18[%add3A_40, %dma_start3A_87] : memref<10112x128xf32, #tpu.memory_space<vmem_shared>> -> memref<72x128xf32, #tpu.memory_space<vmem_shared>>
      %dma_start3A_89 = arith.constant 0 : i32
      %dma_start3A_90 = arith.constant 0 : i32
      %dma_start3A_91 = tpu.memref_slice %arg14[%dma_start3A_89, %dma_start3A_90] : memref<80x128xf32, #tpu.memory_space<vmem>> -> memref<72x128xf32, #tpu.memory_space<vmem>>
      tpu.enqueue_dma source(%dma_start3A_91 : memref<72x128xf32, #tpu.memory_space<vmem>>) target(%dma_start3A_88 : memref<72x128xf32, #tpu.memory_space<vmem_shared>>) target_semaphore(%run_scoped3A : memref<!tpu.dma_semaphore, #tpu.memory_space<semaphore_mem>>)
      %dma_wait3A_92 = arith.constant 0 : i32
      %dma_wait3A_93 = arith.constant 0 : i32
      %dma_wait3A_94 = tpu.memref_slice %arg14[%dma_wait3A_92, %dma_wait3A_93] : memref<80x128xf32, #tpu.memory_space<vmem>> -> memref<72x128xf32, #tpu.memory_space<vmem>>
      %dma_wait3A_95 = arith.constant 0 : i32
      %dma_wait3A_96 = tpu.memref_slice %arg18[%add3A_40, %dma_wait3A_95] : memref<10112x128xf32, #tpu.memory_space<vmem_shared>> -> memref<72x128xf32, #tpu.memory_space<vmem_shared>>
      %dma_wait3A_97 = arith.constant 0 : i32
      %dma_wait3A_98 = tpu.memref_slice %arg18[%add3A_40, %dma_wait3A_97] : memref<10112x128xf32, #tpu.memory_space<vmem_shared>> -> memref<72x128xf32, #tpu.memory_space<vmem_shared>>
      %dma_wait3A_99 = arith.constant 0 : i32
      %dma_wait3A_100 = arith.constant 0 : i32
      %dma_wait3A_101 = tpu.memref_slice %arg14[%dma_wait3A_99, %dma_wait3A_100] : memref<80x128xf32, #tpu.memory_space<vmem>> -> memref<72x128xf32, #tpu.memory_space<vmem>>
      tpu.wait_dma2 semaphore(%run_scoped3A : memref<!tpu.dma_semaphore, #tpu.memory_space<semaphore_mem>>) src(%dma_wait3A_101 : memref<72x128xf32, #tpu.memory_space<vmem>>) dst(%dma_wait3A_98 : memref<72x128xf32, #tpu.memory_space<vmem_shared>>)
      tpu.yield
    }) : () -> ()
    %barrier3A = arith.constant 0 : index
    tpu.barrier barrier_id(%barrier3A)
    %broadcast_in_dim3A_41 = arith.constant 10000 : i32
    %broadcast_in_dim3A_42 = vector.broadcast %broadcast_in_dim3A_41 : i32 to vector<16xi32>
    %scan3A_43 = arith.constant 0 : i32
    %scan3A_44 = arith.constant 0 : i32
    %scan3A_45 = arith.constant 32 : i32
    %scan3A_46 = arith.addi %scan3A_44, %scan3A_45 : i32
    %scan3A_47 = arith.constant 1 : i32
    scf.for %scan3A_82 = %scan3A_44 to %scan3A_46 step %scan3A_47  : i32 {
      %mul3A_83 = arith.constant 4 : i32
      %mul3A_84 = arith.muli %scan3A_82, %mul3A_83 : i32
      %add3A_85 = arith.constant 0 : i32
      %add3A_86 = arith.addi %mul3A_84, %add3A_85 : i32
      %ge3A = arith.constant 4 : i32
      %ge3A_87 = arith.cmpi sge, %add3A_86, %ge3A : i32
      %convert_element_type3A = arith.extui %ge3A_87 : i1 to i32
      %cond3A = arith.constant 0 : i32
      %cond3A_88 = arith.cmpi ne, %convert_element_type3A, %cond3A : i32
      scf.if %cond3A_88 {
        %dma_wait3A_231 = arith.constant 0 : i32
        %dma_wait3A_232 = arith.constant 0 : i32
        %dma_wait3A_233 = tpu.memref_slice %arg18[%dma_wait3A_231, %dma_wait3A_232] : memref<10112x128xf32, #tpu.memory_space<vmem_shared>> -> memref<10112x128xf32, #tpu.memory_space<vmem_shared>>
        tpu.wait_indirect_dma semaphore(%arg23 : memref<!tpu.dma_semaphore, #tpu.memory_space<semaphore_mem>>) src(%arg14 : memref<80x128xf32, #tpu.memory_space<vmem>>) dst(%dma_wait3A_233 : memref<10112x128xf32, #tpu.memory_space<vmem_shared>>)
      } else {
      }
      %min3A = arith.constant 124 : i32
      %min3A_89 = arith.minsi %add3A_86, %min3A : i32
      %mul3A_90 = arith.constant 80 : i32
      %mul3A_91 = arith.muli %min3A_89, %mul3A_90 : i32
      %add3A_92 = arith.addi %mul3A_2, %mul3A_91 : i32
      %dma_start3A_93 = tpu.memref_slice %arg3[%add3A_92] : memref<320000xi32, #tpu.memory_space<hbm>> -> memref<80xi32, #tpu.memory_space<hbm>>
      %dma_start3A_94 = tpu.memref_slice %arg3[%add3A_92] : memref<320000xi32, #tpu.memory_space<hbm>> -> memref<80xi32, #tpu.memory_space<hbm>>
      tpu.enqueue_dma source(%dma_start3A_94 : memref<80xi32, #tpu.memory_space<hbm>>) target(%arg6 : memref<80xi32, #tpu.memory_space<vmem>>) target_semaphore(%arg27 : memref<!tpu.dma_semaphore, #tpu.memory_space<semaphore_mem>>)
      %mul3A_95 = arith.constant 80 : i32
      %mul3A_96 = arith.muli %min3A_89, %mul3A_95 : i32
      %add3A_97 = arith.addi %mul3A_2, %mul3A_96 : i32
      %dma_start3A_98 = tpu.memref_slice %arg4[%add3A_97] : memref<320000xi32, #tpu.memory_space<hbm>> -> memref<80xi32, #tpu.memory_space<hbm>>
      %dma_start3A_99 = tpu.memref_slice %arg4[%add3A_97] : memref<320000xi32, #tpu.memory_space<hbm>> -> memref<80xi32, #tpu.memory_space<hbm>>
      tpu.enqueue_dma source(%dma_start3A_99 : memref<80xi32, #tpu.memory_space<hbm>>) target(%arg10 : memref<80xi32, #tpu.memory_space<vmem>>) target_semaphore(%arg27 : memref<!tpu.dma_semaphore, #tpu.memory_space<semaphore_mem>>)
      %ge3A_100 = arith.constant 3 : i32
      %ge3A_101 = arith.cmpi sge, %add3A_86, %ge3A_100 : i32
      %convert_element_type3A_102 = arith.extui %ge3A_101 : i1 to i32
      %cond3A_103 = arith.constant 0 : i32
      %cond3A_104 = arith.cmpi ne, %convert_element_type3A_102, %cond3A_103 : i32
      scf.if %cond3A_104 {
        %dma_wait3A_231 = arith.constant 0 : i32
        %dma_wait3A_232 = arith.constant 0 : i32
        %dma_wait3A_233 = tpu.memref_slice %arg2[%dma_wait3A_231, %dma_wait3A_232] : memref<10000x128xf32, #tpu.memory_space<hbm>> -> memref<10000x128xf32, #tpu.memory_space<hbm>>
        tpu.wait_indirect_dma semaphore(%arg20 : memref<!tpu.dma_semaphore, #tpu.memory_space<semaphore_mem>>) src(%dma_wait3A_233 : memref<10000x128xf32, #tpu.memory_space<hbm>>) dst(%arg15 : memref<80x128xf32, #tpu.memory_space<vmem>>)
        %dma_start3A_234 = arith.constant 0 : i32
        %dma_start3A_235 = arith.constant 0 : i32
        %dma_start3A_236 = tpu.memref_slice %arg18[%dma_start3A_234, %dma_start3A_235] : memref<10112x128xf32, #tpu.memory_space<vmem_shared>> -> memref<10112x128xf32, #tpu.memory_space<vmem_shared>>
        tpu.enqueue_indirect_dma source(%arg15 : memref<80x128xf32, #tpu.memory_space<vmem>>) target(%dma_start3A_236 : memref<10112x128xf32, #tpu.memory_space<vmem_shared>>) offsets(%arg11 : memref<80xi32, #tpu.memory_space<vmem>>) semaphore(%arg24 : memref<!tpu.dma_semaphore, #tpu.memory_space<semaphore_mem>>) {add = true}
      } else {
      }
      %dma_wait3A_105 = tpu.memref_slice %arg3[%mul3A_2] : memref<320000xi32, #tpu.memory_space<hbm>> -> memref<80xi32, #tpu.memory_space<hbm>>
      %dma_wait3A_106 = tpu.memref_slice %arg3[%mul3A_2] : memref<320000xi32, #tpu.memory_space<hbm>> -> memref<80xi32, #tpu.memory_space<hbm>>
      tpu.wait_dma2 semaphore(%arg27 : memref<!tpu.dma_semaphore, #tpu.memory_space<semaphore_mem>>) src(%dma_wait3A_106 : memref<80xi32, #tpu.memory_space<hbm>>) dst(%arg6 : memref<80xi32, #tpu.memory_space<vmem>>)
      %dma_wait3A_107 = tpu.memref_slice %arg4[%mul3A_2] : memref<320000xi32, #tpu.memory_space<hbm>> -> memref<80xi32, #tpu.memory_space<hbm>>
      %dma_wait3A_108 = tpu.memref_slice %arg4[%mul3A_2] : memref<320000xi32, #tpu.memory_space<hbm>> -> memref<80xi32, #tpu.memory_space<hbm>>
      tpu.wait_dma2 semaphore(%arg27 : memref<!tpu.dma_semaphore, #tpu.memory_space<semaphore_mem>>) src(%dma_wait3A_108 : memref<80xi32, #tpu.memory_space<hbm>>) dst(%arg10 : memref<80xi32, #tpu.memory_space<vmem>>)
      %ge3A_109 = arith.constant 125 : i32
      %ge3A_110 = arith.cmpi sge, %add3A_86, %ge3A_109 : i32
      %convert_element_type3A_111 = arith.extui %ge3A_110 : i1 to i32
      %cond3A_112 = arith.constant 0 : i32
      %cond3A_113 = arith.cmpi ne, %convert_element_type3A_111, %cond3A_112 : i32
      scf.if %cond3A_113 {
        %swap3A = arith.constant 0 : index
        %swap3A_231 = tpu.vector_load %arg10[%swap3A] {strides = array<i32>} : memref<80xi32, #tpu.memory_space<vmem>>, vector<16xi32>,
        %swap3A_232 = vector.shape_cast %swap3A_231 : vector<16xi32> to vector<16xi32>
        %swap3A_233 = vector.shape_cast %broadcast_in_dim3A_42 : vector<16xi32> to vector<16xi32>
        tpu.vector_store %arg10[%swap3A], %swap3A_233 {strides = array<i32>} : memref<80xi32, #tpu.memory_space<vmem>>, vector<16xi32>,
        %swap3A_234 = arith.constant 16 : index
        %swap3A_235 = tpu.vector_load %arg10[%swap3A_234] {strides = array<i32>} : memref<80xi32, #tpu.memory_space<vmem>>, vector<16xi32>,
        %swap3A_236 = vector.shape_cast %swap3A_235 : vector<16xi32> to vector<16xi32>
        %swap3A_237 = vector.shape_cast %broadcast_in_dim3A_42 : vector<16xi32> to vector<16xi32>
        tpu.vector_store %arg10[%swap3A_234], %swap3A_237 {strides = array<i32>} : memref<80xi32, #tpu.memory_space<vmem>>, vector<16xi32>,
        %swap3A_238 = arith.constant 32 : index
        %swap3A_239 = tpu.vector_load %arg10[%swap3A_238] {strides = array<i32>} : memref<80xi32, #tpu.memory_space<vmem>>, vector<16xi32>,
        %swap3A_240 = vector.shape_cast %swap3A_239 : vector<16xi32> to vector<16xi32>
        %swap3A_241 = vector.shape_cast %broadcast_in_dim3A_42 : vector<16xi32> to vector<16xi32>
        tpu.vector_store %arg10[%swap3A_238], %swap3A_241 {strides = array<i32>} : memref<80xi32, #tpu.memory_space<vmem>>, vector<16xi32>,
        %swap3A_242 = arith.constant 48 : index
        %swap3A_243 = tpu.vector_load %arg10[%swap3A_242] {strides = array<i32>} : memref<80xi32, #tpu.memory_space<vmem>>, vector<16xi32>,
        %swap3A_244 = vector.shape_cast %swap3A_243 : vector<16xi32> to vector<16xi32>
        %swap3A_245 = vector.shape_cast %broadcast_in_dim3A_42 : vector<16xi32> to vector<16xi32>
        tpu.vector_store %arg10[%swap3A_242], %swap3A_245 {strides = array<i32>} : memref<80xi32, #tpu.memory_space<vmem>>, vector<16xi32>,
        %swap3A_246 = arith.constant 64 : index
        %swap3A_247 = tpu.vector_load %arg10[%swap3A_246] {strides = array<i32>} : memref<80xi32, #tpu.memory_space<vmem>>, vector<16xi32>,
        %swap3A_248 = vector.shape_cast %swap3A_247 : vector<16xi32> to vector<16xi32>
        %swap3A_249 = vector.shape_cast %broadcast_in_dim3A_42 : vector<16xi32> to vector<16xi32>
        tpu.vector_store %arg10[%swap3A_246], %swap3A_249 {strides = array<i32>} : memref<80xi32, #tpu.memory_space<vmem>>, vector<16xi32>,
      } else {
      }
      %dma_start3A_114 = arith.constant 0 : i32
      %dma_start3A_115 = arith.constant 0 : i32
      %dma_start3A_116 = tpu.memref_slice %arg2[%dma_start3A_114, %dma_start3A_115] : memref<10000x128xf32, #tpu.memory_space<hbm>> -> memref<10000x128xf32, #tpu.memory_space<hbm>>
      tpu.enqueue_indirect_dma source(%dma_start3A_116 : memref<10000x128xf32, #tpu.memory_space<hbm>>) target(%arg14 : memref<80x128xf32, #tpu.memory_space<vmem>>) offsets(%arg6 : memref<80xi32, #tpu.memory_space<vmem>>) semaphore(%arg19 : memref<!tpu.dma_semaphore, #tpu.memory_space<semaphore_mem>>)
      %mul3A_117 = arith.constant 4 : i32
      %mul3A_118 = arith.muli %scan3A_82, %mul3A_117 : i32
      %add3A_119 = arith.constant 1 : i32
      %add3A_120 = arith.addi %mul3A_118, %add3A_119 : i32
      %ge3A_121 = arith.constant 4 : i32
      %ge3A_122 = arith.cmpi sge, %add3A_120, %ge3A_121 : i32
      %convert_element_type3A_123 = arith.extui %ge3A_122 : i1 to i32
      %cond3A_124 = arith.constant 0 : i32
      %cond3A_125 = arith.cmpi ne, %convert_element_type3A_123, %cond3A_124 : i32
      scf.if %cond3A_125 {
        %dma_wait3A_231 = arith.constant 0 : i32
        %dma_wait3A_232 = arith.constant 0 : i32
        %dma_wait3A_233 = tpu.memref_slice %arg18[%dma_wait3A_231, %dma_wait3A_232] : memref<10112x128xf32, #tpu.memory_space<vmem_shared>> -> memref<10112x128xf32, #tpu.memory_space<vmem_shared>>
        tpu.wait_indirect_dma semaphore(%arg24 : memref<!tpu.dma_semaphore, #tpu.memory_space<semaphore_mem>>) src(%arg15 : memref<80x128xf32, #tpu.memory_space<vmem>>) dst(%dma_wait3A_233 : memref<10112x128xf32, #tpu.memory_space<vmem_shared>>)
      } else {
      }
      %min3A_126 = arith.constant 124 : i32
      %min3A_127 = arith.minsi %add3A_120, %min3A_126 : i32
      %mul3A_128 = arith.constant 80 : i32
      %mul3A_129 = arith.muli %min3A_127, %mul3A_128 : i32
      %add3A_130 = arith.addi %mul3A_2, %mul3A_129 : i32
      %dma_start3A_131 = tpu.memref_slice %arg3[%add3A_130] : memref<320000xi32, #tpu.memory_space<hbm>> -> memref<80xi32, #tpu.memory_space<hbm>>
      %dma_start3A_132 = tpu.memref_slice %arg3[%add3A_130] : memref<320000xi32, #tpu.memory_space<hbm>> -> memref<80xi32, #tpu.memory_space<hbm>>
      tpu.enqueue_dma source(%dma_start3A_132 : memref<80xi32, #tpu.memory_space<hbm>>) target(%arg7 : memref<80xi32, #tpu.memory_space<vmem>>) target_semaphore(%arg27 : memref<!tpu.dma_semaphore, #tpu.memory_space<semaphore_mem>>)
      %mul3A_133 = arith.constant 80 : i32
      %mul3A_134 = arith.muli %min3A_127, %mul3A_133 : i32
      %add3A_135 = arith.addi %mul3A_2, %mul3A_134 : i32
      %dma_start3A_136 = tpu.memref_slice %arg4[%add3A_135] : memref<320000xi32, #tpu.memory_space<hbm>> -> memref<80xi32, #tpu.memory_space<hbm>>
      %dma_start3A_137 = tpu.memref_slice %arg4[%add3A_135] : memref<320000xi32, #tpu.memory_space<hbm>> -> memref<80xi32, #tpu.memory_space<hbm>>
      tpu.enqueue_dma source(%dma_start3A_137 : memref<80xi32, #tpu.memory_space<hbm>>) target(%arg11 : memref<80xi32, #tpu.memory_space<vmem>>) target_semaphore(%arg27 : memref<!tpu.dma_semaphore, #tpu.memory_space<semaphore_mem>>)
      %ge3A_138 = arith.constant 3 : i32
      %ge3A_139 = arith.cmpi sge, %add3A_120, %ge3A_138 : i32
      %convert_element_type3A_140 = arith.extui %ge3A_139 : i1 to i32
      %cond3A_141 = arith.constant 0 : i32
      %cond3A_142 = arith.cmpi ne, %convert_element_type3A_140, %cond3A_141 : i32
      scf.if %cond3A_142 {
        %dma_wait3A_231 = arith.constant 0 : i32
        %dma_wait3A_232 = arith.constant 0 : i32
        %dma_wait3A_233 = tpu.memref_slice %arg2[%dma_wait3A_231, %dma_wait3A_232] : memref<10000x128xf32, #tpu.memory_space<hbm>> -> memref<10000x128xf32, #tpu.memory_space<hbm>>
        tpu.wait_indirect_dma semaphore(%arg21 : memref<!tpu.dma_semaphore, #tpu.memory_space<semaphore_mem>>) src(%dma_wait3A_233 : memref<10000x128xf32, #tpu.memory_space<hbm>>) dst(%arg16 : memref<80x128xf32, #tpu.memory_space<vmem>>)
        %dma_start3A_234 = arith.constant 0 : i32
        %dma_start3A_235 = arith.constant 0 : i32
        %dma_start3A_236 = tpu.memref_slice %arg18[%dma_start3A_234, %dma_start3A_235] : memref<10112x128xf32, #tpu.memory_space<vmem_shared>> -> memref<10112x128xf32, #tpu.memory_space<vmem_shared>>
        tpu.enqueue_indirect_dma source(%arg16 : memref<80x128xf32, #tpu.memory_space<vmem>>) target(%dma_start3A_236 : memref<10112x128xf32, #tpu.memory_space<vmem_shared>>) offsets(%arg12 : memref<80xi32, #tpu.memory_space<vmem>>) semaphore(%arg25 : memref<!tpu.dma_semaphore, #tpu.memory_space<semaphore_mem>>) {add = true}
      } else {
      }
      %dma_wait3A_143 = tpu.memref_slice %arg3[%mul3A_2] : memref<320000xi32, #tpu.memory_space<hbm>> -> memref<80xi32, #tpu.memory_space<hbm>>
      %dma_wait3A_144 = tpu.memref_slice %arg3[%mul3A_2] : memref<320000xi32, #tpu.memory_space<hbm>> -> memref<80xi32, #tpu.memory_space<hbm>>
      tpu.wait_dma2 semaphore(%arg27 : memref<!tpu.dma_semaphore, #tpu.memory_space<semaphore_mem>>) src(%dma_wait3A_144 : memref<80xi32, #tpu.memory_space<hbm>>) dst(%arg7 : memref<80xi32, #tpu.memory_space<vmem>>)
      %dma_wait3A_145 = tpu.memref_slice %arg4[%mul3A_2] : memref<320000xi32, #tpu.memory_space<hbm>> -> memref<80xi32, #tpu.memory_space<hbm>>
      %dma_wait3A_146 = tpu.memref_slice %arg4[%mul3A_2] : memref<320000xi32, #tpu.memory_space<hbm>> -> memref<80xi32, #tpu.memory_space<hbm>>
      tpu.wait_dma2 semaphore(%arg27 : memref<!tpu.dma_semaphore, #tpu.memory_space<semaphore_mem>>) src(%dma_wait3A_146 : memref<80xi32, #tpu.memory_space<hbm>>) dst(%arg11 : memref<80xi32, #tpu.memory_space<vmem>>)
      %ge3A_147 = arith.constant 125 : i32
      %ge3A_148 = arith.cmpi sge, %add3A_120, %ge3A_147 : i32
      %convert_element_type3A_149 = arith.extui %ge3A_148 : i1 to i32
      %cond3A_150 = arith.constant 0 : i32
      %cond3A_151 = arith.cmpi ne, %convert_element_type3A_149, %cond3A_150 : i32
      scf.if %cond3A_151 {
        %swap3A = arith.constant 0 : index
        %swap3A_231 = tpu.vector_load %arg11[%swap3A] {strides = array<i32>} : memref<80xi32, #tpu.memory_space<vmem>>, vector<16xi32>,
        %swap3A_232 = vector.shape_cast %swap3A_231 : vector<16xi32> to vector<16xi32>
        %swap3A_233 = vector.shape_cast %broadcast_in_dim3A_42 : vector<16xi32> to vector<16xi32>
        tpu.vector_store %arg11[%swap3A], %swap3A_233 {strides = array<i32>} : memref<80xi32, #tpu.memory_space<vmem>>, vector<16xi32>,
        %swap3A_234 = arith.constant 16 : index
        %swap3A_235 = tpu.vector_load %arg11[%swap3A_234] {strides = array<i32>} : memref<80xi32, #tpu.memory_space<vmem>>, vector<16xi32>,
        %swap3A_236 = vector.shape_cast %swap3A_235 : vector<16xi32> to vector<16xi32>
        %swap3A_237 = vector.shape_cast %broadcast_in_dim3A_42 : vector<16xi32> to vector<16xi32>
        tpu.vector_store %arg11[%swap3A_234], %swap3A_237 {strides = array<i32>} : memref<80xi32, #tpu.memory_space<vmem>>, vector<16xi32>,
        %swap3A_238 = arith.constant 32 : index
        %swap3A_239 = tpu.vector_load %arg11[%swap3A_238] {strides = array<i32>} : memref<80xi32, #tpu.memory_space<vmem>>, vector<16xi32>,
        %swap3A_240 = vector.shape_cast %swap3A_239 : vector<16xi32> to vector<16xi32>
        %swap3A_241 = vector.shape_cast %broadcast_in_dim3A_42 : vector<16xi32> to vector<16xi32>
        tpu.vector_store %arg11[%swap3A_238], %swap3A_241 {strides = array<i32>} : memref<80xi32, #tpu.memory_space<vmem>>, vector<16xi32>,
        %swap3A_242 = arith.constant 48 : index
        %swap3A_243 = tpu.vector_load %arg11[%swap3A_242] {strides = array<i32>} : memref<80xi32, #tpu.memory_space<vmem>>, vector<16xi32>,
        %swap3A_244 = vector.shape_cast %swap3A_243 : vector<16xi32> to vector<16xi32>
        %swap3A_245 = vector.shape_cast %broadcast_in_dim3A_42 : vector<16xi32> to vector<16xi32>
        tpu.vector_store %arg11[%swap3A_242], %swap3A_245 {strides = array<i32>} : memref<80xi32, #tpu.memory_space<vmem>>, vector<16xi32>,
        %swap3A_246 = arith.constant 64 : index
        %swap3A_247 = tpu.vector_load %arg11[%swap3A_246] {strides = array<i32>} : memref<80xi32, #tpu.memory_space<vmem>>, vector<16xi32>,
        %swap3A_248 = vector.shape_cast %swap3A_247 : vector<16xi32> to vector<16xi32>
        %swap3A_249 = vector.shape_cast %broadcast_in_dim3A_42 : vector<16xi32> to vector<16xi32>
        tpu.vector_store %arg11[%swap3A_246], %swap3A_249 {strides = array<i32>} : memref<80xi32, #tpu.memory_space<vmem>>, vector<16xi32>,
      } else {
      }
      %dma_start3A_152 = arith.constant 0 : i32
      %dma_start3A_153 = arith.constant 0 : i32
      %dma_start3A_154 = tpu.memref_slice %arg2[%dma_start3A_152, %dma_start3A_153] : memref<10000x128xf32, #tpu.memory_space<hbm>> -> memref<10000x128xf32, #tpu.memory_space<hbm>>
      tpu.enqueue_indirect_dma source(%dma_start3A_154 : memref<10000x128xf32, #tpu.memory_space<hbm>>) target(%arg15 : memref<80x128xf32, #tpu.memory_space<vmem>>) offsets(%arg7 : memref<80xi32, #tpu.memory_space<vmem>>) semaphore(%arg20 : memref<!tpu.dma_semaphore, #tpu.memory_space<semaphore_mem>>)
      %mul3A_155 = arith.constant 4 : i32
      %mul3A_156 = arith.muli %scan3A_82, %mul3A_155 : i32
      %add3A_157 = arith.constant 2 : i32
      %add3A_158 = arith.addi %mul3A_156, %add3A_157 : i32
      %ge3A_159 = arith.constant 4 : i32
      %ge3A_160 = arith.cmpi sge, %add3A_158, %ge3A_159 : i32
      %convert_element_type3A_161 = arith.extui %ge3A_160 : i1 to i32
      %cond3A_162 = arith.constant 0 : i32
      %cond3A_163 = arith.cmpi ne, %convert_element_type3A_161, %cond3A_162 : i32
      scf.if %cond3A_163 {
        %dma_wait3A_231 = arith.constant 0 : i32
        %dma_wait3A_232 = arith.constant 0 : i32
        %dma_wait3A_233 = tpu.memref_slice %arg18[%dma_wait3A_231, %dma_wait3A_232] : memref<10112x128xf32, #tpu.memory_space<vmem_shared>> -> memref<10112x128xf32, #tpu.memory_space<vmem_shared>>
        tpu.wait_indirect_dma semaphore(%arg25 : memref<!tpu.dma_semaphore, #tpu.memory_space<semaphore_mem>>) src(%arg16 : memref<80x128xf32, #tpu.memory_space<vmem>>) dst(%dma_wait3A_233 : memref<10112x128xf32, #tpu.memory_space<vmem_shared>>)
      } else {
      }
      %min3A_164 = arith.constant 124 : i32
      %min3A_165 = arith.minsi %add3A_158, %min3A_164 : i32
      %mul3A_166 = arith.constant 80 : i32
      %mul3A_167 = arith.muli %min3A_165, %mul3A_166 : i32
      %add3A_168 = arith.addi %mul3A_2, %mul3A_167 : i32
      %dma_start3A_169 = tpu.memref_slice %arg3[%add3A_168] : memref<320000xi32, #tpu.memory_space<hbm>> -> memref<80xi32, #tpu.memory_space<hbm>>
      %dma_start3A_170 = tpu.memref_slice %arg3[%add3A_168] : memref<320000xi32, #tpu.memory_space<hbm>> -> memref<80xi32, #tpu.memory_space<hbm>>
      tpu.enqueue_dma source(%dma_start3A_170 : memref<80xi32, #tpu.memory_space<hbm>>) target(%arg8 : memref<80xi32, #tpu.memory_space<vmem>>) target_semaphore(%arg27 : memref<!tpu.dma_semaphore, #tpu.memory_space<semaphore_mem>>)
      %mul3A_171 = arith.constant 80 : i32
      %mul3A_172 = arith.muli %min3A_165, %mul3A_171 : i32
      %add3A_173 = arith.addi %mul3A_2, %mul3A_172 : i32
      %dma_start3A_174 = tpu.memref_slice %arg4[%add3A_173] : memref<320000xi32, #tpu.memory_space<hbm>> -> memref<80xi32, #tpu.memory_space<hbm>>
      %dma_start3A_175 = tpu.memref_slice %arg4[%add3A_173] : memref<320000xi32, #tpu.memory_space<hbm>> -> memref<80xi32, #tpu.memory_space<hbm>>
      tpu.enqueue_dma source(%dma_start3A_175 : memref<80xi32, #tpu.memory_space<hbm>>) target(%arg12 : memref<80xi32, #tpu.memory_space<vmem>>) target_semaphore(%arg27 : memref<!tpu.dma_semaphore, #tpu.memory_space<semaphore_mem>>)
      %ge3A_176 = arith.constant 3 : i32
      %ge3A_177 = arith.cmpi sge, %add3A_158, %ge3A_176 : i32
      %convert_element_type3A_178 = arith.extui %ge3A_177 : i1 to i32
      %cond3A_179 = arith.constant 0 : i32
      %cond3A_180 = arith.cmpi ne, %convert_element_type3A_178, %cond3A_179 : i32
      scf.if %cond3A_180 {
        %dma_wait3A_231 = arith.constant 0 : i32
        %dma_wait3A_232 = arith.constant 0 : i32
        %dma_wait3A_233 = tpu.memref_slice %arg2[%dma_wait3A_231, %dma_wait3A_232] : memref<10000x128xf32, #tpu.memory_space<hbm>> -> memref<10000x128xf32, #tpu.memory_space<hbm>>
        tpu.wait_indirect_dma semaphore(%arg22 : memref<!tpu.dma_semaphore, #tpu.memory_space<semaphore_mem>>) src(%dma_wait3A_233 : memref<10000x128xf32, #tpu.memory_space<hbm>>) dst(%arg17 : memref<80x128xf32, #tpu.memory_space<vmem>>)
        %dma_start3A_234 = arith.constant 0 : i32
        %dma_start3A_235 = arith.constant 0 : i32
        %dma_start3A_236 = tpu.memref_slice %arg18[%dma_start3A_234, %dma_start3A_235] : memref<10112x128xf32, #tpu.memory_space<vmem_shared>> -> memref<10112x128xf32, #tpu.memory_space<vmem_shared>>
        tpu.enqueue_indirect_dma source(%arg17 : memref<80x128xf32, #tpu.memory_space<vmem>>) target(%dma_start3A_236 : memref<10112x128xf32, #tpu.memory_space<vmem_shared>>) offsets(%arg13 : memref<80xi32, #tpu.memory_space<vmem>>) semaphore(%arg26 : memref<!tpu.dma_semaphore, #tpu.memory_space<semaphore_mem>>) {add = true}
      } else {
      }
      %dma_wait3A_181 = tpu.memref_slice %arg3[%mul3A_2] : memref<320000xi32, #tpu.memory_space<hbm>> -> memref<80xi32, #tpu.memory_space<hbm>>
      %dma_wait3A_182 = tpu.memref_slice %arg3[%mul3A_2] : memref<320000xi32, #tpu.memory_space<hbm>> -> memref<80xi32, #tpu.memory_space<hbm>>
      tpu.wait_dma2 semaphore(%arg27 : memref<!tpu.dma_semaphore, #tpu.memory_space<semaphore_mem>>) src(%dma_wait3A_182 : memref<80xi32, #tpu.memory_space<hbm>>) dst(%arg8 : memref<80xi32, #tpu.memory_space<vmem>>)
      %dma_wait3A_183 = tpu.memref_slice %arg4[%mul3A_2] : memref<320000xi32, #tpu.memory_space<hbm>> -> memref<80xi32, #tpu.memory_space<hbm>>
      %dma_wait3A_184 = tpu.memref_slice %arg4[%mul3A_2] : memref<320000xi32, #tpu.memory_space<hbm>> -> memref<80xi32, #tpu.memory_space<hbm>>
      tpu.wait_dma2 semaphore(%arg27 : memref<!tpu.dma_semaphore, #tpu.memory_space<semaphore_mem>>) src(%dma_wait3A_184 : memref<80xi32, #tpu.memory_space<hbm>>) dst(%arg12 : memref<80xi32, #tpu.memory_space<vmem>>)
      %ge3A_185 = arith.constant 125 : i32
      %ge3A_186 = arith.cmpi sge, %add3A_158, %ge3A_185 : i32
      %convert_element_type3A_187 = arith.extui %ge3A_186 : i1 to i32
      %cond3A_188 = arith.constant 0 : i32
      %cond3A_189 = arith.cmpi ne, %convert_element_type3A_187, %cond3A_188 : i32
      scf.if %cond3A_189 {
        %swap3A = arith.constant 0 : index
        %swap3A_231 = tpu.vector_load %arg12[%swap3A] {strides = array<i32>} : memref<80xi32, #tpu.memory_space<vmem>>, vector<16xi32>,
        %swap3A_232 = vector.shape_cast %swap3A_231 : vector<16xi32> to vector<16xi32>
        %swap3A_233 = vector.shape_cast %broadcast_in_dim3A_42 : vector<16xi32> to vector<16xi32>
        tpu.vector_store %arg12[%swap3A], %swap3A_233 {strides = array<i32>} : memref<80xi32, #tpu.memory_space<vmem>>, vector<16xi32>,
        %swap3A_234 = arith.constant 16 : index
        %swap3A_235 = tpu.vector_load %arg12[%swap3A_234] {strides = array<i32>} : memref<80xi32, #tpu.memory_space<vmem>>, vector<16xi32>,
        %swap3A_236 = vector.shape_cast %swap3A_235 : vector<16xi32> to vector<16xi32>
        %swap3A_237 = vector.shape_cast %broadcast_in_dim3A_42 : vector<16xi32> to vector<16xi32>
        tpu.vector_store %arg12[%swap3A_234], %swap3A_237 {strides = array<i32>} : memref<80xi32, #tpu.memory_space<vmem>>, vector<16xi32>,
        %swap3A_238 = arith.constant 32 : index
        %swap3A_239 = tpu.vector_load %arg12[%swap3A_238] {strides = array<i32>} : memref<80xi32, #tpu.memory_space<vmem>>, vector<16xi32>,
        %swap3A_240 = vector.shape_cast %swap3A_239 : vector<16xi32> to vector<16xi32>
        %swap3A_241 = vector.shape_cast %broadcast_in_dim3A_42 : vector<16xi32> to vector<16xi32>
        tpu.vector_store %arg12[%swap3A_238], %swap3A_241 {strides = array<i32>} : memref<80xi32, #tpu.memory_space<vmem>>, vector<16xi32>,
        %swap3A_242 = arith.constant 48 : index
        %swap3A_243 = tpu.vector_load %arg12[%swap3A_242] {strides = array<i32>} : memref<80xi32, #tpu.memory_space<vmem>>, vector<16xi32>,
        %swap3A_244 = vector.shape_cast %swap3A_243 : vector<16xi32> to vector<16xi32>
        %swap3A_245 = vector.shape_cast %broadcast_in_dim3A_42 : vector<16xi32> to vector<16xi32>
        tpu.vector_store %arg12[%swap3A_242], %swap3A_245 {strides = array<i32>} : memref<80xi32, #tpu.memory_space<vmem>>, vector<16xi32>,
        %swap3A_246 = arith.constant 64 : index
        %swap3A_247 = tpu.vector_load %arg12[%swap3A_246] {strides = array<i32>} : memref<80xi32, #tpu.memory_space<vmem>>, vector<16xi32>,
        %swap3A_248 = vector.shape_cast %swap3A_247 : vector<16xi32> to vector<16xi32>
        %swap3A_249 = vector.shape_cast %broadcast_in_dim3A_42 : vector<16xi32> to vector<16xi32>
        tpu.vector_store %arg12[%swap3A_246], %swap3A_249 {strides = array<i32>} : memref<80xi32, #tpu.memory_space<vmem>>, vector<16xi32>,
      } else {
      }
      %dma_start3A_190 = arith.constant 0 : i32
      %dma_start3A_191 = arith.constant 0 : i32
      %dma_start3A_192 = tpu.memref_slice %arg2[%dma_start3A_190, %dma_start3A_191] : memref<10000x128xf32, #tpu.memory_space<hbm>> -> memref<10000x128xf32, #tpu.memory_space<hbm>>
      tpu.enqueue_indirect_dma source(%dma_start3A_192 : memref<10000x128xf32, #tpu.memory_space<hbm>>) target(%arg16 : memref<80x128xf32, #tpu.memory_space<vmem>>) offsets(%arg8 : memref<80xi32, #tpu.memory_space<vmem>>) semaphore(%arg21 : memref<!tpu.dma_semaphore, #tpu.memory_space<semaphore_mem>>)
      %mul3A_193 = arith.constant 4 : i32
      %mul3A_194 = arith.muli %scan3A_82, %mul3A_193 : i32
      %add3A_195 = arith.constant 3 : i32
      %add3A_196 = arith.addi %mul3A_194, %add3A_195 : i32
      %ge3A_197 = arith.constant 4 : i32
      %ge3A_198 = arith.cmpi sge, %add3A_196, %ge3A_197 : i32
      %convert_element_type3A_199 = arith.extui %ge3A_198 : i1 to i32
      %cond3A_200 = arith.constant 0 : i32
      %cond3A_201 = arith.cmpi ne, %convert_element_type3A_199, %cond3A_200 : i32
      scf.if %cond3A_201 {
        %dma_wait3A_231 = arith.constant 0 : i32
        %dma_wait3A_232 = arith.constant 0 : i32
        %dma_wait3A_233 = tpu.memref_slice %arg18[%dma_wait3A_231, %dma_wait3A_232] : memref<10112x128xf32, #tpu.memory_space<vmem_shared>> -> memref<10112x128xf32, #tpu.memory_space<vmem_shared>>
        tpu.wait_indirect_dma semaphore(%arg26 : memref<!tpu.dma_semaphore, #tpu.memory_space<semaphore_mem>>) src(%arg17 : memref<80x128xf32, #tpu.memory_space<vmem>>) dst(%dma_wait3A_233 : memref<10112x128xf32, #tpu.memory_space<vmem_shared>>)
      } else {
      }
      %min3A_202 = arith.constant 124 : i32
      %min3A_203 = arith.minsi %add3A_196, %min3A_202 : i32
      %mul3A_204 = arith.constant 80 : i32
      %mul3A_205 = arith.muli %min3A_203, %mul3A_204 : i32
      %add3A_206 = arith.addi %mul3A_2, %mul3A_205 : i32
      %dma_start3A_207 = tpu.memref_slice %arg3[%add3A_206] : memref<320000xi32, #tpu.memory_space<hbm>> -> memref<80xi32, #tpu.memory_space<hbm>>
      %dma_start3A_208 = tpu.memref_slice %arg3[%add3A_206] : memref<320000xi32, #tpu.memory_space<hbm>> -> memref<80xi32, #tpu.memory_space<hbm>>
      tpu.enqueue_dma source(%dma_start3A_208 : memref<80xi32, #tpu.memory_space<hbm>>) target(%arg9 : memref<80xi32, #tpu.memory_space<vmem>>) target_semaphore(%arg27 : memref<!tpu.dma_semaphore, #tpu.memory_space<semaphore_mem>>)
      %mul3A_209 = arith.constant 80 : i32
      %mul3A_210 = arith.muli %min3A_203, %mul3A_209 : i32
      %add3A_211 = arith.addi %mul3A_2, %mul3A_210 : i32
      %dma_start3A_212 = tpu.memref_slice %arg4[%add3A_211] : memref<320000xi32, #tpu.memory_space<hbm>> -> memref<80xi32, #tpu.memory_space<hbm>>
      %dma_start3A_213 = tpu.memref_slice %arg4[%add3A_211] : memref<320000xi32, #tpu.memory_space<hbm>> -> memref<80xi32, #tpu.memory_space<hbm>>
      tpu.enqueue_dma source(%dma_start3A_213 : memref<80xi32, #tpu.memory_space<hbm>>) target(%arg13 : memref<80xi32, #tpu.memory_space<vmem>>) target_semaphore(%arg27 : memref<!tpu.dma_semaphore, #tpu.memory_space<semaphore_mem>>)
      %ge3A_214 = arith.constant 3 : i32
      %ge3A_215 = arith.cmpi sge, %add3A_196, %ge3A_214 : i32
      %convert_element_type3A_216 = arith.extui %ge3A_215 : i1 to i32
      %cond3A_217 = arith.constant 0 : i32
      %cond3A_218 = arith.cmpi ne, %convert_element_type3A_216, %cond3A_217 : i32
      scf.if %cond3A_218 {
        %dma_wait3A_231 = arith.constant 0 : i32
        %dma_wait3A_232 = arith.constant 0 : i32
        %dma_wait3A_233 = tpu.memref_slice %arg2[%dma_wait3A_231, %dma_wait3A_232] : memref<10000x128xf32, #tpu.memory_space<hbm>> -> memref<10000x128xf32, #tpu.memory_space<hbm>>
        tpu.wait_indirect_dma semaphore(%arg19 : memref<!tpu.dma_semaphore, #tpu.memory_space<semaphore_mem>>) src(%dma_wait3A_233 : memref<10000x128xf32, #tpu.memory_space<hbm>>) dst(%arg14 : memref<80x128xf32, #tpu.memory_space<vmem>>)
        %dma_start3A_234 = arith.constant 0 : i32
        %dma_start3A_235 = arith.constant 0 : i32
        %dma_start3A_236 = tpu.memref_slice %arg18[%dma_start3A_234, %dma_start3A_235] : memref<10112x128xf32, #tpu.memory_space<vmem_shared>> -> memref<10112x128xf32, #tpu.memory_space<vmem_shared>>
        tpu.enqueue_indirect_dma source(%arg14 : memref<80x128xf32, #tpu.memory_space<vmem>>) target(%dma_start3A_236 : memref<10112x128xf32, #tpu.memory_space<vmem_shared>>) offsets(%arg10 : memref<80xi32, #tpu.memory_space<vmem>>) semaphore(%arg23 : memref<!tpu.dma_semaphore, #tpu.memory_space<semaphore_mem>>) {add = true}
      } else {
      }
      %dma_wait3A_219 = tpu.memref_slice %arg3[%mul3A_2] : memref<320000xi32, #tpu.memory_space<hbm>> -> memref<80xi32, #tpu.memory_space<hbm>>
      %dma_wait3A_220 = tpu.memref_slice %arg3[%mul3A_2] : memref<320000xi32, #tpu.memory_space<hbm>> -> memref<80xi32, #tpu.memory_space<hbm>>
      tpu.wait_dma2 semaphore(%arg27 : memref<!tpu.dma_semaphore, #tpu.memory_space<semaphore_mem>>) src(%dma_wait3A_220 : memref<80xi32, #tpu.memory_space<hbm>>) dst(%arg9 : memref<80xi32, #tpu.memory_space<vmem>>)
      %dma_wait3A_221 = tpu.memref_slice %arg4[%mul3A_2] : memref<320000xi32, #tpu.memory_space<hbm>> -> memref<80xi32, #tpu.memory_space<hbm>>
      %dma_wait3A_222 = tpu.memref_slice %arg4[%mul3A_2] : memref<320000xi32, #tpu.memory_space<hbm>> -> memref<80xi32, #tpu.memory_space<hbm>>
      tpu.wait_dma2 semaphore(%arg27 : memref<!tpu.dma_semaphore, #tpu.memory_space<semaphore_mem>>) src(%dma_wait3A_222 : memref<80xi32, #tpu.memory_space<hbm>>) dst(%arg13 : memref<80xi32, #tpu.memory_space<vmem>>)
      %ge3A_223 = arith.constant 125 : i32
      %ge3A_224 = arith.cmpi sge, %add3A_196, %ge3A_223 : i32
      %convert_element_type3A_225 = arith.extui %ge3A_224 : i1 to i32
      %cond3A_226 = arith.constant 0 : i32
      %cond3A_227 = arith.cmpi ne, %convert_element_type3A_225, %cond3A_226 : i32
      scf.if %cond3A_227 {
        %swap3A = arith.constant 0 : index
        %swap3A_231 = tpu.vector_load %arg13[%swap3A] {strides = array<i32>} : memref<80xi32, #tpu.memory_space<vmem>>, vector<16xi32>,
        %swap3A_232 = vector.shape_cast %swap3A_231 : vector<16xi32> to vector<16xi32>
        %swap3A_233 = vector.shape_cast %broadcast_in_dim3A_42 : vector<16xi32> to vector<16xi32>
        tpu.vector_store %arg13[%swap3A], %swap3A_233 {strides = array<i32>} : memref<80xi32, #tpu.memory_space<vmem>>, vector<16xi32>,
        %swap3A_234 = arith.constant 16 : index
        %swap3A_235 = tpu.vector_load %arg13[%swap3A_234] {strides = array<i32>} : memref<80xi32, #tpu.memory_space<vmem>>, vector<16xi32>,
        %swap3A_236 = vector.shape_cast %swap3A_235 : vector<16xi32> to vector<16xi32>
        %swap3A_237 = vector.shape_cast %broadcast_in_dim3A_42 : vector<16xi32> to vector<16xi32>
        tpu.vector_store %arg13[%swap3A_234], %swap3A_237 {strides = array<i32>} : memref<80xi32, #tpu.memory_space<vmem>>, vector<16xi32>,
        %swap3A_238 = arith.constant 32 : index
        %swap3A_239 = tpu.vector_load %arg13[%swap3A_238] {strides = array<i32>} : memref<80xi32, #tpu.memory_space<vmem>>, vector<16xi32>,
        %swap3A_240 = vector.shape_cast %swap3A_239 : vector<16xi32> to vector<16xi32>
        %swap3A_241 = vector.shape_cast %broadcast_in_dim3A_42 : vector<16xi32> to vector<16xi32>
        tpu.vector_store %arg13[%swap3A_238], %swap3A_241 {strides = array<i32>} : memref<80xi32, #tpu.memory_space<vmem>>, vector<16xi32>,
        %swap3A_242 = arith.constant 48 : index
        %swap3A_243 = tpu.vector_load %arg13[%swap3A_242] {strides = array<i32>} : memref<80xi32, #tpu.memory_space<vmem>>, vector<16xi32>,
        %swap3A_244 = vector.shape_cast %swap3A_243 : vector<16xi32> to vector<16xi32>
        %swap3A_245 = vector.shape_cast %broadcast_in_dim3A_42 : vector<16xi32> to vector<16xi32>
        tpu.vector_store %arg13[%swap3A_242], %swap3A_245 {strides = array<i32>} : memref<80xi32, #tpu.memory_space<vmem>>, vector<16xi32>,
        %swap3A_246 = arith.constant 64 : index
        %swap3A_247 = tpu.vector_load %arg13[%swap3A_246] {strides = array<i32>} : memref<80xi32, #tpu.memory_space<vmem>>, vector<16xi32>,
        %swap3A_248 = vector.shape_cast %swap3A_247 : vector<16xi32> to vector<16xi32>
        %swap3A_249 = vector.shape_cast %broadcast_in_dim3A_42 : vector<16xi32> to vector<16xi32>
        tpu.vector_store %arg13[%swap3A_246], %swap3A_249 {strides = array<i32>} : memref<80xi32, #tpu.memory_space<vmem>>, vector<16xi32>,
      } else {
      }
      %dma_start3A_228 = arith.constant 0 : i32
      %dma_start3A_229 = arith.constant 0 : i32
      %dma_start3A_230 = tpu.memref_slice %arg2[%dma_start3A_228, %dma_start3A_229] : memref<10000x128xf32, #tpu.memory_space<hbm>> -> memref<10000x128xf32, #tpu.memory_space<hbm>>
      tpu.enqueue_indirect_dma source(%dma_start3A_230 : memref<10000x128xf32, #tpu.memory_space<hbm>>) target(%arg17 : memref<80x128xf32, #tpu.memory_space<vmem>>) offsets(%arg9 : memref<80xi32, #tpu.memory_space<vmem>>) semaphore(%arg22 : memref<!tpu.dma_semaphore, #tpu.memory_space<semaphore_mem>>)
    }
    %scan3A_48 = arith.constant 32 : i32
    %dma_wait3A = arith.constant 0 : i32
    %dma_wait3A_49 = arith.constant 0 : i32
    %dma_wait3A_50 = tpu.memref_slice %arg2[%dma_wait3A, %dma_wait3A_49] : memref<10000x128xf32, #tpu.memory_space<hbm>> -> memref<10000x128xf32, #tpu.memory_space<hbm>>
    tpu.wait_indirect_dma semaphore(%arg20 : memref<!tpu.dma_semaphore, #tpu.memory_space<semaphore_mem>>) src(%dma_wait3A_50 : memref<10000x128xf32, #tpu.memory_space<hbm>>) dst(%arg15 : memref<80x128xf32, #tpu.memory_space<vmem>>)
    %dma_start3A = arith.constant 0 : i32
    %dma_start3A_51 = arith.constant 0 : i32
    %dma_start3A_52 = tpu.memref_slice %arg18[%dma_start3A, %dma_start3A_51] : memref<10112x128xf32, #tpu.memory_space<vmem_shared>> -> memref<10112x128xf32, #tpu.memory_space<vmem_shared>>
    tpu.enqueue_indirect_dma source(%arg15 : memref<80x128xf32, #tpu.memory_space<vmem>>) target(%dma_start3A_52 : memref<10112x128xf32, #tpu.memory_space<vmem_shared>>) offsets(%arg11 : memref<80xi32, #tpu.memory_space<vmem>>) semaphore(%arg24 : memref<!tpu.dma_semaphore, #tpu.memory_space<semaphore_mem>>) {add = true}
    %dma_wait3A_53 = arith.constant 0 : i32
    %dma_wait3A_54 = arith.constant 0 : i32
    %dma_wait3A_55 = tpu.memref_slice %arg2[%dma_wait3A_53, %dma_wait3A_54] : memref<10000x128xf32, #tpu.memory_space<hbm>> -> memref<10000x128xf32, #tpu.memory_space<hbm>>
    tpu.wait_indirect_dma semaphore(%arg21 : memref<!tpu.dma_semaphore, #tpu.memory_space<semaphore_mem>>) src(%dma_wait3A_55 : memref<10000x128xf32, #tpu.memory_space<hbm>>) dst(%arg16 : memref<80x128xf32, #tpu.memory_space<vmem>>)
    %dma_start3A_56 = arith.constant 0 : i32
    %dma_start3A_57 = arith.constant 0 : i32
    %dma_start3A_58 = tpu.memref_slice %arg18[%dma_start3A_56, %dma_start3A_57] : memref<10112x128xf32, #tpu.memory_space<vmem_shared>> -> memref<10112x128xf32, #tpu.memory_space<vmem_shared>>
    tpu.enqueue_indirect_dma source(%arg16 : memref<80x128xf32, #tpu.memory_space<vmem>>) target(%dma_start3A_58 : memref<10112x128xf32, #tpu.memory_space<vmem_shared>>) offsets(%arg12 : memref<80xi32, #tpu.memory_space<vmem>>) semaphore(%arg25 : memref<!tpu.dma_semaphore, #tpu.memory_space<semaphore_mem>>) {add = true}
    %dma_wait3A_59 = arith.constant 0 : i32
    %dma_wait3A_60 = arith.constant 0 : i32
    %dma_wait3A_61 = tpu.memref_slice %arg2[%dma_wait3A_59, %dma_wait3A_60] : memref<10000x128xf32, #tpu.memory_space<hbm>> -> memref<10000x128xf32, #tpu.memory_space<hbm>>
    tpu.wait_indirect_dma semaphore(%arg22 : memref<!tpu.dma_semaphore, #tpu.memory_space<semaphore_mem>>) src(%dma_wait3A_61 : memref<10000x128xf32, #tpu.memory_space<hbm>>) dst(%arg17 : memref<80x128xf32, #tpu.memory_space<vmem>>)
    %dma_start3A_62 = arith.constant 0 : i32
    %dma_start3A_63 = arith.constant 0 : i32
    %dma_start3A_64 = tpu.memref_slice %arg18[%dma_start3A_62, %dma_start3A_63] : memref<10112x128xf32, #tpu.memory_space<vmem_shared>> -> memref<10112x128xf32, #tpu.memory_space<vmem_shared>>
    tpu.enqueue_indirect_dma source(%arg17 : memref<80x128xf32, #tpu.memory_space<vmem>>) target(%dma_start3A_64 : memref<10112x128xf32, #tpu.memory_space<vmem_shared>>) offsets(%arg13 : memref<80xi32, #tpu.memory_space<vmem>>) semaphore(%arg26 : memref<!tpu.dma_semaphore, #tpu.memory_space<semaphore_mem>>) {add = true}
    %dma_wait3A_65 = arith.constant 0 : i32
    %dma_wait3A_66 = arith.constant 0 : i32
    %dma_wait3A_67 = tpu.memref_slice %arg18[%dma_wait3A_65, %dma_wait3A_66] : memref<10112x128xf32, #tpu.memory_space<vmem_shared>> -> memref<10112x128xf32, #tpu.memory_space<vmem_shared>>
    tpu.wait_indirect_dma semaphore(%arg23 : memref<!tpu.dma_semaphore, #tpu.memory_space<semaphore_mem>>) src(%arg14 : memref<80x128xf32, #tpu.memory_space<vmem>>) dst(%dma_wait3A_67 : memref<10112x128xf32, #tpu.memory_space<vmem_shared>>)
    %dma_wait3A_68 = arith.constant 0 : i32
    %dma_wait3A_69 = arith.constant 0 : i32
    %dma_wait3A_70 = tpu.memref_slice %arg18[%dma_wait3A_68, %dma_wait3A_69] : memref<10112x128xf32, #tpu.memory_space<vmem_shared>> -> memref<10112x128xf32, #tpu.memory_space<vmem_shared>>
    tpu.wait_indirect_dma semaphore(%arg24 : memref<!tpu.dma_semaphore, #tpu.memory_space<semaphore_mem>>) src(%arg15 : memref<80x128xf32, #tpu.memory_space<vmem>>) dst(%dma_wait3A_70 : memref<10112x128xf32, #tpu.memory_space<vmem_shared>>)
    %dma_wait3A_71 = arith.constant 0 : i32
    %dma_wait3A_72 = arith.constant 0 : i32
    %dma_wait3A_73 = tpu.memref_slice %arg18[%dma_wait3A_71, %dma_wait3A_72] : memref<10112x128xf32, #tpu.memory_space<vmem_shared>> -> memref<10112x128xf32, #tpu.memory_space<vmem_shared>>
    tpu.wait_indirect_dma semaphore(%arg25 : memref<!tpu.dma_semaphore, #tpu.memory_space<semaphore_mem>>) src(%arg16 : memref<80x128xf32, #tpu.memory_space<vmem>>) dst(%dma_wait3A_73 : memref<10112x128xf32, #tpu.memory_space<vmem_shared>>)
    %dma_wait3A_74 = arith.constant 0 : i32
    %dma_wait3A_75 = arith.constant 0 : i32
    %dma_wait3A_76 = tpu.memref_slice %arg18[%dma_wait3A_74, %dma_wait3A_75] : memref<10112x128xf32, #tpu.memory_space<vmem_shared>> -> memref<10112x128xf32, #tpu.memory_space<vmem_shared>>
    tpu.wait_indirect_dma semaphore(%arg26 : memref<!tpu.dma_semaphore, #tpu.memory_space<semaphore_mem>>) src(%arg17 : memref<80x128xf32, #tpu.memory_space<vmem>>) dst(%dma_wait3A_76 : memref<10112x128xf32, #tpu.memory_space<vmem_shared>>)
    %barrier3A_77 = arith.constant 0 : index
    tpu.barrier barrier_id(%barrier3A_77)
    %mul3A_78 = arith.constant 632 : i32
    %mul3A_79 = arith.muli %arg1, %mul3A_78 : i32
    %mul3A_80 = arith.constant 632 : i32
    %mul3A_81 = arith.muli %arg1, %mul3A_80 : i32
    "tpu.region"() ({
      %run_scoped3A = tpu.sem_alloc : memref<!tpu.dma_semaphore, #tpu.memory_space<semaphore_mem>>
      %dma_start3A_82 = arith.constant 0 : i32
      %dma_start3A_83 = tpu.memref_slice %arg5[%arg0, %mul3A_81, %dma_start3A_82] : memref<2x10112x128xf32, #tpu.memory_space<hbm>> -> memref<1x632x128xf32, #tpu.memory_space<hbm>>
      %dma_start3A_84 = tpu.memref_squeeze %dma_start3A_83 : memref<1x632x128xf32, #tpu.memory_space<hbm>> -> memref<632x128xf32, #tpu.memory_space<hbm>>
      %dma_start3A_85 = arith.constant 0 : i32
      %dma_start3A_86 = tpu.memref_slice %arg18[%mul3A_79, %dma_start3A_85] : memref<10112x128xf32, #tpu.memory_space<vmem_shared>> -> memref<632x128xf32, #tpu.memory_space<vmem_shared>>
      tpu.enqueue_dma source(%dma_start3A_86 : memref<632x128xf32, #tpu.memory_space<vmem_shared>>) target(%dma_start3A_84 : memref<632x128xf32, #tpu.memory_space<hbm>>) target_semaphore(%run_scoped3A : memref<!tpu.dma_semaphore, #tpu.memory_space<semaphore_mem>>)
      %dma_wait3A_87 = arith.constant 0 : i32
      %dma_wait3A_88 = tpu.memref_slice %arg5[%arg0, %mul3A_81, %dma_wait3A_87] : memref<2x10112x128xf32, #tpu.memory_space<hbm>> -> memref<1x632x128xf32, #tpu.memory_space<hbm>>
      %dma_wait3A_89 = tpu.memref_squeeze %dma_wait3A_88 : memref<1x632x128xf32, #tpu.memory_space<hbm>> -> memref<632x128xf32, #tpu.memory_space<hbm>>
      %dma_wait3A_90 = arith.constant 0 : i32
      %dma_wait3A_91 = tpu.memref_slice %arg18[%mul3A_79, %dma_wait3A_90] : memref<10112x128xf32, #tpu.memory_space<vmem_shared>> -> memref<632x128xf32, #tpu.memory_space<vmem_shared>>
      tpu.wait_dma2 semaphore(%run_scoped3A : memref<!tpu.dma_semaphore, #tpu.memory_space<semaphore_mem>>) src(%dma_wait3A_91 : memref<632x128xf32, #tpu.memory_space<vmem_shared>>) dst(%dma_wait3A_89 : memref<632x128xf32, #tpu.memory_space<hbm>>)
      tpu.yield
    }) : () -> ()
    return
  }
}

#map = affine_map<(d0, d1) -> (0, 0)>
#map1 = affine_map<(d0, d1) -> (0)>
#map2 = affine_map<(d0, d1) -> (0, 0, 0)>
module attributes {stable_mosaic.version = 14 : i64} {
  func.func @agg(%arg0: i32, %arg1: i32, %arg2: memref<10000x128xf32, #tpu.memory_space<hbm>>, %arg3: memref<320000xi32, #tpu.memory_space<hbm>>, %arg4: memref<320000xi32, #tpu.memory_space<hbm>>, %arg5: memref<2x10112x128xf32, #tpu.memory_space<hbm>>, %arg6: memref<20224xf32, #tpu.memory_space<hbm>>, %arg7: memref<80xi32, #tpu.memory_space<vmem>>, %arg8: memref<80xi32, #tpu.memory_space<vmem>>, %arg9: memref<80xi32, #tpu.memory_space<vmem>>, %arg10: memref<80xi32, #tpu.memory_space<vmem>>, %arg11: memref<80xi32, #tpu.memory_space<vmem>>, %arg12: memref<80xi32, #tpu.memory_space<vmem>>, %arg13: memref<80xi32, #tpu.memory_space<vmem>>, %arg14: memref<80xi32, #tpu.memory_space<vmem>>, %arg15: memref<80x128xf32, #tpu.memory_space<vmem>>, %arg16: memref<80x128xf32, #tpu.memory_space<vmem>>, %arg17: memref<80x128xf32, #tpu.memory_space<vmem>>, %arg18: memref<80x128xf32, #tpu.memory_space<vmem>>, %arg19: memref<10112x128xf32, #tpu.memory_space<vmem_shared>>, %arg20: memref<!tpu.dma_semaphore, #tpu.memory_space<semaphore_mem>>, %arg21: memref<!tpu.dma_semaphore, #tpu.memory_space<semaphore_mem>>, %arg22: memref<!tpu.dma_semaphore, #tpu.memory_space<semaphore_mem>>, %arg23: memref<!tpu.dma_semaphore, #tpu.memory_space<semaphore_mem>>, %arg24: memref<!tpu.dma_semaphore, #tpu.memory_space<semaphore_mem>>, %arg25: memref<!tpu.dma_semaphore, #tpu.memory_space<semaphore_mem>>, %arg26: memref<!tpu.dma_semaphore, #tpu.memory_space<semaphore_mem>>, %arg27: memref<!tpu.dma_semaphore, #tpu.memory_space<semaphore_mem>>, %arg28: memref<!tpu.dma_semaphore, #tpu.memory_space<semaphore_mem>>, %arg29: memref<80xf32, #tpu.memory_space<vmem>>, %arg30: memref<632xf32, #tpu.memory_space<vmem>>, %arg31: memref<10112xf32, #tpu.memory_space<vmem_shared>>) attributes {dimension_semantics = [#tpu.dimension_semantics<core_parallel>, #tpu.dimension_semantics<subcore_parallel>], iteration_bounds = array<i64: 2, 16>, scalar_prefetch = 0 : i64, scratch_operands = 25 : i64, tpu.core_type = #tpu.core_type<sc_vector_subcore>, window_params = [{transform_indices = #map}, {transform_indices = #map1}, {transform_indices = #map1}, {transform_indices = #map2}, {transform_indices = #map1}]} {
    %mul3A = arith.constant 2 : i32
    %mul3A_0 = arith.muli %arg1, %mul3A : i32
    %add3A = arith.addi %mul3A_0, %arg0 : i32
    %mul3A_1 = arith.constant 10000 : i32
    %mul3A_2 = arith.muli %add3A, %mul3A_1 : i32
    %broadcast_in_dim3A = arith.constant 0.000000e+00 : f32
    %broadcast_in_dim3A_3 = vector.broadcast %broadcast_in_dim3A : f32 to vector<16xf32>
    %scan3A = arith.constant 0 : i32
    %scan3A_4 = arith.constant 0 : i32
    %scan3A_5 = arith.constant 80 : i32
    %scan3A_6 = arith.addi %scan3A_4, %scan3A_5 : i32
    %scan3A_7 = arith.constant 1 : i32
    scf.for %scan3A_122 = %scan3A_4 to %scan3A_6 step %scan3A_7  : i32 {
      %swap3A_123 = arith.index_cast %scan3A_122 : i32 to index
      %swap3A_124 = arith.constant 0 : index
      %swap3A_125 = tpu.vector_load %arg15[%swap3A_123, %swap3A_124] {strides = array<i32>} : memref<80x128xf32, #tpu.memory_space<vmem>>, vector<1x16xf32>,
      %swap3A_126 = vector.shape_cast %swap3A_125 : vector<1x16xf32> to vector<16xf32>
      %swap3A_127 = vector.shape_cast %broadcast_in_dim3A_3 : vector<16xf32> to vector<1x16xf32>
      tpu.vector_store %arg15[%swap3A_123, %swap3A_124], %swap3A_127 {strides = array<i32>} : memref<80x128xf32, #tpu.memory_space<vmem>>, vector<1x16xf32>,
      %swap3A_128 = arith.index_cast %scan3A_122 : i32 to index
      %swap3A_129 = arith.constant 16 : index
      %swap3A_130 = tpu.vector_load %arg15[%swap3A_128, %swap3A_129] {strides = array<i32>} : memref<80x128xf32, #tpu.memory_space<vmem>>, vector<1x16xf32>,
      %swap3A_131 = vector.shape_cast %swap3A_130 : vector<1x16xf32> to vector<16xf32>
      %swap3A_132 = vector.shape_cast %broadcast_in_dim3A_3 : vector<16xf32> to vector<1x16xf32>
      tpu.vector_store %arg15[%swap3A_128, %swap3A_129], %swap3A_132 {strides = array<i32>} : memref<80x128xf32, #tpu.memory_space<vmem>>, vector<1x16xf32>,
      %swap3A_133 = arith.index_cast %scan3A_122 : i32 to index
      %swap3A_134 = arith.constant 32 : index
      %swap3A_135 = tpu.vector_load %arg15[%swap3A_133, %swap3A_134] {strides = array<i32>} : memref<80x128xf32, #tpu.memory_space<vmem>>, vector<1x16xf32>,
      %swap3A_136 = vector.shape_cast %swap3A_135 : vector<1x16xf32> to vector<16xf32>
      %swap3A_137 = vector.shape_cast %broadcast_in_dim3A_3 : vector<16xf32> to vector<1x16xf32>
      tpu.vector_store %arg15[%swap3A_133, %swap3A_134], %swap3A_137 {strides = array<i32>} : memref<80x128xf32, #tpu.memory_space<vmem>>, vector<1x16xf32>,
      %swap3A_138 = arith.index_cast %scan3A_122 : i32 to index
      %swap3A_139 = arith.constant 48 : index
      %swap3A_140 = tpu.vector_load %arg15[%swap3A_138, %swap3A_139] {strides = array<i32>} : memref<80x128xf32, #tpu.memory_space<vmem>>, vector<1x16xf32>,
      %swap3A_141 = vector.shape_cast %swap3A_140 : vector<1x16xf32> to vector<16xf32>
      %swap3A_142 = vector.shape_cast %broadcast_in_dim3A_3 : vector<16xf32> to vector<1x16xf32>
      tpu.vector_store %arg15[%swap3A_138, %swap3A_139], %swap3A_142 {strides = array<i32>} : memref<80x128xf32, #tpu.memory_space<vmem>>, vector<1x16xf32>,
      %swap3A_143 = arith.index_cast %scan3A_122 : i32 to index
      %swap3A_144 = arith.constant 64 : index
      %swap3A_145 = tpu.vector_load %arg15[%swap3A_143, %swap3A_144] {strides = array<i32>} : memref<80x128xf32, #tpu.memory_space<vmem>>, vector<1x16xf32>,
      %swap3A_146 = vector.shape_cast %swap3A_145 : vector<1x16xf32> to vector<16xf32>
      %swap3A_147 = vector.shape_cast %broadcast_in_dim3A_3 : vector<16xf32> to vector<1x16xf32>
      tpu.vector_store %arg15[%swap3A_143, %swap3A_144], %swap3A_147 {strides = array<i32>} : memref<80x128xf32, #tpu.memory_space<vmem>>, vector<1x16xf32>,
      %swap3A_148 = arith.index_cast %scan3A_122 : i32 to index
      %swap3A_149 = arith.constant 80 : index
      %swap3A_150 = tpu.vector_load %arg15[%swap3A_148, %swap3A_149] {strides = array<i32>} : memref<80x128xf32, #tpu.memory_space<vmem>>, vector<1x16xf32>,
      %swap3A_151 = vector.shape_cast %swap3A_150 : vector<1x16xf32> to vector<16xf32>
      %swap3A_152 = vector.shape_cast %broadcast_in_dim3A_3 : vector<16xf32> to vector<1x16xf32>
      tpu.vector_store %arg15[%swap3A_148, %swap3A_149], %swap3A_152 {strides = array<i32>} : memref<80x128xf32, #tpu.memory_space<vmem>>, vector<1x16xf32>,
      %swap3A_153 = arith.index_cast %scan3A_122 : i32 to index
      %swap3A_154 = arith.constant 96 : index
      %swap3A_155 = tpu.vector_load %arg15[%swap3A_153, %swap3A_154] {strides = array<i32>} : memref<80x128xf32, #tpu.memory_space<vmem>>, vector<1x16xf32>,
      %swap3A_156 = vector.shape_cast %swap3A_155 : vector<1x16xf32> to vector<16xf32>
      %swap3A_157 = vector.shape_cast %broadcast_in_dim3A_3 : vector<16xf32> to vector<1x16xf32>
      tpu.vector_store %arg15[%swap3A_153, %swap3A_154], %swap3A_157 {strides = array<i32>} : memref<80x128xf32, #tpu.memory_space<vmem>>, vector<1x16xf32>,
      %swap3A_158 = arith.index_cast %scan3A_122 : i32 to index
      %swap3A_159 = arith.constant 112 : index
      %swap3A_160 = tpu.vector_load %arg15[%swap3A_158, %swap3A_159] {strides = array<i32>} : memref<80x128xf32, #tpu.memory_space<vmem>>, vector<1x16xf32>,
      %swap3A_161 = vector.shape_cast %swap3A_160 : vector<1x16xf32> to vector<16xf32>
      %swap3A_162 = vector.shape_cast %broadcast_in_dim3A_3 : vector<16xf32> to vector<1x16xf32>
      tpu.vector_store %arg15[%swap3A_158, %swap3A_159], %swap3A_162 {strides = array<i32>} : memref<80x128xf32, #tpu.memory_space<vmem>>, vector<1x16xf32>,
    }
    %scan3A_8 = arith.constant 80 : i32
    %mul3A_9 = arith.constant 632 : i32
    %mul3A_10 = arith.muli %arg1, %mul3A_9 : i32
    %add3A_11 = arith.constant 0 : i32
    %add3A_12 = arith.addi %mul3A_10, %add3A_11 : i32
    "tpu.region"() ({
      %run_scoped3A = tpu.sem_alloc : memref<!tpu.dma_semaphore, #tpu.memory_space<semaphore_mem>>
      %dma_start3A_122 = arith.constant 0 : i32
      %dma_start3A_123 = arith.constant 0 : i32
      %dma_start3A_124 = tpu.memref_slice %arg15[%dma_start3A_122, %dma_start3A_123] : memref<80x128xf32, #tpu.memory_space<vmem>> -> memref<80x128xf32, #tpu.memory_space<vmem>>
      %dma_start3A_125 = arith.constant 0 : i32
      %dma_start3A_126 = tpu.memref_slice %arg19[%add3A_12, %dma_start3A_125] : memref<10112x128xf32, #tpu.memory_space<vmem_shared>> -> memref<80x128xf32, #tpu.memory_space<vmem_shared>>
      %dma_start3A_127 = arith.constant 0 : i32
      %dma_start3A_128 = tpu.memref_slice %arg19[%add3A_12, %dma_start3A_127] : memref<10112x128xf32, #tpu.memory_space<vmem_shared>> -> memref<80x128xf32, #tpu.memory_space<vmem_shared>>
      %dma_start3A_129 = arith.constant 0 : i32
      %dma_start3A_130 = arith.constant 0 : i32
      %dma_start3A_131 = tpu.memref_slice %arg15[%dma_start3A_129, %dma_start3A_130] : memref<80x128xf32, #tpu.memory_space<vmem>> -> memref<80x128xf32, #tpu.memory_space<vmem>>
      tpu.enqueue_dma source(%dma_start3A_131 : memref<80x128xf32, #tpu.memory_space<vmem>>) target(%dma_start3A_128 : memref<80x128xf32, #tpu.memory_space<vmem_shared>>) target_semaphore(%run_scoped3A : memref<!tpu.dma_semaphore, #tpu.memory_space<semaphore_mem>>)
      %dma_wait3A_132 = arith.constant 0 : i32
      %dma_wait3A_133 = arith.constant 0 : i32
      %dma_wait3A_134 = tpu.memref_slice %arg15[%dma_wait3A_132, %dma_wait3A_133] : memref<80x128xf32, #tpu.memory_space<vmem>> -> memref<80x128xf32, #tpu.memory_space<vmem>>
      %dma_wait3A_135 = arith.constant 0 : i32
      %dma_wait3A_136 = tpu.memref_slice %arg19[%add3A_12, %dma_wait3A_135] : memref<10112x128xf32, #tpu.memory_space<vmem_shared>> -> memref<80x128xf32, #tpu.memory_space<vmem_shared>>
      %dma_wait3A_137 = arith.constant 0 : i32
      %dma_wait3A_138 = tpu.memref_slice %arg19[%add3A_12, %dma_wait3A_137] : memref<10112x128xf32, #tpu.memory_space<vmem_shared>> -> memref<80x128xf32, #tpu.memory_space<vmem_shared>>
      %dma_wait3A_139 = arith.constant 0 : i32
      %dma_wait3A_140 = arith.constant 0 : i32
      %dma_wait3A_141 = tpu.memref_slice %arg15[%dma_wait3A_139, %dma_wait3A_140] : memref<80x128xf32, #tpu.memory_space<vmem>> -> memref<80x128xf32, #tpu.memory_space<vmem>>
      tpu.wait_dma2 semaphore(%run_scoped3A : memref<!tpu.dma_semaphore, #tpu.memory_space<semaphore_mem>>) src(%dma_wait3A_141 : memref<80x128xf32, #tpu.memory_space<vmem>>) dst(%dma_wait3A_138 : memref<80x128xf32, #tpu.memory_space<vmem_shared>>)
      tpu.yield
    }) : () -> ()
    %mul3A_13 = arith.constant 632 : i32
    %mul3A_14 = arith.muli %arg1, %mul3A_13 : i32
    %add3A_15 = arith.constant 80 : i32
    %add3A_16 = arith.addi %mul3A_14, %add3A_15 : i32
    "tpu.region"() ({
      %run_scoped3A = tpu.sem_alloc : memref<!tpu.dma_semaphore, #tpu.memory_space<semaphore_mem>>
      %dma_start3A_122 = arith.constant 0 : i32
      %dma_start3A_123 = arith.constant 0 : i32
      %dma_start3A_124 = tpu.memref_slice %arg15[%dma_start3A_122, %dma_start3A_123] : memref<80x128xf32, #tpu.memory_space<vmem>> -> memref<80x128xf32, #tpu.memory_space<vmem>>
      %dma_start3A_125 = arith.constant 0 : i32
      %dma_start3A_126 = tpu.memref_slice %arg19[%add3A_16, %dma_start3A_125] : memref<10112x128xf32, #tpu.memory_space<vmem_shared>> -> memref<80x128xf32, #tpu.memory_space<vmem_shared>>
      %dma_start3A_127 = arith.constant 0 : i32
      %dma_start3A_128 = tpu.memref_slice %arg19[%add3A_16, %dma_start3A_127] : memref<10112x128xf32, #tpu.memory_space<vmem_shared>> -> memref<80x128xf32, #tpu.memory_space<vmem_shared>>
      %dma_start3A_129 = arith.constant 0 : i32
      %dma_start3A_130 = arith.constant 0 : i32
      %dma_start3A_131 = tpu.memref_slice %arg15[%dma_start3A_129, %dma_start3A_130] : memref<80x128xf32, #tpu.memory_space<vmem>> -> memref<80x128xf32, #tpu.memory_space<vmem>>
      tpu.enqueue_dma source(%dma_start3A_131 : memref<80x128xf32, #tpu.memory_space<vmem>>) target(%dma_start3A_128 : memref<80x128xf32, #tpu.memory_space<vmem_shared>>) target_semaphore(%run_scoped3A : memref<!tpu.dma_semaphore, #tpu.memory_space<semaphore_mem>>)
      %dma_wait3A_132 = arith.constant 0 : i32
      %dma_wait3A_133 = arith.constant 0 : i32
      %dma_wait3A_134 = tpu.memref_slice %arg15[%dma_wait3A_132, %dma_wait3A_133] : memref<80x128xf32, #tpu.memory_space<vmem>> -> memref<80x128xf32, #tpu.memory_space<vmem>>
      %dma_wait3A_135 = arith.constant 0 : i32
      %dma_wait3A_136 = tpu.memref_slice %arg19[%add3A_16, %dma_wait3A_135] : memref<10112x128xf32, #tpu.memory_space<vmem_shared>> -> memref<80x128xf32, #tpu.memory_space<vmem_shared>>
      %dma_wait3A_137 = arith.constant 0 : i32
      %dma_wait3A_138 = tpu.memref_slice %arg19[%add3A_16, %dma_wait3A_137] : memref<10112x128xf32, #tpu.memory_space<vmem_shared>> -> memref<80x128xf32, #tpu.memory_space<vmem_shared>>
      %dma_wait3A_139 = arith.constant 0 : i32
      %dma_wait3A_140 = arith.constant 0 : i32
      %dma_wait3A_141 = tpu.memref_slice %arg15[%dma_wait3A_139, %dma_wait3A_140] : memref<80x128xf32, #tpu.memory_space<vmem>> -> memref<80x128xf32, #tpu.memory_space<vmem>>
      tpu.wait_dma2 semaphore(%run_scoped3A : memref<!tpu.dma_semaphore, #tpu.memory_space<semaphore_mem>>) src(%dma_wait3A_141 : memref<80x128xf32, #tpu.memory_space<vmem>>) dst(%dma_wait3A_138 : memref<80x128xf32, #tpu.memory_space<vmem_shared>>)
      tpu.yield
    }) : () -> ()
    %mul3A_17 = arith.constant 632 : i32
    %mul3A_18 = arith.muli %arg1, %mul3A_17 : i32
    %add3A_19 = arith.constant 160 : i32
    %add3A_20 = arith.addi %mul3A_18, %add3A_19 : i32
    "tpu.region"() ({
      %run_scoped3A = tpu.sem_alloc : memref<!tpu.dma_semaphore, #tpu.memory_space<semaphore_mem>>
      %dma_start3A_122 = arith.constant 0 : i32
      %dma_start3A_123 = arith.constant 0 : i32
      %dma_start3A_124 = tpu.memref_slice %arg15[%dma_start3A_122, %dma_start3A_123] : memref<80x128xf32, #tpu.memory_space<vmem>> -> memref<80x128xf32, #tpu.memory_space<vmem>>
      %dma_start3A_125 = arith.constant 0 : i32
      %dma_start3A_126 = tpu.memref_slice %arg19[%add3A_20, %dma_start3A_125] : memref<10112x128xf32, #tpu.memory_space<vmem_shared>> -> memref<80x128xf32, #tpu.memory_space<vmem_shared>>
      %dma_start3A_127 = arith.constant 0 : i32
      %dma_start3A_128 = tpu.memref_slice %arg19[%add3A_20, %dma_start3A_127] : memref<10112x128xf32, #tpu.memory_space<vmem_shared>> -> memref<80x128xf32, #tpu.memory_space<vmem_shared>>
      %dma_start3A_129 = arith.constant 0 : i32
      %dma_start3A_130 = arith.constant 0 : i32
      %dma_start3A_131 = tpu.memref_slice %arg15[%dma_start3A_129, %dma_start3A_130] : memref<80x128xf32, #tpu.memory_space<vmem>> -> memref<80x128xf32, #tpu.memory_space<vmem>>
      tpu.enqueue_dma source(%dma_start3A_131 : memref<80x128xf32, #tpu.memory_space<vmem>>) target(%dma_start3A_128 : memref<80x128xf32, #tpu.memory_space<vmem_shared>>) target_semaphore(%run_scoped3A : memref<!tpu.dma_semaphore, #tpu.memory_space<semaphore_mem>>)
      %dma_wait3A_132 = arith.constant 0 : i32
      %dma_wait3A_133 = arith.constant 0 : i32
      %dma_wait3A_134 = tpu.memref_slice %arg15[%dma_wait3A_132, %dma_wait3A_133] : memref<80x128xf32, #tpu.memory_space<vmem>> -> memref<80x128xf32, #tpu.memory_space<vmem>>
      %dma_wait3A_135 = arith.constant 0 : i32
      %dma_wait3A_136 = tpu.memref_slice %arg19[%add3A_20, %dma_wait3A_135] : memref<10112x128xf32, #tpu.memory_space<vmem_shared>> -> memref<80x128xf32, #tpu.memory_space<vmem_shared>>
      %dma_wait3A_137 = arith.constant 0 : i32
      %dma_wait3A_138 = tpu.memref_slice %arg19[%add3A_20, %dma_wait3A_137] : memref<10112x128xf32, #tpu.memory_space<vmem_shared>> -> memref<80x128xf32, #tpu.memory_space<vmem_shared>>
      %dma_wait3A_139 = arith.constant 0 : i32
      %dma_wait3A_140 = arith.constant 0 : i32
      %dma_wait3A_141 = tpu.memref_slice %arg15[%dma_wait3A_139, %dma_wait3A_140] : memref<80x128xf32, #tpu.memory_space<vmem>> -> memref<80x128xf32, #tpu.memory_space<vmem>>
      tpu.wait_dma2 semaphore(%run_scoped3A : memref<!tpu.dma_semaphore, #tpu.memory_space<semaphore_mem>>) src(%dma_wait3A_141 : memref<80x128xf32, #tpu.memory_space<vmem>>) dst(%dma_wait3A_138 : memref<80x128xf32, #tpu.memory_space<vmem_shared>>)
      tpu.yield
    }) : () -> ()
    %mul3A_21 = arith.constant 632 : i32
    %mul3A_22 = arith.muli %arg1, %mul3A_21 : i32
    %add3A_23 = arith.constant 240 : i32
    %add3A_24 = arith.addi %mul3A_22, %add3A_23 : i32
    "tpu.region"() ({
      %run_scoped3A = tpu.sem_alloc : memref<!tpu.dma_semaphore, #tpu.memory_space<semaphore_mem>>
      %dma_start3A_122 = arith.constant 0 : i32
      %dma_start3A_123 = arith.constant 0 : i32
      %dma_start3A_124 = tpu.memref_slice %arg15[%dma_start3A_122, %dma_start3A_123] : memref<80x128xf32, #tpu.memory_space<vmem>> -> memref<80x128xf32, #tpu.memory_space<vmem>>
      %dma_start3A_125 = arith.constant 0 : i32
      %dma_start3A_126 = tpu.memref_slice %arg19[%add3A_24, %dma_start3A_125] : memref<10112x128xf32, #tpu.memory_space<vmem_shared>> -> memref<80x128xf32, #tpu.memory_space<vmem_shared>>
      %dma_start3A_127 = arith.constant 0 : i32
      %dma_start3A_128 = tpu.memref_slice %arg19[%add3A_24, %dma_start3A_127] : memref<10112x128xf32, #tpu.memory_space<vmem_shared>> -> memref<80x128xf32, #tpu.memory_space<vmem_shared>>
      %dma_start3A_129 = arith.constant 0 : i32
      %dma_start3A_130 = arith.constant 0 : i32
      %dma_start3A_131 = tpu.memref_slice %arg15[%dma_start3A_129, %dma_start3A_130] : memref<80x128xf32, #tpu.memory_space<vmem>> -> memref<80x128xf32, #tpu.memory_space<vmem>>
      tpu.enqueue_dma source(%dma_start3A_131 : memref<80x128xf32, #tpu.memory_space<vmem>>) target(%dma_start3A_128 : memref<80x128xf32, #tpu.memory_space<vmem_shared>>) target_semaphore(%run_scoped3A : memref<!tpu.dma_semaphore, #tpu.memory_space<semaphore_mem>>)
      %dma_wait3A_132 = arith.constant 0 : i32
      %dma_wait3A_133 = arith.constant 0 : i32
      %dma_wait3A_134 = tpu.memref_slice %arg15[%dma_wait3A_132, %dma_wait3A_133] : memref<80x128xf32, #tpu.memory_space<vmem>> -> memref<80x128xf32, #tpu.memory_space<vmem>>
      %dma_wait3A_135 = arith.constant 0 : i32
      %dma_wait3A_136 = tpu.memref_slice %arg19[%add3A_24, %dma_wait3A_135] : memref<10112x128xf32, #tpu.memory_space<vmem_shared>> -> memref<80x128xf32, #tpu.memory_space<vmem_shared>>
      %dma_wait3A_137 = arith.constant 0 : i32
      %dma_wait3A_138 = tpu.memref_slice %arg19[%add3A_24, %dma_wait3A_137] : memref<10112x128xf32, #tpu.memory_space<vmem_shared>> -> memref<80x128xf32, #tpu.memory_space<vmem_shared>>
      %dma_wait3A_139 = arith.constant 0 : i32
      %dma_wait3A_140 = arith.constant 0 : i32
      %dma_wait3A_141 = tpu.memref_slice %arg15[%dma_wait3A_139, %dma_wait3A_140] : memref<80x128xf32, #tpu.memory_space<vmem>> -> memref<80x128xf32, #tpu.memory_space<vmem>>
      tpu.wait_dma2 semaphore(%run_scoped3A : memref<!tpu.dma_semaphore, #tpu.memory_space<semaphore_mem>>) src(%dma_wait3A_141 : memref<80x128xf32, #tpu.memory_space<vmem>>) dst(%dma_wait3A_138 : memref<80x128xf32, #tpu.memory_space<vmem_shared>>)
      tpu.yield
    }) : () -> ()
    %mul3A_25 = arith.constant 632 : i32
    %mul3A_26 = arith.muli %arg1, %mul3A_25 : i32
    %add3A_27 = arith.constant 320 : i32
    %add3A_28 = arith.addi %mul3A_26, %add3A_27 : i32
    "tpu.region"() ({
      %run_scoped3A = tpu.sem_alloc : memref<!tpu.dma_semaphore, #tpu.memory_space<semaphore_mem>>
      %dma_start3A_122 = arith.constant 0 : i32
      %dma_start3A_123 = arith.constant 0 : i32
      %dma_start3A_124 = tpu.memref_slice %arg15[%dma_start3A_122, %dma_start3A_123] : memref<80x128xf32, #tpu.memory_space<vmem>> -> memref<80x128xf32, #tpu.memory_space<vmem>>
      %dma_start3A_125 = arith.constant 0 : i32
      %dma_start3A_126 = tpu.memref_slice %arg19[%add3A_28, %dma_start3A_125] : memref<10112x128xf32, #tpu.memory_space<vmem_shared>> -> memref<80x128xf32, #tpu.memory_space<vmem_shared>>
      %dma_start3A_127 = arith.constant 0 : i32
      %dma_start3A_128 = tpu.memref_slice %arg19[%add3A_28, %dma_start3A_127] : memref<10112x128xf32, #tpu.memory_space<vmem_shared>> -> memref<80x128xf32, #tpu.memory_space<vmem_shared>>
      %dma_start3A_129 = arith.constant 0 : i32
      %dma_start3A_130 = arith.constant 0 : i32
      %dma_start3A_131 = tpu.memref_slice %arg15[%dma_start3A_129, %dma_start3A_130] : memref<80x128xf32, #tpu.memory_space<vmem>> -> memref<80x128xf32, #tpu.memory_space<vmem>>
      tpu.enqueue_dma source(%dma_start3A_131 : memref<80x128xf32, #tpu.memory_space<vmem>>) target(%dma_start3A_128 : memref<80x128xf32, #tpu.memory_space<vmem_shared>>) target_semaphore(%run_scoped3A : memref<!tpu.dma_semaphore, #tpu.memory_space<semaphore_mem>>)
      %dma_wait3A_132 = arith.constant 0 : i32
      %dma_wait3A_133 = arith.constant 0 : i32
      %dma_wait3A_134 = tpu.memref_slice %arg15[%dma_wait3A_132, %dma_wait3A_133] : memref<80x128xf32, #tpu.memory_space<vmem>> -> memref<80x128xf32, #tpu.memory_space<vmem>>
      %dma_wait3A_135 = arith.constant 0 : i32
      %dma_wait3A_136 = tpu.memref_slice %arg19[%add3A_28, %dma_wait3A_135] : memref<10112x128xf32, #tpu.memory_space<vmem_shared>> -> memref<80x128xf32, #tpu.memory_space<vmem_shared>>
      %dma_wait3A_137 = arith.constant 0 : i32
      %dma_wait3A_138 = tpu.memref_slice %arg19[%add3A_28, %dma_wait3A_137] : memref<10112x128xf32, #tpu.memory_space<vmem_shared>> -> memref<80x128xf32, #tpu.memory_space<vmem_shared>>
      %dma_wait3A_139 = arith.constant 0 : i32
      %dma_wait3A_140 = arith.constant 0 : i32
      %dma_wait3A_141 = tpu.memref_slice %arg15[%dma_wait3A_139, %dma_wait3A_140] : memref<80x128xf32, #tpu.memory_space<vmem>> -> memref<80x128xf32, #tpu.memory_space<vmem>>
      tpu.wait_dma2 semaphore(%run_scoped3A : memref<!tpu.dma_semaphore, #tpu.memory_space<semaphore_mem>>) src(%dma_wait3A_141 : memref<80x128xf32, #tpu.memory_space<vmem>>) dst(%dma_wait3A_138 : memref<80x128xf32, #tpu.memory_space<vmem_shared>>)
      tpu.yield
    }) : () -> ()
    %mul3A_29 = arith.constant 632 : i32
    %mul3A_30 = arith.muli %arg1, %mul3A_29 : i32
    %add3A_31 = arith.constant 400 : i32
    %add3A_32 = arith.addi %mul3A_30, %add3A_31 : i32
    "tpu.region"() ({
      %run_scoped3A = tpu.sem_alloc : memref<!tpu.dma_semaphore, #tpu.memory_space<semaphore_mem>>
      %dma_start3A_122 = arith.constant 0 : i32
      %dma_start3A_123 = arith.constant 0 : i32
      %dma_start3A_124 = tpu.memref_slice %arg15[%dma_start3A_122, %dma_start3A_123] : memref<80x128xf32, #tpu.memory_space<vmem>> -> memref<80x128xf32, #tpu.memory_space<vmem>>
      %dma_start3A_125 = arith.constant 0 : i32
      %dma_start3A_126 = tpu.memref_slice %arg19[%add3A_32, %dma_start3A_125] : memref<10112x128xf32, #tpu.memory_space<vmem_shared>> -> memref<80x128xf32, #tpu.memory_space<vmem_shared>>
      %dma_start3A_127 = arith.constant 0 : i32
      %dma_start3A_128 = tpu.memref_slice %arg19[%add3A_32, %dma_start3A_127] : memref<10112x128xf32, #tpu.memory_space<vmem_shared>> -> memref<80x128xf32, #tpu.memory_space<vmem_shared>>
      %dma_start3A_129 = arith.constant 0 : i32
      %dma_start3A_130 = arith.constant 0 : i32
      %dma_start3A_131 = tpu.memref_slice %arg15[%dma_start3A_129, %dma_start3A_130] : memref<80x128xf32, #tpu.memory_space<vmem>> -> memref<80x128xf32, #tpu.memory_space<vmem>>
      tpu.enqueue_dma source(%dma_start3A_131 : memref<80x128xf32, #tpu.memory_space<vmem>>) target(%dma_start3A_128 : memref<80x128xf32, #tpu.memory_space<vmem_shared>>) target_semaphore(%run_scoped3A : memref<!tpu.dma_semaphore, #tpu.memory_space<semaphore_mem>>)
      %dma_wait3A_132 = arith.constant 0 : i32
      %dma_wait3A_133 = arith.constant 0 : i32
      %dma_wait3A_134 = tpu.memref_slice %arg15[%dma_wait3A_132, %dma_wait3A_133] : memref<80x128xf32, #tpu.memory_space<vmem>> -> memref<80x128xf32, #tpu.memory_space<vmem>>
      %dma_wait3A_135 = arith.constant 0 : i32
      %dma_wait3A_136 = tpu.memref_slice %arg19[%add3A_32, %dma_wait3A_135] : memref<10112x128xf32, #tpu.memory_space<vmem_shared>> -> memref<80x128xf32, #tpu.memory_space<vmem_shared>>
      %dma_wait3A_137 = arith.constant 0 : i32
      %dma_wait3A_138 = tpu.memref_slice %arg19[%add3A_32, %dma_wait3A_137] : memref<10112x128xf32, #tpu.memory_space<vmem_shared>> -> memref<80x128xf32, #tpu.memory_space<vmem_shared>>
      %dma_wait3A_139 = arith.constant 0 : i32
      %dma_wait3A_140 = arith.constant 0 : i32
      %dma_wait3A_141 = tpu.memref_slice %arg15[%dma_wait3A_139, %dma_wait3A_140] : memref<80x128xf32, #tpu.memory_space<vmem>> -> memref<80x128xf32, #tpu.memory_space<vmem>>
      tpu.wait_dma2 semaphore(%run_scoped3A : memref<!tpu.dma_semaphore, #tpu.memory_space<semaphore_mem>>) src(%dma_wait3A_141 : memref<80x128xf32, #tpu.memory_space<vmem>>) dst(%dma_wait3A_138 : memref<80x128xf32, #tpu.memory_space<vmem_shared>>)
      tpu.yield
    }) : () -> ()
    %mul3A_33 = arith.constant 632 : i32
    %mul3A_34 = arith.muli %arg1, %mul3A_33 : i32
    %add3A_35 = arith.constant 480 : i32
    %add3A_36 = arith.addi %mul3A_34, %add3A_35 : i32
    "tpu.region"() ({
      %run_scoped3A = tpu.sem_alloc : memref<!tpu.dma_semaphore, #tpu.memory_space<semaphore_mem>>
      %dma_start3A_122 = arith.constant 0 : i32
      %dma_start3A_123 = arith.constant 0 : i32
      %dma_start3A_124 = tpu.memref_slice %arg15[%dma_start3A_122, %dma_start3A_123] : memref<80x128xf32, #tpu.memory_space<vmem>> -> memref<80x128xf32, #tpu.memory_space<vmem>>
      %dma_start3A_125 = arith.constant 0 : i32
      %dma_start3A_126 = tpu.memref_slice %arg19[%add3A_36, %dma_start3A_125] : memref<10112x128xf32, #tpu.memory_space<vmem_shared>> -> memref<80x128xf32, #tpu.memory_space<vmem_shared>>
      %dma_start3A_127 = arith.constant 0 : i32
      %dma_start3A_128 = tpu.memref_slice %arg19[%add3A_36, %dma_start3A_127] : memref<10112x128xf32, #tpu.memory_space<vmem_shared>> -> memref<80x128xf32, #tpu.memory_space<vmem_shared>>
      %dma_start3A_129 = arith.constant 0 : i32
      %dma_start3A_130 = arith.constant 0 : i32
      %dma_start3A_131 = tpu.memref_slice %arg15[%dma_start3A_129, %dma_start3A_130] : memref<80x128xf32, #tpu.memory_space<vmem>> -> memref<80x128xf32, #tpu.memory_space<vmem>>
      tpu.enqueue_dma source(%dma_start3A_131 : memref<80x128xf32, #tpu.memory_space<vmem>>) target(%dma_start3A_128 : memref<80x128xf32, #tpu.memory_space<vmem_shared>>) target_semaphore(%run_scoped3A : memref<!tpu.dma_semaphore, #tpu.memory_space<semaphore_mem>>)
      %dma_wait3A_132 = arith.constant 0 : i32
      %dma_wait3A_133 = arith.constant 0 : i32
      %dma_wait3A_134 = tpu.memref_slice %arg15[%dma_wait3A_132, %dma_wait3A_133] : memref<80x128xf32, #tpu.memory_space<vmem>> -> memref<80x128xf32, #tpu.memory_space<vmem>>
      %dma_wait3A_135 = arith.constant 0 : i32
      %dma_wait3A_136 = tpu.memref_slice %arg19[%add3A_36, %dma_wait3A_135] : memref<10112x128xf32, #tpu.memory_space<vmem_shared>> -> memref<80x128xf32, #tpu.memory_space<vmem_shared>>
      %dma_wait3A_137 = arith.constant 0 : i32
      %dma_wait3A_138 = tpu.memref_slice %arg19[%add3A_36, %dma_wait3A_137] : memref<10112x128xf32, #tpu.memory_space<vmem_shared>> -> memref<80x128xf32, #tpu.memory_space<vmem_shared>>
      %dma_wait3A_139 = arith.constant 0 : i32
      %dma_wait3A_140 = arith.constant 0 : i32
      %dma_wait3A_141 = tpu.memref_slice %arg15[%dma_wait3A_139, %dma_wait3A_140] : memref<80x128xf32, #tpu.memory_space<vmem>> -> memref<80x128xf32, #tpu.memory_space<vmem>>
      tpu.wait_dma2 semaphore(%run_scoped3A : memref<!tpu.dma_semaphore, #tpu.memory_space<semaphore_mem>>) src(%dma_wait3A_141 : memref<80x128xf32, #tpu.memory_space<vmem>>) dst(%dma_wait3A_138 : memref<80x128xf32, #tpu.memory_space<vmem_shared>>)
      tpu.yield
    }) : () -> ()
    %mul3A_37 = arith.constant 632 : i32
    %mul3A_38 = arith.muli %arg1, %mul3A_37 : i32
    %add3A_39 = arith.constant 560 : i32
    %add3A_40 = arith.addi %mul3A_38, %add3A_39 : i32
    "tpu.region"() ({
      %run_scoped3A = tpu.sem_alloc : memref<!tpu.dma_semaphore, #tpu.memory_space<semaphore_mem>>
      %dma_start3A_122 = arith.constant 0 : i32
      %dma_start3A_123 = arith.constant 0 : i32
      %dma_start3A_124 = tpu.memref_slice %arg15[%dma_start3A_122, %dma_start3A_123] : memref<80x128xf32, #tpu.memory_space<vmem>> -> memref<72x128xf32, #tpu.memory_space<vmem>>
      %dma_start3A_125 = arith.constant 0 : i32
      %dma_start3A_126 = tpu.memref_slice %arg19[%add3A_40, %dma_start3A_125] : memref<10112x128xf32, #tpu.memory_space<vmem_shared>> -> memref<72x128xf32, #tpu.memory_space<vmem_shared>>
      %dma_start3A_127 = arith.constant 0 : i32
      %dma_start3A_128 = tpu.memref_slice %arg19[%add3A_40, %dma_start3A_127] : memref<10112x128xf32, #tpu.memory_space<vmem_shared>> -> memref<72x128xf32, #tpu.memory_space<vmem_shared>>
      %dma_start3A_129 = arith.constant 0 : i32
      %dma_start3A_130 = arith.constant 0 : i32
      %dma_start3A_131 = tpu.memref_slice %arg15[%dma_start3A_129, %dma_start3A_130] : memref<80x128xf32, #tpu.memory_space<vmem>> -> memref<72x128xf32, #tpu.memory_space<vmem>>
      tpu.enqueue_dma source(%dma_start3A_131 : memref<72x128xf32, #tpu.memory_space<vmem>>) target(%dma_start3A_128 : memref<72x128xf32, #tpu.memory_space<vmem_shared>>) target_semaphore(%run_scoped3A : memref<!tpu.dma_semaphore, #tpu.memory_space<semaphore_mem>>)
      %dma_wait3A_132 = arith.constant 0 : i32
      %dma_wait3A_133 = arith.constant 0 : i32
      %dma_wait3A_134 = tpu.memref_slice %arg15[%dma_wait3A_132, %dma_wait3A_133] : memref<80x128xf32, #tpu.memory_space<vmem>> -> memref<72x128xf32, #tpu.memory_space<vmem>>
      %dma_wait3A_135 = arith.constant 0 : i32
      %dma_wait3A_136 = tpu.memref_slice %arg19[%add3A_40, %dma_wait3A_135] : memref<10112x128xf32, #tpu.memory_space<vmem_shared>> -> memref<72x128xf32, #tpu.memory_space<vmem_shared>>
      %dma_wait3A_137 = arith.constant 0 : i32
      %dma_wait3A_138 = tpu.memref_slice %arg19[%add3A_40, %dma_wait3A_137] : memref<10112x128xf32, #tpu.memory_space<vmem_shared>> -> memref<72x128xf32, #tpu.memory_space<vmem_shared>>
      %dma_wait3A_139 = arith.constant 0 : i32
      %dma_wait3A_140 = arith.constant 0 : i32
      %dma_wait3A_141 = tpu.memref_slice %arg15[%dma_wait3A_139, %dma_wait3A_140] : memref<80x128xf32, #tpu.memory_space<vmem>> -> memref<72x128xf32, #tpu.memory_space<vmem>>
      tpu.wait_dma2 semaphore(%run_scoped3A : memref<!tpu.dma_semaphore, #tpu.memory_space<semaphore_mem>>) src(%dma_wait3A_141 : memref<72x128xf32, #tpu.memory_space<vmem>>) dst(%dma_wait3A_138 : memref<72x128xf32, #tpu.memory_space<vmem_shared>>)
      tpu.yield
    }) : () -> ()
    %broadcast_in_dim3A_41 = arith.constant 1.000000e+00 : f32
    %broadcast_in_dim3A_42 = vector.broadcast %broadcast_in_dim3A_41 : f32 to vector<16xf32>
    %swap3A = arith.constant 0 : index
    %swap3A_43 = tpu.vector_load %arg29[%swap3A] {strides = array<i32>} : memref<80xf32, #tpu.memory_space<vmem>>, vector<16xf32>,
    %swap3A_44 = vector.shape_cast %swap3A_43 : vector<16xf32> to vector<16xf32>
    %swap3A_45 = vector.shape_cast %broadcast_in_dim3A_42 : vector<16xf32> to vector<16xf32>
    tpu.vector_store %arg29[%swap3A], %swap3A_45 {strides = array<i32>} : memref<80xf32, #tpu.memory_space<vmem>>, vector<16xf32>,
    %swap3A_46 = arith.constant 16 : index
    %swap3A_47 = tpu.vector_load %arg29[%swap3A_46] {strides = array<i32>} : memref<80xf32, #tpu.memory_space<vmem>>, vector<16xf32>,
    %swap3A_48 = vector.shape_cast %swap3A_47 : vector<16xf32> to vector<16xf32>
    %swap3A_49 = vector.shape_cast %broadcast_in_dim3A_42 : vector<16xf32> to vector<16xf32>
    tpu.vector_store %arg29[%swap3A_46], %swap3A_49 {strides = array<i32>} : memref<80xf32, #tpu.memory_space<vmem>>, vector<16xf32>,
    %swap3A_50 = arith.constant 32 : index
    %swap3A_51 = tpu.vector_load %arg29[%swap3A_50] {strides = array<i32>} : memref<80xf32, #tpu.memory_space<vmem>>, vector<16xf32>,
    %swap3A_52 = vector.shape_cast %swap3A_51 : vector<16xf32> to vector<16xf32>
    %swap3A_53 = vector.shape_cast %broadcast_in_dim3A_42 : vector<16xf32> to vector<16xf32>
    tpu.vector_store %arg29[%swap3A_50], %swap3A_53 {strides = array<i32>} : memref<80xf32, #tpu.memory_space<vmem>>, vector<16xf32>,
    %swap3A_54 = arith.constant 48 : index
    %swap3A_55 = tpu.vector_load %arg29[%swap3A_54] {strides = array<i32>} : memref<80xf32, #tpu.memory_space<vmem>>, vector<16xf32>,
    %swap3A_56 = vector.shape_cast %swap3A_55 : vector<16xf32> to vector<16xf32>
    %swap3A_57 = vector.shape_cast %broadcast_in_dim3A_42 : vector<16xf32> to vector<16xf32>
    tpu.vector_store %arg29[%swap3A_54], %swap3A_57 {strides = array<i32>} : memref<80xf32, #tpu.memory_space<vmem>>, vector<16xf32>,
    %swap3A_58 = arith.constant 64 : index
    %swap3A_59 = tpu.vector_load %arg29[%swap3A_58] {strides = array<i32>} : memref<80xf32, #tpu.memory_space<vmem>>, vector<16xf32>,
    %swap3A_60 = vector.shape_cast %swap3A_59 : vector<16xf32> to vector<16xf32>
    %swap3A_61 = vector.shape_cast %broadcast_in_dim3A_42 : vector<16xf32> to vector<16xf32>
    tpu.vector_store %arg29[%swap3A_58], %swap3A_61 {strides = array<i32>} : memref<80xf32, #tpu.memory_space<vmem>>, vector<16xf32>,
    %scan3A_62 = arith.constant 0 : i32
    %scan3A_63 = arith.constant 0 : i32
    %scan3A_64 = arith.constant 39 : i32
    %scan3A_65 = arith.addi %scan3A_63, %scan3A_64 : i32
    %scan3A_66 = arith.constant 1 : i32
    scf.for %scan3A_122 = %scan3A_63 to %scan3A_65 step %scan3A_66  : i32 {
      %mul3A_123 = arith.constant 16 : i32
      %mul3A_124 = arith.muli %scan3A_122, %mul3A_123 : i32
      %swap3A_125 = arith.index_cast %mul3A_124 : i32 to index
      %swap3A_126 = tpu.vector_load %arg30[%swap3A_125] {strides = array<i32>} : memref<632xf32, #tpu.memory_space<vmem>>, vector<16xf32>,
      %swap3A_127 = vector.shape_cast %swap3A_126 : vector<16xf32> to vector<16xf32>
      %swap3A_128 = vector.shape_cast %broadcast_in_dim3A_3 : vector<16xf32> to vector<16xf32>
      tpu.vector_store %arg30[%swap3A_125], %swap3A_128 {strides = array<i32>} : memref<632xf32, #tpu.memory_space<vmem>>, vector<16xf32>,
    }
    %scan3A_67 = arith.constant 39 : i32
    %swap3A_68 = arith.constant 616 : index
    %swap3A_69 = tpu.vector_load %arg30[%swap3A_68] {strides = array<i32>} : memref<632xf32, #tpu.memory_space<vmem>>, vector<16xf32>,
    %swap3A_70 = vector.shape_cast %swap3A_69 : vector<16xf32> to vector<16xf32>
    %swap3A_71 = vector.shape_cast %broadcast_in_dim3A_3 : vector<16xf32> to vector<16xf32>
    tpu.vector_store %arg30[%swap3A_68], %swap3A_71 {strides = array<i32>} : memref<632xf32, #tpu.memory_space<vmem>>, vector<16xf32>,
    %mul3A_72 = arith.constant 632 : i32
    %mul3A_73 = arith.muli %arg1, %mul3A_72 : i32
    "tpu.region"() ({
      %run_scoped3A = tpu.sem_alloc : memref<!tpu.dma_semaphore, #tpu.memory_space<semaphore_mem>>
      %dma_start3A_122 = tpu.memref_slice %arg31[%mul3A_73] : memref<10112xf32, #tpu.memory_space<vmem_shared>> -> memref<632xf32, #tpu.memory_space<vmem_shared>>
      %dma_start3A_123 = tpu.memref_slice %arg31[%mul3A_73] : memref<10112xf32, #tpu.memory_space<vmem_shared>> -> memref<632xf32, #tpu.memory_space<vmem_shared>>
      tpu.enqueue_dma source(%arg30 : memref<632xf32, #tpu.memory_space<vmem>>) target(%dma_start3A_123 : memref<632xf32, #tpu.memory_space<vmem_shared>>) target_semaphore(%run_scoped3A : memref<!tpu.dma_semaphore, #tpu.memory_space<semaphore_mem>>)
      %dma_wait3A_124 = tpu.memref_slice %arg31[%mul3A_73] : memref<10112xf32, #tpu.memory_space<vmem_shared>> -> memref<632xf32, #tpu.memory_space<vmem_shared>>
      %dma_wait3A_125 = tpu.memref_slice %arg31[%mul3A_73] : memref<10112xf32, #tpu.memory_space<vmem_shared>> -> memref<632xf32, #tpu.memory_space<vmem_shared>>
      tpu.wait_dma2 semaphore(%run_scoped3A : memref<!tpu.dma_semaphore, #tpu.memory_space<semaphore_mem>>) src(%arg30 : memref<632xf32, #tpu.memory_space<vmem>>) dst(%dma_wait3A_125 : memref<632xf32, #tpu.memory_space<vmem_shared>>)
      tpu.yield
    }) : () -> ()
    %barrier3A = arith.constant 0 : index
    tpu.barrier barrier_id(%barrier3A)
    %broadcast_in_dim3A_74 = arith.constant 10000 : i32
    %broadcast_in_dim3A_75 = vector.broadcast %broadcast_in_dim3A_74 : i32 to vector<16xi32>
    %scan3A_76 = arith.constant 0 : i32
    %scan3A_77 = arith.constant 0 : i32
    %scan3A_78 = arith.constant 32 : i32
    %scan3A_79 = arith.addi %scan3A_77, %scan3A_78 : i32
    %scan3A_80 = arith.constant 1 : i32
    scf.for %scan3A_122 = %scan3A_77 to %scan3A_79 step %scan3A_80  : i32 {
      %mul3A_123 = arith.constant 4 : i32
      %mul3A_124 = arith.muli %scan3A_122, %mul3A_123 : i32
      %add3A_125 = arith.constant 0 : i32
      %add3A_126 = arith.addi %mul3A_124, %add3A_125 : i32
      %ge3A = arith.constant 4 : i32
      %ge3A_127 = arith.cmpi sge, %add3A_126, %ge3A : i32
      %convert_element_type3A = arith.extui %ge3A_127 : i1 to i32
      %cond3A = arith.constant 0 : i32
      %cond3A_128 = arith.cmpi ne, %convert_element_type3A, %cond3A : i32
      scf.if %cond3A_128 {
        %dma_wait3A_271 = arith.constant 0 : i32
        %dma_wait3A_272 = arith.constant 0 : i32
        %dma_wait3A_273 = tpu.memref_slice %arg19[%dma_wait3A_271, %dma_wait3A_272] : memref<10112x128xf32, #tpu.memory_space<vmem_shared>> -> memref<10112x128xf32, #tpu.memory_space<vmem_shared>>
        tpu.wait_indirect_dma semaphore(%arg24 : memref<!tpu.dma_semaphore, #tpu.memory_space<semaphore_mem>>) src(%arg15 : memref<80x128xf32, #tpu.memory_space<vmem>>) dst(%dma_wait3A_273 : memref<10112x128xf32, #tpu.memory_space<vmem_shared>>)
      } else {
      }
      %min3A = arith.constant 124 : i32
      %min3A_129 = arith.minsi %add3A_126, %min3A : i32
      %mul3A_130 = arith.constant 80 : i32
      %mul3A_131 = arith.muli %min3A_129, %mul3A_130 : i32
      %add3A_132 = arith.addi %mul3A_2, %mul3A_131 : i32
      %dma_start3A_133 = tpu.memref_slice %arg3[%add3A_132] : memref<320000xi32, #tpu.memory_space<hbm>> -> memref<80xi32, #tpu.memory_space<hbm>>
      %dma_start3A_134 = tpu.memref_slice %arg3[%add3A_132] : memref<320000xi32, #tpu.memory_space<hbm>> -> memref<80xi32, #tpu.memory_space<hbm>>
      tpu.enqueue_dma source(%dma_start3A_134 : memref<80xi32, #tpu.memory_space<hbm>>) target(%arg7 : memref<80xi32, #tpu.memory_space<vmem>>) target_semaphore(%arg28 : memref<!tpu.dma_semaphore, #tpu.memory_space<semaphore_mem>>)
      %mul3A_135 = arith.constant 80 : i32
      %mul3A_136 = arith.muli %min3A_129, %mul3A_135 : i32
      %add3A_137 = arith.addi %mul3A_2, %mul3A_136 : i32
      %dma_start3A_138 = tpu.memref_slice %arg4[%add3A_137] : memref<320000xi32, #tpu.memory_space<hbm>> -> memref<80xi32, #tpu.memory_space<hbm>>
      %dma_start3A_139 = tpu.memref_slice %arg4[%add3A_137] : memref<320000xi32, #tpu.memory_space<hbm>> -> memref<80xi32, #tpu.memory_space<hbm>>
      tpu.enqueue_dma source(%dma_start3A_139 : memref<80xi32, #tpu.memory_space<hbm>>) target(%arg11 : memref<80xi32, #tpu.memory_space<vmem>>) target_semaphore(%arg28 : memref<!tpu.dma_semaphore, #tpu.memory_space<semaphore_mem>>)
      %ge3A_140 = arith.constant 3 : i32
      %ge3A_141 = arith.cmpi sge, %add3A_126, %ge3A_140 : i32
      %convert_element_type3A_142 = arith.extui %ge3A_141 : i1 to i32
      %cond3A_143 = arith.constant 0 : i32
      %cond3A_144 = arith.cmpi ne, %convert_element_type3A_142, %cond3A_143 : i32
      scf.if %cond3A_144 {
        %dma_wait3A_271 = arith.constant 0 : i32
        %dma_wait3A_272 = arith.constant 0 : i32
        %dma_wait3A_273 = tpu.memref_slice %arg2[%dma_wait3A_271, %dma_wait3A_272] : memref<10000x128xf32, #tpu.memory_space<hbm>> -> memref<10000x128xf32, #tpu.memory_space<hbm>>
        tpu.wait_indirect_dma semaphore(%arg21 : memref<!tpu.dma_semaphore, #tpu.memory_space<semaphore_mem>>) src(%dma_wait3A_273 : memref<10000x128xf32, #tpu.memory_space<hbm>>) dst(%arg16 : memref<80x128xf32, #tpu.memory_space<vmem>>)
        %dma_start3A_274 = arith.constant 0 : i32
        %dma_start3A_275 = arith.constant 0 : i32
        %dma_start3A_276 = tpu.memref_slice %arg19[%dma_start3A_274, %dma_start3A_275] : memref<10112x128xf32, #tpu.memory_space<vmem_shared>> -> memref<10112x128xf32, #tpu.memory_space<vmem_shared>>
        tpu.enqueue_indirect_dma source(%arg16 : memref<80x128xf32, #tpu.memory_space<vmem>>) target(%dma_start3A_276 : memref<10112x128xf32, #tpu.memory_space<vmem_shared>>) offsets(%arg12 : memref<80xi32, #tpu.memory_space<vmem>>) semaphore(%arg25 : memref<!tpu.dma_semaphore, #tpu.memory_space<semaphore_mem>>) {add = true}
        "tpu.region"() ({
          %run_scoped3A = tpu.sem_alloc : memref<!tpu.dma_semaphore, #tpu.memory_space<semaphore_mem>>
          %dma_start3A_277 = arith.constant 0 : i32
          %dma_start3A_278 = tpu.memref_slice %arg31[%dma_start3A_277] : memref<10112xf32, #tpu.memory_space<vmem_shared>> -> memref<10112xf32, #tpu.memory_space<vmem_shared>>
          tpu.enqueue_indirect_dma source(%arg29 : memref<80xf32, #tpu.memory_space<vmem>>) target(%dma_start3A_278 : memref<10112xf32, #tpu.memory_space<vmem_shared>>) offsets(%arg12 : memref<80xi32, #tpu.memory_space<vmem>>) semaphore(%run_scoped3A : memref<!tpu.dma_semaphore, #tpu.memory_space<semaphore_mem>>) {add = true}
          %dma_wait3A_279 = arith.constant 0 : i32
          %dma_wait3A_280 = tpu.memref_slice %arg31[%dma_wait3A_279] : memref<10112xf32, #tpu.memory_space<vmem_shared>> -> memref<10112xf32, #tpu.memory_space<vmem_shared>>
          tpu.wait_indirect_dma semaphore(%run_scoped3A : memref<!tpu.dma_semaphore, #tpu.memory_space<semaphore_mem>>) src(%arg29 : memref<80xf32, #tpu.memory_space<vmem>>) dst(%dma_wait3A_280 : memref<10112xf32, #tpu.memory_space<vmem_shared>>)
          tpu.yield
        }) : () -> ()
      } else {
      }
      %dma_wait3A_145 = tpu.memref_slice %arg3[%mul3A_2] : memref<320000xi32, #tpu.memory_space<hbm>> -> memref<80xi32, #tpu.memory_space<hbm>>
      %dma_wait3A_146 = tpu.memref_slice %arg3[%mul3A_2] : memref<320000xi32, #tpu.memory_space<hbm>> -> memref<80xi32, #tpu.memory_space<hbm>>
      tpu.wait_dma2 semaphore(%arg28 : memref<!tpu.dma_semaphore, #tpu.memory_space<semaphore_mem>>) src(%dma_wait3A_146 : memref<80xi32, #tpu.memory_space<hbm>>) dst(%arg7 : memref<80xi32, #tpu.memory_space<vmem>>)
      %dma_wait3A_147 = tpu.memref_slice %arg4[%mul3A_2] : memref<320000xi32, #tpu.memory_space<hbm>> -> memref<80xi32, #tpu.memory_space<hbm>>
      %dma_wait3A_148 = tpu.memref_slice %arg4[%mul3A_2] : memref<320000xi32, #tpu.memory_space<hbm>> -> memref<80xi32, #tpu.memory_space<hbm>>
      tpu.wait_dma2 semaphore(%arg28 : memref<!tpu.dma_semaphore, #tpu.memory_space<semaphore_mem>>) src(%dma_wait3A_148 : memref<80xi32, #tpu.memory_space<hbm>>) dst(%arg11 : memref<80xi32, #tpu.memory_space<vmem>>)
      %ge3A_149 = arith.constant 125 : i32
      %ge3A_150 = arith.cmpi sge, %add3A_126, %ge3A_149 : i32
      %convert_element_type3A_151 = arith.extui %ge3A_150 : i1 to i32
      %cond3A_152 = arith.constant 0 : i32
      %cond3A_153 = arith.cmpi ne, %convert_element_type3A_151, %cond3A_152 : i32
      scf.if %cond3A_153 {
        %swap3A_271 = arith.constant 0 : index
        %swap3A_272 = tpu.vector_load %arg11[%swap3A_271] {strides = array<i32>} : memref<80xi32, #tpu.memory_space<vmem>>, vector<16xi32>,
        %swap3A_273 = vector.shape_cast %swap3A_272 : vector<16xi32> to vector<16xi32>
        %swap3A_274 = vector.shape_cast %broadcast_in_dim3A_75 : vector<16xi32> to vector<16xi32>
        tpu.vector_store %arg11[%swap3A_271], %swap3A_274 {strides = array<i32>} : memref<80xi32, #tpu.memory_space<vmem>>, vector<16xi32>,
        %swap3A_275 = arith.constant 16 : index
        %swap3A_276 = tpu.vector_load %arg11[%swap3A_275] {strides = array<i32>} : memref<80xi32, #tpu.memory_space<vmem>>, vector<16xi32>,
        %swap3A_277 = vector.shape_cast %swap3A_276 : vector<16xi32> to vector<16xi32>
        %swap3A_278 = vector.shape_cast %broadcast_in_dim3A_75 : vector<16xi32> to vector<16xi32>
        tpu.vector_store %arg11[%swap3A_275], %swap3A_278 {strides = array<i32>} : memref<80xi32, #tpu.memory_space<vmem>>, vector<16xi32>,
        %swap3A_279 = arith.constant 32 : index
        %swap3A_280 = tpu.vector_load %arg11[%swap3A_279] {strides = array<i32>} : memref<80xi32, #tpu.memory_space<vmem>>, vector<16xi32>,
        %swap3A_281 = vector.shape_cast %swap3A_280 : vector<16xi32> to vector<16xi32>
        %swap3A_282 = vector.shape_cast %broadcast_in_dim3A_75 : vector<16xi32> to vector<16xi32>
        tpu.vector_store %arg11[%swap3A_279], %swap3A_282 {strides = array<i32>} : memref<80xi32, #tpu.memory_space<vmem>>, vector<16xi32>,
        %swap3A_283 = arith.constant 48 : index
        %swap3A_284 = tpu.vector_load %arg11[%swap3A_283] {strides = array<i32>} : memref<80xi32, #tpu.memory_space<vmem>>, vector<16xi32>,
        %swap3A_285 = vector.shape_cast %swap3A_284 : vector<16xi32> to vector<16xi32>
        %swap3A_286 = vector.shape_cast %broadcast_in_dim3A_75 : vector<16xi32> to vector<16xi32>
        tpu.vector_store %arg11[%swap3A_283], %swap3A_286 {strides = array<i32>} : memref<80xi32, #tpu.memory_space<vmem>>, vector<16xi32>,
        %swap3A_287 = arith.constant 64 : index
        %swap3A_288 = tpu.vector_load %arg11[%swap3A_287] {strides = array<i32>} : memref<80xi32, #tpu.memory_space<vmem>>, vector<16xi32>,
        %swap3A_289 = vector.shape_cast %swap3A_288 : vector<16xi32> to vector<16xi32>
        %swap3A_290 = vector.shape_cast %broadcast_in_dim3A_75 : vector<16xi32> to vector<16xi32>
        tpu.vector_store %arg11[%swap3A_287], %swap3A_290 {strides = array<i32>} : memref<80xi32, #tpu.memory_space<vmem>>, vector<16xi32>,
      } else {
      }
      %dma_start3A_154 = arith.constant 0 : i32
      %dma_start3A_155 = arith.constant 0 : i32
      %dma_start3A_156 = tpu.memref_slice %arg2[%dma_start3A_154, %dma_start3A_155] : memref<10000x128xf32, #tpu.memory_space<hbm>> -> memref<10000x128xf32, #tpu.memory_space<hbm>>
      tpu.enqueue_indirect_dma source(%dma_start3A_156 : memref<10000x128xf32, #tpu.memory_space<hbm>>) target(%arg15 : memref<80x128xf32, #tpu.memory_space<vmem>>) offsets(%arg7 : memref<80xi32, #tpu.memory_space<vmem>>) semaphore(%arg20 : memref<!tpu.dma_semaphore, #tpu.memory_space<semaphore_mem>>)
      %mul3A_157 = arith.constant 4 : i32
      %mul3A_158 = arith.muli %scan3A_122, %mul3A_157 : i32
      %add3A_159 = arith.constant 1 : i32
      %add3A_160 = arith.addi %mul3A_158, %add3A_159 : i32
      %ge3A_161 = arith.constant 4 : i32
      %ge3A_162 = arith.cmpi sge, %add3A_160, %ge3A_161 : i32
      %convert_element_type3A_163 = arith.extui %ge3A_162 : i1 to i32
      %cond3A_164 = arith.constant 0 : i32
      %cond3A_165 = arith.cmpi ne, %convert_element_type3A_163, %cond3A_164 : i32
      scf.if %cond3A_165 {
        %dma_wait3A_271 = arith.constant 0 : i32
        %dma_wait3A_272 = arith.constant 0 : i32
        %dma_wait3A_273 = tpu.memref_slice %arg19[%dma_wait3A_271, %dma_wait3A_272] : memref<10112x128xf32, #tpu.memory_space<vmem_shared>> -> memref<10112x128xf32, #tpu.memory_space<vmem_shared>>
        tpu.wait_indirect_dma semaphore(%arg25 : memref<!tpu.dma_semaphore, #tpu.memory_space<semaphore_mem>>) src(%arg16 : memref<80x128xf32, #tpu.memory_space<vmem>>) dst(%dma_wait3A_273 : memref<10112x128xf32, #tpu.memory_space<vmem_shared>>)
      } else {
      }
      %min3A_166 = arith.constant 124 : i32
      %min3A_167 = arith.minsi %add3A_160, %min3A_166 : i32
      %mul3A_168 = arith.constant 80 : i32
      %mul3A_169 = arith.muli %min3A_167, %mul3A_168 : i32
      %add3A_170 = arith.addi %mul3A_2, %mul3A_169 : i32
      %dma_start3A_171 = tpu.memref_slice %arg3[%add3A_170] : memref<320000xi32, #tpu.memory_space<hbm>> -> memref<80xi32, #tpu.memory_space<hbm>>
      %dma_start3A_172 = tpu.memref_slice %arg3[%add3A_170] : memref<320000xi32, #tpu.memory_space<hbm>> -> memref<80xi32, #tpu.memory_space<hbm>>
      tpu.enqueue_dma source(%dma_start3A_172 : memref<80xi32, #tpu.memory_space<hbm>>) target(%arg8 : memref<80xi32, #tpu.memory_space<vmem>>) target_semaphore(%arg28 : memref<!tpu.dma_semaphore, #tpu.memory_space<semaphore_mem>>)
      %mul3A_173 = arith.constant 80 : i32
      %mul3A_174 = arith.muli %min3A_167, %mul3A_173 : i32
      %add3A_175 = arith.addi %mul3A_2, %mul3A_174 : i32
      %dma_start3A_176 = tpu.memref_slice %arg4[%add3A_175] : memref<320000xi32, #tpu.memory_space<hbm>> -> memref<80xi32, #tpu.memory_space<hbm>>
      %dma_start3A_177 = tpu.memref_slice %arg4[%add3A_175] : memref<320000xi32, #tpu.memory_space<hbm>> -> memref<80xi32, #tpu.memory_space<hbm>>
      tpu.enqueue_dma source(%dma_start3A_177 : memref<80xi32, #tpu.memory_space<hbm>>) target(%arg12 : memref<80xi32, #tpu.memory_space<vmem>>) target_semaphore(%arg28 : memref<!tpu.dma_semaphore, #tpu.memory_space<semaphore_mem>>)
      %ge3A_178 = arith.constant 3 : i32
      %ge3A_179 = arith.cmpi sge, %add3A_160, %ge3A_178 : i32
      %convert_element_type3A_180 = arith.extui %ge3A_179 : i1 to i32
      %cond3A_181 = arith.constant 0 : i32
      %cond3A_182 = arith.cmpi ne, %convert_element_type3A_180, %cond3A_181 : i32
      scf.if %cond3A_182 {
        %dma_wait3A_271 = arith.constant 0 : i32
        %dma_wait3A_272 = arith.constant 0 : i32
        %dma_wait3A_273 = tpu.memref_slice %arg2[%dma_wait3A_271, %dma_wait3A_272] : memref<10000x128xf32, #tpu.memory_space<hbm>> -> memref<10000x128xf32, #tpu.memory_space<hbm>>
        tpu.wait_indirect_dma semaphore(%arg22 : memref<!tpu.dma_semaphore, #tpu.memory_space<semaphore_mem>>) src(%dma_wait3A_273 : memref<10000x128xf32, #tpu.memory_space<hbm>>) dst(%arg17 : memref<80x128xf32, #tpu.memory_space<vmem>>)
        %dma_start3A_274 = arith.constant 0 : i32
        %dma_start3A_275 = arith.constant 0 : i32
        %dma_start3A_276 = tpu.memref_slice %arg19[%dma_start3A_274, %dma_start3A_275] : memref<10112x128xf32, #tpu.memory_space<vmem_shared>> -> memref<10112x128xf32, #tpu.memory_space<vmem_shared>>
        tpu.enqueue_indirect_dma source(%arg17 : memref<80x128xf32, #tpu.memory_space<vmem>>) target(%dma_start3A_276 : memref<10112x128xf32, #tpu.memory_space<vmem_shared>>) offsets(%arg13 : memref<80xi32, #tpu.memory_space<vmem>>) semaphore(%arg26 : memref<!tpu.dma_semaphore, #tpu.memory_space<semaphore_mem>>) {add = true}
        "tpu.region"() ({
          %run_scoped3A = tpu.sem_alloc : memref<!tpu.dma_semaphore, #tpu.memory_space<semaphore_mem>>
          %dma_start3A_277 = arith.constant 0 : i32
          %dma_start3A_278 = tpu.memref_slice %arg31[%dma_start3A_277] : memref<10112xf32, #tpu.memory_space<vmem_shared>> -> memref<10112xf32, #tpu.memory_space<vmem_shared>>
          tpu.enqueue_indirect_dma source(%arg29 : memref<80xf32, #tpu.memory_space<vmem>>) target(%dma_start3A_278 : memref<10112xf32, #tpu.memory_space<vmem_shared>>) offsets(%arg13 : memref<80xi32, #tpu.memory_space<vmem>>) semaphore(%run_scoped3A : memref<!tpu.dma_semaphore, #tpu.memory_space<semaphore_mem>>) {add = true}
          %dma_wait3A_279 = arith.constant 0 : i32
          %dma_wait3A_280 = tpu.memref_slice %arg31[%dma_wait3A_279] : memref<10112xf32, #tpu.memory_space<vmem_shared>> -> memref<10112xf32, #tpu.memory_space<vmem_shared>>
          tpu.wait_indirect_dma semaphore(%run_scoped3A : memref<!tpu.dma_semaphore, #tpu.memory_space<semaphore_mem>>) src(%arg29 : memref<80xf32, #tpu.memory_space<vmem>>) dst(%dma_wait3A_280 : memref<10112xf32, #tpu.memory_space<vmem_shared>>)
          tpu.yield
        }) : () -> ()
      } else {
      }
      %dma_wait3A_183 = tpu.memref_slice %arg3[%mul3A_2] : memref<320000xi32, #tpu.memory_space<hbm>> -> memref<80xi32, #tpu.memory_space<hbm>>
      %dma_wait3A_184 = tpu.memref_slice %arg3[%mul3A_2] : memref<320000xi32, #tpu.memory_space<hbm>> -> memref<80xi32, #tpu.memory_space<hbm>>
      tpu.wait_dma2 semaphore(%arg28 : memref<!tpu.dma_semaphore, #tpu.memory_space<semaphore_mem>>) src(%dma_wait3A_184 : memref<80xi32, #tpu.memory_space<hbm>>) dst(%arg8 : memref<80xi32, #tpu.memory_space<vmem>>)
      %dma_wait3A_185 = tpu.memref_slice %arg4[%mul3A_2] : memref<320000xi32, #tpu.memory_space<hbm>> -> memref<80xi32, #tpu.memory_space<hbm>>
      %dma_wait3A_186 = tpu.memref_slice %arg4[%mul3A_2] : memref<320000xi32, #tpu.memory_space<hbm>> -> memref<80xi32, #tpu.memory_space<hbm>>
      tpu.wait_dma2 semaphore(%arg28 : memref<!tpu.dma_semaphore, #tpu.memory_space<semaphore_mem>>) src(%dma_wait3A_186 : memref<80xi32, #tpu.memory_space<hbm>>) dst(%arg12 : memref<80xi32, #tpu.memory_space<vmem>>)
      %ge3A_187 = arith.constant 125 : i32
      %ge3A_188 = arith.cmpi sge, %add3A_160, %ge3A_187 : i32
      %convert_element_type3A_189 = arith.extui %ge3A_188 : i1 to i32
      %cond3A_190 = arith.constant 0 : i32
      %cond3A_191 = arith.cmpi ne, %convert_element_type3A_189, %cond3A_190 : i32
      scf.if %cond3A_191 {
        %swap3A_271 = arith.constant 0 : index
        %swap3A_272 = tpu.vector_load %arg12[%swap3A_271] {strides = array<i32>} : memref<80xi32, #tpu.memory_space<vmem>>, vector<16xi32>,
        %swap3A_273 = vector.shape_cast %swap3A_272 : vector<16xi32> to vector<16xi32>
        %swap3A_274 = vector.shape_cast %broadcast_in_dim3A_75 : vector<16xi32> to vector<16xi32>
        tpu.vector_store %arg12[%swap3A_271], %swap3A_274 {strides = array<i32>} : memref<80xi32, #tpu.memory_space<vmem>>, vector<16xi32>,
        %swap3A_275 = arith.constant 16 : index
        %swap3A_276 = tpu.vector_load %arg12[%swap3A_275] {strides = array<i32>} : memref<80xi32, #tpu.memory_space<vmem>>, vector<16xi32>,
        %swap3A_277 = vector.shape_cast %swap3A_276 : vector<16xi32> to vector<16xi32>
        %swap3A_278 = vector.shape_cast %broadcast_in_dim3A_75 : vector<16xi32> to vector<16xi32>
        tpu.vector_store %arg12[%swap3A_275], %swap3A_278 {strides = array<i32>} : memref<80xi32, #tpu.memory_space<vmem>>, vector<16xi32>,
        %swap3A_279 = arith.constant 32 : index
        %swap3A_280 = tpu.vector_load %arg12[%swap3A_279] {strides = array<i32>} : memref<80xi32, #tpu.memory_space<vmem>>, vector<16xi32>,
        %swap3A_281 = vector.shape_cast %swap3A_280 : vector<16xi32> to vector<16xi32>
        %swap3A_282 = vector.shape_cast %broadcast_in_dim3A_75 : vector<16xi32> to vector<16xi32>
        tpu.vector_store %arg12[%swap3A_279], %swap3A_282 {strides = array<i32>} : memref<80xi32, #tpu.memory_space<vmem>>, vector<16xi32>,
        %swap3A_283 = arith.constant 48 : index
        %swap3A_284 = tpu.vector_load %arg12[%swap3A_283] {strides = array<i32>} : memref<80xi32, #tpu.memory_space<vmem>>, vector<16xi32>,
        %swap3A_285 = vector.shape_cast %swap3A_284 : vector<16xi32> to vector<16xi32>
        %swap3A_286 = vector.shape_cast %broadcast_in_dim3A_75 : vector<16xi32> to vector<16xi32>
        tpu.vector_store %arg12[%swap3A_283], %swap3A_286 {strides = array<i32>} : memref<80xi32, #tpu.memory_space<vmem>>, vector<16xi32>,
        %swap3A_287 = arith.constant 64 : index
        %swap3A_288 = tpu.vector_load %arg12[%swap3A_287] {strides = array<i32>} : memref<80xi32, #tpu.memory_space<vmem>>, vector<16xi32>,
        %swap3A_289 = vector.shape_cast %swap3A_288 : vector<16xi32> to vector<16xi32>
        %swap3A_290 = vector.shape_cast %broadcast_in_dim3A_75 : vector<16xi32> to vector<16xi32>
        tpu.vector_store %arg12[%swap3A_287], %swap3A_290 {strides = array<i32>} : memref<80xi32, #tpu.memory_space<vmem>>, vector<16xi32>,
      } else {
      }
      %dma_start3A_192 = arith.constant 0 : i32
      %dma_start3A_193 = arith.constant 0 : i32
      %dma_start3A_194 = tpu.memref_slice %arg2[%dma_start3A_192, %dma_start3A_193] : memref<10000x128xf32, #tpu.memory_space<hbm>> -> memref<10000x128xf32, #tpu.memory_space<hbm>>
      tpu.enqueue_indirect_dma source(%dma_start3A_194 : memref<10000x128xf32, #tpu.memory_space<hbm>>) target(%arg16 : memref<80x128xf32, #tpu.memory_space<vmem>>) offsets(%arg8 : memref<80xi32, #tpu.memory_space<vmem>>) semaphore(%arg21 : memref<!tpu.dma_semaphore, #tpu.memory_space<semaphore_mem>>)
      %mul3A_195 = arith.constant 4 : i32
      %mul3A_196 = arith.muli %scan3A_122, %mul3A_195 : i32
      %add3A_197 = arith.constant 2 : i32
      %add3A_198 = arith.addi %mul3A_196, %add3A_197 : i32
      %ge3A_199 = arith.constant 4 : i32
      %ge3A_200 = arith.cmpi sge, %add3A_198, %ge3A_199 : i32
      %convert_element_type3A_201 = arith.extui %ge3A_200 : i1 to i32
      %cond3A_202 = arith.constant 0 : i32
      %cond3A_203 = arith.cmpi ne, %convert_element_type3A_201, %cond3A_202 : i32
      scf.if %cond3A_203 {
        %dma_wait3A_271 = arith.constant 0 : i32
        %dma_wait3A_272 = arith.constant 0 : i32
        %dma_wait3A_273 = tpu.memref_slice %arg19[%dma_wait3A_271, %dma_wait3A_272] : memref<10112x128xf32, #tpu.memory_space<vmem_shared>> -> memref<10112x128xf32, #tpu.memory_space<vmem_shared>>
        tpu.wait_indirect_dma semaphore(%arg26 : memref<!tpu.dma_semaphore, #tpu.memory_space<semaphore_mem>>) src(%arg17 : memref<80x128xf32, #tpu.memory_space<vmem>>) dst(%dma_wait3A_273 : memref<10112x128xf32, #tpu.memory_space<vmem_shared>>)
      } else {
      }
      %min3A_204 = arith.constant 124 : i32
      %min3A_205 = arith.minsi %add3A_198, %min3A_204 : i32
      %mul3A_206 = arith.constant 80 : i32
      %mul3A_207 = arith.muli %min3A_205, %mul3A_206 : i32
      %add3A_208 = arith.addi %mul3A_2, %mul3A_207 : i32
      %dma_start3A_209 = tpu.memref_slice %arg3[%add3A_208] : memref<320000xi32, #tpu.memory_space<hbm>> -> memref<80xi32, #tpu.memory_space<hbm>>
      %dma_start3A_210 = tpu.memref_slice %arg3[%add3A_208] : memref<320000xi32, #tpu.memory_space<hbm>> -> memref<80xi32, #tpu.memory_space<hbm>>
      tpu.enqueue_dma source(%dma_start3A_210 : memref<80xi32, #tpu.memory_space<hbm>>) target(%arg9 : memref<80xi32, #tpu.memory_space<vmem>>) target_semaphore(%arg28 : memref<!tpu.dma_semaphore, #tpu.memory_space<semaphore_mem>>)
      %mul3A_211 = arith.constant 80 : i32
      %mul3A_212 = arith.muli %min3A_205, %mul3A_211 : i32
      %add3A_213 = arith.addi %mul3A_2, %mul3A_212 : i32
      %dma_start3A_214 = tpu.memref_slice %arg4[%add3A_213] : memref<320000xi32, #tpu.memory_space<hbm>> -> memref<80xi32, #tpu.memory_space<hbm>>
      %dma_start3A_215 = tpu.memref_slice %arg4[%add3A_213] : memref<320000xi32, #tpu.memory_space<hbm>> -> memref<80xi32, #tpu.memory_space<hbm>>
      tpu.enqueue_dma source(%dma_start3A_215 : memref<80xi32, #tpu.memory_space<hbm>>) target(%arg13 : memref<80xi32, #tpu.memory_space<vmem>>) target_semaphore(%arg28 : memref<!tpu.dma_semaphore, #tpu.memory_space<semaphore_mem>>)
      %ge3A_216 = arith.constant 3 : i32
      %ge3A_217 = arith.cmpi sge, %add3A_198, %ge3A_216 : i32
      %convert_element_type3A_218 = arith.extui %ge3A_217 : i1 to i32
      %cond3A_219 = arith.constant 0 : i32
      %cond3A_220 = arith.cmpi ne, %convert_element_type3A_218, %cond3A_219 : i32
      scf.if %cond3A_220 {
        %dma_wait3A_271 = arith.constant 0 : i32
        %dma_wait3A_272 = arith.constant 0 : i32
        %dma_wait3A_273 = tpu.memref_slice %arg2[%dma_wait3A_271, %dma_wait3A_272] : memref<10000x128xf32, #tpu.memory_space<hbm>> -> memref<10000x128xf32, #tpu.memory_space<hbm>>
        tpu.wait_indirect_dma semaphore(%arg23 : memref<!tpu.dma_semaphore, #tpu.memory_space<semaphore_mem>>) src(%dma_wait3A_273 : memref<10000x128xf32, #tpu.memory_space<hbm>>) dst(%arg18 : memref<80x128xf32, #tpu.memory_space<vmem>>)
        %dma_start3A_274 = arith.constant 0 : i32
        %dma_start3A_275 = arith.constant 0 : i32
        %dma_start3A_276 = tpu.memref_slice %arg19[%dma_start3A_274, %dma_start3A_275] : memref<10112x128xf32, #tpu.memory_space<vmem_shared>> -> memref<10112x128xf32, #tpu.memory_space<vmem_shared>>
        tpu.enqueue_indirect_dma source(%arg18 : memref<80x128xf32, #tpu.memory_space<vmem>>) target(%dma_start3A_276 : memref<10112x128xf32, #tpu.memory_space<vmem_shared>>) offsets(%arg14 : memref<80xi32, #tpu.memory_space<vmem>>) semaphore(%arg27 : memref<!tpu.dma_semaphore, #tpu.memory_space<semaphore_mem>>) {add = true}
        "tpu.region"() ({
          %run_scoped3A = tpu.sem_alloc : memref<!tpu.dma_semaphore, #tpu.memory_space<semaphore_mem>>
          %dma_start3A_277 = arith.constant 0 : i32
          %dma_start3A_278 = tpu.memref_slice %arg31[%dma_start3A_277] : memref<10112xf32, #tpu.memory_space<vmem_shared>> -> memref<10112xf32, #tpu.memory_space<vmem_shared>>
          tpu.enqueue_indirect_dma source(%arg29 : memref<80xf32, #tpu.memory_space<vmem>>) target(%dma_start3A_278 : memref<10112xf32, #tpu.memory_space<vmem_shared>>) offsets(%arg14 : memref<80xi32, #tpu.memory_space<vmem>>) semaphore(%run_scoped3A : memref<!tpu.dma_semaphore, #tpu.memory_space<semaphore_mem>>) {add = true}
          %dma_wait3A_279 = arith.constant 0 : i32
          %dma_wait3A_280 = tpu.memref_slice %arg31[%dma_wait3A_279] : memref<10112xf32, #tpu.memory_space<vmem_shared>> -> memref<10112xf32, #tpu.memory_space<vmem_shared>>
          tpu.wait_indirect_dma semaphore(%run_scoped3A : memref<!tpu.dma_semaphore, #tpu.memory_space<semaphore_mem>>) src(%arg29 : memref<80xf32, #tpu.memory_space<vmem>>) dst(%dma_wait3A_280 : memref<10112xf32, #tpu.memory_space<vmem_shared>>)
          tpu.yield
        }) : () -> ()
      } else {
      }
      %dma_wait3A_221 = tpu.memref_slice %arg3[%mul3A_2] : memref<320000xi32, #tpu.memory_space<hbm>> -> memref<80xi32, #tpu.memory_space<hbm>>
      %dma_wait3A_222 = tpu.memref_slice %arg3[%mul3A_2] : memref<320000xi32, #tpu.memory_space<hbm>> -> memref<80xi32, #tpu.memory_space<hbm>>
      tpu.wait_dma2 semaphore(%arg28 : memref<!tpu.dma_semaphore, #tpu.memory_space<semaphore_mem>>) src(%dma_wait3A_222 : memref<80xi32, #tpu.memory_space<hbm>>) dst(%arg9 : memref<80xi32, #tpu.memory_space<vmem>>)
      %dma_wait3A_223 = tpu.memref_slice %arg4[%mul3A_2] : memref<320000xi32, #tpu.memory_space<hbm>> -> memref<80xi32, #tpu.memory_space<hbm>>
      %dma_wait3A_224 = tpu.memref_slice %arg4[%mul3A_2] : memref<320000xi32, #tpu.memory_space<hbm>> -> memref<80xi32, #tpu.memory_space<hbm>>
      tpu.wait_dma2 semaphore(%arg28 : memref<!tpu.dma_semaphore, #tpu.memory_space<semaphore_mem>>) src(%dma_wait3A_224 : memref<80xi32, #tpu.memory_space<hbm>>) dst(%arg13 : memref<80xi32, #tpu.memory_space<vmem>>)
      %ge3A_225 = arith.constant 125 : i32
      %ge3A_226 = arith.cmpi sge, %add3A_198, %ge3A_225 : i32
      %convert_element_type3A_227 = arith.extui %ge3A_226 : i1 to i32
      %cond3A_228 = arith.constant 0 : i32
      %cond3A_229 = arith.cmpi ne, %convert_element_type3A_227, %cond3A_228 : i32
      scf.if %cond3A_229 {
        %swap3A_271 = arith.constant 0 : index
        %swap3A_272 = tpu.vector_load %arg13[%swap3A_271] {strides = array<i32>} : memref<80xi32, #tpu.memory_space<vmem>>, vector<16xi32>,
        %swap3A_273 = vector.shape_cast %swap3A_272 : vector<16xi32> to vector<16xi32>
        %swap3A_274 = vector.shape_cast %broadcast_in_dim3A_75 : vector<16xi32> to vector<16xi32>
        tpu.vector_store %arg13[%swap3A_271], %swap3A_274 {strides = array<i32>} : memref<80xi32, #tpu.memory_space<vmem>>, vector<16xi32>,
        %swap3A_275 = arith.constant 16 : index
        %swap3A_276 = tpu.vector_load %arg13[%swap3A_275] {strides = array<i32>} : memref<80xi32, #tpu.memory_space<vmem>>, vector<16xi32>,
        %swap3A_277 = vector.shape_cast %swap3A_276 : vector<16xi32> to vector<16xi32>
        %swap3A_278 = vector.shape_cast %broadcast_in_dim3A_75 : vector<16xi32> to vector<16xi32>
        tpu.vector_store %arg13[%swap3A_275], %swap3A_278 {strides = array<i32>} : memref<80xi32, #tpu.memory_space<vmem>>, vector<16xi32>,
        %swap3A_279 = arith.constant 32 : index
        %swap3A_280 = tpu.vector_load %arg13[%swap3A_279] {strides = array<i32>} : memref<80xi32, #tpu.memory_space<vmem>>, vector<16xi32>,
        %swap3A_281 = vector.shape_cast %swap3A_280 : vector<16xi32> to vector<16xi32>
        %swap3A_282 = vector.shape_cast %broadcast_in_dim3A_75 : vector<16xi32> to vector<16xi32>
        tpu.vector_store %arg13[%swap3A_279], %swap3A_282 {strides = array<i32>} : memref<80xi32, #tpu.memory_space<vmem>>, vector<16xi32>,
        %swap3A_283 = arith.constant 48 : index
        %swap3A_284 = tpu.vector_load %arg13[%swap3A_283] {strides = array<i32>} : memref<80xi32, #tpu.memory_space<vmem>>, vector<16xi32>,
        %swap3A_285 = vector.shape_cast %swap3A_284 : vector<16xi32> to vector<16xi32>
        %swap3A_286 = vector.shape_cast %broadcast_in_dim3A_75 : vector<16xi32> to vector<16xi32>
        tpu.vector_store %arg13[%swap3A_283], %swap3A_286 {strides = array<i32>} : memref<80xi32, #tpu.memory_space<vmem>>, vector<16xi32>,
        %swap3A_287 = arith.constant 64 : index
        %swap3A_288 = tpu.vector_load %arg13[%swap3A_287] {strides = array<i32>} : memref<80xi32, #tpu.memory_space<vmem>>, vector<16xi32>,
        %swap3A_289 = vector.shape_cast %swap3A_288 : vector<16xi32> to vector<16xi32>
        %swap3A_290 = vector.shape_cast %broadcast_in_dim3A_75 : vector<16xi32> to vector<16xi32>
        tpu.vector_store %arg13[%swap3A_287], %swap3A_290 {strides = array<i32>} : memref<80xi32, #tpu.memory_space<vmem>>, vector<16xi32>,
      } else {
      }
      %dma_start3A_230 = arith.constant 0 : i32
      %dma_start3A_231 = arith.constant 0 : i32
      %dma_start3A_232 = tpu.memref_slice %arg2[%dma_start3A_230, %dma_start3A_231] : memref<10000x128xf32, #tpu.memory_space<hbm>> -> memref<10000x128xf32, #tpu.memory_space<hbm>>
      tpu.enqueue_indirect_dma source(%dma_start3A_232 : memref<10000x128xf32, #tpu.memory_space<hbm>>) target(%arg17 : memref<80x128xf32, #tpu.memory_space<vmem>>) offsets(%arg9 : memref<80xi32, #tpu.memory_space<vmem>>) semaphore(%arg22 : memref<!tpu.dma_semaphore, #tpu.memory_space<semaphore_mem>>)
      %mul3A_233 = arith.constant 4 : i32
      %mul3A_234 = arith.muli %scan3A_122, %mul3A_233 : i32
      %add3A_235 = arith.constant 3 : i32
      %add3A_236 = arith.addi %mul3A_234, %add3A_235 : i32
      %ge3A_237 = arith.constant 4 : i32
      %ge3A_238 = arith.cmpi sge, %add3A_236, %ge3A_237 : i32
      %convert_element_type3A_239 = arith.extui %ge3A_238 : i1 to i32
      %cond3A_240 = arith.constant 0 : i32
      %cond3A_241 = arith.cmpi ne, %convert_element_type3A_239, %cond3A_240 : i32
      scf.if %cond3A_241 {
        %dma_wait3A_271 = arith.constant 0 : i32
        %dma_wait3A_272 = arith.constant 0 : i32
        %dma_wait3A_273 = tpu.memref_slice %arg19[%dma_wait3A_271, %dma_wait3A_272] : memref<10112x128xf32, #tpu.memory_space<vmem_shared>> -> memref<10112x128xf32, #tpu.memory_space<vmem_shared>>
        tpu.wait_indirect_dma semaphore(%arg27 : memref<!tpu.dma_semaphore, #tpu.memory_space<semaphore_mem>>) src(%arg18 : memref<80x128xf32, #tpu.memory_space<vmem>>) dst(%dma_wait3A_273 : memref<10112x128xf32, #tpu.memory_space<vmem_shared>>)
      } else {
      }
      %min3A_242 = arith.constant 124 : i32
      %min3A_243 = arith.minsi %add3A_236, %min3A_242 : i32
      %mul3A_244 = arith.constant 80 : i32
      %mul3A_245 = arith.muli %min3A_243, %mul3A_244 : i32
      %add3A_246 = arith.addi %mul3A_2, %mul3A_245 : i32
      %dma_start3A_247 = tpu.memref_slice %arg3[%add3A_246] : memref<320000xi32, #tpu.memory_space<hbm>> -> memref<80xi32, #tpu.memory_space<hbm>>
      %dma_start3A_248 = tpu.memref_slice %arg3[%add3A_246] : memref<320000xi32, #tpu.memory_space<hbm>> -> memref<80xi32, #tpu.memory_space<hbm>>
      tpu.enqueue_dma source(%dma_start3A_248 : memref<80xi32, #tpu.memory_space<hbm>>) target(%arg10 : memref<80xi32, #tpu.memory_space<vmem>>) target_semaphore(%arg28 : memref<!tpu.dma_semaphore, #tpu.memory_space<semaphore_mem>>)
      %mul3A_249 = arith.constant 80 : i32
      %mul3A_250 = arith.muli %min3A_243, %mul3A_249 : i32
      %add3A_251 = arith.addi %mul3A_2, %mul3A_250 : i32
      %dma_start3A_252 = tpu.memref_slice %arg4[%add3A_251] : memref<320000xi32, #tpu.memory_space<hbm>> -> memref<80xi32, #tpu.memory_space<hbm>>
      %dma_start3A_253 = tpu.memref_slice %arg4[%add3A_251] : memref<320000xi32, #tpu.memory_space<hbm>> -> memref<80xi32, #tpu.memory_space<hbm>>
      tpu.enqueue_dma source(%dma_start3A_253 : memref<80xi32, #tpu.memory_space<hbm>>) target(%arg14 : memref<80xi32, #tpu.memory_space<vmem>>) target_semaphore(%arg28 : memref<!tpu.dma_semaphore, #tpu.memory_space<semaphore_mem>>)
      %ge3A_254 = arith.constant 3 : i32
      %ge3A_255 = arith.cmpi sge, %add3A_236, %ge3A_254 : i32
      %convert_element_type3A_256 = arith.extui %ge3A_255 : i1 to i32
      %cond3A_257 = arith.constant 0 : i32
      %cond3A_258 = arith.cmpi ne, %convert_element_type3A_256, %cond3A_257 : i32
      scf.if %cond3A_258 {
        %dma_wait3A_271 = arith.constant 0 : i32
        %dma_wait3A_272 = arith.constant 0 : i32
        %dma_wait3A_273 = tpu.memref_slice %arg2[%dma_wait3A_271, %dma_wait3A_272] : memref<10000x128xf32, #tpu.memory_space<hbm>> -> memref<10000x128xf32, #tpu.memory_space<hbm>>
        tpu.wait_indirect_dma semaphore(%arg20 : memref<!tpu.dma_semaphore, #tpu.memory_space<semaphore_mem>>) src(%dma_wait3A_273 : memref<10000x128xf32, #tpu.memory_space<hbm>>) dst(%arg15 : memref<80x128xf32, #tpu.memory_space<vmem>>)
        %dma_start3A_274 = arith.constant 0 : i32
        %dma_start3A_275 = arith.constant 0 : i32
        %dma_start3A_276 = tpu.memref_slice %arg19[%dma_start3A_274, %dma_start3A_275] : memref<10112x128xf32, #tpu.memory_space<vmem_shared>> -> memref<10112x128xf32, #tpu.memory_space<vmem_shared>>
        tpu.enqueue_indirect_dma source(%arg15 : memref<80x128xf32, #tpu.memory_space<vmem>>) target(%dma_start3A_276 : memref<10112x128xf32, #tpu.memory_space<vmem_shared>>) offsets(%arg11 : memref<80xi32, #tpu.memory_space<vmem>>) semaphore(%arg24 : memref<!tpu.dma_semaphore, #tpu.memory_space<semaphore_mem>>) {add = true}
        "tpu.region"() ({
          %run_scoped3A = tpu.sem_alloc : memref<!tpu.dma_semaphore, #tpu.memory_space<semaphore_mem>>
          %dma_start3A_277 = arith.constant 0 : i32
          %dma_start3A_278 = tpu.memref_slice %arg31[%dma_start3A_277] : memref<10112xf32, #tpu.memory_space<vmem_shared>> -> memref<10112xf32, #tpu.memory_space<vmem_shared>>
          tpu.enqueue_indirect_dma source(%arg29 : memref<80xf32, #tpu.memory_space<vmem>>) target(%dma_start3A_278 : memref<10112xf32, #tpu.memory_space<vmem_shared>>) offsets(%arg11 : memref<80xi32, #tpu.memory_space<vmem>>) semaphore(%run_scoped3A : memref<!tpu.dma_semaphore, #tpu.memory_space<semaphore_mem>>) {add = true}
          %dma_wait3A_279 = arith.constant 0 : i32
          %dma_wait3A_280 = tpu.memref_slice %arg31[%dma_wait3A_279] : memref<10112xf32, #tpu.memory_space<vmem_shared>> -> memref<10112xf32, #tpu.memory_space<vmem_shared>>
          tpu.wait_indirect_dma semaphore(%run_scoped3A : memref<!tpu.dma_semaphore, #tpu.memory_space<semaphore_mem>>) src(%arg29 : memref<80xf32, #tpu.memory_space<vmem>>) dst(%dma_wait3A_280 : memref<10112xf32, #tpu.memory_space<vmem_shared>>)
          tpu.yield
        }) : () -> ()
      } else {
      }
      %dma_wait3A_259 = tpu.memref_slice %arg3[%mul3A_2] : memref<320000xi32, #tpu.memory_space<hbm>> -> memref<80xi32, #tpu.memory_space<hbm>>
      %dma_wait3A_260 = tpu.memref_slice %arg3[%mul3A_2] : memref<320000xi32, #tpu.memory_space<hbm>> -> memref<80xi32, #tpu.memory_space<hbm>>
      tpu.wait_dma2 semaphore(%arg28 : memref<!tpu.dma_semaphore, #tpu.memory_space<semaphore_mem>>) src(%dma_wait3A_260 : memref<80xi32, #tpu.memory_space<hbm>>) dst(%arg10 : memref<80xi32, #tpu.memory_space<vmem>>)
      %dma_wait3A_261 = tpu.memref_slice %arg4[%mul3A_2] : memref<320000xi32, #tpu.memory_space<hbm>> -> memref<80xi32, #tpu.memory_space<hbm>>
      %dma_wait3A_262 = tpu.memref_slice %arg4[%mul3A_2] : memref<320000xi32, #tpu.memory_space<hbm>> -> memref<80xi32, #tpu.memory_space<hbm>>
      tpu.wait_dma2 semaphore(%arg28 : memref<!tpu.dma_semaphore, #tpu.memory_space<semaphore_mem>>) src(%dma_wait3A_262 : memref<80xi32, #tpu.memory_space<hbm>>) dst(%arg14 : memref<80xi32, #tpu.memory_space<vmem>>)
      %ge3A_263 = arith.constant 125 : i32
      %ge3A_264 = arith.cmpi sge, %add3A_236, %ge3A_263 : i32
      %convert_element_type3A_265 = arith.extui %ge3A_264 : i1 to i32
      %cond3A_266 = arith.constant 0 : i32
      %cond3A_267 = arith.cmpi ne, %convert_element_type3A_265, %cond3A_266 : i32
      scf.if %cond3A_267 {
        %swap3A_271 = arith.constant 0 : index
        %swap3A_272 = tpu.vector_load %arg14[%swap3A_271] {strides = array<i32>} : memref<80xi32, #tpu.memory_space<vmem>>, vector<16xi32>,
        %swap3A_273 = vector.shape_cast %swap3A_272 : vector<16xi32> to vector<16xi32>
        %swap3A_274 = vector.shape_cast %broadcast_in_dim3A_75 : vector<16xi32> to vector<16xi32>
        tpu.vector_store %arg14[%swap3A_271], %swap3A_274 {strides = array<i32>} : memref<80xi32, #tpu.memory_space<vmem>>, vector<16xi32>,
        %swap3A_275 = arith.constant 16 : index
        %swap3A_276 = tpu.vector_load %arg14[%swap3A_275] {strides = array<i32>} : memref<80xi32, #tpu.memory_space<vmem>>, vector<16xi32>,
        %swap3A_277 = vector.shape_cast %swap3A_276 : vector<16xi32> to vector<16xi32>
        %swap3A_278 = vector.shape_cast %broadcast_in_dim3A_75 : vector<16xi32> to vector<16xi32>
        tpu.vector_store %arg14[%swap3A_275], %swap3A_278 {strides = array<i32>} : memref<80xi32, #tpu.memory_space<vmem>>, vector<16xi32>,
        %swap3A_279 = arith.constant 32 : index
        %swap3A_280 = tpu.vector_load %arg14[%swap3A_279] {strides = array<i32>} : memref<80xi32, #tpu.memory_space<vmem>>, vector<16xi32>,
        %swap3A_281 = vector.shape_cast %swap3A_280 : vector<16xi32> to vector<16xi32>
        %swap3A_282 = vector.shape_cast %broadcast_in_dim3A_75 : vector<16xi32> to vector<16xi32>
        tpu.vector_store %arg14[%swap3A_279], %swap3A_282 {strides = array<i32>} : memref<80xi32, #tpu.memory_space<vmem>>, vector<16xi32>,
        %swap3A_283 = arith.constant 48 : index
        %swap3A_284 = tpu.vector_load %arg14[%swap3A_283] {strides = array<i32>} : memref<80xi32, #tpu.memory_space<vmem>>, vector<16xi32>,
        %swap3A_285 = vector.shape_cast %swap3A_284 : vector<16xi32> to vector<16xi32>
        %swap3A_286 = vector.shape_cast %broadcast_in_dim3A_75 : vector<16xi32> to vector<16xi32>
        tpu.vector_store %arg14[%swap3A_283], %swap3A_286 {strides = array<i32>} : memref<80xi32, #tpu.memory_space<vmem>>, vector<16xi32>,
        %swap3A_287 = arith.constant 64 : index
        %swap3A_288 = tpu.vector_load %arg14[%swap3A_287] {strides = array<i32>} : memref<80xi32, #tpu.memory_space<vmem>>, vector<16xi32>,
        %swap3A_289 = vector.shape_cast %swap3A_288 : vector<16xi32> to vector<16xi32>
        %swap3A_290 = vector.shape_cast %broadcast_in_dim3A_75 : vector<16xi32> to vector<16xi32>
        tpu.vector_store %arg14[%swap3A_287], %swap3A_290 {strides = array<i32>} : memref<80xi32, #tpu.memory_space<vmem>>, vector<16xi32>,
      } else {
      }
      %dma_start3A_268 = arith.constant 0 : i32
      %dma_start3A_269 = arith.constant 0 : i32
      %dma_start3A_270 = tpu.memref_slice %arg2[%dma_start3A_268, %dma_start3A_269] : memref<10000x128xf32, #tpu.memory_space<hbm>> -> memref<10000x128xf32, #tpu.memory_space<hbm>>
      tpu.enqueue_indirect_dma source(%dma_start3A_270 : memref<10000x128xf32, #tpu.memory_space<hbm>>) target(%arg18 : memref<80x128xf32, #tpu.memory_space<vmem>>) offsets(%arg10 : memref<80xi32, #tpu.memory_space<vmem>>) semaphore(%arg23 : memref<!tpu.dma_semaphore, #tpu.memory_space<semaphore_mem>>)
    }
    %scan3A_81 = arith.constant 32 : i32
    %dma_wait3A = arith.constant 0 : i32
    %dma_wait3A_82 = arith.constant 0 : i32
    %dma_wait3A_83 = tpu.memref_slice %arg2[%dma_wait3A, %dma_wait3A_82] : memref<10000x128xf32, #tpu.memory_space<hbm>> -> memref<10000x128xf32, #tpu.memory_space<hbm>>
    tpu.wait_indirect_dma semaphore(%arg21 : memref<!tpu.dma_semaphore, #tpu.memory_space<semaphore_mem>>) src(%dma_wait3A_83 : memref<10000x128xf32, #tpu.memory_space<hbm>>) dst(%arg16 : memref<80x128xf32, #tpu.memory_space<vmem>>)
    %dma_start3A = arith.constant 0 : i32
    %dma_start3A_84 = arith.constant 0 : i32
    %dma_start3A_85 = tpu.memref_slice %arg19[%dma_start3A, %dma_start3A_84] : memref<10112x128xf32, #tpu.memory_space<vmem_shared>> -> memref<10112x128xf32, #tpu.memory_space<vmem_shared>>
    tpu.enqueue_indirect_dma source(%arg16 : memref<80x128xf32, #tpu.memory_space<vmem>>) target(%dma_start3A_85 : memref<10112x128xf32, #tpu.memory_space<vmem_shared>>) offsets(%arg12 : memref<80xi32, #tpu.memory_space<vmem>>) semaphore(%arg25 : memref<!tpu.dma_semaphore, #tpu.memory_space<semaphore_mem>>) {add = true}
    "tpu.region"() ({
      %run_scoped3A = tpu.sem_alloc : memref<!tpu.dma_semaphore, #tpu.memory_space<semaphore_mem>>
      %dma_start3A_122 = arith.constant 0 : i32
      %dma_start3A_123 = tpu.memref_slice %arg31[%dma_start3A_122] : memref<10112xf32, #tpu.memory_space<vmem_shared>> -> memref<10112xf32, #tpu.memory_space<vmem_shared>>
      tpu.enqueue_indirect_dma source(%arg29 : memref<80xf32, #tpu.memory_space<vmem>>) target(%dma_start3A_123 : memref<10112xf32, #tpu.memory_space<vmem_shared>>) offsets(%arg12 : memref<80xi32, #tpu.memory_space<vmem>>) semaphore(%run_scoped3A : memref<!tpu.dma_semaphore, #tpu.memory_space<semaphore_mem>>) {add = true}
      %dma_wait3A_124 = arith.constant 0 : i32
      %dma_wait3A_125 = tpu.memref_slice %arg31[%dma_wait3A_124] : memref<10112xf32, #tpu.memory_space<vmem_shared>> -> memref<10112xf32, #tpu.memory_space<vmem_shared>>
      tpu.wait_indirect_dma semaphore(%run_scoped3A : memref<!tpu.dma_semaphore, #tpu.memory_space<semaphore_mem>>) src(%arg29 : memref<80xf32, #tpu.memory_space<vmem>>) dst(%dma_wait3A_125 : memref<10112xf32, #tpu.memory_space<vmem_shared>>)
      tpu.yield
    }) : () -> ()
    %dma_wait3A_86 = arith.constant 0 : i32
    %dma_wait3A_87 = arith.constant 0 : i32
    %dma_wait3A_88 = tpu.memref_slice %arg2[%dma_wait3A_86, %dma_wait3A_87] : memref<10000x128xf32, #tpu.memory_space<hbm>> -> memref<10000x128xf32, #tpu.memory_space<hbm>>
    tpu.wait_indirect_dma semaphore(%arg22 : memref<!tpu.dma_semaphore, #tpu.memory_space<semaphore_mem>>) src(%dma_wait3A_88 : memref<10000x128xf32, #tpu.memory_space<hbm>>) dst(%arg17 : memref<80x128xf32, #tpu.memory_space<vmem>>)
    %dma_start3A_89 = arith.constant 0 : i32
    %dma_start3A_90 = arith.constant 0 : i32
    %dma_start3A_91 = tpu.memref_slice %arg19[%dma_start3A_89, %dma_start3A_90] : memref<10112x128xf32, #tpu.memory_space<vmem_shared>> -> memref<10112x128xf32, #tpu.memory_space<vmem_shared>>
    tpu.enqueue_indirect_dma source(%arg17 : memref<80x128xf32, #tpu.memory_space<vmem>>) target(%dma_start3A_91 : memref<10112x128xf32, #tpu.memory_space<vmem_shared>>) offsets(%arg13 : memref<80xi32, #tpu.memory_space<vmem>>) semaphore(%arg26 : memref<!tpu.dma_semaphore, #tpu.memory_space<semaphore_mem>>) {add = true}
    "tpu.region"() ({
      %run_scoped3A = tpu.sem_alloc : memref<!tpu.dma_semaphore, #tpu.memory_space<semaphore_mem>>
      %dma_start3A_122 = arith.constant 0 : i32
      %dma_start3A_123 = tpu.memref_slice %arg31[%dma_start3A_122] : memref<10112xf32, #tpu.memory_space<vmem_shared>> -> memref<10112xf32, #tpu.memory_space<vmem_shared>>
      tpu.enqueue_indirect_dma source(%arg29 : memref<80xf32, #tpu.memory_space<vmem>>) target(%dma_start3A_123 : memref<10112xf32, #tpu.memory_space<vmem_shared>>) offsets(%arg13 : memref<80xi32, #tpu.memory_space<vmem>>) semaphore(%run_scoped3A : memref<!tpu.dma_semaphore, #tpu.memory_space<semaphore_mem>>) {add = true}
      %dma_wait3A_124 = arith.constant 0 : i32
      %dma_wait3A_125 = tpu.memref_slice %arg31[%dma_wait3A_124] : memref<10112xf32, #tpu.memory_space<vmem_shared>> -> memref<10112xf32, #tpu.memory_space<vmem_shared>>
      tpu.wait_indirect_dma semaphore(%run_scoped3A : memref<!tpu.dma_semaphore, #tpu.memory_space<semaphore_mem>>) src(%arg29 : memref<80xf32, #tpu.memory_space<vmem>>) dst(%dma_wait3A_125 : memref<10112xf32, #tpu.memory_space<vmem_shared>>)
      tpu.yield
    }) : () -> ()
    %dma_wait3A_92 = arith.constant 0 : i32
    %dma_wait3A_93 = arith.constant 0 : i32
    %dma_wait3A_94 = tpu.memref_slice %arg2[%dma_wait3A_92, %dma_wait3A_93] : memref<10000x128xf32, #tpu.memory_space<hbm>> -> memref<10000x128xf32, #tpu.memory_space<hbm>>
    tpu.wait_indirect_dma semaphore(%arg23 : memref<!tpu.dma_semaphore, #tpu.memory_space<semaphore_mem>>) src(%dma_wait3A_94 : memref<10000x128xf32, #tpu.memory_space<hbm>>) dst(%arg18 : memref<80x128xf32, #tpu.memory_space<vmem>>)
    %dma_start3A_95 = arith.constant 0 : i32
    %dma_start3A_96 = arith.constant 0 : i32
    %dma_start3A_97 = tpu.memref_slice %arg19[%dma_start3A_95, %dma_start3A_96] : memref<10112x128xf32, #tpu.memory_space<vmem_shared>> -> memref<10112x128xf32, #tpu.memory_space<vmem_shared>>
    tpu.enqueue_indirect_dma source(%arg18 : memref<80x128xf32, #tpu.memory_space<vmem>>) target(%dma_start3A_97 : memref<10112x128xf32, #tpu.memory_space<vmem_shared>>) offsets(%arg14 : memref<80xi32, #tpu.memory_space<vmem>>) semaphore(%arg27 : memref<!tpu.dma_semaphore, #tpu.memory_space<semaphore_mem>>) {add = true}
    "tpu.region"() ({
      %run_scoped3A = tpu.sem_alloc : memref<!tpu.dma_semaphore, #tpu.memory_space<semaphore_mem>>
      %dma_start3A_122 = arith.constant 0 : i32
      %dma_start3A_123 = tpu.memref_slice %arg31[%dma_start3A_122] : memref<10112xf32, #tpu.memory_space<vmem_shared>> -> memref<10112xf32, #tpu.memory_space<vmem_shared>>
      tpu.enqueue_indirect_dma source(%arg29 : memref<80xf32, #tpu.memory_space<vmem>>) target(%dma_start3A_123 : memref<10112xf32, #tpu.memory_space<vmem_shared>>) offsets(%arg14 : memref<80xi32, #tpu.memory_space<vmem>>) semaphore(%run_scoped3A : memref<!tpu.dma_semaphore, #tpu.memory_space<semaphore_mem>>) {add = true}
      %dma_wait3A_124 = arith.constant 0 : i32
      %dma_wait3A_125 = tpu.memref_slice %arg31[%dma_wait3A_124] : memref<10112xf32, #tpu.memory_space<vmem_shared>> -> memref<10112xf32, #tpu.memory_space<vmem_shared>>
      tpu.wait_indirect_dma semaphore(%run_scoped3A : memref<!tpu.dma_semaphore, #tpu.memory_space<semaphore_mem>>) src(%arg29 : memref<80xf32, #tpu.memory_space<vmem>>) dst(%dma_wait3A_125 : memref<10112xf32, #tpu.memory_space<vmem_shared>>)
      tpu.yield
    }) : () -> ()
    %dma_wait3A_98 = arith.constant 0 : i32
    %dma_wait3A_99 = arith.constant 0 : i32
    %dma_wait3A_100 = tpu.memref_slice %arg19[%dma_wait3A_98, %dma_wait3A_99] : memref<10112x128xf32, #tpu.memory_space<vmem_shared>> -> memref<10112x128xf32, #tpu.memory_space<vmem_shared>>
    tpu.wait_indirect_dma semaphore(%arg24 : memref<!tpu.dma_semaphore, #tpu.memory_space<semaphore_mem>>) src(%arg15 : memref<80x128xf32, #tpu.memory_space<vmem>>) dst(%dma_wait3A_100 : memref<10112x128xf32, #tpu.memory_space<vmem_shared>>)
    %dma_wait3A_101 = arith.constant 0 : i32
    %dma_wait3A_102 = arith.constant 0 : i32
    %dma_wait3A_103 = tpu.memref_slice %arg19[%dma_wait3A_101, %dma_wait3A_102] : memref<10112x128xf32, #tpu.memory_space<vmem_shared>> -> memref<10112x128xf32, #tpu.memory_space<vmem_shared>>
    tpu.wait_indirect_dma semaphore(%arg25 : memref<!tpu.dma_semaphore, #tpu.memory_space<semaphore_mem>>) src(%arg16 : memref<80x128xf32, #tpu.memory_space<vmem>>) dst(%dma_wait3A_103 : memref<10112x128xf32, #tpu.memory_space<vmem_shared>>)
    %dma_wait3A_104 = arith.constant 0 : i32
    %dma_wait3A_105 = arith.constant 0 : i32
    %dma_wait3A_106 = tpu.memref_slice %arg19[%dma_wait3A_104, %dma_wait3A_105] : memref<10112x128xf32, #tpu.memory_space<vmem_shared>> -> memref<10112x128xf32, #tpu.memory_space<vmem_shared>>
    tpu.wait_indirect_dma semaphore(%arg26 : memref<!tpu.dma_semaphore, #tpu.memory_space<semaphore_mem>>) src(%arg17 : memref<80x128xf32, #tpu.memory_space<vmem>>) dst(%dma_wait3A_106 : memref<10112x128xf32, #tpu.memory_space<vmem_shared>>)
    %dma_wait3A_107 = arith.constant 0 : i32
    %dma_wait3A_108 = arith.constant 0 : i32
    %dma_wait3A_109 = tpu.memref_slice %arg19[%dma_wait3A_107, %dma_wait3A_108] : memref<10112x128xf32, #tpu.memory_space<vmem_shared>> -> memref<10112x128xf32, #tpu.memory_space<vmem_shared>>
    tpu.wait_indirect_dma semaphore(%arg27 : memref<!tpu.dma_semaphore, #tpu.memory_space<semaphore_mem>>) src(%arg18 : memref<80x128xf32, #tpu.memory_space<vmem>>) dst(%dma_wait3A_109 : memref<10112x128xf32, #tpu.memory_space<vmem_shared>>)
    %barrier3A_110 = arith.constant 0 : index
    tpu.barrier barrier_id(%barrier3A_110)
    %mul3A_111 = arith.constant 632 : i32
    %mul3A_112 = arith.muli %arg1, %mul3A_111 : i32
    %mul3A_113 = arith.constant 632 : i32
    %mul3A_114 = arith.muli %arg1, %mul3A_113 : i32
    "tpu.region"() ({
      %run_scoped3A = tpu.sem_alloc : memref<!tpu.dma_semaphore, #tpu.memory_space<semaphore_mem>>
      %dma_start3A_122 = arith.constant 0 : i32
      %dma_start3A_123 = tpu.memref_slice %arg5[%arg0, %mul3A_114, %dma_start3A_122] : memref<2x10112x128xf32, #tpu.memory_space<hbm>> -> memref<1x632x128xf32, #tpu.memory_space<hbm>>
      %dma_start3A_124 = tpu.memref_squeeze %dma_start3A_123 : memref<1x632x128xf32, #tpu.memory_space<hbm>> -> memref<632x128xf32, #tpu.memory_space<hbm>>
      %dma_start3A_125 = arith.constant 0 : i32
      %dma_start3A_126 = tpu.memref_slice %arg19[%mul3A_112, %dma_start3A_125] : memref<10112x128xf32, #tpu.memory_space<vmem_shared>> -> memref<632x128xf32, #tpu.memory_space<vmem_shared>>
      tpu.enqueue_dma source(%dma_start3A_126 : memref<632x128xf32, #tpu.memory_space<vmem_shared>>) target(%dma_start3A_124 : memref<632x128xf32, #tpu.memory_space<hbm>>) target_semaphore(%run_scoped3A : memref<!tpu.dma_semaphore, #tpu.memory_space<semaphore_mem>>)
      %dma_wait3A_127 = arith.constant 0 : i32
      %dma_wait3A_128 = tpu.memref_slice %arg5[%arg0, %mul3A_114, %dma_wait3A_127] : memref<2x10112x128xf32, #tpu.memory_space<hbm>> -> memref<1x632x128xf32, #tpu.memory_space<hbm>>
      %dma_wait3A_129 = tpu.memref_squeeze %dma_wait3A_128 : memref<1x632x128xf32, #tpu.memory_space<hbm>> -> memref<632x128xf32, #tpu.memory_space<hbm>>
      %dma_wait3A_130 = arith.constant 0 : i32
      %dma_wait3A_131 = tpu.memref_slice %arg19[%mul3A_112, %dma_wait3A_130] : memref<10112x128xf32, #tpu.memory_space<vmem_shared>> -> memref<632x128xf32, #tpu.memory_space<vmem_shared>>
      tpu.wait_dma2 semaphore(%run_scoped3A : memref<!tpu.dma_semaphore, #tpu.memory_space<semaphore_mem>>) src(%dma_wait3A_131 : memref<632x128xf32, #tpu.memory_space<vmem_shared>>) dst(%dma_wait3A_129 : memref<632x128xf32, #tpu.memory_space<hbm>>)
      tpu.yield
    }) : () -> ()
    %mul3A_115 = arith.constant 632 : i32
    %mul3A_116 = arith.muli %arg1, %mul3A_115 : i32
    "tpu.region"() ({
      %run_scoped3A = tpu.sem_alloc : memref<!tpu.dma_semaphore, #tpu.memory_space<semaphore_mem>>
      %dma_start3A_122 = tpu.memref_slice %arg31[%mul3A_116] : memref<10112xf32, #tpu.memory_space<vmem_shared>> -> memref<632xf32, #tpu.memory_space<vmem_shared>>
      %dma_start3A_123 = tpu.memref_slice %arg31[%mul3A_116] : memref<10112xf32, #tpu.memory_space<vmem_shared>> -> memref<632xf32, #tpu.memory_space<vmem_shared>>
      tpu.enqueue_dma source(%dma_start3A_123 : memref<632xf32, #tpu.memory_space<vmem_shared>>) target(%arg30 : memref<632xf32, #tpu.memory_space<vmem>>) target_semaphore(%run_scoped3A : memref<!tpu.dma_semaphore, #tpu.memory_space<semaphore_mem>>)
      %dma_wait3A_124 = tpu.memref_slice %arg31[%mul3A_116] : memref<10112xf32, #tpu.memory_space<vmem_shared>> -> memref<632xf32, #tpu.memory_space<vmem_shared>>
      %dma_wait3A_125 = tpu.memref_slice %arg31[%mul3A_116] : memref<10112xf32, #tpu.memory_space<vmem_shared>> -> memref<632xf32, #tpu.memory_space<vmem_shared>>
      tpu.wait_dma2 semaphore(%run_scoped3A : memref<!tpu.dma_semaphore, #tpu.memory_space<semaphore_mem>>) src(%dma_wait3A_125 : memref<632xf32, #tpu.memory_space<vmem_shared>>) dst(%arg30 : memref<632xf32, #tpu.memory_space<vmem>>)
      tpu.yield
    }) : () -> ()
    %mul3A_117 = arith.constant 10112 : i32
    %mul3A_118 = arith.muli %arg0, %mul3A_117 : i32
    %mul3A_119 = arith.constant 632 : i32
    %mul3A_120 = arith.muli %arg1, %mul3A_119 : i32
    %add3A_121 = arith.addi %mul3A_118, %mul3A_120 : i32
    "tpu.region"() ({
      %run_scoped3A = tpu.sem_alloc : memref<!tpu.dma_semaphore, #tpu.memory_space<semaphore_mem>>
      %dma_start3A_122 = tpu.memref_slice %arg6[%add3A_121] : memref<20224xf32, #tpu.memory_space<hbm>> -> memref<632xf32, #tpu.memory_space<hbm>>
      %dma_start3A_123 = tpu.memref_slice %arg6[%add3A_121] : memref<20224xf32, #tpu.memory_space<hbm>> -> memref<632xf32, #tpu.memory_space<hbm>>
      tpu.enqueue_dma source(%arg30 : memref<632xf32, #tpu.memory_space<vmem>>) target(%dma_start3A_123 : memref<632xf32, #tpu.memory_space<hbm>>) target_semaphore(%run_scoped3A : memref<!tpu.dma_semaphore, #tpu.memory_space<semaphore_mem>>)
      %dma_wait3A_124 = tpu.memref_slice %arg6[%add3A_121] : memref<20224xf32, #tpu.memory_space<hbm>> -> memref<632xf32, #tpu.memory_space<hbm>>
      %dma_wait3A_125 = tpu.memref_slice %arg6[%add3A_121] : memref<20224xf32, #tpu.memory_space<hbm>> -> memref<632xf32, #tpu.memory_space<hbm>>
      tpu.wait_dma2 semaphore(%run_scoped3A : memref<!tpu.dma_semaphore, #tpu.memory_space<semaphore_mem>>) src(%arg30 : memref<632xf32, #tpu.memory_space<vmem>>) dst(%dma_wait3A_125 : memref<632xf32, #tpu.memory_space<hbm>>)
      tpu.yield
    }) : () -> ()
    return
  }
}

#map = affine_map<(d0, d1) -> (0, 0)>
#map1 = affine_map<(d0, d1) -> (0)>
#map2 = affine_map<(d0, d1) -> (0, 0, 0)>
module attributes {stable_mosaic.version = 14 : i64} {
  func.func @agg(%arg0: i32, %arg1: i32, %arg2: memref<10000x128xf32, #tpu.memory_space<hbm>>, %arg3: memref<320000xi32, #tpu.memory_space<hbm>>, %arg4: memref<320000xi32, #tpu.memory_space<hbm>>, %arg5: memref<2x10112x128xf32, #tpu.memory_space<hbm>>, %arg6: memref<80xi32, #tpu.memory_space<vmem>>, %arg7: memref<80xi32, #tpu.memory_space<vmem>>, %arg8: memref<80xi32, #tpu.memory_space<vmem>>, %arg9: memref<80xi32, #tpu.memory_space<vmem>>, %arg10: memref<80xi32, #tpu.memory_space<vmem>>, %arg11: memref<80xi32, #tpu.memory_space<vmem>>, %arg12: memref<80xi32, #tpu.memory_space<vmem>>, %arg13: memref<80xi32, #tpu.memory_space<vmem>>, %arg14: memref<80x128xf32, #tpu.memory_space<vmem>>, %arg15: memref<80x128xf32, #tpu.memory_space<vmem>>, %arg16: memref<80x128xf32, #tpu.memory_space<vmem>>, %arg17: memref<80x128xf32, #tpu.memory_space<vmem>>, %arg18: memref<10112x128xf32, #tpu.memory_space<vmem_shared>>, %arg19: memref<!tpu.dma_semaphore, #tpu.memory_space<semaphore_mem>>, %arg20: memref<!tpu.dma_semaphore, #tpu.memory_space<semaphore_mem>>, %arg21: memref<!tpu.dma_semaphore, #tpu.memory_space<semaphore_mem>>, %arg22: memref<!tpu.dma_semaphore, #tpu.memory_space<semaphore_mem>>, %arg23: memref<!tpu.dma_semaphore, #tpu.memory_space<semaphore_mem>>, %arg24: memref<!tpu.dma_semaphore, #tpu.memory_space<semaphore_mem>>, %arg25: memref<!tpu.dma_semaphore, #tpu.memory_space<semaphore_mem>>, %arg26: memref<!tpu.dma_semaphore, #tpu.memory_space<semaphore_mem>>, %arg27: memref<!tpu.dma_semaphore, #tpu.memory_space<semaphore_mem>>) attributes {dimension_semantics = [#tpu.dimension_semantics<core_parallel>, #tpu.dimension_semantics<subcore_parallel>], iteration_bounds = array<i64: 2, 16>, scalar_prefetch = 0 : i64, scratch_operands = 22 : i64, tpu.core_type = #tpu.core_type<sc_vector_subcore>, window_params = [{transform_indices = #map}, {transform_indices = #map1}, {transform_indices = #map1}, {transform_indices = #map2}]} {
    %mul3A = arith.constant 2 : i32
    %mul3A_0 = arith.muli %arg1, %mul3A : i32
    %add3A = arith.addi %mul3A_0, %arg0 : i32
    %mul3A_1 = arith.constant 10000 : i32
    %mul3A_2 = arith.muli %add3A, %mul3A_1 : i32
    %broadcast_in_dim3A = arith.constant 0.000000e+00 : f32
    %broadcast_in_dim3A_3 = vector.broadcast %broadcast_in_dim3A : f32 to vector<16xf32>
    %scan3A = arith.constant 0 : i32
    %scan3A_4 = arith.constant 0 : i32
    %scan3A_5 = arith.constant 80 : i32
    %scan3A_6 = arith.addi %scan3A_4, %scan3A_5 : i32
    %scan3A_7 = arith.constant 1 : i32
    scf.for %scan3A_82 = %scan3A_4 to %scan3A_6 step %scan3A_7  : i32 {
      %swap3A = arith.index_cast %scan3A_82 : i32 to index
      %swap3A_83 = arith.constant 0 : index
      %swap3A_84 = tpu.vector_load %arg14[%swap3A, %swap3A_83] {strides = array<i32>} : memref<80x128xf32, #tpu.memory_space<vmem>>, vector<1x16xf32>,
      %swap3A_85 = vector.shape_cast %swap3A_84 : vector<1x16xf32> to vector<16xf32>
      %swap3A_86 = vector.shape_cast %broadcast_in_dim3A_3 : vector<16xf32> to vector<1x16xf32>
      tpu.vector_store %arg14[%swap3A, %swap3A_83], %swap3A_86 {strides = array<i32>} : memref<80x128xf32, #tpu.memory_space<vmem>>, vector<1x16xf32>,
      %swap3A_87 = arith.index_cast %scan3A_82 : i32 to index
      %swap3A_88 = arith.constant 16 : index
      %swap3A_89 = tpu.vector_load %arg14[%swap3A_87, %swap3A_88] {strides = array<i32>} : memref<80x128xf32, #tpu.memory_space<vmem>>, vector<1x16xf32>,
      %swap3A_90 = vector.shape_cast %swap3A_89 : vector<1x16xf32> to vector<16xf32>
      %swap3A_91 = vector.shape_cast %broadcast_in_dim3A_3 : vector<16xf32> to vector<1x16xf32>
      tpu.vector_store %arg14[%swap3A_87, %swap3A_88], %swap3A_91 {strides = array<i32>} : memref<80x128xf32, #tpu.memory_space<vmem>>, vector<1x16xf32>,
      %swap3A_92 = arith.index_cast %scan3A_82 : i32 to index
      %swap3A_93 = arith.constant 32 : index
      %swap3A_94 = tpu.vector_load %arg14[%swap3A_92, %swap3A_93] {strides = array<i32>} : memref<80x128xf32, #tpu.memory_space<vmem>>, vector<1x16xf32>,
      %swap3A_95 = vector.shape_cast %swap3A_94 : vector<1x16xf32> to vector<16xf32>
      %swap3A_96 = vector.shape_cast %broadcast_in_dim3A_3 : vector<16xf32> to vector<1x16xf32>
      tpu.vector_store %arg14[%swap3A_92, %swap3A_93], %swap3A_96 {strides = array<i32>} : memref<80x128xf32, #tpu.memory_space<vmem>>, vector<1x16xf32>,
      %swap3A_97 = arith.index_cast %scan3A_82 : i32 to index
      %swap3A_98 = arith.constant 48 : index
      %swap3A_99 = tpu.vector_load %arg14[%swap3A_97, %swap3A_98] {strides = array<i32>} : memref<80x128xf32, #tpu.memory_space<vmem>>, vector<1x16xf32>,
      %swap3A_100 = vector.shape_cast %swap3A_99 : vector<1x16xf32> to vector<16xf32>
      %swap3A_101 = vector.shape_cast %broadcast_in_dim3A_3 : vector<16xf32> to vector<1x16xf32>
      tpu.vector_store %arg14[%swap3A_97, %swap3A_98], %swap3A_101 {strides = array<i32>} : memref<80x128xf32, #tpu.memory_space<vmem>>, vector<1x16xf32>,
      %swap3A_102 = arith.index_cast %scan3A_82 : i32 to index
      %swap3A_103 = arith.constant 64 : index
      %swap3A_104 = tpu.vector_load %arg14[%swap3A_102, %swap3A_103] {strides = array<i32>} : memref<80x128xf32, #tpu.memory_space<vmem>>, vector<1x16xf32>,
      %swap3A_105 = vector.shape_cast %swap3A_104 : vector<1x16xf32> to vector<16xf32>
      %swap3A_106 = vector.shape_cast %broadcast_in_dim3A_3 : vector<16xf32> to vector<1x16xf32>
      tpu.vector_store %arg14[%swap3A_102, %swap3A_103], %swap3A_106 {strides = array<i32>} : memref<80x128xf32, #tpu.memory_space<vmem>>, vector<1x16xf32>,
      %swap3A_107 = arith.index_cast %scan3A_82 : i32 to index
      %swap3A_108 = arith.constant 80 : index
      %swap3A_109 = tpu.vector_load %arg14[%swap3A_107, %swap3A_108] {strides = array<i32>} : memref<80x128xf32, #tpu.memory_space<vmem>>, vector<1x16xf32>,
      %swap3A_110 = vector.shape_cast %swap3A_109 : vector<1x16xf32> to vector<16xf32>
      %swap3A_111 = vector.shape_cast %broadcast_in_dim3A_3 : vector<16xf32> to vector<1x16xf32>
      tpu.vector_store %arg14[%swap3A_107, %swap3A_108], %swap3A_111 {strides = array<i32>} : memref<80x128xf32, #tpu.memory_space<vmem>>, vector<1x16xf32>,
      %swap3A_112 = arith.index_cast %scan3A_82 : i32 to index
      %swap3A_113 = arith.constant 96 : index
      %swap3A_114 = tpu.vector_load %arg14[%swap3A_112, %swap3A_113] {strides = array<i32>} : memref<80x128xf32, #tpu.memory_space<vmem>>, vector<1x16xf32>,
      %swap3A_115 = vector.shape_cast %swap3A_114 : vector<1x16xf32> to vector<16xf32>
      %swap3A_116 = vector.shape_cast %broadcast_in_dim3A_3 : vector<16xf32> to vector<1x16xf32>
      tpu.vector_store %arg14[%swap3A_112, %swap3A_113], %swap3A_116 {strides = array<i32>} : memref<80x128xf32, #tpu.memory_space<vmem>>, vector<1x16xf32>,
      %swap3A_117 = arith.index_cast %scan3A_82 : i32 to index
      %swap3A_118 = arith.constant 112 : index
      %swap3A_119 = tpu.vector_load %arg14[%swap3A_117, %swap3A_118] {strides = array<i32>} : memref<80x128xf32, #tpu.memory_space<vmem>>, vector<1x16xf32>,
      %swap3A_120 = vector.shape_cast %swap3A_119 : vector<1x16xf32> to vector<16xf32>
      %swap3A_121 = vector.shape_cast %broadcast_in_dim3A_3 : vector<16xf32> to vector<1x16xf32>
      tpu.vector_store %arg14[%swap3A_117, %swap3A_118], %swap3A_121 {strides = array<i32>} : memref<80x128xf32, #tpu.memory_space<vmem>>, vector<1x16xf32>,
    }
    %scan3A_8 = arith.constant 80 : i32
    %mul3A_9 = arith.constant 632 : i32
    %mul3A_10 = arith.muli %arg1, %mul3A_9 : i32
    %add3A_11 = arith.constant 0 : i32
    %add3A_12 = arith.addi %mul3A_10, %add3A_11 : i32
    "tpu.region"() ({
      %run_scoped3A = tpu.sem_alloc : memref<!tpu.dma_semaphore, #tpu.memory_space<semaphore_mem>>
      %dma_start3A_82 = arith.constant 0 : i32
      %dma_start3A_83 = arith.constant 0 : i32
      %dma_start3A_84 = tpu.memref_slice %arg14[%dma_start3A_82, %dma_start3A_83] : memref<80x128xf32, #tpu.memory_space<vmem>> -> memref<80x128xf32, #tpu.memory_space<vmem>>
      %dma_start3A_85 = arith.constant 0 : i32
      %dma_start3A_86 = tpu.memref_slice %arg18[%add3A_12, %dma_start3A_85] : memref<10112x128xf32, #tpu.memory_space<vmem_shared>> -> memref<80x128xf32, #tpu.memory_space<vmem_shared>>
      %dma_start3A_87 = arith.constant 0 : i32
      %dma_start3A_88 = tpu.memref_slice %arg18[%add3A_12, %dma_start3A_87] : memref<10112x128xf32, #tpu.memory_space<vmem_shared>> -> memref<80x128xf32, #tpu.memory_space<vmem_shared>>
      %dma_start3A_89 = arith.constant 0 : i32
      %dma_start3A_90 = arith.constant 0 : i32
      %dma_start3A_91 = tpu.memref_slice %arg14[%dma_start3A_89, %dma_start3A_90] : memref<80x128xf32, #tpu.memory_space<vmem>> -> memref<80x128xf32, #tpu.memory_space<vmem>>
      tpu.enqueue_dma source(%dma_start3A_91 : memref<80x128xf32, #tpu.memory_space<vmem>>) target(%dma_start3A_88 : memref<80x128xf32, #tpu.memory_space<vmem_shared>>) target_semaphore(%run_scoped3A : memref<!tpu.dma_semaphore, #tpu.memory_space<semaphore_mem>>)
      %dma_wait3A_92 = arith.constant 0 : i32
      %dma_wait3A_93 = arith.constant 0 : i32
      %dma_wait3A_94 = tpu.memref_slice %arg14[%dma_wait3A_92, %dma_wait3A_93] : memref<80x128xf32, #tpu.memory_space<vmem>> -> memref<80x128xf32, #tpu.memory_space<vmem>>
      %dma_wait3A_95 = arith.constant 0 : i32
      %dma_wait3A_96 = tpu.memref_slice %arg18[%add3A_12, %dma_wait3A_95] : memref<10112x128xf32, #tpu.memory_space<vmem_shared>> -> memref<80x128xf32, #tpu.memory_space<vmem_shared>>
      %dma_wait3A_97 = arith.constant 0 : i32
      %dma_wait3A_98 = tpu.memref_slice %arg18[%add3A_12, %dma_wait3A_97] : memref<10112x128xf32, #tpu.memory_space<vmem_shared>> -> memref<80x128xf32, #tpu.memory_space<vmem_shared>>
      %dma_wait3A_99 = arith.constant 0 : i32
      %dma_wait3A_100 = arith.constant 0 : i32
      %dma_wait3A_101 = tpu.memref_slice %arg14[%dma_wait3A_99, %dma_wait3A_100] : memref<80x128xf32, #tpu.memory_space<vmem>> -> memref<80x128xf32, #tpu.memory_space<vmem>>
      tpu.wait_dma2 semaphore(%run_scoped3A : memref<!tpu.dma_semaphore, #tpu.memory_space<semaphore_mem>>) src(%dma_wait3A_101 : memref<80x128xf32, #tpu.memory_space<vmem>>) dst(%dma_wait3A_98 : memref<80x128xf32, #tpu.memory_space<vmem_shared>>)
      tpu.yield
    }) : () -> ()
    %mul3A_13 = arith.constant 632 : i32
    %mul3A_14 = arith.muli %arg1, %mul3A_13 : i32
    %add3A_15 = arith.constant 80 : i32
    %add3A_16 = arith.addi %mul3A_14, %add3A_15 : i32
    "tpu.region"() ({
      %run_scoped3A = tpu.sem_alloc : memref<!tpu.dma_semaphore, #tpu.memory_space<semaphore_mem>>
      %dma_start3A_82 = arith.constant 0 : i32
      %dma_start3A_83 = arith.constant 0 : i32
      %dma_start3A_84 = tpu.memref_slice %arg14[%dma_start3A_82, %dma_start3A_83] : memref<80x128xf32, #tpu.memory_space<vmem>> -> memref<80x128xf32, #tpu.memory_space<vmem>>
      %dma_start3A_85 = arith.constant 0 : i32
      %dma_start3A_86 = tpu.memref_slice %arg18[%add3A_16, %dma_start3A_85] : memref<10112x128xf32, #tpu.memory_space<vmem_shared>> -> memref<80x128xf32, #tpu.memory_space<vmem_shared>>
      %dma_start3A_87 = arith.constant 0 : i32
      %dma_start3A_88 = tpu.memref_slice %arg18[%add3A_16, %dma_start3A_87] : memref<10112x128xf32, #tpu.memory_space<vmem_shared>> -> memref<80x128xf32, #tpu.memory_space<vmem_shared>>
      %dma_start3A_89 = arith.constant 0 : i32
      %dma_start3A_90 = arith.constant 0 : i32
      %dma_start3A_91 = tpu.memref_slice %arg14[%dma_start3A_89, %dma_start3A_90] : memref<80x128xf32, #tpu.memory_space<vmem>> -> memref<80x128xf32, #tpu.memory_space<vmem>>
      tpu.enqueue_dma source(%dma_start3A_91 : memref<80x128xf32, #tpu.memory_space<vmem>>) target(%dma_start3A_88 : memref<80x128xf32, #tpu.memory_space<vmem_shared>>) target_semaphore(%run_scoped3A : memref<!tpu.dma_semaphore, #tpu.memory_space<semaphore_mem>>)
      %dma_wait3A_92 = arith.constant 0 : i32
      %dma_wait3A_93 = arith.constant 0 : i32
      %dma_wait3A_94 = tpu.memref_slice %arg14[%dma_wait3A_92, %dma_wait3A_93] : memref<80x128xf32, #tpu.memory_space<vmem>> -> memref<80x128xf32, #tpu.memory_space<vmem>>
      %dma_wait3A_95 = arith.constant 0 : i32
      %dma_wait3A_96 = tpu.memref_slice %arg18[%add3A_16, %dma_wait3A_95] : memref<10112x128xf32, #tpu.memory_space<vmem_shared>> -> memref<80x128xf32, #tpu.memory_space<vmem_shared>>
      %dma_wait3A_97 = arith.constant 0 : i32
      %dma_wait3A_98 = tpu.memref_slice %arg18[%add3A_16, %dma_wait3A_97] : memref<10112x128xf32, #tpu.memory_space<vmem_shared>> -> memref<80x128xf32, #tpu.memory_space<vmem_shared>>
      %dma_wait3A_99 = arith.constant 0 : i32
      %dma_wait3A_100 = arith.constant 0 : i32
      %dma_wait3A_101 = tpu.memref_slice %arg14[%dma_wait3A_99, %dma_wait3A_100] : memref<80x128xf32, #tpu.memory_space<vmem>> -> memref<80x128xf32, #tpu.memory_space<vmem>>
      tpu.wait_dma2 semaphore(%run_scoped3A : memref<!tpu.dma_semaphore, #tpu.memory_space<semaphore_mem>>) src(%dma_wait3A_101 : memref<80x128xf32, #tpu.memory_space<vmem>>) dst(%dma_wait3A_98 : memref<80x128xf32, #tpu.memory_space<vmem_shared>>)
      tpu.yield
    }) : () -> ()
    %mul3A_17 = arith.constant 632 : i32
    %mul3A_18 = arith.muli %arg1, %mul3A_17 : i32
    %add3A_19 = arith.constant 160 : i32
    %add3A_20 = arith.addi %mul3A_18, %add3A_19 : i32
    "tpu.region"() ({
      %run_scoped3A = tpu.sem_alloc : memref<!tpu.dma_semaphore, #tpu.memory_space<semaphore_mem>>
      %dma_start3A_82 = arith.constant 0 : i32
      %dma_start3A_83 = arith.constant 0 : i32
      %dma_start3A_84 = tpu.memref_slice %arg14[%dma_start3A_82, %dma_start3A_83] : memref<80x128xf32, #tpu.memory_space<vmem>> -> memref<80x128xf32, #tpu.memory_space<vmem>>
      %dma_start3A_85 = arith.constant 0 : i32
      %dma_start3A_86 = tpu.memref_slice %arg18[%add3A_20, %dma_start3A_85] : memref<10112x128xf32, #tpu.memory_space<vmem_shared>> -> memref<80x128xf32, #tpu.memory_space<vmem_shared>>
      %dma_start3A_87 = arith.constant 0 : i32
      %dma_start3A_88 = tpu.memref_slice %arg18[%add3A_20, %dma_start3A_87] : memref<10112x128xf32, #tpu.memory_space<vmem_shared>> -> memref<80x128xf32, #tpu.memory_space<vmem_shared>>
      %dma_start3A_89 = arith.constant 0 : i32
      %dma_start3A_90 = arith.constant 0 : i32
      %dma_start3A_91 = tpu.memref_slice %arg14[%dma_start3A_89, %dma_start3A_90] : memref<80x128xf32, #tpu.memory_space<vmem>> -> memref<80x128xf32, #tpu.memory_space<vmem>>
      tpu.enqueue_dma source(%dma_start3A_91 : memref<80x128xf32, #tpu.memory_space<vmem>>) target(%dma_start3A_88 : memref<80x128xf32, #tpu.memory_space<vmem_shared>>) target_semaphore(%run_scoped3A : memref<!tpu.dma_semaphore, #tpu.memory_space<semaphore_mem>>)
      %dma_wait3A_92 = arith.constant 0 : i32
      %dma_wait3A_93 = arith.constant 0 : i32
      %dma_wait3A_94 = tpu.memref_slice %arg14[%dma_wait3A_92, %dma_wait3A_93] : memref<80x128xf32, #tpu.memory_space<vmem>> -> memref<80x128xf32, #tpu.memory_space<vmem>>
      %dma_wait3A_95 = arith.constant 0 : i32
      %dma_wait3A_96 = tpu.memref_slice %arg18[%add3A_20, %dma_wait3A_95] : memref<10112x128xf32, #tpu.memory_space<vmem_shared>> -> memref<80x128xf32, #tpu.memory_space<vmem_shared>>
      %dma_wait3A_97 = arith.constant 0 : i32
      %dma_wait3A_98 = tpu.memref_slice %arg18[%add3A_20, %dma_wait3A_97] : memref<10112x128xf32, #tpu.memory_space<vmem_shared>> -> memref<80x128xf32, #tpu.memory_space<vmem_shared>>
      %dma_wait3A_99 = arith.constant 0 : i32
      %dma_wait3A_100 = arith.constant 0 : i32
      %dma_wait3A_101 = tpu.memref_slice %arg14[%dma_wait3A_99, %dma_wait3A_100] : memref<80x128xf32, #tpu.memory_space<vmem>> -> memref<80x128xf32, #tpu.memory_space<vmem>>
      tpu.wait_dma2 semaphore(%run_scoped3A : memref<!tpu.dma_semaphore, #tpu.memory_space<semaphore_mem>>) src(%dma_wait3A_101 : memref<80x128xf32, #tpu.memory_space<vmem>>) dst(%dma_wait3A_98 : memref<80x128xf32, #tpu.memory_space<vmem_shared>>)
      tpu.yield
    }) : () -> ()
    %mul3A_21 = arith.constant 632 : i32
    %mul3A_22 = arith.muli %arg1, %mul3A_21 : i32
    %add3A_23 = arith.constant 240 : i32
    %add3A_24 = arith.addi %mul3A_22, %add3A_23 : i32
    "tpu.region"() ({
      %run_scoped3A = tpu.sem_alloc : memref<!tpu.dma_semaphore, #tpu.memory_space<semaphore_mem>>
      %dma_start3A_82 = arith.constant 0 : i32
      %dma_start3A_83 = arith.constant 0 : i32
      %dma_start3A_84 = tpu.memref_slice %arg14[%dma_start3A_82, %dma_start3A_83] : memref<80x128xf32, #tpu.memory_space<vmem>> -> memref<80x128xf32, #tpu.memory_space<vmem>>
      %dma_start3A_85 = arith.constant 0 : i32
      %dma_start3A_86 = tpu.memref_slice %arg18[%add3A_24, %dma_start3A_85] : memref<10112x128xf32, #tpu.memory_space<vmem_shared>> -> memref<80x128xf32, #tpu.memory_space<vmem_shared>>
      %dma_start3A_87 = arith.constant 0 : i32
      %dma_start3A_88 = tpu.memref_slice %arg18[%add3A_24, %dma_start3A_87] : memref<10112x128xf32, #tpu.memory_space<vmem_shared>> -> memref<80x128xf32, #tpu.memory_space<vmem_shared>>
      %dma_start3A_89 = arith.constant 0 : i32
      %dma_start3A_90 = arith.constant 0 : i32
      %dma_start3A_91 = tpu.memref_slice %arg14[%dma_start3A_89, %dma_start3A_90] : memref<80x128xf32, #tpu.memory_space<vmem>> -> memref<80x128xf32, #tpu.memory_space<vmem>>
      tpu.enqueue_dma source(%dma_start3A_91 : memref<80x128xf32, #tpu.memory_space<vmem>>) target(%dma_start3A_88 : memref<80x128xf32, #tpu.memory_space<vmem_shared>>) target_semaphore(%run_scoped3A : memref<!tpu.dma_semaphore, #tpu.memory_space<semaphore_mem>>)
      %dma_wait3A_92 = arith.constant 0 : i32
      %dma_wait3A_93 = arith.constant 0 : i32
      %dma_wait3A_94 = tpu.memref_slice %arg14[%dma_wait3A_92, %dma_wait3A_93] : memref<80x128xf32, #tpu.memory_space<vmem>> -> memref<80x128xf32, #tpu.memory_space<vmem>>
      %dma_wait3A_95 = arith.constant 0 : i32
      %dma_wait3A_96 = tpu.memref_slice %arg18[%add3A_24, %dma_wait3A_95] : memref<10112x128xf32, #tpu.memory_space<vmem_shared>> -> memref<80x128xf32, #tpu.memory_space<vmem_shared>>
      %dma_wait3A_97 = arith.constant 0 : i32
      %dma_wait3A_98 = tpu.memref_slice %arg18[%add3A_24, %dma_wait3A_97] : memref<10112x128xf32, #tpu.memory_space<vmem_shared>> -> memref<80x128xf32, #tpu.memory_space<vmem_shared>>
      %dma_wait3A_99 = arith.constant 0 : i32
      %dma_wait3A_100 = arith.constant 0 : i32
      %dma_wait3A_101 = tpu.memref_slice %arg14[%dma_wait3A_99, %dma_wait3A_100] : memref<80x128xf32, #tpu.memory_space<vmem>> -> memref<80x128xf32, #tpu.memory_space<vmem>>
      tpu.wait_dma2 semaphore(%run_scoped3A : memref<!tpu.dma_semaphore, #tpu.memory_space<semaphore_mem>>) src(%dma_wait3A_101 : memref<80x128xf32, #tpu.memory_space<vmem>>) dst(%dma_wait3A_98 : memref<80x128xf32, #tpu.memory_space<vmem_shared>>)
      tpu.yield
    }) : () -> ()
    %mul3A_25 = arith.constant 632 : i32
    %mul3A_26 = arith.muli %arg1, %mul3A_25 : i32
    %add3A_27 = arith.constant 320 : i32
    %add3A_28 = arith.addi %mul3A_26, %add3A_27 : i32
    "tpu.region"() ({
      %run_scoped3A = tpu.sem_alloc : memref<!tpu.dma_semaphore, #tpu.memory_space<semaphore_mem>>
      %dma_start3A_82 = arith.constant 0 : i32
      %dma_start3A_83 = arith.constant 0 : i32
      %dma_start3A_84 = tpu.memref_slice %arg14[%dma_start3A_82, %dma_start3A_83] : memref<80x128xf32, #tpu.memory_space<vmem>> -> memref<80x128xf32, #tpu.memory_space<vmem>>
      %dma_start3A_85 = arith.constant 0 : i32
      %dma_start3A_86 = tpu.memref_slice %arg18[%add3A_28, %dma_start3A_85] : memref<10112x128xf32, #tpu.memory_space<vmem_shared>> -> memref<80x128xf32, #tpu.memory_space<vmem_shared>>
      %dma_start3A_87 = arith.constant 0 : i32
      %dma_start3A_88 = tpu.memref_slice %arg18[%add3A_28, %dma_start3A_87] : memref<10112x128xf32, #tpu.memory_space<vmem_shared>> -> memref<80x128xf32, #tpu.memory_space<vmem_shared>>
      %dma_start3A_89 = arith.constant 0 : i32
      %dma_start3A_90 = arith.constant 0 : i32
      %dma_start3A_91 = tpu.memref_slice %arg14[%dma_start3A_89, %dma_start3A_90] : memref<80x128xf32, #tpu.memory_space<vmem>> -> memref<80x128xf32, #tpu.memory_space<vmem>>
      tpu.enqueue_dma source(%dma_start3A_91 : memref<80x128xf32, #tpu.memory_space<vmem>>) target(%dma_start3A_88 : memref<80x128xf32, #tpu.memory_space<vmem_shared>>) target_semaphore(%run_scoped3A : memref<!tpu.dma_semaphore, #tpu.memory_space<semaphore_mem>>)
      %dma_wait3A_92 = arith.constant 0 : i32
      %dma_wait3A_93 = arith.constant 0 : i32
      %dma_wait3A_94 = tpu.memref_slice %arg14[%dma_wait3A_92, %dma_wait3A_93] : memref<80x128xf32, #tpu.memory_space<vmem>> -> memref<80x128xf32, #tpu.memory_space<vmem>>
      %dma_wait3A_95 = arith.constant 0 : i32
      %dma_wait3A_96 = tpu.memref_slice %arg18[%add3A_28, %dma_wait3A_95] : memref<10112x128xf32, #tpu.memory_space<vmem_shared>> -> memref<80x128xf32, #tpu.memory_space<vmem_shared>>
      %dma_wait3A_97 = arith.constant 0 : i32
      %dma_wait3A_98 = tpu.memref_slice %arg18[%add3A_28, %dma_wait3A_97] : memref<10112x128xf32, #tpu.memory_space<vmem_shared>> -> memref<80x128xf32, #tpu.memory_space<vmem_shared>>
      %dma_wait3A_99 = arith.constant 0 : i32
      %dma_wait3A_100 = arith.constant 0 : i32
      %dma_wait3A_101 = tpu.memref_slice %arg14[%dma_wait3A_99, %dma_wait3A_100] : memref<80x128xf32, #tpu.memory_space<vmem>> -> memref<80x128xf32, #tpu.memory_space<vmem>>
      tpu.wait_dma2 semaphore(%run_scoped3A : memref<!tpu.dma_semaphore, #tpu.memory_space<semaphore_mem>>) src(%dma_wait3A_101 : memref<80x128xf32, #tpu.memory_space<vmem>>) dst(%dma_wait3A_98 : memref<80x128xf32, #tpu.memory_space<vmem_shared>>)
      tpu.yield
    }) : () -> ()
    %mul3A_29 = arith.constant 632 : i32
    %mul3A_30 = arith.muli %arg1, %mul3A_29 : i32
    %add3A_31 = arith.constant 400 : i32
    %add3A_32 = arith.addi %mul3A_30, %add3A_31 : i32
    "tpu.region"() ({
      %run_scoped3A = tpu.sem_alloc : memref<!tpu.dma_semaphore, #tpu.memory_space<semaphore_mem>>
      %dma_start3A_82 = arith.constant 0 : i32
      %dma_start3A_83 = arith.constant 0 : i32
      %dma_start3A_84 = tpu.memref_slice %arg14[%dma_start3A_82, %dma_start3A_83] : memref<80x128xf32, #tpu.memory_space<vmem>> -> memref<80x128xf32, #tpu.memory_space<vmem>>
      %dma_start3A_85 = arith.constant 0 : i32
      %dma_start3A_86 = tpu.memref_slice %arg18[%add3A_32, %dma_start3A_85] : memref<10112x128xf32, #tpu.memory_space<vmem_shared>> -> memref<80x128xf32, #tpu.memory_space<vmem_shared>>
      %dma_start3A_87 = arith.constant 0 : i32
      %dma_start3A_88 = tpu.memref_slice %arg18[%add3A_32, %dma_start3A_87] : memref<10112x128xf32, #tpu.memory_space<vmem_shared>> -> memref<80x128xf32, #tpu.memory_space<vmem_shared>>
      %dma_start3A_89 = arith.constant 0 : i32
      %dma_start3A_90 = arith.constant 0 : i32
      %dma_start3A_91 = tpu.memref_slice %arg14[%dma_start3A_89, %dma_start3A_90] : memref<80x128xf32, #tpu.memory_space<vmem>> -> memref<80x128xf32, #tpu.memory_space<vmem>>
      tpu.enqueue_dma source(%dma_start3A_91 : memref<80x128xf32, #tpu.memory_space<vmem>>) target(%dma_start3A_88 : memref<80x128xf32, #tpu.memory_space<vmem_shared>>) target_semaphore(%run_scoped3A : memref<!tpu.dma_semaphore, #tpu.memory_space<semaphore_mem>>)
      %dma_wait3A_92 = arith.constant 0 : i32
      %dma_wait3A_93 = arith.constant 0 : i32
      %dma_wait3A_94 = tpu.memref_slice %arg14[%dma_wait3A_92, %dma_wait3A_93] : memref<80x128xf32, #tpu.memory_space<vmem>> -> memref<80x128xf32, #tpu.memory_space<vmem>>
      %dma_wait3A_95 = arith.constant 0 : i32
      %dma_wait3A_96 = tpu.memref_slice %arg18[%add3A_32, %dma_wait3A_95] : memref<10112x128xf32, #tpu.memory_space<vmem_shared>> -> memref<80x128xf32, #tpu.memory_space<vmem_shared>>
      %dma_wait3A_97 = arith.constant 0 : i32
      %dma_wait3A_98 = tpu.memref_slice %arg18[%add3A_32, %dma_wait3A_97] : memref<10112x128xf32, #tpu.memory_space<vmem_shared>> -> memref<80x128xf32, #tpu.memory_space<vmem_shared>>
      %dma_wait3A_99 = arith.constant 0 : i32
      %dma_wait3A_100 = arith.constant 0 : i32
      %dma_wait3A_101 = tpu.memref_slice %arg14[%dma_wait3A_99, %dma_wait3A_100] : memref<80x128xf32, #tpu.memory_space<vmem>> -> memref<80x128xf32, #tpu.memory_space<vmem>>
      tpu.wait_dma2 semaphore(%run_scoped3A : memref<!tpu.dma_semaphore, #tpu.memory_space<semaphore_mem>>) src(%dma_wait3A_101 : memref<80x128xf32, #tpu.memory_space<vmem>>) dst(%dma_wait3A_98 : memref<80x128xf32, #tpu.memory_space<vmem_shared>>)
      tpu.yield
    }) : () -> ()
    %mul3A_33 = arith.constant 632 : i32
    %mul3A_34 = arith.muli %arg1, %mul3A_33 : i32
    %add3A_35 = arith.constant 480 : i32
    %add3A_36 = arith.addi %mul3A_34, %add3A_35 : i32
    "tpu.region"() ({
      %run_scoped3A = tpu.sem_alloc : memref<!tpu.dma_semaphore, #tpu.memory_space<semaphore_mem>>
      %dma_start3A_82 = arith.constant 0 : i32
      %dma_start3A_83 = arith.constant 0 : i32
      %dma_start3A_84 = tpu.memref_slice %arg14[%dma_start3A_82, %dma_start3A_83] : memref<80x128xf32, #tpu.memory_space<vmem>> -> memref<80x128xf32, #tpu.memory_space<vmem>>
      %dma_start3A_85 = arith.constant 0 : i32
      %dma_start3A_86 = tpu.memref_slice %arg18[%add3A_36, %dma_start3A_85] : memref<10112x128xf32, #tpu.memory_space<vmem_shared>> -> memref<80x128xf32, #tpu.memory_space<vmem_shared>>
      %dma_start3A_87 = arith.constant 0 : i32
      %dma_start3A_88 = tpu.memref_slice %arg18[%add3A_36, %dma_start3A_87] : memref<10112x128xf32, #tpu.memory_space<vmem_shared>> -> memref<80x128xf32, #tpu.memory_space<vmem_shared>>
      %dma_start3A_89 = arith.constant 0 : i32
      %dma_start3A_90 = arith.constant 0 : i32
      %dma_start3A_91 = tpu.memref_slice %arg14[%dma_start3A_89, %dma_start3A_90] : memref<80x128xf32, #tpu.memory_space<vmem>> -> memref<80x128xf32, #tpu.memory_space<vmem>>
      tpu.enqueue_dma source(%dma_start3A_91 : memref<80x128xf32, #tpu.memory_space<vmem>>) target(%dma_start3A_88 : memref<80x128xf32, #tpu.memory_space<vmem_shared>>) target_semaphore(%run_scoped3A : memref<!tpu.dma_semaphore, #tpu.memory_space<semaphore_mem>>)
      %dma_wait3A_92 = arith.constant 0 : i32
      %dma_wait3A_93 = arith.constant 0 : i32
      %dma_wait3A_94 = tpu.memref_slice %arg14[%dma_wait3A_92, %dma_wait3A_93] : memref<80x128xf32, #tpu.memory_space<vmem>> -> memref<80x128xf32, #tpu.memory_space<vmem>>
      %dma_wait3A_95 = arith.constant 0 : i32
      %dma_wait3A_96 = tpu.memref_slice %arg18[%add3A_36, %dma_wait3A_95] : memref<10112x128xf32, #tpu.memory_space<vmem_shared>> -> memref<80x128xf32, #tpu.memory_space<vmem_shared>>
      %dma_wait3A_97 = arith.constant 0 : i32
      %dma_wait3A_98 = tpu.memref_slice %arg18[%add3A_36, %dma_wait3A_97] : memref<10112x128xf32, #tpu.memory_space<vmem_shared>> -> memref<80x128xf32, #tpu.memory_space<vmem_shared>>
      %dma_wait3A_99 = arith.constant 0 : i32
      %dma_wait3A_100 = arith.constant 0 : i32
      %dma_wait3A_101 = tpu.memref_slice %arg14[%dma_wait3A_99, %dma_wait3A_100] : memref<80x128xf32, #tpu.memory_space<vmem>> -> memref<80x128xf32, #tpu.memory_space<vmem>>
      tpu.wait_dma2 semaphore(%run_scoped3A : memref<!tpu.dma_semaphore, #tpu.memory_space<semaphore_mem>>) src(%dma_wait3A_101 : memref<80x128xf32, #tpu.memory_space<vmem>>) dst(%dma_wait3A_98 : memref<80x128xf32, #tpu.memory_space<vmem_shared>>)
      tpu.yield
    }) : () -> ()
    %mul3A_37 = arith.constant 632 : i32
    %mul3A_38 = arith.muli %arg1, %mul3A_37 : i32
    %add3A_39 = arith.constant 560 : i32
    %add3A_40 = arith.addi %mul3A_38, %add3A_39 : i32
    "tpu.region"() ({
      %run_scoped3A = tpu.sem_alloc : memref<!tpu.dma_semaphore, #tpu.memory_space<semaphore_mem>>
      %dma_start3A_82 = arith.constant 0 : i32
      %dma_start3A_83 = arith.constant 0 : i32
      %dma_start3A_84 = tpu.memref_slice %arg14[%dma_start3A_82, %dma_start3A_83] : memref<80x128xf32, #tpu.memory_space<vmem>> -> memref<72x128xf32, #tpu.memory_space<vmem>>
      %dma_start3A_85 = arith.constant 0 : i32
      %dma_start3A_86 = tpu.memref_slice %arg18[%add3A_40, %dma_start3A_85] : memref<10112x128xf32, #tpu.memory_space<vmem_shared>> -> memref<72x128xf32, #tpu.memory_space<vmem_shared>>
      %dma_start3A_87 = arith.constant 0 : i32
      %dma_start3A_88 = tpu.memref_slice %arg18[%add3A_40, %dma_start3A_87] : memref<10112x128xf32, #tpu.memory_space<vmem_shared>> -> memref<72x128xf32, #tpu.memory_space<vmem_shared>>
      %dma_start3A_89 = arith.constant 0 : i32
      %dma_start3A_90 = arith.constant 0 : i32
      %dma_start3A_91 = tpu.memref_slice %arg14[%dma_start3A_89, %dma_start3A_90] : memref<80x128xf32, #tpu.memory_space<vmem>> -> memref<72x128xf32, #tpu.memory_space<vmem>>
      tpu.enqueue_dma source(%dma_start3A_91 : memref<72x128xf32, #tpu.memory_space<vmem>>) target(%dma_start3A_88 : memref<72x128xf32, #tpu.memory_space<vmem_shared>>) target_semaphore(%run_scoped3A : memref<!tpu.dma_semaphore, #tpu.memory_space<semaphore_mem>>)
      %dma_wait3A_92 = arith.constant 0 : i32
      %dma_wait3A_93 = arith.constant 0 : i32
      %dma_wait3A_94 = tpu.memref_slice %arg14[%dma_wait3A_92, %dma_wait3A_93] : memref<80x128xf32, #tpu.memory_space<vmem>> -> memref<72x128xf32, #tpu.memory_space<vmem>>
      %dma_wait3A_95 = arith.constant 0 : i32
      %dma_wait3A_96 = tpu.memref_slice %arg18[%add3A_40, %dma_wait3A_95] : memref<10112x128xf32, #tpu.memory_space<vmem_shared>> -> memref<72x128xf32, #tpu.memory_space<vmem_shared>>
      %dma_wait3A_97 = arith.constant 0 : i32
      %dma_wait3A_98 = tpu.memref_slice %arg18[%add3A_40, %dma_wait3A_97] : memref<10112x128xf32, #tpu.memory_space<vmem_shared>> -> memref<72x128xf32, #tpu.memory_space<vmem_shared>>
      %dma_wait3A_99 = arith.constant 0 : i32
      %dma_wait3A_100 = arith.constant 0 : i32
      %dma_wait3A_101 = tpu.memref_slice %arg14[%dma_wait3A_99, %dma_wait3A_100] : memref<80x128xf32, #tpu.memory_space<vmem>> -> memref<72x128xf32, #tpu.memory_space<vmem>>
      tpu.wait_dma2 semaphore(%run_scoped3A : memref<!tpu.dma_semaphore, #tpu.memory_space<semaphore_mem>>) src(%dma_wait3A_101 : memref<72x128xf32, #tpu.memory_space<vmem>>) dst(%dma_wait3A_98 : memref<72x128xf32, #tpu.memory_space<vmem_shared>>)
      tpu.yield
    }) : () -> ()
    %barrier3A = arith.constant 0 : index
    tpu.barrier barrier_id(%barrier3A)
    %broadcast_in_dim3A_41 = arith.constant 10000 : i32
    %broadcast_in_dim3A_42 = vector.broadcast %broadcast_in_dim3A_41 : i32 to vector<16xi32>
    %scan3A_43 = arith.constant 0 : i32
    %scan3A_44 = arith.constant 0 : i32
    %scan3A_45 = arith.constant 32 : i32
    %scan3A_46 = arith.addi %scan3A_44, %scan3A_45 : i32
    %scan3A_47 = arith.constant 1 : i32
    scf.for %scan3A_82 = %scan3A_44 to %scan3A_46 step %scan3A_47  : i32 {
      %mul3A_83 = arith.constant 4 : i32
      %mul3A_84 = arith.muli %scan3A_82, %mul3A_83 : i32
      %add3A_85 = arith.constant 0 : i32
      %add3A_86 = arith.addi %mul3A_84, %add3A_85 : i32
      %ge3A = arith.constant 4 : i32
      %ge3A_87 = arith.cmpi sge, %add3A_86, %ge3A : i32
      %convert_element_type3A = arith.extui %ge3A_87 : i1 to i32
      %cond3A = arith.constant 0 : i32
      %cond3A_88 = arith.cmpi ne, %convert_element_type3A, %cond3A : i32
      scf.if %cond3A_88 {
        %dma_wait3A_231 = arith.constant 0 : i32
        %dma_wait3A_232 = arith.constant 0 : i32
        %dma_wait3A_233 = tpu.memref_slice %arg18[%dma_wait3A_231, %dma_wait3A_232] : memref<10112x128xf32, #tpu.memory_space<vmem_shared>> -> memref<10112x128xf32, #tpu.memory_space<vmem_shared>>
        tpu.wait_indirect_dma semaphore(%arg23 : memref<!tpu.dma_semaphore, #tpu.memory_space<semaphore_mem>>) src(%arg14 : memref<80x128xf32, #tpu.memory_space<vmem>>) dst(%dma_wait3A_233 : memref<10112x128xf32, #tpu.memory_space<vmem_shared>>)
      } else {
      }
      %min3A = arith.constant 124 : i32
      %min3A_89 = arith.minsi %add3A_86, %min3A : i32
      %mul3A_90 = arith.constant 80 : i32
      %mul3A_91 = arith.muli %min3A_89, %mul3A_90 : i32
      %add3A_92 = arith.addi %mul3A_2, %mul3A_91 : i32
      %dma_start3A_93 = tpu.memref_slice %arg3[%add3A_92] : memref<320000xi32, #tpu.memory_space<hbm>> -> memref<80xi32, #tpu.memory_space<hbm>>
      %dma_start3A_94 = tpu.memref_slice %arg3[%add3A_92] : memref<320000xi32, #tpu.memory_space<hbm>> -> memref<80xi32, #tpu.memory_space<hbm>>
      tpu.enqueue_dma source(%dma_start3A_94 : memref<80xi32, #tpu.memory_space<hbm>>) target(%arg6 : memref<80xi32, #tpu.memory_space<vmem>>) target_semaphore(%arg27 : memref<!tpu.dma_semaphore, #tpu.memory_space<semaphore_mem>>)
      %mul3A_95 = arith.constant 80 : i32
      %mul3A_96 = arith.muli %min3A_89, %mul3A_95 : i32
      %add3A_97 = arith.addi %mul3A_2, %mul3A_96 : i32
      %dma_start3A_98 = tpu.memref_slice %arg4[%add3A_97] : memref<320000xi32, #tpu.memory_space<hbm>> -> memref<80xi32, #tpu.memory_space<hbm>>
      %dma_start3A_99 = tpu.memref_slice %arg4[%add3A_97] : memref<320000xi32, #tpu.memory_space<hbm>> -> memref<80xi32, #tpu.memory_space<hbm>>
      tpu.enqueue_dma source(%dma_start3A_99 : memref<80xi32, #tpu.memory_space<hbm>>) target(%arg10 : memref<80xi32, #tpu.memory_space<vmem>>) target_semaphore(%arg27 : memref<!tpu.dma_semaphore, #tpu.memory_space<semaphore_mem>>)
      %ge3A_100 = arith.constant 3 : i32
      %ge3A_101 = arith.cmpi sge, %add3A_86, %ge3A_100 : i32
      %convert_element_type3A_102 = arith.extui %ge3A_101 : i1 to i32
      %cond3A_103 = arith.constant 0 : i32
      %cond3A_104 = arith.cmpi ne, %convert_element_type3A_102, %cond3A_103 : i32
      scf.if %cond3A_104 {
        %dma_wait3A_231 = arith.constant 0 : i32
        %dma_wait3A_232 = arith.constant 0 : i32
        %dma_wait3A_233 = tpu.memref_slice %arg2[%dma_wait3A_231, %dma_wait3A_232] : memref<10000x128xf32, #tpu.memory_space<hbm>> -> memref<10000x128xf32, #tpu.memory_space<hbm>>
        tpu.wait_indirect_dma semaphore(%arg20 : memref<!tpu.dma_semaphore, #tpu.memory_space<semaphore_mem>>) src(%dma_wait3A_233 : memref<10000x128xf32, #tpu.memory_space<hbm>>) dst(%arg15 : memref<80x128xf32, #tpu.memory_space<vmem>>)
        %dma_start3A_234 = arith.constant 0 : i32
        %dma_start3A_235 = arith.constant 0 : i32
        %dma_start3A_236 = tpu.memref_slice %arg18[%dma_start3A_234, %dma_start3A_235] : memref<10112x128xf32, #tpu.memory_space<vmem_shared>> -> memref<10112x128xf32, #tpu.memory_space<vmem_shared>>
        tpu.enqueue_indirect_dma source(%arg15 : memref<80x128xf32, #tpu.memory_space<vmem>>) target(%dma_start3A_236 : memref<10112x128xf32, #tpu.memory_space<vmem_shared>>) offsets(%arg11 : memref<80xi32, #tpu.memory_space<vmem>>) semaphore(%arg24 : memref<!tpu.dma_semaphore, #tpu.memory_space<semaphore_mem>>) {add = true}
      } else {
      }
      %dma_wait3A_105 = tpu.memref_slice %arg3[%mul3A_2] : memref<320000xi32, #tpu.memory_space<hbm>> -> memref<80xi32, #tpu.memory_space<hbm>>
      %dma_wait3A_106 = tpu.memref_slice %arg3[%mul3A_2] : memref<320000xi32, #tpu.memory_space<hbm>> -> memref<80xi32, #tpu.memory_space<hbm>>
      tpu.wait_dma2 semaphore(%arg27 : memref<!tpu.dma_semaphore, #tpu.memory_space<semaphore_mem>>) src(%dma_wait3A_106 : memref<80xi32, #tpu.memory_space<hbm>>) dst(%arg6 : memref<80xi32, #tpu.memory_space<vmem>>)
      %dma_wait3A_107 = tpu.memref_slice %arg4[%mul3A_2] : memref<320000xi32, #tpu.memory_space<hbm>> -> memref<80xi32, #tpu.memory_space<hbm>>
      %dma_wait3A_108 = tpu.memref_slice %arg4[%mul3A_2] : memref<320000xi32, #tpu.memory_space<hbm>> -> memref<80xi32, #tpu.memory_space<hbm>>
      tpu.wait_dma2 semaphore(%arg27 : memref<!tpu.dma_semaphore, #tpu.memory_space<semaphore_mem>>) src(%dma_wait3A_108 : memref<80xi32, #tpu.memory_space<hbm>>) dst(%arg10 : memref<80xi32, #tpu.memory_space<vmem>>)
      %ge3A_109 = arith.constant 125 : i32
      %ge3A_110 = arith.cmpi sge, %add3A_86, %ge3A_109 : i32
      %convert_element_type3A_111 = arith.extui %ge3A_110 : i1 to i32
      %cond3A_112 = arith.constant 0 : i32
      %cond3A_113 = arith.cmpi ne, %convert_element_type3A_111, %cond3A_112 : i32
      scf.if %cond3A_113 {
        %swap3A = arith.constant 0 : index
        %swap3A_231 = tpu.vector_load %arg10[%swap3A] {strides = array<i32>} : memref<80xi32, #tpu.memory_space<vmem>>, vector<16xi32>,
        %swap3A_232 = vector.shape_cast %swap3A_231 : vector<16xi32> to vector<16xi32>
        %swap3A_233 = vector.shape_cast %broadcast_in_dim3A_42 : vector<16xi32> to vector<16xi32>
        tpu.vector_store %arg10[%swap3A], %swap3A_233 {strides = array<i32>} : memref<80xi32, #tpu.memory_space<vmem>>, vector<16xi32>,
        %swap3A_234 = arith.constant 16 : index
        %swap3A_235 = tpu.vector_load %arg10[%swap3A_234] {strides = array<i32>} : memref<80xi32, #tpu.memory_space<vmem>>, vector<16xi32>,
        %swap3A_236 = vector.shape_cast %swap3A_235 : vector<16xi32> to vector<16xi32>
        %swap3A_237 = vector.shape_cast %broadcast_in_dim3A_42 : vector<16xi32> to vector<16xi32>
        tpu.vector_store %arg10[%swap3A_234], %swap3A_237 {strides = array<i32>} : memref<80xi32, #tpu.memory_space<vmem>>, vector<16xi32>,
        %swap3A_238 = arith.constant 32 : index
        %swap3A_239 = tpu.vector_load %arg10[%swap3A_238] {strides = array<i32>} : memref<80xi32, #tpu.memory_space<vmem>>, vector<16xi32>,
        %swap3A_240 = vector.shape_cast %swap3A_239 : vector<16xi32> to vector<16xi32>
        %swap3A_241 = vector.shape_cast %broadcast_in_dim3A_42 : vector<16xi32> to vector<16xi32>
        tpu.vector_store %arg10[%swap3A_238], %swap3A_241 {strides = array<i32>} : memref<80xi32, #tpu.memory_space<vmem>>, vector<16xi32>,
        %swap3A_242 = arith.constant 48 : index
        %swap3A_243 = tpu.vector_load %arg10[%swap3A_242] {strides = array<i32>} : memref<80xi32, #tpu.memory_space<vmem>>, vector<16xi32>,
        %swap3A_244 = vector.shape_cast %swap3A_243 : vector<16xi32> to vector<16xi32>
        %swap3A_245 = vector.shape_cast %broadcast_in_dim3A_42 : vector<16xi32> to vector<16xi32>
        tpu.vector_store %arg10[%swap3A_242], %swap3A_245 {strides = array<i32>} : memref<80xi32, #tpu.memory_space<vmem>>, vector<16xi32>,
        %swap3A_246 = arith.constant 64 : index
        %swap3A_247 = tpu.vector_load %arg10[%swap3A_246] {strides = array<i32>} : memref<80xi32, #tpu.memory_space<vmem>>, vector<16xi32>,
        %swap3A_248 = vector.shape_cast %swap3A_247 : vector<16xi32> to vector<16xi32>
        %swap3A_249 = vector.shape_cast %broadcast_in_dim3A_42 : vector<16xi32> to vector<16xi32>
        tpu.vector_store %arg10[%swap3A_246], %swap3A_249 {strides = array<i32>} : memref<80xi32, #tpu.memory_space<vmem>>, vector<16xi32>,
      } else {
      }
      %dma_start3A_114 = arith.constant 0 : i32
      %dma_start3A_115 = arith.constant 0 : i32
      %dma_start3A_116 = tpu.memref_slice %arg2[%dma_start3A_114, %dma_start3A_115] : memref<10000x128xf32, #tpu.memory_space<hbm>> -> memref<10000x128xf32, #tpu.memory_space<hbm>>
      tpu.enqueue_indirect_dma source(%dma_start3A_116 : memref<10000x128xf32, #tpu.memory_space<hbm>>) target(%arg14 : memref<80x128xf32, #tpu.memory_space<vmem>>) offsets(%arg6 : memref<80xi32, #tpu.memory_space<vmem>>) semaphore(%arg19 : memref<!tpu.dma_semaphore, #tpu.memory_space<semaphore_mem>>)
      %mul3A_117 = arith.constant 4 : i32
      %mul3A_118 = arith.muli %scan3A_82, %mul3A_117 : i32
      %add3A_119 = arith.constant 1 : i32
      %add3A_120 = arith.addi %mul3A_118, %add3A_119 : i32
      %ge3A_121 = arith.constant 4 : i32
      %ge3A_122 = arith.cmpi sge, %add3A_120, %ge3A_121 : i32
      %convert_element_type3A_123 = arith.extui %ge3A_122 : i1 to i32
      %cond3A_124 = arith.constant 0 : i32
      %cond3A_125 = arith.cmpi ne, %convert_element_type3A_123, %cond3A_124 : i32
      scf.if %cond3A_125 {
        %dma_wait3A_231 = arith.constant 0 : i32
        %dma_wait3A_232 = arith.constant 0 : i32
        %dma_wait3A_233 = tpu.memref_slice %arg18[%dma_wait3A_231, %dma_wait3A_232] : memref<10112x128xf32, #tpu.memory_space<vmem_shared>> -> memref<10112x128xf32, #tpu.memory_space<vmem_shared>>
        tpu.wait_indirect_dma semaphore(%arg24 : memref<!tpu.dma_semaphore, #tpu.memory_space<semaphore_mem>>) src(%arg15 : memref<80x128xf32, #tpu.memory_space<vmem>>) dst(%dma_wait3A_233 : memref<10112x128xf32, #tpu.memory_space<vmem_shared>>)
      } else {
      }
      %min3A_126 = arith.constant 124 : i32
      %min3A_127 = arith.minsi %add3A_120, %min3A_126 : i32
      %mul3A_128 = arith.constant 80 : i32
      %mul3A_129 = arith.muli %min3A_127, %mul3A_128 : i32
      %add3A_130 = arith.addi %mul3A_2, %mul3A_129 : i32
      %dma_start3A_131 = tpu.memref_slice %arg3[%add3A_130] : memref<320000xi32, #tpu.memory_space<hbm>> -> memref<80xi32, #tpu.memory_space<hbm>>
      %dma_start3A_132 = tpu.memref_slice %arg3[%add3A_130] : memref<320000xi32, #tpu.memory_space<hbm>> -> memref<80xi32, #tpu.memory_space<hbm>>
      tpu.enqueue_dma source(%dma_start3A_132 : memref<80xi32, #tpu.memory_space<hbm>>) target(%arg7 : memref<80xi32, #tpu.memory_space<vmem>>) target_semaphore(%arg27 : memref<!tpu.dma_semaphore, #tpu.memory_space<semaphore_mem>>)
      %mul3A_133 = arith.constant 80 : i32
      %mul3A_134 = arith.muli %min3A_127, %mul3A_133 : i32
      %add3A_135 = arith.addi %mul3A_2, %mul3A_134 : i32
      %dma_start3A_136 = tpu.memref_slice %arg4[%add3A_135] : memref<320000xi32, #tpu.memory_space<hbm>> -> memref<80xi32, #tpu.memory_space<hbm>>
      %dma_start3A_137 = tpu.memref_slice %arg4[%add3A_135] : memref<320000xi32, #tpu.memory_space<hbm>> -> memref<80xi32, #tpu.memory_space<hbm>>
      tpu.enqueue_dma source(%dma_start3A_137 : memref<80xi32, #tpu.memory_space<hbm>>) target(%arg11 : memref<80xi32, #tpu.memory_space<vmem>>) target_semaphore(%arg27 : memref<!tpu.dma_semaphore, #tpu.memory_space<semaphore_mem>>)
      %ge3A_138 = arith.constant 3 : i32
      %ge3A_139 = arith.cmpi sge, %add3A_120, %ge3A_138 : i32
      %convert_element_type3A_140 = arith.extui %ge3A_139 : i1 to i32
      %cond3A_141 = arith.constant 0 : i32
      %cond3A_142 = arith.cmpi ne, %convert_element_type3A_140, %cond3A_141 : i32
      scf.if %cond3A_142 {
        %dma_wait3A_231 = arith.constant 0 : i32
        %dma_wait3A_232 = arith.constant 0 : i32
        %dma_wait3A_233 = tpu.memref_slice %arg2[%dma_wait3A_231, %dma_wait3A_232] : memref<10000x128xf32, #tpu.memory_space<hbm>> -> memref<10000x128xf32, #tpu.memory_space<hbm>>
        tpu.wait_indirect_dma semaphore(%arg21 : memref<!tpu.dma_semaphore, #tpu.memory_space<semaphore_mem>>) src(%dma_wait3A_233 : memref<10000x128xf32, #tpu.memory_space<hbm>>) dst(%arg16 : memref<80x128xf32, #tpu.memory_space<vmem>>)
        %dma_start3A_234 = arith.constant 0 : i32
        %dma_start3A_235 = arith.constant 0 : i32
        %dma_start3A_236 = tpu.memref_slice %arg18[%dma_start3A_234, %dma_start3A_235] : memref<10112x128xf32, #tpu.memory_space<vmem_shared>> -> memref<10112x128xf32, #tpu.memory_space<vmem_shared>>
        tpu.enqueue_indirect_dma source(%arg16 : memref<80x128xf32, #tpu.memory_space<vmem>>) target(%dma_start3A_236 : memref<10112x128xf32, #tpu.memory_space<vmem_shared>>) offsets(%arg12 : memref<80xi32, #tpu.memory_space<vmem>>) semaphore(%arg25 : memref<!tpu.dma_semaphore, #tpu.memory_space<semaphore_mem>>) {add = true}
      } else {
      }
      %dma_wait3A_143 = tpu.memref_slice %arg3[%mul3A_2] : memref<320000xi32, #tpu.memory_space<hbm>> -> memref<80xi32, #tpu.memory_space<hbm>>
      %dma_wait3A_144 = tpu.memref_slice %arg3[%mul3A_2] : memref<320000xi32, #tpu.memory_space<hbm>> -> memref<80xi32, #tpu.memory_space<hbm>>
      tpu.wait_dma2 semaphore(%arg27 : memref<!tpu.dma_semaphore, #tpu.memory_space<semaphore_mem>>) src(%dma_wait3A_144 : memref<80xi32, #tpu.memory_space<hbm>>) dst(%arg7 : memref<80xi32, #tpu.memory_space<vmem>>)
      %dma_wait3A_145 = tpu.memref_slice %arg4[%mul3A_2] : memref<320000xi32, #tpu.memory_space<hbm>> -> memref<80xi32, #tpu.memory_space<hbm>>
      %dma_wait3A_146 = tpu.memref_slice %arg4[%mul3A_2] : memref<320000xi32, #tpu.memory_space<hbm>> -> memref<80xi32, #tpu.memory_space<hbm>>
      tpu.wait_dma2 semaphore(%arg27 : memref<!tpu.dma_semaphore, #tpu.memory_space<semaphore_mem>>) src(%dma_wait3A_146 : memref<80xi32, #tpu.memory_space<hbm>>) dst(%arg11 : memref<80xi32, #tpu.memory_space<vmem>>)
      %ge3A_147 = arith.constant 125 : i32
      %ge3A_148 = arith.cmpi sge, %add3A_120, %ge3A_147 : i32
      %convert_element_type3A_149 = arith.extui %ge3A_148 : i1 to i32
      %cond3A_150 = arith.constant 0 : i32
      %cond3A_151 = arith.cmpi ne, %convert_element_type3A_149, %cond3A_150 : i32
      scf.if %cond3A_151 {
        %swap3A = arith.constant 0 : index
        %swap3A_231 = tpu.vector_load %arg11[%swap3A] {strides = array<i32>} : memref<80xi32, #tpu.memory_space<vmem>>, vector<16xi32>,
        %swap3A_232 = vector.shape_cast %swap3A_231 : vector<16xi32> to vector<16xi32>
        %swap3A_233 = vector.shape_cast %broadcast_in_dim3A_42 : vector<16xi32> to vector<16xi32>
        tpu.vector_store %arg11[%swap3A], %swap3A_233 {strides = array<i32>} : memref<80xi32, #tpu.memory_space<vmem>>, vector<16xi32>,
        %swap3A_234 = arith.constant 16 : index
        %swap3A_235 = tpu.vector_load %arg11[%swap3A_234] {strides = array<i32>} : memref<80xi32, #tpu.memory_space<vmem>>, vector<16xi32>,
        %swap3A_236 = vector.shape_cast %swap3A_235 : vector<16xi32> to vector<16xi32>
        %swap3A_237 = vector.shape_cast %broadcast_in_dim3A_42 : vector<16xi32> to vector<16xi32>
        tpu.vector_store %arg11[%swap3A_234], %swap3A_237 {strides = array<i32>} : memref<80xi32, #tpu.memory_space<vmem>>, vector<16xi32>,
        %swap3A_238 = arith.constant 32 : index
        %swap3A_239 = tpu.vector_load %arg11[%swap3A_238] {strides = array<i32>} : memref<80xi32, #tpu.memory_space<vmem>>, vector<16xi32>,
        %swap3A_240 = vector.shape_cast %swap3A_239 : vector<16xi32> to vector<16xi32>
        %swap3A_241 = vector.shape_cast %broadcast_in_dim3A_42 : vector<16xi32> to vector<16xi32>
        tpu.vector_store %arg11[%swap3A_238], %swap3A_241 {strides = array<i32>} : memref<80xi32, #tpu.memory_space<vmem>>, vector<16xi32>,
        %swap3A_242 = arith.constant 48 : index
        %swap3A_243 = tpu.vector_load %arg11[%swap3A_242] {strides = array<i32>} : memref<80xi32, #tpu.memory_space<vmem>>, vector<16xi32>,
        %swap3A_244 = vector.shape_cast %swap3A_243 : vector<16xi32> to vector<16xi32>
        %swap3A_245 = vector.shape_cast %broadcast_in_dim3A_42 : vector<16xi32> to vector<16xi32>
        tpu.vector_store %arg11[%swap3A_242], %swap3A_245 {strides = array<i32>} : memref<80xi32, #tpu.memory_space<vmem>>, vector<16xi32>,
        %swap3A_246 = arith.constant 64 : index
        %swap3A_247 = tpu.vector_load %arg11[%swap3A_246] {strides = array<i32>} : memref<80xi32, #tpu.memory_space<vmem>>, vector<16xi32>,
        %swap3A_248 = vector.shape_cast %swap3A_247 : vector<16xi32> to vector<16xi32>
        %swap3A_249 = vector.shape_cast %broadcast_in_dim3A_42 : vector<16xi32> to vector<16xi32>
        tpu.vector_store %arg11[%swap3A_246], %swap3A_249 {strides = array<i32>} : memref<80xi32, #tpu.memory_space<vmem>>, vector<16xi32>,
      } else {
      }
      %dma_start3A_152 = arith.constant 0 : i32
      %dma_start3A_153 = arith.constant 0 : i32
      %dma_start3A_154 = tpu.memref_slice %arg2[%dma_start3A_152, %dma_start3A_153] : memref<10000x128xf32, #tpu.memory_space<hbm>> -> memref<10000x128xf32, #tpu.memory_space<hbm>>
      tpu.enqueue_indirect_dma source(%dma_start3A_154 : memref<10000x128xf32, #tpu.memory_space<hbm>>) target(%arg15 : memref<80x128xf32, #tpu.memory_space<vmem>>) offsets(%arg7 : memref<80xi32, #tpu.memory_space<vmem>>) semaphore(%arg20 : memref<!tpu.dma_semaphore, #tpu.memory_space<semaphore_mem>>)
      %mul3A_155 = arith.constant 4 : i32
      %mul3A_156 = arith.muli %scan3A_82, %mul3A_155 : i32
      %add3A_157 = arith.constant 2 : i32
      %add3A_158 = arith.addi %mul3A_156, %add3A_157 : i32
      %ge3A_159 = arith.constant 4 : i32
      %ge3A_160 = arith.cmpi sge, %add3A_158, %ge3A_159 : i32
      %convert_element_type3A_161 = arith.extui %ge3A_160 : i1 to i32
      %cond3A_162 = arith.constant 0 : i32
      %cond3A_163 = arith.cmpi ne, %convert_element_type3A_161, %cond3A_162 : i32
      scf.if %cond3A_163 {
        %dma_wait3A_231 = arith.constant 0 : i32
        %dma_wait3A_232 = arith.constant 0 : i32
        %dma_wait3A_233 = tpu.memref_slice %arg18[%dma_wait3A_231, %dma_wait3A_232] : memref<10112x128xf32, #tpu.memory_space<vmem_shared>> -> memref<10112x128xf32, #tpu.memory_space<vmem_shared>>
        tpu.wait_indirect_dma semaphore(%arg25 : memref<!tpu.dma_semaphore, #tpu.memory_space<semaphore_mem>>) src(%arg16 : memref<80x128xf32, #tpu.memory_space<vmem>>) dst(%dma_wait3A_233 : memref<10112x128xf32, #tpu.memory_space<vmem_shared>>)
      } else {
      }
      %min3A_164 = arith.constant 124 : i32
      %min3A_165 = arith.minsi %add3A_158, %min3A_164 : i32
      %mul3A_166 = arith.constant 80 : i32
      %mul3A_167 = arith.muli %min3A_165, %mul3A_166 : i32
      %add3A_168 = arith.addi %mul3A_2, %mul3A_167 : i32
      %dma_start3A_169 = tpu.memref_slice %arg3[%add3A_168] : memref<320000xi32, #tpu.memory_space<hbm>> -> memref<80xi32, #tpu.memory_space<hbm>>
      %dma_start3A_170 = tpu.memref_slice %arg3[%add3A_168] : memref<320000xi32, #tpu.memory_space<hbm>> -> memref<80xi32, #tpu.memory_space<hbm>>
      tpu.enqueue_dma source(%dma_start3A_170 : memref<80xi32, #tpu.memory_space<hbm>>) target(%arg8 : memref<80xi32, #tpu.memory_space<vmem>>) target_semaphore(%arg27 : memref<!tpu.dma_semaphore, #tpu.memory_space<semaphore_mem>>)
      %mul3A_171 = arith.constant 80 : i32
      %mul3A_172 = arith.muli %min3A_165, %mul3A_171 : i32
      %add3A_173 = arith.addi %mul3A_2, %mul3A_172 : i32
      %dma_start3A_174 = tpu.memref_slice %arg4[%add3A_173] : memref<320000xi32, #tpu.memory_space<hbm>> -> memref<80xi32, #tpu.memory_space<hbm>>
      %dma_start3A_175 = tpu.memref_slice %arg4[%add3A_173] : memref<320000xi32, #tpu.memory_space<hbm>> -> memref<80xi32, #tpu.memory_space<hbm>>
      tpu.enqueue_dma source(%dma_start3A_175 : memref<80xi32, #tpu.memory_space<hbm>>) target(%arg12 : memref<80xi32, #tpu.memory_space<vmem>>) target_semaphore(%arg27 : memref<!tpu.dma_semaphore, #tpu.memory_space<semaphore_mem>>)
      %ge3A_176 = arith.constant 3 : i32
      %ge3A_177 = arith.cmpi sge, %add3A_158, %ge3A_176 : i32
      %convert_element_type3A_178 = arith.extui %ge3A_177 : i1 to i32
      %cond3A_179 = arith.constant 0 : i32
      %cond3A_180 = arith.cmpi ne, %convert_element_type3A_178, %cond3A_179 : i32
      scf.if %cond3A_180 {
        %dma_wait3A_231 = arith.constant 0 : i32
        %dma_wait3A_232 = arith.constant 0 : i32
        %dma_wait3A_233 = tpu.memref_slice %arg2[%dma_wait3A_231, %dma_wait3A_232] : memref<10000x128xf32, #tpu.memory_space<hbm>> -> memref<10000x128xf32, #tpu.memory_space<hbm>>
        tpu.wait_indirect_dma semaphore(%arg22 : memref<!tpu.dma_semaphore, #tpu.memory_space<semaphore_mem>>) src(%dma_wait3A_233 : memref<10000x128xf32, #tpu.memory_space<hbm>>) dst(%arg17 : memref<80x128xf32, #tpu.memory_space<vmem>>)
        %dma_start3A_234 = arith.constant 0 : i32
        %dma_start3A_235 = arith.constant 0 : i32
        %dma_start3A_236 = tpu.memref_slice %arg18[%dma_start3A_234, %dma_start3A_235] : memref<10112x128xf32, #tpu.memory_space<vmem_shared>> -> memref<10112x128xf32, #tpu.memory_space<vmem_shared>>
        tpu.enqueue_indirect_dma source(%arg17 : memref<80x128xf32, #tpu.memory_space<vmem>>) target(%dma_start3A_236 : memref<10112x128xf32, #tpu.memory_space<vmem_shared>>) offsets(%arg13 : memref<80xi32, #tpu.memory_space<vmem>>) semaphore(%arg26 : memref<!tpu.dma_semaphore, #tpu.memory_space<semaphore_mem>>) {add = true}
      } else {
      }
      %dma_wait3A_181 = tpu.memref_slice %arg3[%mul3A_2] : memref<320000xi32, #tpu.memory_space<hbm>> -> memref<80xi32, #tpu.memory_space<hbm>>
      %dma_wait3A_182 = tpu.memref_slice %arg3[%mul3A_2] : memref<320000xi32, #tpu.memory_space<hbm>> -> memref<80xi32, #tpu.memory_space<hbm>>
      tpu.wait_dma2 semaphore(%arg27 : memref<!tpu.dma_semaphore, #tpu.memory_space<semaphore_mem>>) src(%dma_wait3A_182 : memref<80xi32, #tpu.memory_space<hbm>>) dst(%arg8 : memref<80xi32, #tpu.memory_space<vmem>>)
      %dma_wait3A_183 = tpu.memref_slice %arg4[%mul3A_2] : memref<320000xi32, #tpu.memory_space<hbm>> -> memref<80xi32, #tpu.memory_space<hbm>>
      %dma_wait3A_184 = tpu.memref_slice %arg4[%mul3A_2] : memref<320000xi32, #tpu.memory_space<hbm>> -> memref<80xi32, #tpu.memory_space<hbm>>
      tpu.wait_dma2 semaphore(%arg27 : memref<!tpu.dma_semaphore, #tpu.memory_space<semaphore_mem>>) src(%dma_wait3A_184 : memref<80xi32, #tpu.memory_space<hbm>>) dst(%arg12 : memref<80xi32, #tpu.memory_space<vmem>>)
      %ge3A_185 = arith.constant 125 : i32
      %ge3A_186 = arith.cmpi sge, %add3A_158, %ge3A_185 : i32
      %convert_element_type3A_187 = arith.extui %ge3A_186 : i1 to i32
      %cond3A_188 = arith.constant 0 : i32
      %cond3A_189 = arith.cmpi ne, %convert_element_type3A_187, %cond3A_188 : i32
      scf.if %cond3A_189 {
        %swap3A = arith.constant 0 : index
        %swap3A_231 = tpu.vector_load %arg12[%swap3A] {strides = array<i32>} : memref<80xi32, #tpu.memory_space<vmem>>, vector<16xi32>,
        %swap3A_232 = vector.shape_cast %swap3A_231 : vector<16xi32> to vector<16xi32>
        %swap3A_233 = vector.shape_cast %broadcast_in_dim3A_42 : vector<16xi32> to vector<16xi32>
        tpu.vector_store %arg12[%swap3A], %swap3A_233 {strides = array<i32>} : memref<80xi32, #tpu.memory_space<vmem>>, vector<16xi32>,
        %swap3A_234 = arith.constant 16 : index
        %swap3A_235 = tpu.vector_load %arg12[%swap3A_234] {strides = array<i32>} : memref<80xi32, #tpu.memory_space<vmem>>, vector<16xi32>,
        %swap3A_236 = vector.shape_cast %swap3A_235 : vector<16xi32> to vector<16xi32>
        %swap3A_237 = vector.shape_cast %broadcast_in_dim3A_42 : vector<16xi32> to vector<16xi32>
        tpu.vector_store %arg12[%swap3A_234], %swap3A_237 {strides = array<i32>} : memref<80xi32, #tpu.memory_space<vmem>>, vector<16xi32>,
        %swap3A_238 = arith.constant 32 : index
        %swap3A_239 = tpu.vector_load %arg12[%swap3A_238] {strides = array<i32>} : memref<80xi32, #tpu.memory_space<vmem>>, vector<16xi32>,
        %swap3A_240 = vector.shape_cast %swap3A_239 : vector<16xi32> to vector<16xi32>
        %swap3A_241 = vector.shape_cast %broadcast_in_dim3A_42 : vector<16xi32> to vector<16xi32>
        tpu.vector_store %arg12[%swap3A_238], %swap3A_241 {strides = array<i32>} : memref<80xi32, #tpu.memory_space<vmem>>, vector<16xi32>,
        %swap3A_242 = arith.constant 48 : index
        %swap3A_243 = tpu.vector_load %arg12[%swap3A_242] {strides = array<i32>} : memref<80xi32, #tpu.memory_space<vmem>>, vector<16xi32>,
        %swap3A_244 = vector.shape_cast %swap3A_243 : vector<16xi32> to vector<16xi32>
        %swap3A_245 = vector.shape_cast %broadcast_in_dim3A_42 : vector<16xi32> to vector<16xi32>
        tpu.vector_store %arg12[%swap3A_242], %swap3A_245 {strides = array<i32>} : memref<80xi32, #tpu.memory_space<vmem>>, vector<16xi32>,
        %swap3A_246 = arith.constant 64 : index
        %swap3A_247 = tpu.vector_load %arg12[%swap3A_246] {strides = array<i32>} : memref<80xi32, #tpu.memory_space<vmem>>, vector<16xi32>,
        %swap3A_248 = vector.shape_cast %swap3A_247 : vector<16xi32> to vector<16xi32>
        %swap3A_249 = vector.shape_cast %broadcast_in_dim3A_42 : vector<16xi32> to vector<16xi32>
        tpu.vector_store %arg12[%swap3A_246], %swap3A_249 {strides = array<i32>} : memref<80xi32, #tpu.memory_space<vmem>>, vector<16xi32>,
      } else {
      }
      %dma_start3A_190 = arith.constant 0 : i32
      %dma_start3A_191 = arith.constant 0 : i32
      %dma_start3A_192 = tpu.memref_slice %arg2[%dma_start3A_190, %dma_start3A_191] : memref<10000x128xf32, #tpu.memory_space<hbm>> -> memref<10000x128xf32, #tpu.memory_space<hbm>>
      tpu.enqueue_indirect_dma source(%dma_start3A_192 : memref<10000x128xf32, #tpu.memory_space<hbm>>) target(%arg16 : memref<80x128xf32, #tpu.memory_space<vmem>>) offsets(%arg8 : memref<80xi32, #tpu.memory_space<vmem>>) semaphore(%arg21 : memref<!tpu.dma_semaphore, #tpu.memory_space<semaphore_mem>>)
      %mul3A_193 = arith.constant 4 : i32
      %mul3A_194 = arith.muli %scan3A_82, %mul3A_193 : i32
      %add3A_195 = arith.constant 3 : i32
      %add3A_196 = arith.addi %mul3A_194, %add3A_195 : i32
      %ge3A_197 = arith.constant 4 : i32
      %ge3A_198 = arith.cmpi sge, %add3A_196, %ge3A_197 : i32
      %convert_element_type3A_199 = arith.extui %ge3A_198 : i1 to i32
      %cond3A_200 = arith.constant 0 : i32
      %cond3A_201 = arith.cmpi ne, %convert_element_type3A_199, %cond3A_200 : i32
      scf.if %cond3A_201 {
        %dma_wait3A_231 = arith.constant 0 : i32
        %dma_wait3A_232 = arith.constant 0 : i32
        %dma_wait3A_233 = tpu.memref_slice %arg18[%dma_wait3A_231, %dma_wait3A_232] : memref<10112x128xf32, #tpu.memory_space<vmem_shared>> -> memref<10112x128xf32, #tpu.memory_space<vmem_shared>>
        tpu.wait_indirect_dma semaphore(%arg26 : memref<!tpu.dma_semaphore, #tpu.memory_space<semaphore_mem>>) src(%arg17 : memref<80x128xf32, #tpu.memory_space<vmem>>) dst(%dma_wait3A_233 : memref<10112x128xf32, #tpu.memory_space<vmem_shared>>)
      } else {
      }
      %min3A_202 = arith.constant 124 : i32
      %min3A_203 = arith.minsi %add3A_196, %min3A_202 : i32
      %mul3A_204 = arith.constant 80 : i32
      %mul3A_205 = arith.muli %min3A_203, %mul3A_204 : i32
      %add3A_206 = arith.addi %mul3A_2, %mul3A_205 : i32
      %dma_start3A_207 = tpu.memref_slice %arg3[%add3A_206] : memref<320000xi32, #tpu.memory_space<hbm>> -> memref<80xi32, #tpu.memory_space<hbm>>
      %dma_start3A_208 = tpu.memref_slice %arg3[%add3A_206] : memref<320000xi32, #tpu.memory_space<hbm>> -> memref<80xi32, #tpu.memory_space<hbm>>
      tpu.enqueue_dma source(%dma_start3A_208 : memref<80xi32, #tpu.memory_space<hbm>>) target(%arg9 : memref<80xi32, #tpu.memory_space<vmem>>) target_semaphore(%arg27 : memref<!tpu.dma_semaphore, #tpu.memory_space<semaphore_mem>>)
      %mul3A_209 = arith.constant 80 : i32
      %mul3A_210 = arith.muli %min3A_203, %mul3A_209 : i32
      %add3A_211 = arith.addi %mul3A_2, %mul3A_210 : i32
      %dma_start3A_212 = tpu.memref_slice %arg4[%add3A_211] : memref<320000xi32, #tpu.memory_space<hbm>> -> memref<80xi32, #tpu.memory_space<hbm>>
      %dma_start3A_213 = tpu.memref_slice %arg4[%add3A_211] : memref<320000xi32, #tpu.memory_space<hbm>> -> memref<80xi32, #tpu.memory_space<hbm>>
      tpu.enqueue_dma source(%dma_start3A_213 : memref<80xi32, #tpu.memory_space<hbm>>) target(%arg13 : memref<80xi32, #tpu.memory_space<vmem>>) target_semaphore(%arg27 : memref<!tpu.dma_semaphore, #tpu.memory_space<semaphore_mem>>)
      %ge3A_214 = arith.constant 3 : i32
      %ge3A_215 = arith.cmpi sge, %add3A_196, %ge3A_214 : i32
      %convert_element_type3A_216 = arith.extui %ge3A_215 : i1 to i32
      %cond3A_217 = arith.constant 0 : i32
      %cond3A_218 = arith.cmpi ne, %convert_element_type3A_216, %cond3A_217 : i32
      scf.if %cond3A_218 {
        %dma_wait3A_231 = arith.constant 0 : i32
        %dma_wait3A_232 = arith.constant 0 : i32
        %dma_wait3A_233 = tpu.memref_slice %arg2[%dma_wait3A_231, %dma_wait3A_232] : memref<10000x128xf32, #tpu.memory_space<hbm>> -> memref<10000x128xf32, #tpu.memory_space<hbm>>
        tpu.wait_indirect_dma semaphore(%arg19 : memref<!tpu.dma_semaphore, #tpu.memory_space<semaphore_mem>>) src(%dma_wait3A_233 : memref<10000x128xf32, #tpu.memory_space<hbm>>) dst(%arg14 : memref<80x128xf32, #tpu.memory_space<vmem>>)
        %dma_start3A_234 = arith.constant 0 : i32
        %dma_start3A_235 = arith.constant 0 : i32
        %dma_start3A_236 = tpu.memref_slice %arg18[%dma_start3A_234, %dma_start3A_235] : memref<10112x128xf32, #tpu.memory_space<vmem_shared>> -> memref<10112x128xf32, #tpu.memory_space<vmem_shared>>
        tpu.enqueue_indirect_dma source(%arg14 : memref<80x128xf32, #tpu.memory_space<vmem>>) target(%dma_start3A_236 : memref<10112x128xf32, #tpu.memory_space<vmem_shared>>) offsets(%arg10 : memref<80xi32, #tpu.memory_space<vmem>>) semaphore(%arg23 : memref<!tpu.dma_semaphore, #tpu.memory_space<semaphore_mem>>) {add = true}
      } else {
      }
      %dma_wait3A_219 = tpu.memref_slice %arg3[%mul3A_2] : memref<320000xi32, #tpu.memory_space<hbm>> -> memref<80xi32, #tpu.memory_space<hbm>>
      %dma_wait3A_220 = tpu.memref_slice %arg3[%mul3A_2] : memref<320000xi32, #tpu.memory_space<hbm>> -> memref<80xi32, #tpu.memory_space<hbm>>
      tpu.wait_dma2 semaphore(%arg27 : memref<!tpu.dma_semaphore, #tpu.memory_space<semaphore_mem>>) src(%dma_wait3A_220 : memref<80xi32, #tpu.memory_space<hbm>>) dst(%arg9 : memref<80xi32, #tpu.memory_space<vmem>>)
      %dma_wait3A_221 = tpu.memref_slice %arg4[%mul3A_2] : memref<320000xi32, #tpu.memory_space<hbm>> -> memref<80xi32, #tpu.memory_space<hbm>>
      %dma_wait3A_222 = tpu.memref_slice %arg4[%mul3A_2] : memref<320000xi32, #tpu.memory_space<hbm>> -> memref<80xi32, #tpu.memory_space<hbm>>
      tpu.wait_dma2 semaphore(%arg27 : memref<!tpu.dma_semaphore, #tpu.memory_space<semaphore_mem>>) src(%dma_wait3A_222 : memref<80xi32, #tpu.memory_space<hbm>>) dst(%arg13 : memref<80xi32, #tpu.memory_space<vmem>>)
      %ge3A_223 = arith.constant 125 : i32
      %ge3A_224 = arith.cmpi sge, %add3A_196, %ge3A_223 : i32
      %convert_element_type3A_225 = arith.extui %ge3A_224 : i1 to i32
      %cond3A_226 = arith.constant 0 : i32
      %cond3A_227 = arith.cmpi ne, %convert_element_type3A_225, %cond3A_226 : i32
      scf.if %cond3A_227 {
        %swap3A = arith.constant 0 : index
        %swap3A_231 = tpu.vector_load %arg13[%swap3A] {strides = array<i32>} : memref<80xi32, #tpu.memory_space<vmem>>, vector<16xi32>,
        %swap3A_232 = vector.shape_cast %swap3A_231 : vector<16xi32> to vector<16xi32>
        %swap3A_233 = vector.shape_cast %broadcast_in_dim3A_42 : vector<16xi32> to vector<16xi32>
        tpu.vector_store %arg13[%swap3A], %swap3A_233 {strides = array<i32>} : memref<80xi32, #tpu.memory_space<vmem>>, vector<16xi32>,
        %swap3A_234 = arith.constant 16 : index
        %swap3A_235 = tpu.vector_load %arg13[%swap3A_234] {strides = array<i32>} : memref<80xi32, #tpu.memory_space<vmem>>, vector<16xi32>,
        %swap3A_236 = vector.shape_cast %swap3A_235 : vector<16xi32> to vector<16xi32>
        %swap3A_237 = vector.shape_cast %broadcast_in_dim3A_42 : vector<16xi32> to vector<16xi32>
        tpu.vector_store %arg13[%swap3A_234], %swap3A_237 {strides = array<i32>} : memref<80xi32, #tpu.memory_space<vmem>>, vector<16xi32>,
        %swap3A_238 = arith.constant 32 : index
        %swap3A_239 = tpu.vector_load %arg13[%swap3A_238] {strides = array<i32>} : memref<80xi32, #tpu.memory_space<vmem>>, vector<16xi32>,
        %swap3A_240 = vector.shape_cast %swap3A_239 : vector<16xi32> to vector<16xi32>
        %swap3A_241 = vector.shape_cast %broadcast_in_dim3A_42 : vector<16xi32> to vector<16xi32>
        tpu.vector_store %arg13[%swap3A_238], %swap3A_241 {strides = array<i32>} : memref<80xi32, #tpu.memory_space<vmem>>, vector<16xi32>,
        %swap3A_242 = arith.constant 48 : index
        %swap3A_243 = tpu.vector_load %arg13[%swap3A_242] {strides = array<i32>} : memref<80xi32, #tpu.memory_space<vmem>>, vector<16xi32>,
        %swap3A_244 = vector.shape_cast %swap3A_243 : vector<16xi32> to vector<16xi32>
        %swap3A_245 = vector.shape_cast %broadcast_in_dim3A_42 : vector<16xi32> to vector<16xi32>
        tpu.vector_store %arg13[%swap3A_242], %swap3A_245 {strides = array<i32>} : memref<80xi32, #tpu.memory_space<vmem>>, vector<16xi32>,
        %swap3A_246 = arith.constant 64 : index
        %swap3A_247 = tpu.vector_load %arg13[%swap3A_246] {strides = array<i32>} : memref<80xi32, #tpu.memory_space<vmem>>, vector<16xi32>,
        %swap3A_248 = vector.shape_cast %swap3A_247 : vector<16xi32> to vector<16xi32>
        %swap3A_249 = vector.shape_cast %broadcast_in_dim3A_42 : vector<16xi32> to vector<16xi32>
        tpu.vector_store %arg13[%swap3A_246], %swap3A_249 {strides = array<i32>} : memref<80xi32, #tpu.memory_space<vmem>>, vector<16xi32>,
      } else {
      }
      %dma_start3A_228 = arith.constant 0 : i32
      %dma_start3A_229 = arith.constant 0 : i32
      %dma_start3A_230 = tpu.memref_slice %arg2[%dma_start3A_228, %dma_start3A_229] : memref<10000x128xf32, #tpu.memory_space<hbm>> -> memref<10000x128xf32, #tpu.memory_space<hbm>>
      tpu.enqueue_indirect_dma source(%dma_start3A_230 : memref<10000x128xf32, #tpu.memory_space<hbm>>) target(%arg17 : memref<80x128xf32, #tpu.memory_space<vmem>>) offsets(%arg9 : memref<80xi32, #tpu.memory_space<vmem>>) semaphore(%arg22 : memref<!tpu.dma_semaphore, #tpu.memory_space<semaphore_mem>>)
    }
    %scan3A_48 = arith.constant 32 : i32
    %dma_wait3A = arith.constant 0 : i32
    %dma_wait3A_49 = arith.constant 0 : i32
    %dma_wait3A_50 = tpu.memref_slice %arg2[%dma_wait3A, %dma_wait3A_49] : memref<10000x128xf32, #tpu.memory_space<hbm>> -> memref<10000x128xf32, #tpu.memory_space<hbm>>
    tpu.wait_indirect_dma semaphore(%arg20 : memref<!tpu.dma_semaphore, #tpu.memory_space<semaphore_mem>>) src(%dma_wait3A_50 : memref<10000x128xf32, #tpu.memory_space<hbm>>) dst(%arg15 : memref<80x128xf32, #tpu.memory_space<vmem>>)
    %dma_start3A = arith.constant 0 : i32
    %dma_start3A_51 = arith.constant 0 : i32
    %dma_start3A_52 = tpu.memref_slice %arg18[%dma_start3A, %dma_start3A_51] : memref<10112x128xf32, #tpu.memory_space<vmem_shared>> -> memref<10112x128xf32, #tpu.memory_space<vmem_shared>>
    tpu.enqueue_indirect_dma source(%arg15 : memref<80x128xf32, #tpu.memory_space<vmem>>) target(%dma_start3A_52 : memref<10112x128xf32, #tpu.memory_space<vmem_shared>>) offsets(%arg11 : memref<80xi32, #tpu.memory_space<vmem>>) semaphore(%arg24 : memref<!tpu.dma_semaphore, #tpu.memory_space<semaphore_mem>>) {add = true}
    %dma_wait3A_53 = arith.constant 0 : i32
    %dma_wait3A_54 = arith.constant 0 : i32
    %dma_wait3A_55 = tpu.memref_slice %arg2[%dma_wait3A_53, %dma_wait3A_54] : memref<10000x128xf32, #tpu.memory_space<hbm>> -> memref<10000x128xf32, #tpu.memory_space<hbm>>
    tpu.wait_indirect_dma semaphore(%arg21 : memref<!tpu.dma_semaphore, #tpu.memory_space<semaphore_mem>>) src(%dma_wait3A_55 : memref<10000x128xf32, #tpu.memory_space<hbm>>) dst(%arg16 : memref<80x128xf32, #tpu.memory_space<vmem>>)
    %dma_start3A_56 = arith.constant 0 : i32
    %dma_start3A_57 = arith.constant 0 : i32
    %dma_start3A_58 = tpu.memref_slice %arg18[%dma_start3A_56, %dma_start3A_57] : memref<10112x128xf32, #tpu.memory_space<vmem_shared>> -> memref<10112x128xf32, #tpu.memory_space<vmem_shared>>
    tpu.enqueue_indirect_dma source(%arg16 : memref<80x128xf32, #tpu.memory_space<vmem>>) target(%dma_start3A_58 : memref<10112x128xf32, #tpu.memory_space<vmem_shared>>) offsets(%arg12 : memref<80xi32, #tpu.memory_space<vmem>>) semaphore(%arg25 : memref<!tpu.dma_semaphore, #tpu.memory_space<semaphore_mem>>) {add = true}
    %dma_wait3A_59 = arith.constant 0 : i32
    %dma_wait3A_60 = arith.constant 0 : i32
    %dma_wait3A_61 = tpu.memref_slice %arg2[%dma_wait3A_59, %dma_wait3A_60] : memref<10000x128xf32, #tpu.memory_space<hbm>> -> memref<10000x128xf32, #tpu.memory_space<hbm>>
    tpu.wait_indirect_dma semaphore(%arg22 : memref<!tpu.dma_semaphore, #tpu.memory_space<semaphore_mem>>) src(%dma_wait3A_61 : memref<10000x128xf32, #tpu.memory_space<hbm>>) dst(%arg17 : memref<80x128xf32, #tpu.memory_space<vmem>>)
    %dma_start3A_62 = arith.constant 0 : i32
    %dma_start3A_63 = arith.constant 0 : i32
    %dma_start3A_64 = tpu.memref_slice %arg18[%dma_start3A_62, %dma_start3A_63] : memref<10112x128xf32, #tpu.memory_space<vmem_shared>> -> memref<10112x128xf32, #tpu.memory_space<vmem_shared>>
    tpu.enqueue_indirect_dma source(%arg17 : memref<80x128xf32, #tpu.memory_space<vmem>>) target(%dma_start3A_64 : memref<10112x128xf32, #tpu.memory_space<vmem_shared>>) offsets(%arg13 : memref<80xi32, #tpu.memory_space<vmem>>) semaphore(%arg26 : memref<!tpu.dma_semaphore, #tpu.memory_space<semaphore_mem>>) {add = true}
    %dma_wait3A_65 = arith.constant 0 : i32
    %dma_wait3A_66 = arith.constant 0 : i32
    %dma_wait3A_67 = tpu.memref_slice %arg18[%dma_wait3A_65, %dma_wait3A_66] : memref<10112x128xf32, #tpu.memory_space<vmem_shared>> -> memref<10112x128xf32, #tpu.memory_space<vmem_shared>>
    tpu.wait_indirect_dma semaphore(%arg23 : memref<!tpu.dma_semaphore, #tpu.memory_space<semaphore_mem>>) src(%arg14 : memref<80x128xf32, #tpu.memory_space<vmem>>) dst(%dma_wait3A_67 : memref<10112x128xf32, #tpu.memory_space<vmem_shared>>)
    %dma_wait3A_68 = arith.constant 0 : i32
    %dma_wait3A_69 = arith.constant 0 : i32
    %dma_wait3A_70 = tpu.memref_slice %arg18[%dma_wait3A_68, %dma_wait3A_69] : memref<10112x128xf32, #tpu.memory_space<vmem_shared>> -> memref<10112x128xf32, #tpu.memory_space<vmem_shared>>
    tpu.wait_indirect_dma semaphore(%arg24 : memref<!tpu.dma_semaphore, #tpu.memory_space<semaphore_mem>>) src(%arg15 : memref<80x128xf32, #tpu.memory_space<vmem>>) dst(%dma_wait3A_70 : memref<10112x128xf32, #tpu.memory_space<vmem_shared>>)
    %dma_wait3A_71 = arith.constant 0 : i32
    %dma_wait3A_72 = arith.constant 0 : i32
    %dma_wait3A_73 = tpu.memref_slice %arg18[%dma_wait3A_71, %dma_wait3A_72] : memref<10112x128xf32, #tpu.memory_space<vmem_shared>> -> memref<10112x128xf32, #tpu.memory_space<vmem_shared>>
    tpu.wait_indirect_dma semaphore(%arg25 : memref<!tpu.dma_semaphore, #tpu.memory_space<semaphore_mem>>) src(%arg16 : memref<80x128xf32, #tpu.memory_space<vmem>>) dst(%dma_wait3A_73 : memref<10112x128xf32, #tpu.memory_space<vmem_shared>>)
    %dma_wait3A_74 = arith.constant 0 : i32
    %dma_wait3A_75 = arith.constant 0 : i32
    %dma_wait3A_76 = tpu.memref_slice %arg18[%dma_wait3A_74, %dma_wait3A_75] : memref<10112x128xf32, #tpu.memory_space<vmem_shared>> -> memref<10112x128xf32, #tpu.memory_space<vmem_shared>>
    tpu.wait_indirect_dma semaphore(%arg26 : memref<!tpu.dma_semaphore, #tpu.memory_space<semaphore_mem>>) src(%arg17 : memref<80x128xf32, #tpu.memory_space<vmem>>) dst(%dma_wait3A_76 : memref<10112x128xf32, #tpu.memory_space<vmem_shared>>)
    %barrier3A_77 = arith.constant 0 : index
    tpu.barrier barrier_id(%barrier3A_77)
    %mul3A_78 = arith.constant 632 : i32
    %mul3A_79 = arith.muli %arg1, %mul3A_78 : i32
    %mul3A_80 = arith.constant 632 : i32
    %mul3A_81 = arith.muli %arg1, %mul3A_80 : i32
    "tpu.region"() ({
      %run_scoped3A = tpu.sem_alloc : memref<!tpu.dma_semaphore, #tpu.memory_space<semaphore_mem>>
      %dma_start3A_82 = arith.constant 0 : i32
      %dma_start3A_83 = tpu.memref_slice %arg5[%arg0, %mul3A_81, %dma_start3A_82] : memref<2x10112x128xf32, #tpu.memory_space<hbm>> -> memref<1x632x128xf32, #tpu.memory_space<hbm>>
      %dma_start3A_84 = tpu.memref_squeeze %dma_start3A_83 : memref<1x632x128xf32, #tpu.memory_space<hbm>> -> memref<632x128xf32, #tpu.memory_space<hbm>>
      %dma_start3A_85 = arith.constant 0 : i32
      %dma_start3A_86 = tpu.memref_slice %arg18[%mul3A_79, %dma_start3A_85] : memref<10112x128xf32, #tpu.memory_space<vmem_shared>> -> memref<632x128xf32, #tpu.memory_space<vmem_shared>>
      tpu.enqueue_dma source(%dma_start3A_86 : memref<632x128xf32, #tpu.memory_space<vmem_shared>>) target(%dma_start3A_84 : memref<632x128xf32, #tpu.memory_space<hbm>>) target_semaphore(%run_scoped3A : memref<!tpu.dma_semaphore, #tpu.memory_space<semaphore_mem>>)
      %dma_wait3A_87 = arith.constant 0 : i32
      %dma_wait3A_88 = tpu.memref_slice %arg5[%arg0, %mul3A_81, %dma_wait3A_87] : memref<2x10112x128xf32, #tpu.memory_space<hbm>> -> memref<1x632x128xf32, #tpu.memory_space<hbm>>
      %dma_wait3A_89 = tpu.memref_squeeze %dma_wait3A_88 : memref<1x632x128xf32, #tpu.memory_space<hbm>> -> memref<632x128xf32, #tpu.memory_space<hbm>>
      %dma_wait3A_90 = arith.constant 0 : i32
      %dma_wait3A_91 = tpu.memref_slice %arg18[%mul3A_79, %dma_wait3A_90] : memref<10112x128xf32, #tpu.memory_space<vmem_shared>> -> memref<632x128xf32, #tpu.memory_space<vmem_shared>>
      tpu.wait_dma2 semaphore(%run_scoped3A : memref<!tpu.dma_semaphore, #tpu.memory_space<semaphore_mem>>) src(%dma_wait3A_91 : memref<632x128xf32, #tpu.memory_space<vmem_shared>>) dst(%dma_wait3A_89 : memref<632x128xf32, #tpu.memory_space<hbm>>)
      tpu.yield
    }) : () -> ()
    return
  }
}

module attributes {stable_mosaic.version = 14 : i64} {
  func.func @body(%arg0: i32, %arg1: memref<2x1000x128xf32, #tpu.memory_space<vmem>>, %arg2: memref<1000x2xf32, #tpu.memory_space<vmem>>, %arg3: memref<1000x128xf32, #tpu.memory_space<vmem>>, %arg4: memref<128x128xf32, #tpu.memory_space<vmem>>, %arg5: memref<128xf32, #tpu.memory_space<vmem>>, %arg6: memref<128x128xf32, #tpu.memory_space<vmem>>, %arg7: memref<128xf32, #tpu.memory_space<vmem>>, %arg8: memref<1000x128xf32, #tpu.memory_space<vmem>>) attributes {dimension_semantics = [#tpu.dimension_semantics<arbitrary>], iteration_bounds = array<i64: 10>, scalar_prefetch = 0 : i64, scratch_operands = 0 : i64, tpu.core_type = #tpu.core_type<tc>, window_params = [{transform_indices = @transform_0, window_bounds = array<i64: 2, 1000, 128>}, {transform_indices = @transform_1, window_bounds = array<i64: 1000, 2>}, {transform_indices = @transform_2, window_bounds = array<i64: 1000, 128>}, {pipeline_mode = #tpu.pipeline_mode<synchronous>, transform_indices = @transform_3, window_bounds = array<i64: 128, 128>}, {pipeline_mode = #tpu.pipeline_mode<synchronous>, transform_indices = @transform_4, window_bounds = array<i64: 128>}, {pipeline_mode = #tpu.pipeline_mode<synchronous>, transform_indices = @transform_5, window_bounds = array<i64: 128, 128>}, {pipeline_mode = #tpu.pipeline_mode<synchronous>, transform_indices = @transform_6, window_bounds = array<i64: 128>}, {transform_indices = @transform_7, window_bounds = array<i64: 1000, 128>}]} {
    %get3A = arith.constant 0 : index
    %get3A_0 = arith.constant 0 : index
    %get3A_1 = arith.constant 0 : index
    %get3A_2 = vector.load %arg1[%get3A, %get3A_0, %get3A_1] : memref<2x1000x128xf32, #tpu.memory_space<vmem>>, vector<1x1000x128xf32>
    %get3A_3 = vector.shape_cast %get3A_2 : vector<1x1000x128xf32> to vector<1000x128xf32>
    %get3A_4 = arith.constant 1 : index
    %get3A_5 = arith.constant 0 : index
    %get3A_6 = arith.constant 0 : index
    %get3A_7 = vector.load %arg1[%get3A_4, %get3A_5, %get3A_6] : memref<2x1000x128xf32, #tpu.memory_space<vmem>>, vector<1x1000x128xf32>
    %get3A_8 = vector.shape_cast %get3A_7 : vector<1x1000x128xf32> to vector<1000x128xf32>
    %add3A = arith.addf %get3A_3, %get3A_8 : vector<1000x128xf32>
    %get3A_9 = arith.constant 0 : index
    %get3A_10 = arith.constant 0 : index
    %get3A_11 = vector.load %arg2[%get3A_9, %get3A_10] : memref<1000x2xf32, #tpu.memory_space<vmem>>, vector<1000x2xf32>
    %reduce_sum3A = arith.constant dense<0.000000e+00> : vector<1000xf32>
    %reduce_sum3A_12 = vector.multi_reduction <add>, %get3A_11, %reduce_sum3A [1] : vector<1000x2xf32> to vector<1000xf32>
    %max3A = arith.constant 1.000000e+00 : f32
    %max3A_13 = vector.broadcast %max3A : f32 to vector<1000xf32>
    %max3A_14 = arith.maximumf %reduce_sum3A_12, %max3A_13 : vector<1000xf32>
    %broadcast_in_dim3A = vector.shape_cast %max3A_14 : vector<1000xf32> to vector<1000x1xf32>
    %div3A = vector.broadcast %broadcast_in_dim3A : vector<1000x1xf32> to vector<1000x128xf32>
    %div3A_15 = arith.divf %add3A, %div3A : vector<1000x128xf32>
    %get3A_16 = arith.constant 0 : index
    %get3A_17 = arith.constant 0 : index
    %get3A_18 = vector.load %arg4[%get3A_16, %get3A_17] : memref<128x128xf32, #tpu.memory_space<vmem>>, vector<128x128xf32>
    %dot_general3A = arith.constant dense<0.000000e+00> : vector<1000x128xf32>
    %dot_general3A_19 = tpu.matmul %div3A_15, %get3A_18, %dot_general3A {dimension_numbers = #tpu.dot_dimension_numbers<[1], [0], [0], [1], [0, 0, 1, 1], [], []>, transpose_lhs_hint = false} : vector<1000x128xf32>, vector<128x128xf32>, vector<1000x128xf32> -> vector<1000x128xf32>
    %get3A_20 = arith.constant 0 : index
    %get3A_21 = vector.load %arg5[%get3A_20] : memref<128xf32, #tpu.memory_space<vmem>>, vector<128xf32>
    %broadcast_in_dim3A_22 = vector.shape_cast %get3A_21 : vector<128xf32> to vector<1x128xf32>
    %add3A_23 = vector.broadcast %broadcast_in_dim3A_22 : vector<1x128xf32> to vector<1000x128xf32>
    %add3A_24 = arith.addf %dot_general3A_19, %add3A_23 : vector<1000x128xf32>
    %get3A_25 = arith.constant 0 : index
    %get3A_26 = arith.constant 0 : index
    %get3A_27 = vector.load %arg3[%get3A_25, %get3A_26] : memref<1000x128xf32, #tpu.memory_space<vmem>>, vector<1000x128xf32>
    %get3A_28 = arith.constant 0 : index
    %get3A_29 = arith.constant 0 : index
    %get3A_30 = vector.load %arg6[%get3A_28, %get3A_29] : memref<128x128xf32, #tpu.memory_space<vmem>>, vector<128x128xf32>
    %dot_general3A_31 = arith.constant dense<0.000000e+00> : vector<1000x128xf32>
    %dot_general3A_32 = tpu.matmul %get3A_27, %get3A_30, %dot_general3A_31 {dimension_numbers = #tpu.dot_dimension_numbers<[1], [0], [0], [1], [0, 0, 1, 1], [], []>, transpose_lhs_hint = false} : vector<1000x128xf32>, vector<128x128xf32>, vector<1000x128xf32> -> vector<1000x128xf32>
    %add3A_33 = arith.addf %add3A_24, %dot_general3A_32 : vector<1000x128xf32>
    %get3A_34 = arith.constant 0 : index
    %get3A_35 = vector.load %arg7[%get3A_34] : memref<128xf32, #tpu.memory_space<vmem>>, vector<128xf32>
    %broadcast_in_dim3A_36 = vector.shape_cast %get3A_35 : vector<128xf32> to vector<1x128xf32>
    %ge3A = arith.constant 0.000000e+00 : f32
    %ge3A_37 = vector.broadcast %ge3A : f32 to vector<1000x128xf32>
    %ge3A_38 = arith.cmpf oge, %add3A_33, %ge3A_37 : vector<1000x128xf32>
    %mul3A = vector.broadcast %broadcast_in_dim3A_36 : vector<1x128xf32> to vector<1000x128xf32>
    %mul3A_39 = arith.mulf %mul3A, %add3A_33 : vector<1000x128xf32>
    %select_n3A = arith.select %ge3A_38, %add3A_33, %mul3A_39 : vector<1000x128xi1>, vector<1000x128xf32>
    %swap3A = arith.constant 0 : index
    %swap3A_40 = arith.constant 0 : index
    %swap3A_41 = vector.load %arg8[%swap3A, %swap3A_40] : memref<1000x128xf32, #tpu.memory_space<vmem>>, vector<1000x128xf32>
    tpu.vector_store %arg8[%swap3A, %swap3A_40], %select_n3A {strides = array<i32>} : memref<1000x128xf32, #tpu.memory_space<vmem>>, vector<1000x128xf32>,
    return
  }
  func.func @transform_0(%arg0: i32) -> (i32, i32, i32) {
    %c0_i32 = arith.constant 0 : i32
    %c0_i32_0 = arith.constant 0 : i32
    %c0_i32_1 = arith.constant 0 : i32
    return %c0_i32, %arg0, %c0_i32_0 : i32, i32, i32
  }
  func.func @transform_1(%arg0: i32) -> (i32, i32) {
    %c0_i32 = arith.constant 0 : i32
    %c0_i32_0 = arith.constant 0 : i32
    return %arg0, %c0_i32 : i32, i32
  }
  func.func @transform_2(%arg0: i32) -> (i32, i32) {
    %c0_i32 = arith.constant 0 : i32
    %c0_i32_0 = arith.constant 0 : i32
    return %arg0, %c0_i32 : i32, i32
  }
  func.func @transform_3(%arg0: i32) -> (i32, i32) {
    %c0_i32 = arith.constant 0 : i32
    %c0_i32_0 = arith.constant 0 : i32
    %c0_i32_1 = arith.constant 0 : i32
    return %c0_i32, %c0_i32_0 : i32, i32
  }
  func.func @transform_4(%arg0: i32) -> i32 {
    %c0_i32 = arith.constant 0 : i32
    %c0_i32_0 = arith.constant 0 : i32
    return %c0_i32 : i32
  }
  func.func @transform_5(%arg0: i32) -> (i32, i32) {
    %c0_i32 = arith.constant 0 : i32
    %c0_i32_0 = arith.constant 0 : i32
    %c0_i32_1 = arith.constant 0 : i32
    return %c0_i32, %c0_i32_0 : i32, i32
  }
  func.func @transform_6(%arg0: i32) -> i32 {
    %c0_i32 = arith.constant 0 : i32
    %c0_i32_0 = arith.constant 0 : i32
    return %c0_i32 : i32
  }
  func.func @transform_7(%arg0: i32) -> (i32, i32) {
    %c0_i32 = arith.constant 0 : i32
    %c0_i32_0 = arith.constant 0 : i32
    return %arg0, %c0_i32 : i32, i32
  }
}

</mosaic_0001>

<sc_bundles>
// kernel: kernel.11.cloned.1.call-start
scs
__scs_entry_jumppad:
0x0: {  	(pc) =	sbr.rel $0x88, $3  }
0x1: {  	(tag) =	ssettag $0x0;
	lr =	simm.s32 $0x1  }
0x2: {  	[smem:$0x3F92] =	sst lr;
	_ =	strace $0xD0000000  }
0x3: {  	_ = 	snop  }
0x4: {  	_ = 	snop  }
0x5: {  	_ = 	snop  }
0x6: {  	_ = 	snop  }
0x7: {  	_ = 	snop  }
__scs_overlays_trampoline_lowered:
0x8: {  	[smem:$0x3FA1] =	sst s0  }
0x9: {  	[smem:$0x3FA2] =	sst s1  }
0xa: {  	[smem:$0x3FA3] =	sst s2  }
0xb: {  	[smem:$0x3FA4] =	sst s3  }
0xc: {  	[smem:$0x3FA5] =	sst s4  }
0xd: {  	[smem:$0x3FA6] =	sst s5  }
0xe: {  	[smem:$0x3FA7] =	sst s6  }
0xf: {  	[smem:$0x3FA8] =	sst s7  }
0x10: {  	[smem:$0x3FA9] =	sst s8  }
0x11: {  	[smem:$0x3FAA] =	sst s9;
	s0 =	simm.s32 @!p0 $0x0  }
0x12: {  	s1 =	sld [smem:$0x3F90];
	s0 =	simm.s32 @p0 $0x1  }
0x13: {  	[smem:$0x3FAB] =	sst s0;
	s0 =	simm.s32 @!p1 $0x0  }
0x14: {  	s2 =	sld [smem:$0x3F8F];
	s0 =	simm.s32 @p1 $0x1  }
0x15: {  	[smem:$0x3FAC] =	sst s0;
	s0 =	simm.s32 @!p2 $0x0  }
0x16: {  	s3 =	sld [smem:$0x3FDB];
	s0 =	simm.s32 @p2 $0x1  }
0x17: {  	s4 =	simm.s32 $0x1BF5;
	[smem:$0x3FAE] =	sst s0  }
0x18: {  	s0 =	sld [smem:$0x3F91];
	_ =	swait.ge [sflag:s4], $0x0  }
0x19: {  	s7 =	sld [smem:$0x3F92]  }
0x1a: {  	s8 =	sadd.s32 $0xFFFFE003, lr  }
0x1b: {  	s9 =	sadd.s32 $0xFFFFFEF7, lr;
	s5 =	simm.s32 $0xFFFFFFFF;
	p2 =	slt.u32 s8, $0xFFFFF086  }
0x1c: {  	p1 =	slt.u32 s9, $0xF7A;
	s5 =	simm.s32 @!p2 $0x0  }
0x1d: {  	s5 =	simm.s32 @p1 $0x1;
	p0 =	seq.s32 s7, s2  }
0x1e: {  	s7 =	smul.u32 @!p0 $0xF7A, s2;
	p2 =	seq.s32 @!p0 s5, $0x0  }
0x1f: {  	s9 =	smul.u32 $0xF7A, s1;
	s8 =	simm.s32 @!p0 $0x1BF5;
	p2 =	por !p2, p0  }
0x20: {  	[sflag:s8] =	ssyncset.s32 @!p0 $0xFFFFF086;
	s6 =	sadd.s32 @!p0 s3, s7;
	s7 =	simm.s32 @!p0 $0x108  }
0x21: {  	s3 =	sadd.s32 s3, s9;
	s6 =	sadd.s32 @!p0 $0x88, s6;
	s7 =	simm.s32 @p2 $0x1082  }
0x22: {  	[simem:s7], [sflag:s8] =	dma.local @!p0 [hbm:s6], $0xF7A  }
0x23: {  	s9 =	sor.u32 $0xD0000000, s2;
	s6 =	simm.s32 $0x108;
	_ =	swait.ge @!p0 [sflag:s8], $0x0  }
0x24: {  	s3 =	sadd.s32 $0x88, s3;
	s6 =	simm.s32 @!p1 $0x1082;
	[sflag:s4] =	ssyncset.s32 $0xFFFFF086  }
0x25: {  	[simem:s6], [sflag:s4] =	dma.local [hbm:s3], $0xF7A  }
0x26: {  	[smem:$0x3F92] =	sst s1;
	(tag) =	ssettag s2;
	_ =	strace s9  }
0x27: {  	s1 =	sld [smem:$0x3FA2]  }
0x28: {  	s2 =	sld [smem:$0x3FA3]  }
0x29: {  	s4 =	sld [smem:$0x3FA5]  }
0x2a: {  	p0 =	seq.s32 s5, $0x0;
	s5 =	sld [smem:$0x3FA6]  }
0x2b: {  	s6 =	sld [smem:$0x3FA7]  }
0x2c: {  	s7 =	sld [smem:$0x3FA8]  }
0x2d: {  	s3 =	simm.s32 $0x108;
	s8 =	sld [smem:$0x3FA9]  }
0x2e: {  	s3 =	simm.s32 @!p0 $0x1082;
	s9 =	sld [smem:$0x3FAA]  }
0x2f: {  	lr =	sadd.s32 s0, s3;
	s0 =	sld [smem:$0x3FA1]  }
0x30: {  	s3 =	sld [smem:$0x3FA4]  }
0x31: {  	[smem:$0x3FAD] =	sst s10  }
0x32: {  	s10 =	sld [smem:$0x3FAB];
	_ =	sdelay $0x3  }
0x33: {  	p0 =	seq.s32 s10, $0x1;
	s10 =	sld [smem:$0x3FAD];
	_ =	sdelay $0x3  }
0x34: {  	[smem:$0x3FAD] =	sst s10  }
0x35: {  	s10 =	sld [smem:$0x3FAC];
	_ =	sdelay $0x3  }
0x36: {  	p1 =	seq.s32 s10, $0x1;
	s10 =	sld [smem:$0x3FAD];
	_ =	sdelay $0x3  }
0x37: {  	[smem:$0x3FAD] =	sst s10  }
0x38: {  	s10 =	sld [smem:$0x3FAE]  }
0x39: {  	_ = 	snop;
	(pc) =	sbr.ind lr, $3  }
0x3a: {  	_ = 	snop  }
0x3b: {  	_ = 	snop  }
0x3c: {  	p2 =	seq.s32 s10, $0x1;
	s10 =	sld [smem:$0x3FAD]  }
0x3d: {  	_ =	shalt  }
0x3e: {  	_ =	shalt  }
0x3f: {  	_ =	shalt  }
0x40: {  	_ =	shalt  }
0x41: {  	_ =	shalt  }
0x42: {  	_ =	shalt  }
0x43: {  	_ =	shalt  }
0x44: {  	_ =	shalt  }
0x45: {  	_ =	shalt  }
0x46: {  	_ =	shalt  }
0x47: {  	_ =	shalt  }
0x48: {  	_ =	shalt  }
0x49: {  	_ =	shalt  }
0x4a: {  	_ =	shalt  }
0x4b: {  	_ =	shalt  }
0x4c: {  	_ =	shalt  }
0x4d: {  	_ =	shalt  }
0x4e: {  	_ =	shalt  }
0x4f: {  	_ =	shalt  }
0x50: {  	_ =	shalt  }
0x51: {  	_ =	shalt  }
0x52: {  	_ =	shalt  }
0x53: {  	_ =	shalt  }
0x54: {  	_ =	shalt  }
0x55: {  	_ =	shalt  }
0x56: {  	_ =	shalt  }
0x57: {  	_ =	shalt  }
0x58: {  	_ =	shalt  }
0x59: {  	_ =	shalt  }
0x5a: {  	_ =	shalt  }
0x5b: {  	_ =	shalt  }
0x5c: {  	_ =	shalt  }
0x5d: {  	_ =	shalt  }
0x5e: {  	_ =	shalt  }
0x5f: {  	_ =	shalt  }
0x60: {  	_ =	shalt  }
0x61: {  	_ =	shalt  }
0x62: {  	_ =	shalt  }
0x63: {  	_ =	shalt  }
0x64: {  	_ =	shalt  }
0x65: {  	_ =	shalt  }
0x66: {  	_ =	shalt  }
0x67: {  	_ =	shalt  }
0x68: {  	_ =	shalt  }
0x69: {  	_ =	shalt  }
0x6a: {  	_ =	shalt  }
0x6b: {  	_ =	shalt  }
0x6c: {  	_ =	shalt  }
0x6d: {  	_ =	shalt  }
0x6e: {  	_ =	shalt  }
0x6f: {  	_ =	shalt  }
0x70: {  	_ =	shalt  }
0x71: {  	_ =	shalt  }
0x72: {  	_ =	shalt  }
0x73: {  	_ =	shalt  }
0x74: {  	_ =	shalt  }
0x75: {  	_ =	shalt  }
0x76: {  	_ =	shalt  }
0x77: {  	_ =	shalt  }
0x78: {  	_ =	shalt  }
0x79: {  	_ =	shalt  }
0x7a: {  	_ =	shalt  }
0x7b: {  	_ =	shalt  }
0x7c: {  	_ =	shalt  }
0x7d: {  	_ =	shalt  }
0x7e: {  	_ =	shalt  }
0x7f: {  	_ =	shalt  }
0x80: {  	_ =	shalt  }
0x81: {  	_ =	shalt  }
0x82: {  	_ =	shalt  }
0x83: {  	_ =	shalt  }
0x84: {  	_ =	shalt  }
0x85: {  	_ =	shalt  }
0x86: {  	_ =	shalt  }
0x87: {  	_ =	shalt  }
.Lfunc_end0:
.L_simem_size_0:
called_computation.1_lowered:
.L_overlay_start_0:
0x88: {  	s2 =	sld [smem:$0x3FD9]  }
0x89: {  	s3 =	sld [smem:$0x3FFE];
	_ =	sdelay $0x1  }
0x8a: {  	s1 =	srdreg.scid  }
0x8b: {  	s0 =	sand.u32 $0x1, s1  }
0x8c: {  	s16 =	sshll.u32 s0, $0xA;
	s2 =	sadd.s32 s3, s2  }
0x8d: {  	s2 =	sadd.s32 s2, s16  }
0x8e: {  	[smem:$0x3FB9] =	sst s2  }
0x8f: {  	_ = 	snop  }
0x90: {  	(tm) =	ssettm $0x1  }
0x91: {  	s17 =	sld [smem:$0x3FFB];
	_ =	sdelay $0x3  }
0x92: {  	_ =	strace s17  }
0x93: {  	s2 =	sld [smem:$0x3FFC];
	_ =	sdelay $0x3  }
0x94: {  	_ =	strace s2  }
0x95: {  	s2 =	sld [smem:$0x3FFD];
	_ =	sdelay $0x3  }
0x96: {  	_ =	strace s2  }
0x97: {  	_ =	strace $0x8FFFFFFF  }
0x98: {  	s18 =	sld [smem:$0x3FDB];
	_ =	sdelay $0x1  }
0x99: {  	s19 =	simm.s32 $_scs_section_size  }
0x9a: {  	s4 =	simm.s32 $_size__tile_overlayer_lowered;
	s5 =	simm.s32 $_tile_overlayer_lowered  }
0x9b: {  	s22 =	simm.s32 $0x1BFF;
	s21 =	sshll.u32 s5, $0x1;
	s2 =	sadd.s32 s19, s18  }
0x9c: {  	s6 =	simm.s32 $0x0;
	s20 =	sshll.u32 s4, $0x1;
	s4 =	sadd.s32 s21, s2  }
0x9d: {  	[timem:s6], [sflag:s22] =	dma.local [hbm:s4], s20  }
0x9e: {  	_ =	swait.ge [sflag:s22], s20  }
0x9f: {  	s3 =	ssub.s32 $0x0, s20;
	[sflag:s22] =	ssyncset.done $0x0  }
0xa0: {  	[sflag:s22] =	ssyncadd.s32 s3;
	_ =	sdelay $0x1  }
0xa1: {  	s23 =	simm.s32 $0x1B8B  }
0xa2: {  	_ =	swait.ge [sflag:s23], $0x1  }
0xa3: {  	[sflag:s23] =	ssyncset.done $0x0  }
0xa4: {  	s25 =	simm.s32 $0x1B8E;
	s24 =	sld [smem:$0x3FFE];
	[sflag:s23] =	ssyncadd.s32 $0xFFFFFFFF  }
0xa5: {  	s26 =	simm.s32 $execute0_lowered;
	[smem:$0x3FD2] =	sst s25  }
0xa6: {  	s4 =	sshll.u32 s26, $0x1;
	_ =	strace $0x80000049;
	[dreg:$0x1] =	wrdreg $0xFFFFFFFF  }
0xa7: {  	s28 =	simm.s32 $_size_execute0_lowered;
	s2 =	sadd.s32 s2, s4;
	[dreg:$0x0] =	wrdreg $0x0  }
0xa8: {  	s4 =	sshll.u32 s28, $0x1;
	[dreg:$0x2] =	wrdreg s2  }
0xa9: {  	[dreg:$0x3] =	wrdreg s4  }
0xaa: {  	[dreg:$0x4] =	wrdreg $0xC0  }
0xab: {  	_ =	task [dreg:s6], $0x5FFFF  }
0xac: {  	[dreg:$0x1] =	wrdreg $0xFFFFFFFF  }
0xad: {  	[dreg:$0x0] =	wrdreg $0x60  }
0xae: {  	[dreg:$0x2] =	wrdreg s24  }
0xaf: {  	[dreg:$0x3] =	wrdreg $0xA4000  }
0xb0: {  	[dreg:$0x4] =	wrdreg $0x9  }
0xb1: {  	_ =	task.clear_ibuf [dreg:s6], $0x5FFFF;
	_ =	strace $0x90000049  }
0xb2: {  	s29 =	simm.s32 $0x9;
	_ =	strace $0x8000004B  }
0xb3: {  	_ =	swait.ge [sflag:s29], $0x1  }
0xb4: {  	[sflag:s29] =	ssyncadd.s32 $0xFFFFFFFF  }
0xb5: {  	_ =	strace $0x9000004B  }
0xb6: {  	_ =	sfence  }
0xb7: {  	s30 =	sld [smem:$0x0];
	_ =	sdelay $0x2  }
0xb8: {  	s31 =	sshll.u32 s1, $0xD;
	s1 =	sshrl.u32 s1, $0x2  }
0xb9: {  	s3 =	sand.u32 $0x4000, s31;
	s1 =	sadd.s32 s1, s30  }
0xba: {  	s0 =	sor.u32 s3, s0;
	s1 =	sshll.u32 s1, $0x11  }
0xbb: {  	s0 =	sor.u32 s1, s0  }
0xbc: {  	s0 =	sadd.s32 $0x8F2B, s0  }
0xbd: {  	[sflag:s0] =	ssyncadd.remote.s32 $0x1  }
0xbe: {  	_ =	sfence.sel $0xFFFF  }
0xbf: {  	[dreg:$0x0] =	wrdreg $0xFFFFFFFF;
	(pc) =	sbr.abs _section_cstart, $3  }
0xc0: {  	[dreg:$0x1] =	wrdreg $0xFFFFFFFF  }
0xc1: {  	_ =	task.clear_ibuf [dreg:s6], $0x2FFFF;
	_ =	strace $0x9FFFFFFF  }
0xc2: {  	(tm) =	ssettm $0x7FFFFFFF  }
0xc3: {  	_ =	shalt  }
tec
execute0_lowered:
.L_overlay_start_1:
0x0: {  	(tag) =	ssettag $0x1  }
0x1: {  	s0 =	rddreg [dreg:$0x0]  }
0x2: {  	s1 =	rddreg [dreg:$0x1];
	s2 =	srdreg.scid;
	s3 =	simm.s32 $0x0  }
0x3: {  	s11 =	stileid.u32;
	s28 =	simm.s32 $0x2C00;
	s29 =	simm.s32 $0x7  }
0x4: {  	s30 =	simm.s32 $0x100;
	s2 =	sand.u32 $0x1, s2;
	s8 =	smul.u32 $0x13C00, s11  }
0x5: {  	[smem:$0x7FF] =	sst s3;
	s4 =	sadd.s32 $0x16C00, s0;
	s9 =	smul.u32 $0x4F000, s11  }
0x6: {  	s5 =	sadd.s32 $0xCE00, s0;
	s7 =	smul.u32 $0x13C000, s2;
	s10 =	ssub.s32 $0x2, s2  }
0x7: {  	s6 =	sadd.s32 $0x3000, s0;
	s16 =	sshll.u32 s11, $0x1;
	s17 =	sshrl.u32 s10, $0x1  }
0x8: {  	s9 =	sshrl.u32 s9, $0x2;
	s7 =	sadd.s32 s8, s7;
	s10 =	ssub.s32 s10, s17  }
0x9: {  	s8 =	sor.u32 s2, s16;
	s7 =	sshrl.u32 s7, $0x3;
	s24 =	smax.u32 s10, $0x1  }
0xa: {  	s0 =	sadd.s32 s7, s0;
	s7 =	smul.u32 $0x2710, s8;
	s8 =	sadd.s32 s9, s1  }
0xb: {  	_ =	strace $0x8000004A;
	[dreg:$0xb] =	wrdreg s24;
	s9 =	sadd.s32 $0x2800, s8  }
0xc: {  	s31 =	simm.s32 $0x300;
	s18 =	sadd.s32 $0x5000, s8;
	[dreg:$0x3] =	wrdreg s9  }
0xd: {  	s12 =	simm.s32 $0x7C00;
	s19 =	sadd.s32 $0x7800, s8;
	[dreg:$0x4] =	wrdreg s18  }
0xe: {  	s11 =	smul.u32 $0x4E20, s11;
	s20 =	sadd.s32 $0xA000, s8;
	[dreg:$0x5] =	wrdreg s19  }
0xf: {  	s2 =	smul.u32 $0x2710, s2;
	s21 =	sadd.s32 $0xC800, s8;
	[dreg:$0x6] =	wrdreg s20  }
0x10: {  	s10 =	simm.s32 $0x380;
	s22 =	sadd.s32 $0xF000, s8;
	[dreg:$0x7] =	wrdreg s21  }
0x11: {  	s2 =	sadd.s32 s2, s11;
	s23 =	sadd.s32 $0x11800, s8;
	[dreg:$0x8] =	wrdreg s22  }
0x12: {  	s24 =	simm.s32 $0x50;
	s0 =	sadd.s32 $0x3DE00, s0;
	[dreg:$0x9] =	wrdreg s23  }
0x13: {  	s11 =	simm.s32 $0x1;
	s2 =	sshrl.u32 s2, $0x3;
	[dreg:$0xa] =	wrdreg s0  }
.Ltmp0:
0x14: {  	s25 =	sadd.s32 s2, s6;
	s26 =	sadd.s32 s2, s5;
	(pc) =	sbr.rel .LBB2_1-.Ltmp0, $4  }
0x15: {  	s20 =	simm.s32 $0x400;
	s21 =	simm.s32 $0xA;
	s22 =	simm.s32 $0x200  }
0x16: {  	s23 =	simm.s32 $0x9;
	s0 =	simm.s32 $0x5400;
	s2 =	simm.s32 $0x8  }
0x17: {  	s9 =	simm.s32 $0x180;
	s18 =	simm.s32 $0x0;
	[dreg:$0xc] =	wrdreg s25  }
0x18: {  	v0 =	vimm.f32 $0.0e+00;
	v1 =	vimm.s32 $0x2710;
	[dreg:$0xd] =	wrdreg s26;
	s25 =	simm.s32 $0x80;
	s26 =	simm.s32 $0x280  }
.LBB2_13:
0x19: {  	s13 =	simm.s32 $0x2  }
0x1a: {  	_ =	swait.ge [sflag:s13], $0x2800  }
0x1b: {  	[sflag:s13] =	ssyncset.done $0x0  }
0x1c: {  	s19 =	simm.s32 $0x3;
	[sflag:s13] =	ssyncadd.s32 $0xFFFFD800  }
0x1d: {  	[spmem:s1] =	stream.indirect.scatter.add.f32 [tilespmem:s28], [sflag:$0x6], $0x80, s26, s24, $0xb8;
	[tilespmem:$0x1E000] =	vst v63  }
0x1e: {  	_ =	swait.ge [sflag:s19], $0x2800  }
0x1f: {  	[sflag:s19] =	ssyncset.done $0x0  }
0x20: {  	s14 =	simm.s32 $0x4;
	[sflag:s19] =	ssyncadd.s32 $0xFFFFD800  }
0x21: {  	[spmem:s1] =	stream.indirect.scatter.add.f32 [tilespmem:s0], [sflag:$0x7], $0x80, s31, s24, $0xb8;
	[tilespmem:$0x1E000] =	vst v63  }
0x22: {  	_ =	swait.ge [sflag:s14], $0x2800  }
0x23: {  	[sflag:s14] =	ssyncset.done $0x0  }
0x24: {  	s15 =	simm.s32 $0x5;
	[sflag:s14] =	ssyncadd.s32 $0xFFFFD800  }
0x25: {  	[spmem:s1] =	stream.indirect.scatter.add.f32 [tilespmem:s12], [sflag:$0x8], $0x80, s10, s24, $0xb8;
	[tilespmem:$0x1E000] =	vst v63  }
0x26: {  	_ =	swait.ge [sflag:s15], $0x2800  }
0x27: {  	[sflag:s15] =	ssyncset.done $0x0  }
0x28: {  	s16 =	simm.s32 $0x6;
	[sflag:s15] =	ssyncadd.s32 $0xFFFFD800  }
0x29: {  	_ =	swait.ge [sflag:s16], $0x2800  }
0x2a: {  	[sflag:s16] =	ssyncset.done $0x0  }
0x2b: {  	[sflag:s16] =	ssyncadd.s32 $0xFFFFD800  }
0x2c: {  	_ =	swait.ge [sflag:s29], $0x2800  }
0x2d: {  	[sflag:s29] =	ssyncset.done $0x0  }
0x2e: {  	[sflag:s29] =	ssyncadd.s32 $0xFFFFD800  }
0x2f: {  	_ =	swait.ge [sflag:s2], $0x2800  }
0x30: {  	[sflag:s2] =	ssyncset.done $0x0  }
0x31: {  	s17 =	stileid.u32;
	[sflag:s2] =	ssyncadd.s32 $0xFFFFD800  }
0x32: {  	s13 =	sshll.u32 s17, $0x6;
	[bflag:$0x0] =	sbarrier.arrive $0xFFFF  }
0x33: {  	s13 =	sor.u32 $0x1C0A, s13;
	s14 =	sshrl.u32 s8, $0x3;
	s15 =	rddreg [dreg:$0xa]  }
0x34: {  	[hbm:s15], [sflag:s13] =	dma.local [spmem:s14], $0x2780  }
0x35: {  	_ =	swait.ge [sflag:s21], $0x2780  }
0x36: {  	s18 =	sadd.s32 $0x1, s18;
	s19 =	rddreg [dreg:$0xb]  }
0x37: {  	p0 =	sne.s32 s18, s19  }
.Ltmp1:
0x38: {  	_ = 	snop;
	(pc) =	sbr.rel @!p0 .LBB2_14-.Ltmp1, $3  }
0x39: {  	_ =	sdelay $0x1  }
0x3a: {  	[sflag:s21] =	ssyncset.done $0x0  }
0x3b: {  	[sflag:s21] =	ssyncadd.s32 $0xFFFFD880  }
.LBB2_1:
0x3c: {  	s13 =	simm.s32 $0x0;
	s14 =	simm.s32 $0x200  }
.LBB2_2:
0x3d: {  	p0 =	sne.s32 s14, $0x9E00;
	[tilespmem:s13+$0x470] =	vst v0  }
0x3e: {  	[tilespmem:s13+$0x400] =	vst v0  }
0x3f: {  	[tilespmem:s13+$0x410] =	vst v0  }
.Ltmp2:
0x40: {  	[tilespmem:s13+$0x420] =	vst v0;
	(pc) =	sbr.rel @p0 .LBB2_2-.Ltmp2, $4  }
0x41: {  	[tilespmem:s13+$0x430] =	vst v0  }
0x42: {  	[tilespmem:s13+$0x440] =	vst v0  }
0x43: {  	[tilespmem:s13+$0x450] =	vst v0  }
0x44: {  	[tilespmem:s13+$0x460] =	vst v0;
	s13 =	sshra.s32 s14, $0x2;
	s14 =	sadd.s32 $0x200, s14  }
0x45: {  	[tilespmem:s13+$0x470] =	vst v0  }
0x46: {  	[tilespmem:s13+$0x400] =	vst v0  }
0x47: {  	[tilespmem:s13+$0x410] =	vst v0  }
0x48: {  	[tilespmem:s13+$0x420] =	vst v0  }
0x49: {  	[tilespmem:s13+$0x430] =	vst v0  }
0x4a: {  	[tilespmem:s13+$0x440] =	vst v0  }
0x4b: {  	[tilespmem:s13+$0x450] =	vst v0  }
0x4c: {  	[tilespmem:s13+$0x460] =	vst v0  }
0x4d: {  	[spmem:s8] =	stream.linear.scatter [tilespmem:s20], [sflag:$0xA], $0x2800, $0x38;
	[tilespmem:$0x1E000] =	vst v63  }
0x4e: {  	_ =	swait.ge [sflag:s21], $0x2800  }
0x4f: {  	[sflag:s21] =	ssyncset.done $0x0  }
0x50: {  	s17 =	rddreg [dreg:$0x3];
	[sflag:s21] =	ssyncadd.s32 $0xFFFFD800  }
0x51: {  	[spmem:s17] =	stream.linear.scatter [tilespmem:s20], [sflag:$0xA], $0x2800, $0x38;
	[tilespmem:$0x1E000] =	vst v63  }
0x52: {  	_ =	swait.ge [sflag:s21], $0x2800  }
0x53: {  	[sflag:s21] =	ssyncset.done $0x0  }
0x54: {  	s19 =	rddreg [dreg:$0x4];
	[sflag:s21] =	ssyncadd.s32 $0xFFFFD800  }
0x55: {  	[spmem:s19] =	stream.linear.scatter [tilespmem:s20], [sflag:$0xA], $0x2800, $0x38;
	[tilespmem:$0x1E000] =	vst v63  }
0x56: {  	_ =	swait.ge [sflag:s21], $0x2800  }
0x57: {  	[sflag:s21] =	ssyncset.done $0x0  }
0x58: {  	s14 =	rddreg [dreg:$0x5];
	[sflag:s21] =	ssyncadd.s32 $0xFFFFD800  }
0x59: {  	[spmem:s14] =	stream.linear.scatter [tilespmem:s20], [sflag:$0xA], $0x2800, $0x38;
	[tilespmem:$0x1E000] =	vst v63  }
0x5a: {  	_ =	swait.ge [sflag:s21], $0x2800  }
0x5b: {  	[sflag:s21] =	ssyncset.done $0x0  }
0x5c: {  	s15 =	rddreg [dreg:$0x6];
	[sflag:s21] =	ssyncadd.s32 $0xFFFFD800  }
0x5d: {  	[spmem:s15] =	stream.linear.scatter [tilespmem:s20], [sflag:$0xA], $0x2800, $0x38;
	[tilespmem:$0x1E000] =	vst v63  }
0x5e: {  	_ =	swait.ge [sflag:s21], $0x2800  }
0x5f: {  	[sflag:s21] =	ssyncset.done $0x0  }
0x60: {  	s16 =	rddreg [dreg:$0x7];
	[sflag:s21] =	ssyncadd.s32 $0xFFFFD800  }
0x61: {  	[spmem:s16] =	stream.linear.scatter [tilespmem:s20], [sflag:$0xA], $0x2800, $0x38;
	[tilespmem:$0x1E000] =	vst v63  }
0x62: {  	_ =	swait.ge [sflag:s21], $0x2800  }
0x63: {  	[sflag:s21] =	ssyncset.done $0x0  }
0x64: {  	s17 =	rddreg [dreg:$0x8];
	[sflag:s21] =	ssyncadd.s32 $0xFFFFD800  }
0x65: {  	[spmem:s17] =	stream.linear.scatter [tilespmem:s20], [sflag:$0xA], $0x2800, $0x38;
	[tilespmem:$0x1E000] =	vst v63  }
0x66: {  	_ =	swait.ge [sflag:s21], $0x2800  }
0x67: {  	[sflag:s21] =	ssyncset.done $0x0  }
0x68: {  	s19 =	rddreg [dreg:$0x9];
	[sflag:s21] =	ssyncadd.s32 $0xFFFFD800  }
0x69: {  	[spmem:s19] =	stream.linear.scatter [tilespmem:s20], [sflag:$0xA], $0x2400, $0x38;
	[tilespmem:$0x1E000] =	vst v63  }
0x6a: {  	_ =	swait.ge [sflag:s21], $0x2400  }
.Ltmp3:
0x6b: {  	[sflag:s21] =	ssyncset.done $0x0;
	(pc) =	sbr.rel .LBB2_4-.Ltmp3, $4  }
0x6c: {  	[sflag:s21] =	ssyncadd.s32 $0xFFFFDC00  }
0x6d: {  	[bflag:$0x0] =	sbarrier.arrive $0xFFFF  }
0x6e: {  	s13 =	rddreg [dreg:$0xd]  }
0x6f: {  	s19 =	simm.s32 $0x3;
	s14 =	rddreg [dreg:$0xc]  }
.LBB2_9:
0x70: {  	[tilespmem:$0x300] =	vst v1  }
0x71: {  	[tilespmem:$0x310] =	vst v1  }
0x72: {  	[tilespmem:$0x320] =	vst v1  }
0x73: {  	[tilespmem:$0x330] =	vst v1  }
0x74: {  	[tilespmem:$0x340] =	vst v1;
	s15 =	simm.s32 $0x7F  }
0x75: {  	[tilespmem:s0], [sflag:$0x3] =	stream.indirect.gather [hbm4b:s4+s24], $0x80, s30, s24, $0xb8;
	[tilespmem:$0x1E000] =	vst v63  }
.LBB2_11:
0x76: {  	_ =	swait.ge [sflag:s2], $0x2800  }
0x77: {  	[sflag:s2] =	ssyncset.done $0x0  }
0x78: {  	[sflag:s2] =	ssyncadd.s32 $0xFFFFD800  }
.LBB2_12:
0x79: {  	s16 =	smin.u32 s15, $0x7C  }
0x7a: {  	s16 =	smul.u32 $0x50, s16;
	_ =	sdelay $0x1  }
0x7b: {  	s16 =	sadd.s32 s7, s16  }
0x7c: {  	s16 =	sshrl.u32 s16, $0x3  }
0x7d: {  	s17 =	sadd.s32 s5, s16  }
0x7e: {  	[tilespmem:s9], [sflag:$0x9] =	stream.linear.gather [hbm4b:s17+s3], $0x50, $0x38;
	[tilespmem:$0x1E000] =	vst v63  }
0x7f: {  	s16 =	sadd.s32 s6, s16  }
0x80: {  	[tilespmem:s10], [sflag:$0x9] =	stream.linear.gather [hbm4b:s16+s3], $0x50, $0x38;
	[tilespmem:$0x1E000] =	vst v63  }
0x81: {  	_ =	swait.ge [sflag:s11], $0x2800  }
0x82: {  	[sflag:s11] =	ssyncset.done $0x0  }
0x83: {  	[sflag:s11] =	ssyncadd.s32 $0xFFFFD800  }
0x84: {  	[spmem:s1] =	stream.indirect.scatter.add.f32 [tilespmem:s20], [sflag:$0x5], $0x80, s22, s24, $0xb8;
	[tilespmem:$0x1E000] =	vst v63  }
0x85: {  	_ =	swait.ge [sflag:s23], $0x50  }
0x86: {  	[sflag:s23] =	ssyncset.done $0x0  }
0x87: {  	[sflag:s23] =	ssyncadd.s32 $0xFFFFFFB0  }
0x88: {  	_ =	swait.ge [sflag:s23], $0x50  }
0x89: {  	p0 =	slt.u32 s15, $0x7D;
	[sflag:s23] =	ssyncset.done $0x0  }
0x8a: {  	v2 =	vimm.s32 @!p0 $0x2710;
	[sflag:s23] =	ssyncadd.s32 $0xFFFFFFB0  }
0x8b: {  	[tilespmem:$0x380] =	vst @!p0 v2  }
0x8c: {  	[tilespmem:$0x390] =	vst @!p0 v2  }
0x8d: {  	[tilespmem:$0x3A0] =	vst @!p0 v2  }
0x8e: {  	s19 =	sadd.s32 $0x4, s19;
	[tilespmem:$0x3B0] =	vst @!p0 v2  }
0x8f: {  	[tilespmem:$0x3C0] =	vst @!p0 v2;
	p0 =	sne.s32 s19, $0x83  }
.Ltmp4:
0x90: {  	_ = 	snop;
	(pc) =	sbr.rel @!p0 .LBB2_13-.Ltmp4, $3  }
0x91: {  	_ =	sdelay $0x1  }
0x92: {  	s14 =	sadd.s32 $0x28, s14;
	s13 =	sadd.s32 $0x28, s13  }
0x93: {  	[tilespmem:s12], [sflag:$0x4] =	stream.indirect.gather [hbm4b:s4+s24], $0x80, s9, s24, $0xb8;
	[tilespmem:$0x1E000] =	vst v63  }
.LBB2_4:
0x94: {  	p0 =	seq.s32 s19, $0x3  }
0x95: {  	s15 =	simm.s32 @!p0 $0x5  }
0x96: {  	_ =	swait.ge @!p0 [sflag:s15], $0x2800  }
0x97: {  	[sflag:s15] =	ssyncset.done @!p0 $0x0  }
0x98: {  	[sflag:s15] =	ssyncadd.s32 @!p0 $0xFFFFD800  }
0x99: {  	[tilespmem:s3], [sflag:$0x9] =	stream.linear.gather [hbm4b:s13+s3], $0x50, $0x38;
	[tilespmem:$0x1E000] =	vst v63  }
0x9a: {  	s15 =	simm.s32 @!p0 $0x2  }
0x9b: {  	[tilespmem:s22], [sflag:$0x9] =	stream.linear.gather [hbm4b:s14+s3], $0x50, $0x38;
	[tilespmem:$0x1E000] =	vst v63  }
0x9c: {  	_ =	swait.ge @!p0 [sflag:s15], $0x2800  }
0x9d: {  	s16 =	simm.s32 @!p0 $0x280;
	[sflag:s15] =	ssyncset.done @!p0 $0x0  }
0x9e: {  	s17 =	simm.s32 @!p0 $0x2C00;
	[sflag:s15] =	ssyncadd.s32 @!p0 $0xFFFFD800;
	s15 =	simm.s32 @!p0 $0x50  }
0x9f: {  	[spmem:s1] =	stream.indirect.scatter.add.f32 @!p0 [tilespmem:s17], [sflag:$0x6], $0x80, s16, s15, $0xb8;
	[tilespmem:$0x1E000] =	vst v63  }
0xa0: {  	_ =	swait.ge [sflag:s23], $0x50  }
0xa1: {  	[sflag:s23] =	ssyncset.done $0x0  }
0xa2: {  	[sflag:s23] =	ssyncadd.s32 $0xFFFFFFB0  }
0xa3: {  	s17 =	sadd.s32 $0xFFFFFFFE, s19;
	_ =	swait.ge [sflag:s23], $0x50  }
0xa4: {  	s16 =	smin.u32 s17, $0x7C;
	[sflag:s23] =	ssyncset.done $0x0  }
0xa5: {  	s17 =	simm.s32 @!p0 $0x6;
	s16 =	smul.u32 $0x50, s16;
	[sflag:s23] =	ssyncadd.s32 $0xFFFFFFB0  }
0xa6: {  	[tilespmem:s20], [sflag:$0x1] =	stream.indirect.gather [hbm4b:s4+s24], $0x80, s3, s24, $0xb8;
	[tilespmem:$0x1E000] =	vst v63  }
0xa7: {  	s16 =	sadd.s32 s7, s16;
	_ =	swait.ge @!p0 [sflag:s17], $0x2800  }
0xa8: {  	s16 =	sshrl.u32 s16, $0x3;
	[sflag:s17] =	ssyncset.done @!p0 $0x0  }
0xa9: {  	[sflag:s17] =	ssyncadd.s32 @!p0 $0xFFFFD800;
	s17 =	sadd.s32 s5, s16  }
0xaa: {  	[tilespmem:s25], [sflag:$0x9] =	stream.linear.gather [hbm4b:s17+s3], $0x50, $0x38;
	[tilespmem:$0x1E000] =	vst v63  }
0xab: {  	s16 =	sadd.s32 s6, s16  }
0xac: {  	[tilespmem:s26], [sflag:$0x9] =	stream.linear.gather [hbm4b:s16+s3], $0x50, $0x38;
	[tilespmem:$0x1E000] =	vst v63  }
0xad: {  	s16 =	simm.s32 @!p0 $0x3  }
0xae: {  	_ =	swait.ge @!p0 [sflag:s16], $0x2800  }
0xaf: {  	[sflag:s16] =	ssyncset.done @!p0 $0x0  }
0xb0: {  	s17 =	simm.s32 @!p0 $0x5400;
	[sflag:s16] =	ssyncadd.s32 @!p0 $0xFFFFD800;
	s16 =	simm.s32 @!p0 $0x300  }
0xb1: {  	[spmem:s1] =	stream.indirect.scatter.add.f32 @!p0 [tilespmem:s17], [sflag:$0x7], $0x80, s16, s15, $0xb8;
	[tilespmem:$0x1E000] =	vst v63  }
0xb2: {  	p1 =	sne.s32 s19, $0x7F;
	_ =	swait.ge [sflag:s23], $0x50  }
.Ltmp5:
0xb3: {  	[sflag:s23] =	ssyncset.done $0x0;
	(pc) =	sbr.rel @p1 .LBB2_6-.Ltmp5, $4  }
0xb4: {  	[sflag:s23] =	ssyncadd.s32 $0xFFFFFFB0  }
0xb5: {  	_ =	swait.ge [sflag:s23], $0x50  }
0xb6: {  	[sflag:s23] =	ssyncset.done $0x0  }
0xb7: {  	[sflag:s23] =	ssyncadd.s32 $0xFFFFFFB0  }
0xb8: {  	[tilespmem:$0x280] =	vst v1  }
.Ltmp6:
0xb9: {  	[tilespmem:$0x290] =	vst v1;
	(pc) =	sbr.rel .LBB2_7-.Ltmp6, $4  }
0xba: {  	[tilespmem:$0x2A0] =	vst v1  }
0xbb: {  	[tilespmem:$0x2B0] =	vst v1  }
0xbc: {  	[tilespmem:$0x2C0] =	vst v1;
	s15 =	simm.s32 $0x7E  }
0xbd: {  	[tilespmem:s28], [sflag:$0x2] =	stream.indirect.gather [hbm4b:s4+s24], $0x80, s25, s24, $0xb8;
	[tilespmem:$0x1E000] =	vst v63  }
.LBB2_6:
.Ltmp7:
0xbe: {  	(pc) =	sbr.rel @p0 .LBB2_8-.Ltmp7, $3  }
0xbf: {  	_ =	sdelay $0x1  }
0xc0: {  	[tilespmem:s28], [sflag:$0x2] =	stream.indirect.gather [hbm4b:s4+s24], $0x80, s25, s24, $0xb8;
	[tilespmem:$0x1E000] =	vst v63  }
0xc1: {  	s15 =	sadd.s32 $0xFFFFFFFF, s19  }
.LBB2_7:
0xc2: {  	_ =	swait.ge [sflag:s29], $0x2800  }
0xc3: {  	[sflag:s29] =	ssyncset.done $0x0  }
0xc4: {  	[sflag:s29] =	ssyncadd.s32 $0xFFFFD800  }
.LBB2_8:
0xc5: {  	s15 =	smin.u32 s15, $0x7C  }
0xc6: {  	s15 =	smul.u32 $0x50, s15;
	_ =	sdelay $0x1  }
0xc7: {  	s15 =	sadd.s32 s7, s15  }
0xc8: {  	s15 =	sshrl.u32 s15, $0x3  }
0xc9: {  	s16 =	sadd.s32 s5, s15  }
0xca: {  	[tilespmem:s30], [sflag:$0x9] =	stream.linear.gather [hbm4b:s16+s3], $0x50, $0x38;
	[tilespmem:$0x1E000] =	vst v63  }
0xcb: {  	s15 =	sadd.s32 s6, s15  }
0xcc: {  	[tilespmem:s31], [sflag:$0x9] =	stream.linear.gather [hbm4b:s15+s3], $0x50, $0x38;
	[tilespmem:$0x1E000] =	vst v63  }
0xcd: {  	s15 =	simm.s32 @!p0 $0x4  }
0xce: {  	_ =	swait.ge @!p0 [sflag:s15], $0x2800  }
0xcf: {  	s17 =	simm.s32 @!p0 $0x7C00;
	[sflag:s15] =	ssyncset.done @!p0 $0x0  }
0xd0: {  	s16 =	simm.s32 @!p0 $0x380;
	[sflag:s15] =	ssyncadd.s32 @!p0 $0xFFFFD800;
	s15 =	simm.s32 @!p0 $0x50  }
0xd1: {  	[spmem:s1] =	stream.indirect.scatter.add.f32 @!p0 [tilespmem:s17], [sflag:$0x8], $0x80, s16, s15, $0xb8;
	[tilespmem:$0x1E000] =	vst v63  }
0xd2: {  	_ =	swait.ge [sflag:s23], $0x50  }
.Ltmp8:
0xd3: {  	[sflag:s23] =	ssyncset.done $0x0;
	(pc) =	sbr.rel @!p1 .LBB2_9-.Ltmp8, $4  }
0xd4: {  	[sflag:s23] =	ssyncadd.s32 $0xFFFFFFB0  }
0xd5: {  	_ =	swait.ge [sflag:s23], $0x50  }
0xd6: {  	[sflag:s23] =	ssyncset.done $0x0  }
0xd7: {  	[sflag:s23] =	ssyncadd.s32 $0xFFFFFFB0  }
.Ltmp9:
0xd8: {  	(pc) =	sbr.rel @p0 .LBB2_12-.Ltmp9, $4  }
.Ltmp10:
0xd9: {  	(pc) =	sbr.rel @!p0 .LBB2_11-.Ltmp10, $4  }
0xda: {  	_ = 	snop  }
0xdb: {  	[tilespmem:s0], [sflag:$0x3] =	stream.indirect.gather [hbm4b:s4+s24], $0x80, s30, s24, $0xb8;
	[tilespmem:$0x1E000] =	vst v63  }
0xdc: {  	s15 =	smov.u32 s19  }
0xdd: {  	_ = 	snop  }
.LBB2_14:
0xde: {  	_ =	sfence.sel $0x180000  }
0xdf: {  	[bflag:$0x0] =	sbarrier.arrive $0xFFFF  }
0xe0: {  	_ =	strace $0x9000004A  }
0xe1: {  	s0 =	stileid.u32;
	[bflag:$0x2] =	sbarrier.arrive $0xFFFF  }
0xe2: {  	p0 =	sne.s32 s0, $0x0;
	s0 =	rddreg [dreg:$0x2]  }
0xe3: {  	s0 =	sadd.s32 @!p0 $0x100000, s0  }
0xe4: {  	[sflag:s0] =	ssyncadd.tile.s32 @!p0 $0x1;
	_ =	shalt  }
.Lfunc_end2:
_tile_overlayer_lowered:
.L_overlay_start_2:
0xe5: {  	(tag) =	ssettag $0x2  }
0xe6: {  	s0 =	rddreg [dreg:$0x0];
	s2 =	stileid.u32  }
0xe7: {  	s1 =	rddreg [dreg:$0x1];
	p0 =	sne.s32 s2, $0x0  }
0xe8: {  	s3 =	rddreg [dreg:$0x2];
	[bflag:$0x3] =	sbarrier.arrive $0xFFFF;
	s2 =	simm.s32 @!p0 $0x1C0A  }
0xe9: {  	[timem:s3], [sflag:s2] =	dma.local @!p0 [hbm:s0], s1  }
0xea: {  	s0 =	simm.s32 @!p0 $0xA  }
0xeb: {  	_ =	swait.ge @!p0 [sflag:s0], s1  }
0xec: {  	s1 =	ssub.s32 @!p0 $0x0, s1;
	[sflag:s0] =	ssyncset.done @!p0 $0x0  }
0xed: {  	[sflag:s0] =	ssyncadd.s32 @!p0 s1  }
0xee: {  	[bflag:$0x3] =	sbarrier.arrive $0xFFFF  }
0xef: {  	_ =	shalt  }

// kernel: kernel.14.cloned.1.call-start
scs
__scs_entry_jumppad:
0x0: {  	(pc) =	sbr.rel $0x88, $3  }
0x1: {  	(tag) =	ssettag $0x0;
	lr =	simm.s32 $0x1  }
0x2: {  	[smem:$0x3F92] =	sst lr;
	_ =	strace $0xD0000000  }
0x3: {  	_ = 	snop  }
0x4: {  	_ = 	snop  }
0x5: {  	_ = 	snop  }
0x6: {  	_ = 	snop  }
0x7: {  	_ = 	snop  }
__scs_overlays_trampoline_lowered:
0x8: {  	[smem:$0x3FA1] =	sst s0  }
0x9: {  	[smem:$0x3FA2] =	sst s1  }
0xa: {  	[smem:$0x3FA3] =	sst s2  }
0xb: {  	[smem:$0x3FA4] =	sst s3  }
0xc: {  	[smem:$0x3FA5] =	sst s4  }
0xd: {  	[smem:$0x3FA6] =	sst s5  }
0xe: {  	[smem:$0x3FA7] =	sst s6  }
0xf: {  	[smem:$0x3FA8] =	sst s7  }
0x10: {  	[smem:$0x3FA9] =	sst s8  }
0x11: {  	[smem:$0x3FAA] =	sst s9;
	s0 =	simm.s32 @!p0 $0x0  }
0x12: {  	s1 =	sld [smem:$0x3F90];
	s0 =	simm.s32 @p0 $0x1  }
0x13: {  	[smem:$0x3FAB] =	sst s0;
	s0 =	simm.s32 @!p1 $0x0  }
0x14: {  	s2 =	sld [smem:$0x3F8F];
	s0 =	simm.s32 @p1 $0x1  }
0x15: {  	[smem:$0x3FAC] =	sst s0;
	s0 =	simm.s32 @!p2 $0x0  }
0x16: {  	s3 =	sld [smem:$0x3FDB];
	s0 =	simm.s32 @p2 $0x1  }
0x17: {  	s4 =	simm.s32 $0x1BF5;
	[smem:$0x3FAE] =	sst s0  }
0x18: {  	s0 =	sld [smem:$0x3F91];
	_ =	swait.ge [sflag:s4], $0x0  }
0x19: {  	s7 =	sld [smem:$0x3F92]  }
0x1a: {  	s8 =	sadd.s32 $0xFFFFE003, lr  }
0x1b: {  	s9 =	sadd.s32 $0xFFFFFEF7, lr;
	s5 =	simm.s32 $0xFFFFFFFF;
	p2 =	slt.u32 s8, $0xFFFFF086  }
0x1c: {  	p1 =	slt.u32 s9, $0xF7A;
	s5 =	simm.s32 @!p2 $0x0  }
0x1d: {  	s5 =	simm.s32 @p1 $0x1;
	p0 =	seq.s32 s7, s2  }
0x1e: {  	s7 =	smul.u32 @!p0 $0xF7A, s2;
	p2 =	seq.s32 @!p0 s5, $0x0  }
0x1f: {  	s9 =	smul.u32 $0xF7A, s1;
	s8 =	simm.s32 @!p0 $0x1BF5;
	p2 =	por !p2, p0  }
0x20: {  	[sflag:s8] =	ssyncset.s32 @!p0 $0xFFFFF086;
	s6 =	sadd.s32 @!p0 s3, s7;
	s7 =	simm.s32 @!p0 $0x108  }
0x21: {  	s3 =	sadd.s32 s3, s9;
	s6 =	sadd.s32 @!p0 $0x88, s6;
	s7 =	simm.s32 @p2 $0x1082  }
0x22: {  	[simem:s7], [sflag:s8] =	dma.local @!p0 [hbm:s6], $0xF7A  }
0x23: {  	s9 =	sor.u32 $0xD0000000, s2;
	s6 =	simm.s32 $0x108;
	_ =	swait.ge @!p0 [sflag:s8], $0x0  }
0x24: {  	s3 =	sadd.s32 $0x88, s3;
	s6 =	simm.s32 @!p1 $0x1082;
	[sflag:s4] =	ssyncset.s32 $0xFFFFF086  }
0x25: {  	[simem:s6], [sflag:s4] =	dma.local [hbm:s3], $0xF7A  }
0x26: {  	[smem:$0x3F92] =	sst s1;
	(tag) =	ssettag s2;
	_ =	strace s9  }
0x27: {  	s1 =	sld [smem:$0x3FA2]  }
0x28: {  	s2 =	sld [smem:$0x3FA3]  }
0x29: {  	s4 =	sld [smem:$0x3FA5]  }
0x2a: {  	p0 =	seq.s32 s5, $0x0;
	s5 =	sld [smem:$0x3FA6]  }
0x2b: {  	s6 =	sld [smem:$0x3FA7]  }
0x2c: {  	s7 =	sld [smem:$0x3FA8]  }
0x2d: {  	s3 =	simm.s32 $0x108;
	s8 =	sld [smem:$0x3FA9]  }
0x2e: {  	s3 =	simm.s32 @!p0 $0x1082;
	s9 =	sld [smem:$0x3FAA]  }
0x2f: {  	lr =	sadd.s32 s0, s3;
	s0 =	sld [smem:$0x3FA1]  }
0x30: {  	s3 =	sld [smem:$0x3FA4]  }
0x31: {  	[smem:$0x3FAD] =	sst s10  }
0x32: {  	s10 =	sld [smem:$0x3FAB];
	_ =	sdelay $0x3  }
0x33: {  	p0 =	seq.s32 s10, $0x1;
	s10 =	sld [smem:$0x3FAD];
	_ =	sdelay $0x3  }
0x34: {  	[smem:$0x3FAD] =	sst s10  }
0x35: {  	s10 =	sld [smem:$0x3FAC];
	_ =	sdelay $0x3  }
0x36: {  	p1 =	seq.s32 s10, $0x1;
	s10 =	sld [smem:$0x3FAD];
	_ =	sdelay $0x3  }
0x37: {  	[smem:$0x3FAD] =	sst s10  }
0x38: {  	s10 =	sld [smem:$0x3FAE]  }
0x39: {  	_ = 	snop;
	(pc) =	sbr.ind lr, $3  }
0x3a: {  	_ = 	snop  }
0x3b: {  	_ = 	snop  }
0x3c: {  	p2 =	seq.s32 s10, $0x1;
	s10 =	sld [smem:$0x3FAD]  }
0x3d: {  	_ =	shalt  }
0x3e: {  	_ =	shalt  }
0x3f: {  	_ =	shalt  }
0x40: {  	_ =	shalt  }
0x41: {  	_ =	shalt  }
0x42: {  	_ =	shalt  }
0x43: {  	_ =	shalt  }
0x44: {  	_ =	shalt  }
0x45: {  	_ =	shalt  }
0x46: {  	_ =	shalt  }
0x47: {  	_ =	shalt  }
0x48: {  	_ =	shalt  }
0x49: {  	_ =	shalt  }
0x4a: {  	_ =	shalt  }
0x4b: {  	_ =	shalt  }
0x4c: {  	_ =	shalt  }
0x4d: {  	_ =	shalt  }
0x4e: {  	_ =	shalt  }
0x4f: {  	_ =	shalt  }
0x50: {  	_ =	shalt  }
0x51: {  	_ =	shalt  }
0x52: {  	_ =	shalt  }
0x53: {  	_ =	shalt  }
0x54: {  	_ =	shalt  }
0x55: {  	_ =	shalt  }
0x56: {  	_ =	shalt  }
0x57: {  	_ =	shalt  }
0x58: {  	_ =	shalt  }
0x59: {  	_ =	shalt  }
0x5a: {  	_ =	shalt  }
0x5b: {  	_ =	shalt  }
0x5c: {  	_ =	shalt  }
0x5d: {  	_ =	shalt  }
0x5e: {  	_ =	shalt  }
0x5f: {  	_ =	shalt  }
0x60: {  	_ =	shalt  }
0x61: {  	_ =	shalt  }
0x62: {  	_ =	shalt  }
0x63: {  	_ =	shalt  }
0x64: {  	_ =	shalt  }
0x65: {  	_ =	shalt  }
0x66: {  	_ =	shalt  }
0x67: {  	_ =	shalt  }
0x68: {  	_ =	shalt  }
0x69: {  	_ =	shalt  }
0x6a: {  	_ =	shalt  }
0x6b: {  	_ =	shalt  }
0x6c: {  	_ =	shalt  }
0x6d: {  	_ =	shalt  }
0x6e: {  	_ =	shalt  }
0x6f: {  	_ =	shalt  }
0x70: {  	_ =	shalt  }
0x71: {  	_ =	shalt  }
0x72: {  	_ =	shalt  }
0x73: {  	_ =	shalt  }
0x74: {  	_ =	shalt  }
0x75: {  	_ =	shalt  }
0x76: {  	_ =	shalt  }
0x77: {  	_ =	shalt  }
0x78: {  	_ =	shalt  }
0x79: {  	_ =	shalt  }
0x7a: {  	_ =	shalt  }
0x7b: {  	_ =	shalt  }
0x7c: {  	_ =	shalt  }
0x7d: {  	_ =	shalt  }
0x7e: {  	_ =	shalt  }
0x7f: {  	_ =	shalt  }
0x80: {  	_ =	shalt  }
0x81: {  	_ =	shalt  }
0x82: {  	_ =	shalt  }
0x83: {  	_ =	shalt  }
0x84: {  	_ =	shalt  }
0x85: {  	_ =	shalt  }
0x86: {  	_ =	shalt  }
0x87: {  	_ =	shalt  }
.Lfunc_end0:
.L_simem_size_0:
called_computation.2_lowered:
.L_overlay_start_0:
0x88: {  	s2 =	sld [smem:$0x3FD9]  }
0x89: {  	s3 =	sld [smem:$0x3FFE];
	_ =	sdelay $0x1  }
0x8a: {  	s1 =	srdreg.scid  }
0x8b: {  	s0 =	sand.u32 $0x1, s1  }
0x8c: {  	s16 =	sshll.u32 s0, $0xA;
	s2 =	sadd.s32 s3, s2  }
0x8d: {  	s2 =	sadd.s32 s2, s16  }
0x8e: {  	[smem:$0x3FB9] =	sst s2  }
0x8f: {  	_ = 	snop  }
0x90: {  	(tm) =	ssettm $0x1  }
0x91: {  	s17 =	sld [smem:$0x3FFB];
	_ =	sdelay $0x3  }
0x92: {  	_ =	strace s17  }
0x93: {  	s2 =	sld [smem:$0x3FFC];
	_ =	sdelay $0x3  }
0x94: {  	_ =	strace s2  }
0x95: {  	s2 =	sld [smem:$0x3FFD];
	_ =	sdelay $0x3  }
0x96: {  	_ =	strace s2  }
0x97: {  	_ =	strace $0x8FFFFFFF  }
0x98: {  	s18 =	sld [smem:$0x3FDB];
	_ =	sdelay $0x1  }
0x99: {  	s19 =	simm.s32 $_scs_section_size  }
0x9a: {  	s4 =	simm.s32 $_size__tile_overlayer_lowered;
	s5 =	simm.s32 $_tile_overlayer_lowered  }
0x9b: {  	s22 =	simm.s32 $0x1BFF;
	s21 =	sshll.u32 s5, $0x1;
	s2 =	sadd.s32 s19, s18  }
0x9c: {  	s6 =	simm.s32 $0x0;
	s20 =	sshll.u32 s4, $0x1;
	s4 =	sadd.s32 s21, s2  }
0x9d: {  	[timem:s6], [sflag:s22] =	dma.local [hbm:s4], s20  }
0x9e: {  	_ =	swait.ge [sflag:s22], s20  }
0x9f: {  	s3 =	ssub.s32 $0x0, s20;
	[sflag:s22] =	ssyncset.done $0x0  }
0xa0: {  	[sflag:s22] =	ssyncadd.s32 s3;
	_ =	sdelay $0x1  }
0xa1: {  	s23 =	simm.s32 $0x1B8B  }
0xa2: {  	_ =	swait.ge [sflag:s23], $0x1  }
0xa3: {  	[sflag:s23] =	ssyncset.done $0x0  }
0xa4: {  	s25 =	simm.s32 $0x1B8E;
	s24 =	sld [smem:$0x3FFE];
	[sflag:s23] =	ssyncadd.s32 $0xFFFFFFFF  }
0xa5: {  	s26 =	simm.s32 $execute0_lowered;
	[smem:$0x3FD2] =	sst s25  }
0xa6: {  	s4 =	sshll.u32 s26, $0x1;
	_ =	strace $0x8000004C;
	[dreg:$0x1] =	wrdreg $0xFFFFFFFF  }
0xa7: {  	s28 =	simm.s32 $_size_execute0_lowered;
	s2 =	sadd.s32 s2, s4;
	[dreg:$0x0] =	wrdreg $0x0  }
0xa8: {  	s4 =	sshll.u32 s28, $0x1;
	[dreg:$0x2] =	wrdreg s2  }
0xa9: {  	[dreg:$0x3] =	wrdreg s4  }
0xaa: {  	[dreg:$0x4] =	wrdreg $0xC0  }
0xab: {  	_ =	task [dreg:s6], $0x5FFFF  }
0xac: {  	[dreg:$0x1] =	wrdreg $0xFFFFFFFF  }
0xad: {  	[dreg:$0x0] =	wrdreg $0x60  }
0xae: {  	[dreg:$0x2] =	wrdreg s24  }
0xaf: {  	[dreg:$0x3] =	wrdreg $0xA4000  }
0xb0: {  	[dreg:$0x4] =	wrdreg $0x9  }
0xb1: {  	_ =	task.clear_ibuf [dreg:s6], $0x5FFFF;
	_ =	strace $0x9000004C  }
0xb2: {  	s29 =	simm.s32 $0x9;
	_ =	strace $0x8000004E  }
0xb3: {  	_ =	swait.ge [sflag:s29], $0x1  }
0xb4: {  	[sflag:s29] =	ssyncadd.s32 $0xFFFFFFFF  }
0xb5: {  	_ =	strace $0x9000004E  }
0xb6: {  	_ =	sfence  }
0xb7: {  	s30 =	sld [smem:$0x0];
	_ =	sdelay $0x2  }
0xb8: {  	s31 =	sshll.u32 s1, $0xD;
	s1 =	sshrl.u32 s1, $0x2  }
0xb9: {  	s3 =	sand.u32 $0x4000, s31;
	s1 =	sadd.s32 s1, s30  }
0xba: {  	s0 =	sor.u32 s3, s0;
	s1 =	sshll.u32 s1, $0x11  }
0xbb: {  	s0 =	sor.u32 s1, s0  }
0xbc: {  	s0 =	sadd.s32 $0x8F2B, s0  }
0xbd: {  	[sflag:s0] =	ssyncadd.remote.s32 $0x1  }
0xbe: {  	_ =	sfence.sel $0xFFFF  }
0xbf: {  	[dreg:$0x0] =	wrdreg $0xFFFFFFFF;
	(pc) =	sbr.abs _section_cstart, $3  }
0xc0: {  	[dreg:$0x1] =	wrdreg $0xFFFFFFFF  }
0xc1: {  	_ =	task.clear_ibuf [dreg:s6], $0x2FFFF;
	_ =	strace $0x9FFFFFFF  }
0xc2: {  	(tm) =	ssettm $0x7FFFFFFF  }
0xc3: {  	_ =	shalt  }
tec
execute0_lowered:
.L_overlay_start_1:
0x0: {  	(tag) =	ssettag $0x1  }
0x1: {  	s0 =	rddreg [dreg:$0x0]  }
0x2: {  	s1 =	rddreg [dreg:$0x1];
	s2 =	srdreg.scid;
	s3 =	simm.s32 $0x0  }
0x3: {  	s11 =	stileid.u32;
	s28 =	simm.s32 $0x2C00;
	s29 =	simm.s32 $0x7  }
0x4: {  	s30 =	simm.s32 $0x100;
	s2 =	sand.u32 $0x1, s2;
	s8 =	smul.u32 $0x13C00, s11  }
0x5: {  	[smem:$0x7FF] =	sst s3;
	s4 =	sadd.s32 $0x16C00, s0;
	s9 =	smul.u32 $0x4F000, s11  }
0x6: {  	s5 =	sadd.s32 $0xCE00, s0;
	s7 =	smul.u32 $0x13C000, s2;
	s10 =	ssub.s32 $0x2, s2  }
0x7: {  	s6 =	sadd.s32 $0x3000, s0;
	s16 =	sshll.u32 s11, $0x1;
	s17 =	sshrl.u32 s10, $0x1  }
0x8: {  	s9 =	sshrl.u32 s9, $0x2;
	s7 =	sadd.s32 s8, s7;
	s10 =	ssub.s32 s10, s17  }
0x9: {  	s8 =	sor.u32 s2, s16;
	s7 =	sshrl.u32 s7, $0x3;
	s24 =	smax.u32 s10, $0x1  }
0xa: {  	s0 =	sadd.s32 s7, s0;
	s7 =	smul.u32 $0x2710, s8;
	s8 =	sadd.s32 s9, s1  }
0xb: {  	_ =	strace $0x8000004D;
	[dreg:$0xb] =	wrdreg s24;
	s9 =	sadd.s32 $0x2800, s8  }
0xc: {  	s31 =	simm.s32 $0x300;
	s18 =	sadd.s32 $0x5000, s8;
	[dreg:$0x3] =	wrdreg s9  }
0xd: {  	s12 =	simm.s32 $0x7C00;
	s19 =	sadd.s32 $0x7800, s8;
	[dreg:$0x4] =	wrdreg s18  }
0xe: {  	s11 =	smul.u32 $0x4E20, s11;
	s20 =	sadd.s32 $0xA000, s8;
	[dreg:$0x5] =	wrdreg s19  }
0xf: {  	s2 =	smul.u32 $0x2710, s2;
	s21 =	sadd.s32 $0xC800, s8;
	[dreg:$0x6] =	wrdreg s20  }
0x10: {  	s10 =	simm.s32 $0x380;
	s22 =	sadd.s32 $0xF000, s8;
	[dreg:$0x7] =	wrdreg s21  }
0x11: {  	s2 =	sadd.s32 s2, s11;
	s23 =	sadd.s32 $0x11800, s8;
	[dreg:$0x8] =	wrdreg s22  }
0x12: {  	s24 =	simm.s32 $0x50;
	s0 =	sadd.s32 $0x3DE00, s0;
	[dreg:$0x9] =	wrdreg s23  }
0x13: {  	s11 =	simm.s32 $0x1;
	s2 =	sshrl.u32 s2, $0x3;
	[dreg:$0xa] =	wrdreg s0  }
.Ltmp0:
0x14: {  	s25 =	sadd.s32 s2, s6;
	s26 =	sadd.s32 s2, s5;
	(pc) =	sbr.rel .LBB2_1-.Ltmp0, $4  }
0x15: {  	s20 =	simm.s32 $0x400;
	s21 =	simm.s32 $0xA;
	s22 =	simm.s32 $0x200  }
0x16: {  	s23 =	simm.s32 $0x9;
	s0 =	simm.s32 $0x5400;
	s2 =	simm.s32 $0x8  }
0x17: {  	s9 =	simm.s32 $0x180;
	s18 =	simm.s32 $0x0;
	[dreg:$0xc] =	wrdreg s25  }
0x18: {  	v0 =	vimm.f32 $0.0e+00;
	v1 =	vimm.s32 $0x2710;
	[dreg:$0xd] =	wrdreg s26;
	s25 =	simm.s32 $0x80;
	s26 =	simm.s32 $0x280  }
.LBB2_13:
0x19: {  	s13 =	simm.s32 $0x2  }
0x1a: {  	_ =	swait.ge [sflag:s13], $0x2800  }
0x1b: {  	[sflag:s13] =	ssyncset.done $0x0  }
0x1c: {  	s19 =	simm.s32 $0x3;
	[sflag:s13] =	ssyncadd.s32 $0xFFFFD800  }
0x1d: {  	[spmem:s1] =	stream.indirect.scatter.add.f32 [tilespmem:s28], [sflag:$0x6], $0x80, s26, s24, $0xb8;
	[tilespmem:$0x1E000] =	vst v63  }
0x1e: {  	_ =	swait.ge [sflag:s19], $0x2800  }
0x1f: {  	[sflag:s19] =	ssyncset.done $0x0  }
0x20: {  	s14 =	simm.s32 $0x4;
	[sflag:s19] =	ssyncadd.s32 $0xFFFFD800  }
0x21: {  	[spmem:s1] =	stream.indirect.scatter.add.f32 [tilespmem:s0], [sflag:$0x7], $0x80, s31, s24, $0xb8;
	[tilespmem:$0x1E000] =	vst v63  }
0x22: {  	_ =	swait.ge [sflag:s14], $0x2800  }
0x23: {  	[sflag:s14] =	ssyncset.done $0x0  }
0x24: {  	s15 =	simm.s32 $0x5;
	[sflag:s14] =	ssyncadd.s32 $0xFFFFD800  }
0x25: {  	[spmem:s1] =	stream.indirect.scatter.add.f32 [tilespmem:s12], [sflag:$0x8], $0x80, s10, s24, $0xb8;
	[tilespmem:$0x1E000] =	vst v63  }
0x26: {  	_ =	swait.ge [sflag:s15], $0x2800  }
0x27: {  	[sflag:s15] =	ssyncset.done $0x0  }
0x28: {  	s16 =	simm.s32 $0x6;
	[sflag:s15] =	ssyncadd.s32 $0xFFFFD800  }
0x29: {  	_ =	swait.ge [sflag:s16], $0x2800  }
0x2a: {  	[sflag:s16] =	ssyncset.done $0x0  }
0x2b: {  	[sflag:s16] =	ssyncadd.s32 $0xFFFFD800  }
0x2c: {  	_ =	swait.ge [sflag:s29], $0x2800  }
0x2d: {  	[sflag:s29] =	ssyncset.done $0x0  }
0x2e: {  	[sflag:s29] =	ssyncadd.s32 $0xFFFFD800  }
0x2f: {  	_ =	swait.ge [sflag:s2], $0x2800  }
0x30: {  	[sflag:s2] =	ssyncset.done $0x0  }
0x31: {  	s17 =	stileid.u32;
	[sflag:s2] =	ssyncadd.s32 $0xFFFFD800  }
0x32: {  	s13 =	sshll.u32 s17, $0x6;
	[bflag:$0x0] =	sbarrier.arrive $0xFFFF  }
0x33: {  	s13 =	sor.u32 $0x1C0A, s13;
	s14 =	sshrl.u32 s8, $0x3;
	s15 =	rddreg [dreg:$0xa]  }
0x34: {  	[hbm:s15], [sflag:s13] =	dma.local [spmem:s14], $0x2780  }
0x35: {  	_ =	swait.ge [sflag:s21], $0x2780  }
0x36: {  	s18 =	sadd.s32 $0x1, s18;
	s19 =	rddreg [dreg:$0xb]  }
0x37: {  	p0 =	sne.s32 s18, s19  }
.Ltmp1:
0x38: {  	_ = 	snop;
	(pc) =	sbr.rel @!p0 .LBB2_14-.Ltmp1, $3  }
0x39: {  	_ =	sdelay $0x1  }
0x3a: {  	[sflag:s21] =	ssyncset.done $0x0  }
0x3b: {  	[sflag:s21] =	ssyncadd.s32 $0xFFFFD880  }
.LBB2_1:
0x3c: {  	s13 =	simm.s32 $0x0;
	s14 =	simm.s32 $0x200  }
.LBB2_2:
0x3d: {  	p0 =	sne.s32 s14, $0x9E00;
	[tilespmem:s13+$0x470] =	vst v0  }
0x3e: {  	[tilespmem:s13+$0x400] =	vst v0  }
0x3f: {  	[tilespmem:s13+$0x410] =	vst v0  }
.Ltmp2:
0x40: {  	[tilespmem:s13+$0x420] =	vst v0;
	(pc) =	sbr.rel @p0 .LBB2_2-.Ltmp2, $4  }
0x41: {  	[tilespmem:s13+$0x430] =	vst v0  }
0x42: {  	[tilespmem:s13+$0x440] =	vst v0  }
0x43: {  	[tilespmem:s13+$0x450] =	vst v0  }
0x44: {  	[tilespmem:s13+$0x460] =	vst v0;
	s13 =	sshra.s32 s14, $0x2;
	s14 =	sadd.s32 $0x200, s14  }
0x45: {  	[tilespmem:s13+$0x470] =	vst v0  }
0x46: {  	[tilespmem:s13+$0x400] =	vst v0  }
0x47: {  	[tilespmem:s13+$0x410] =	vst v0  }
0x48: {  	[tilespmem:s13+$0x420] =	vst v0  }
0x49: {  	[tilespmem:s13+$0x430] =	vst v0  }
0x4a: {  	[tilespmem:s13+$0x440] =	vst v0  }
0x4b: {  	[tilespmem:s13+$0x450] =	vst v0  }
0x4c: {  	[tilespmem:s13+$0x460] =	vst v0  }
0x4d: {  	[spmem:s8] =	stream.linear.scatter [tilespmem:s20], [sflag:$0xA], $0x2800, $0x38;
	[tilespmem:$0x1E000] =	vst v63  }
0x4e: {  	_ =	swait.ge [sflag:s21], $0x2800  }
0x4f: {  	[sflag:s21] =	ssyncset.done $0x0  }
0x50: {  	s17 =	rddreg [dreg:$0x3];
	[sflag:s21] =	ssyncadd.s32 $0xFFFFD800  }
0x51: {  	[spmem:s17] =	stream.linear.scatter [tilespmem:s20], [sflag:$0xA], $0x2800, $0x38;
	[tilespmem:$0x1E000] =	vst v63  }
0x52: {  	_ =	swait.ge [sflag:s21], $0x2800  }
0x53: {  	[sflag:s21] =	ssyncset.done $0x0  }
0x54: {  	s19 =	rddreg [dreg:$0x4];
	[sflag:s21] =	ssyncadd.s32 $0xFFFFD800  }
0x55: {  	[spmem:s19] =	stream.linear.scatter [tilespmem:s20], [sflag:$0xA], $0x2800, $0x38;
	[tilespmem:$0x1E000] =	vst v63  }
0x56: {  	_ =	swait.ge [sflag:s21], $0x2800  }
0x57: {  	[sflag:s21] =	ssyncset.done $0x0  }
0x58: {  	s14 =	rddreg [dreg:$0x5];
	[sflag:s21] =	ssyncadd.s32 $0xFFFFD800  }
0x59: {  	[spmem:s14] =	stream.linear.scatter [tilespmem:s20], [sflag:$0xA], $0x2800, $0x38;
	[tilespmem:$0x1E000] =	vst v63  }
0x5a: {  	_ =	swait.ge [sflag:s21], $0x2800  }
0x5b: {  	[sflag:s21] =	ssyncset.done $0x0  }
0x5c: {  	s15 =	rddreg [dreg:$0x6];
	[sflag:s21] =	ssyncadd.s32 $0xFFFFD800  }
0x5d: {  	[spmem:s15] =	stream.linear.scatter [tilespmem:s20], [sflag:$0xA], $0x2800, $0x38;
	[tilespmem:$0x1E000] =	vst v63  }
0x5e: {  	_ =	swait.ge [sflag:s21], $0x2800  }
0x5f: {  	[sflag:s21] =	ssyncset.done $0x0  }
0x60: {  	s16 =	rddreg [dreg:$0x7];
	[sflag:s21] =	ssyncadd.s32 $0xFFFFD800  }
0x61: {  	[spmem:s16] =	stream.linear.scatter [tilespmem:s20], [sflag:$0xA], $0x2800, $0x38;
	[tilespmem:$0x1E000] =	vst v63  }
0x62: {  	_ =	swait.ge [sflag:s21], $0x2800  }
0x63: {  	[sflag:s21] =	ssyncset.done $0x0  }
0x64: {  	s17 =	rddreg [dreg:$0x8];
	[sflag:s21] =	ssyncadd.s32 $0xFFFFD800  }
0x65: {  	[spmem:s17] =	stream.linear.scatter [tilespmem:s20], [sflag:$0xA], $0x2800, $0x38;
	[tilespmem:$0x1E000] =	vst v63  }
0x66: {  	_ =	swait.ge [sflag:s21], $0x2800  }
0x67: {  	[sflag:s21] =	ssyncset.done $0x0  }
0x68: {  	s19 =	rddreg [dreg:$0x9];
	[sflag:s21] =	ssyncadd.s32 $0xFFFFD800  }
0x69: {  	[spmem:s19] =	stream.linear.scatter [tilespmem:s20], [sflag:$0xA], $0x2400, $0x38;
	[tilespmem:$0x1E000] =	vst v63  }
0x6a: {  	_ =	swait.ge [sflag:s21], $0x2400  }
.Ltmp3:
0x6b: {  	[sflag:s21] =	ssyncset.done $0x0;
	(pc) =	sbr.rel .LBB2_4-.Ltmp3, $4  }
0x6c: {  	[sflag:s21] =	ssyncadd.s32 $0xFFFFDC00  }
0x6d: {  	[bflag:$0x0] =	sbarrier.arrive $0xFFFF  }
0x6e: {  	s13 =	rddreg [dreg:$0xd]  }
0x6f: {  	s19 =	simm.s32 $0x3;
	s14 =	rddreg [dreg:$0xc]  }
.LBB2_9:
0x70: {  	[tilespmem:$0x300] =	vst v1  }
0x71: {  	[tilespmem:$0x310] =	vst v1  }
0x72: {  	[tilespmem:$0x320] =	vst v1  }
0x73: {  	[tilespmem:$0x330] =	vst v1  }
0x74: {  	[tilespmem:$0x340] =	vst v1;
	s15 =	simm.s32 $0x7F  }
0x75: {  	[tilespmem:s0], [sflag:$0x3] =	stream.indirect.gather [hbm4b:s4+s24], $0x80, s30, s24, $0xb8;
	[tilespmem:$0x1E000] =	vst v63  }
.LBB2_11:
0x76: {  	_ =	swait.ge [sflag:s2], $0x2800  }
0x77: {  	[sflag:s2] =	ssyncset.done $0x0  }
0x78: {  	[sflag:s2] =	ssyncadd.s32 $0xFFFFD800  }
.LBB2_12:
0x79: {  	s16 =	smin.u32 s15, $0x7C  }
0x7a: {  	s16 =	smul.u32 $0x50, s16;
	_ =	sdelay $0x1  }
0x7b: {  	s16 =	sadd.s32 s7, s16  }
0x7c: {  	s16 =	sshrl.u32 s16, $0x3  }
0x7d: {  	s17 =	sadd.s32 s5, s16  }
0x7e: {  	[tilespmem:s9], [sflag:$0x9] =	stream.linear.gather [hbm4b:s17+s3], $0x50, $0x38;
	[tilespmem:$0x1E000] =	vst v63  }
0x7f: {  	s16 =	sadd.s32 s6, s16  }
0x80: {  	[tilespmem:s10], [sflag:$0x9] =	stream.linear.gather [hbm4b:s16+s3], $0x50, $0x38;
	[tilespmem:$0x1E000] =	vst v63  }
0x81: {  	_ =	swait.ge [sflag:s11], $0x2800  }
0x82: {  	[sflag:s11] =	ssyncset.done $0x0  }
0x83: {  	[sflag:s11] =	ssyncadd.s32 $0xFFFFD800  }
0x84: {  	[spmem:s1] =	stream.indirect.scatter.add.f32 [tilespmem:s20], [sflag:$0x5], $0x80, s22, s24, $0xb8;
	[tilespmem:$0x1E000] =	vst v63  }
0x85: {  	_ =	swait.ge [sflag:s23], $0x50  }
0x86: {  	[sflag:s23] =	ssyncset.done $0x0  }
0x87: {  	[sflag:s23] =	ssyncadd.s32 $0xFFFFFFB0  }
0x88: {  	_ =	swait.ge [sflag:s23], $0x50  }
0x89: {  	p0 =	slt.u32 s15, $0x7D;
	[sflag:s23] =	ssyncset.done $0x0  }
0x8a: {  	v2 =	vimm.s32 @!p0 $0x2710;
	[sflag:s23] =	ssyncadd.s32 $0xFFFFFFB0  }
0x8b: {  	[tilespmem:$0x380] =	vst @!p0 v2  }
0x8c: {  	[tilespmem:$0x390] =	vst @!p0 v2  }
0x8d: {  	[tilespmem:$0x3A0] =	vst @!p0 v2  }
0x8e: {  	s19 =	sadd.s32 $0x4, s19;
	[tilespmem:$0x3B0] =	vst @!p0 v2  }
0x8f: {  	[tilespmem:$0x3C0] =	vst @!p0 v2;
	p0 =	sne.s32 s19, $0x83  }
.Ltmp4:
0x90: {  	_ = 	snop;
	(pc) =	sbr.rel @!p0 .LBB2_13-.Ltmp4, $3  }
0x91: {  	_ =	sdelay $0x1  }
0x92: {  	s14 =	sadd.s32 $0x28, s14;
	s13 =	sadd.s32 $0x28, s13  }
0x93: {  	[tilespmem:s12], [sflag:$0x4] =	stream.indirect.gather [hbm4b:s4+s24], $0x80, s9, s24, $0xb8;
	[tilespmem:$0x1E000] =	vst v63  }
.LBB2_4:
0x94: {  	p0 =	seq.s32 s19, $0x3  }
0x95: {  	s15 =	simm.s32 @!p0 $0x5  }
0x96: {  	_ =	swait.ge @!p0 [sflag:s15], $0x2800  }
0x97: {  	[sflag:s15] =	ssyncset.done @!p0 $0x0  }
0x98: {  	[sflag:s15] =	ssyncadd.s32 @!p0 $0xFFFFD800  }
0x99: {  	[tilespmem:s3], [sflag:$0x9] =	stream.linear.gather [hbm4b:s13+s3], $0x50, $0x38;
	[tilespmem:$0x1E000] =	vst v63  }
0x9a: {  	s15 =	simm.s32 @!p0 $0x2  }
0x9b: {  	[tilespmem:s22], [sflag:$0x9] =	stream.linear.gather [hbm4b:s14+s3], $0x50, $0x38;
	[tilespmem:$0x1E000] =	vst v63  }
0x9c: {  	_ =	swait.ge @!p0 [sflag:s15], $0x2800  }
0x9d: {  	s16 =	simm.s32 @!p0 $0x280;
	[sflag:s15] =	ssyncset.done @!p0 $0x0  }
0x9e: {  	s17 =	simm.s32 @!p0 $0x2C00;
	[sflag:s15] =	ssyncadd.s32 @!p0 $0xFFFFD800;
	s15 =	simm.s32 @!p0 $0x50  }
0x9f: {  	[spmem:s1] =	stream.indirect.scatter.add.f32 @!p0 [tilespmem:s17], [sflag:$0x6], $0x80, s16, s15, $0xb8;
	[tilespmem:$0x1E000] =	vst v63  }
0xa0: {  	_ =	swait.ge [sflag:s23], $0x50  }
0xa1: {  	[sflag:s23] =	ssyncset.done $0x0  }
0xa2: {  	[sflag:s23] =	ssyncadd.s32 $0xFFFFFFB0  }
0xa3: {  	s17 =	sadd.s32 $0xFFFFFFFE, s19;
	_ =	swait.ge [sflag:s23], $0x50  }
0xa4: {  	s16 =	smin.u32 s17, $0x7C;
	[sflag:s23] =	ssyncset.done $0x0  }
0xa5: {  	s17 =	simm.s32 @!p0 $0x6;
	s16 =	smul.u32 $0x50, s16;
	[sflag:s23] =	ssyncadd.s32 $0xFFFFFFB0  }
0xa6: {  	[tilespmem:s20], [sflag:$0x1] =	stream.indirect.gather [hbm4b:s4+s24], $0x80, s3, s24, $0xb8;
	[tilespmem:$0x1E000] =	vst v63  }
0xa7: {  	s16 =	sadd.s32 s7, s16;
	_ =	swait.ge @!p0 [sflag:s17], $0x2800  }
0xa8: {  	s16 =	sshrl.u32 s16, $0x3;
	[sflag:s17] =	ssyncset.done @!p0 $0x0  }
0xa9: {  	[sflag:s17] =	ssyncadd.s32 @!p0 $0xFFFFD800;
	s17 =	sadd.s32 s5, s16  }
0xaa: {  	[tilespmem:s25], [sflag:$0x9] =	stream.linear.gather [hbm4b:s17+s3], $0x50, $0x38;
	[tilespmem:$0x1E000] =	vst v63  }
0xab: {  	s16 =	sadd.s32 s6, s16  }
0xac: {  	[tilespmem:s26], [sflag:$0x9] =	stream.linear.gather [hbm4b:s16+s3], $0x50, $0x38;
	[tilespmem:$0x1E000] =	vst v63  }
0xad: {  	s16 =	simm.s32 @!p0 $0x3  }
0xae: {  	_ =	swait.ge @!p0 [sflag:s16], $0x2800  }
0xaf: {  	[sflag:s16] =	ssyncset.done @!p0 $0x0  }
0xb0: {  	s17 =	simm.s32 @!p0 $0x5400;
	[sflag:s16] =	ssyncadd.s32 @!p0 $0xFFFFD800;
	s16 =	simm.s32 @!p0 $0x300  }
0xb1: {  	[spmem:s1] =	stream.indirect.scatter.add.f32 @!p0 [tilespmem:s17], [sflag:$0x7], $0x80, s16, s15, $0xb8;
	[tilespmem:$0x1E000] =	vst v63  }
0xb2: {  	p1 =	sne.s32 s19, $0x7F;
	_ =	swait.ge [sflag:s23], $0x50  }
.Ltmp5:
0xb3: {  	[sflag:s23] =	ssyncset.done $0x0;
	(pc) =	sbr.rel @p1 .LBB2_6-.Ltmp5, $4  }
0xb4: {  	[sflag:s23] =	ssyncadd.s32 $0xFFFFFFB0  }
0xb5: {  	_ =	swait.ge [sflag:s23], $0x50  }
0xb6: {  	[sflag:s23] =	ssyncset.done $0x0  }
0xb7: {  	[sflag:s23] =	ssyncadd.s32 $0xFFFFFFB0  }
0xb8: {  	[tilespmem:$0x280] =	vst v1  }
.Ltmp6:
0xb9: {  	[tilespmem:$0x290] =	vst v1;
	(pc) =	sbr.rel .LBB2_7-.Ltmp6, $4  }
0xba: {  	[tilespmem:$0x2A0] =	vst v1  }
0xbb: {  	[tilespmem:$0x2B0] =	vst v1  }
0xbc: {  	[tilespmem:$0x2C0] =	vst v1;
	s15 =	simm.s32 $0x7E  }
0xbd: {  	[tilespmem:s28], [sflag:$0x2] =	stream.indirect.gather [hbm4b:s4+s24], $0x80, s25, s24, $0xb8;
	[tilespmem:$0x1E000] =	vst v63  }
.LBB2_6:
.Ltmp7:
0xbe: {  	(pc) =	sbr.rel @p0 .LBB2_8-.Ltmp7, $3  }
0xbf: {  	_ =	sdelay $0x1  }
0xc0: {  	[tilespmem:s28], [sflag:$0x2] =	stream.indirect.gather [hbm4b:s4+s24], $0x80, s25, s24, $0xb8;
	[tilespmem:$0x1E000] =	vst v63  }
0xc1: {  	s15 =	sadd.s32 $0xFFFFFFFF, s19  }
.LBB2_7:
0xc2: {  	_ =	swait.ge [sflag:s29], $0x2800  }
0xc3: {  	[sflag:s29] =	ssyncset.done $0x0  }
0xc4: {  	[sflag:s29] =	ssyncadd.s32 $0xFFFFD800  }
.LBB2_8:
0xc5: {  	s15 =	smin.u32 s15, $0x7C  }
0xc6: {  	s15 =	smul.u32 $0x50, s15;
	_ =	sdelay $0x1  }
0xc7: {  	s15 =	sadd.s32 s7, s15  }
0xc8: {  	s15 =	sshrl.u32 s15, $0x3  }
0xc9: {  	s16 =	sadd.s32 s5, s15  }
0xca: {  	[tilespmem:s30], [sflag:$0x9] =	stream.linear.gather [hbm4b:s16+s3], $0x50, $0x38;
	[tilespmem:$0x1E000] =	vst v63  }
0xcb: {  	s15 =	sadd.s32 s6, s15  }
0xcc: {  	[tilespmem:s31], [sflag:$0x9] =	stream.linear.gather [hbm4b:s15+s3], $0x50, $0x38;
	[tilespmem:$0x1E000] =	vst v63  }
0xcd: {  	s15 =	simm.s32 @!p0 $0x4  }
0xce: {  	_ =	swait.ge @!p0 [sflag:s15], $0x2800  }
0xcf: {  	s17 =	simm.s32 @!p0 $0x7C00;
	[sflag:s15] =	ssyncset.done @!p0 $0x0  }
0xd0: {  	s16 =	simm.s32 @!p0 $0x380;
	[sflag:s15] =	ssyncadd.s32 @!p0 $0xFFFFD800;
	s15 =	simm.s32 @!p0 $0x50  }
0xd1: {  	[spmem:s1] =	stream.indirect.scatter.add.f32 @!p0 [tilespmem:s17], [sflag:$0x8], $0x80, s16, s15, $0xb8;
	[tilespmem:$0x1E000] =	vst v63  }
0xd2: {  	_ =	swait.ge [sflag:s23], $0x50  }
.Ltmp8:
0xd3: {  	[sflag:s23] =	ssyncset.done $0x0;
	(pc) =	sbr.rel @!p1 .LBB2_9-.Ltmp8, $4  }
0xd4: {  	[sflag:s23] =	ssyncadd.s32 $0xFFFFFFB0  }
0xd5: {  	_ =	swait.ge [sflag:s23], $0x50  }
0xd6: {  	[sflag:s23] =	ssyncset.done $0x0  }
0xd7: {  	[sflag:s23] =	ssyncadd.s32 $0xFFFFFFB0  }
.Ltmp9:
0xd8: {  	(pc) =	sbr.rel @p0 .LBB2_12-.Ltmp9, $4  }
.Ltmp10:
0xd9: {  	(pc) =	sbr.rel @!p0 .LBB2_11-.Ltmp10, $4  }
0xda: {  	_ = 	snop  }
0xdb: {  	[tilespmem:s0], [sflag:$0x3] =	stream.indirect.gather [hbm4b:s4+s24], $0x80, s30, s24, $0xb8;
	[tilespmem:$0x1E000] =	vst v63  }
0xdc: {  	s15 =	smov.u32 s19  }
0xdd: {  	_ = 	snop  }
.LBB2_14:
0xde: {  	_ =	sfence.sel $0x180000  }
0xdf: {  	[bflag:$0x0] =	sbarrier.arrive $0xFFFF  }
0xe0: {  	_ =	strace $0x9000004D  }
0xe1: {  	s0 =	stileid.u32;
	[bflag:$0x2] =	sbarrier.arrive $0xFFFF  }
0xe2: {  	p0 =	sne.s32 s0, $0x0;
	s0 =	rddreg [dreg:$0x2]  }
0xe3: {  	s0 =	sadd.s32 @!p0 $0x100000, s0  }
0xe4: {  	[sflag:s0] =	ssyncadd.tile.s32 @!p0 $0x1;
	_ =	shalt  }
.Lfunc_end2:
_tile_overlayer_lowered:
.L_overlay_start_2:
0xe5: {  	(tag) =	ssettag $0x2  }
0xe6: {  	s0 =	rddreg [dreg:$0x0];
	s2 =	stileid.u32  }
0xe7: {  	s1 =	rddreg [dreg:$0x1];
	p0 =	sne.s32 s2, $0x0  }
0xe8: {  	s3 =	rddreg [dreg:$0x2];
	[bflag:$0x3] =	sbarrier.arrive $0xFFFF;
	s2 =	simm.s32 @!p0 $0x1C0A  }
0xe9: {  	[timem:s3], [sflag:s2] =	dma.local @!p0 [hbm:s0], s1  }
0xea: {  	s0 =	simm.s32 @!p0 $0xA  }
0xeb: {  	_ =	swait.ge @!p0 [sflag:s0], s1  }
0xec: {  	s1 =	ssub.s32 @!p0 $0x0, s1;
	[sflag:s0] =	ssyncset.done @!p0 $0x0  }
0xed: {  	[sflag:s0] =	ssyncadd.s32 @!p0 s1  }
0xee: {  	[bflag:$0x3] =	sbarrier.arrive $0xFFFF  }
0xef: {  	_ =	shalt  }

// kernel: kernel.8.cloned.1.call-start
scs
__scs_entry_jumppad:
0x0: {  	(pc) =	sbr.rel $0x88, $3  }
0x1: {  	(tag) =	ssettag $0x0;
	lr =	simm.s32 $0x1  }
0x2: {  	[smem:$0x3F92] =	sst lr;
	_ =	strace $0xD0000000  }
0x3: {  	_ = 	snop  }
0x4: {  	_ = 	snop  }
0x5: {  	_ = 	snop  }
0x6: {  	_ = 	snop  }
0x7: {  	_ = 	snop  }
__scs_overlays_trampoline_lowered:
0x8: {  	[smem:$0x3FA1] =	sst s0  }
0x9: {  	[smem:$0x3FA2] =	sst s1  }
0xa: {  	[smem:$0x3FA3] =	sst s2  }
0xb: {  	[smem:$0x3FA4] =	sst s3  }
0xc: {  	[smem:$0x3FA5] =	sst s4  }
0xd: {  	[smem:$0x3FA6] =	sst s5  }
0xe: {  	[smem:$0x3FA7] =	sst s6  }
0xf: {  	[smem:$0x3FA8] =	sst s7  }
0x10: {  	[smem:$0x3FA9] =	sst s8  }
0x11: {  	[smem:$0x3FAA] =	sst s9;
	s0 =	simm.s32 @!p0 $0x0  }
0x12: {  	s1 =	sld [smem:$0x3F90];
	s0 =	simm.s32 @p0 $0x1  }
0x13: {  	[smem:$0x3FAB] =	sst s0;
	s0 =	simm.s32 @!p1 $0x0  }
0x14: {  	s2 =	sld [smem:$0x3F8F];
	s0 =	simm.s32 @p1 $0x1  }
0x15: {  	[smem:$0x3FAC] =	sst s0;
	s0 =	simm.s32 @!p2 $0x0  }
0x16: {  	s3 =	sld [smem:$0x3FDB];
	s0 =	simm.s32 @p2 $0x1  }
0x17: {  	s4 =	simm.s32 $0x1BF5;
	[smem:$0x3FAE] =	sst s0  }
0x18: {  	s0 =	sld [smem:$0x3F91];
	_ =	swait.ge [sflag:s4], $0x0  }
0x19: {  	s7 =	sld [smem:$0x3F92]  }
0x1a: {  	s8 =	sadd.s32 $0xFFFFE003, lr  }
0x1b: {  	s9 =	sadd.s32 $0xFFFFFEF7, lr;
	s5 =	simm.s32 $0xFFFFFFFF;
	p2 =	slt.u32 s8, $0xFFFFF086  }
0x1c: {  	p1 =	slt.u32 s9, $0xF7A;
	s5 =	simm.s32 @!p2 $0x0  }
0x1d: {  	s5 =	simm.s32 @p1 $0x1;
	p0 =	seq.s32 s7, s2  }
0x1e: {  	s7 =	smul.u32 @!p0 $0xF7A, s2;
	p2 =	seq.s32 @!p0 s5, $0x0  }
0x1f: {  	s9 =	smul.u32 $0xF7A, s1;
	s8 =	simm.s32 @!p0 $0x1BF5;
	p2 =	por !p2, p0  }
0x20: {  	[sflag:s8] =	ssyncset.s32 @!p0 $0xFFFFF086;
	s6 =	sadd.s32 @!p0 s3, s7;
	s7 =	simm.s32 @!p0 $0x108  }
0x21: {  	s3 =	sadd.s32 s3, s9;
	s6 =	sadd.s32 @!p0 $0x88, s6;
	s7 =	simm.s32 @p2 $0x1082  }
0x22: {  	[simem:s7], [sflag:s8] =	dma.local @!p0 [hbm:s6], $0xF7A  }
0x23: {  	s9 =	sor.u32 $0xD0000000, s2;
	s6 =	simm.s32 $0x108;
	_ =	swait.ge @!p0 [sflag:s8], $0x0  }
0x24: {  	s3 =	sadd.s32 $0x88, s3;
	s6 =	simm.s32 @!p1 $0x1082;
	[sflag:s4] =	ssyncset.s32 $0xFFFFF086  }
0x25: {  	[simem:s6], [sflag:s4] =	dma.local [hbm:s3], $0xF7A  }
0x26: {  	[smem:$0x3F92] =	sst s1;
	(tag) =	ssettag s2;
	_ =	strace s9  }
0x27: {  	s1 =	sld [smem:$0x3FA2]  }
0x28: {  	s2 =	sld [smem:$0x3FA3]  }
0x29: {  	s4 =	sld [smem:$0x3FA5]  }
0x2a: {  	p0 =	seq.s32 s5, $0x0;
	s5 =	sld [smem:$0x3FA6]  }
0x2b: {  	s6 =	sld [smem:$0x3FA7]  }
0x2c: {  	s7 =	sld [smem:$0x3FA8]  }
0x2d: {  	s3 =	simm.s32 $0x108;
	s8 =	sld [smem:$0x3FA9]  }
0x2e: {  	s3 =	simm.s32 @!p0 $0x1082;
	s9 =	sld [smem:$0x3FAA]  }
0x2f: {  	lr =	sadd.s32 s0, s3;
	s0 =	sld [smem:$0x3FA1]  }
0x30: {  	s3 =	sld [smem:$0x3FA4]  }
0x31: {  	[smem:$0x3FAD] =	sst s10  }
0x32: {  	s10 =	sld [smem:$0x3FAB];
	_ =	sdelay $0x3  }
0x33: {  	p0 =	seq.s32 s10, $0x1;
	s10 =	sld [smem:$0x3FAD];
	_ =	sdelay $0x3  }
0x34: {  	[smem:$0x3FAD] =	sst s10  }
0x35: {  	s10 =	sld [smem:$0x3FAC];
	_ =	sdelay $0x3  }
0x36: {  	p1 =	seq.s32 s10, $0x1;
	s10 =	sld [smem:$0x3FAD];
	_ =	sdelay $0x3  }
0x37: {  	[smem:$0x3FAD] =	sst s10  }
0x38: {  	s10 =	sld [smem:$0x3FAE]  }
0x39: {  	_ = 	snop;
	(pc) =	sbr.ind lr, $3  }
0x3a: {  	_ = 	snop  }
0x3b: {  	_ = 	snop  }
0x3c: {  	p2 =	seq.s32 s10, $0x1;
	s10 =	sld [smem:$0x3FAD]  }
0x3d: {  	_ =	shalt  }
0x3e: {  	_ =	shalt  }
0x3f: {  	_ =	shalt  }
0x40: {  	_ =	shalt  }
0x41: {  	_ =	shalt  }
0x42: {  	_ =	shalt  }
0x43: {  	_ =	shalt  }
0x44: {  	_ =	shalt  }
0x45: {  	_ =	shalt  }
0x46: {  	_ =	shalt  }
0x47: {  	_ =	shalt  }
0x48: {  	_ =	shalt  }
0x49: {  	_ =	shalt  }
0x4a: {  	_ =	shalt  }
0x4b: {  	_ =	shalt  }
0x4c: {  	_ =	shalt  }
0x4d: {  	_ =	shalt  }
0x4e: {  	_ =	shalt  }
0x4f: {  	_ =	shalt  }
0x50: {  	_ =	shalt  }
0x51: {  	_ =	shalt  }
0x52: {  	_ =	shalt  }
0x53: {  	_ =	shalt  }
0x54: {  	_ =	shalt  }
0x55: {  	_ =	shalt  }
0x56: {  	_ =	shalt  }
0x57: {  	_ =	shalt  }
0x58: {  	_ =	shalt  }
0x59: {  	_ =	shalt  }
0x5a: {  	_ =	shalt  }
0x5b: {  	_ =	shalt  }
0x5c: {  	_ =	shalt  }
0x5d: {  	_ =	shalt  }
0x5e: {  	_ =	shalt  }
0x5f: {  	_ =	shalt  }
0x60: {  	_ =	shalt  }
0x61: {  	_ =	shalt  }
0x62: {  	_ =	shalt  }
0x63: {  	_ =	shalt  }
0x64: {  	_ =	shalt  }
0x65: {  	_ =	shalt  }
0x66: {  	_ =	shalt  }
0x67: {  	_ =	shalt  }
0x68: {  	_ =	shalt  }
0x69: {  	_ =	shalt  }
0x6a: {  	_ =	shalt  }
0x6b: {  	_ =	shalt  }
0x6c: {  	_ =	shalt  }
0x6d: {  	_ =	shalt  }
0x6e: {  	_ =	shalt  }
0x6f: {  	_ =	shalt  }
0x70: {  	_ =	shalt  }
0x71: {  	_ =	shalt  }
0x72: {  	_ =	shalt  }
0x73: {  	_ =	shalt  }
0x74: {  	_ =	shalt  }
0x75: {  	_ =	shalt  }
0x76: {  	_ =	shalt  }
0x77: {  	_ =	shalt  }
0x78: {  	_ =	shalt  }
0x79: {  	_ =	shalt  }
0x7a: {  	_ =	shalt  }
0x7b: {  	_ =	shalt  }
0x7c: {  	_ =	shalt  }
0x7d: {  	_ =	shalt  }
0x7e: {  	_ =	shalt  }
0x7f: {  	_ =	shalt  }
0x80: {  	_ =	shalt  }
0x81: {  	_ =	shalt  }
0x82: {  	_ =	shalt  }
0x83: {  	_ =	shalt  }
0x84: {  	_ =	shalt  }
0x85: {  	_ =	shalt  }
0x86: {  	_ =	shalt  }
0x87: {  	_ =	shalt  }
.Lfunc_end0:
.L_simem_size_0:
called_computation_lowered:
.L_overlay_start_0:
0x88: {  	s2 =	sld [smem:$0x3FD9]  }
0x89: {  	s3 =	sld [smem:$0x3FFE];
	_ =	sdelay $0x1  }
0x8a: {  	s1 =	srdreg.scid  }
0x8b: {  	s0 =	sand.u32 $0x1, s1  }
0x8c: {  	s17 =	sshll.u32 s0, $0xA;
	s2 =	sadd.s32 s3, s2  }
0x8d: {  	s2 =	sadd.s32 s2, s17  }
0x8e: {  	[smem:$0x3FB9] =	sst s2  }
0x8f: {  	_ = 	snop  }
0x90: {  	s2 =	sld [smem:$0x3FC9]  }
0x91: {  	s18 =	sld [smem:$0x3FD0];
	(tm) =	ssettm $0x1  }
0x92: {  	s4 =	sld [smem:$0x3FFB];
	_ =	sdelay $0x3  }
0x93: {  	_ =	strace s4  }
0x94: {  	s4 =	sld [smem:$0x3FFC];
	_ =	sdelay $0x3  }
0x95: {  	_ =	strace s4  }
0x96: {  	s4 =	sld [smem:$0x3FFD];
	_ =	sdelay $0x3  }
0x97: {  	_ =	strace s4  }
0x98: {  	_ =	strace $0x8FFFFFFF  }
0x99: {  	s19 =	sld [smem:$0x3FDB];
	_ =	sdelay $0x1  }
0x9a: {  	s5 =	simm.s32 $_scs_section_size  }
0x9b: {  	s6 =	simm.s32 $_size__tile_overlayer_lowered;
	s7 =	simm.s32 $_tile_overlayer_lowered  }
0x9c: {  	s22 =	simm.s32 $0x1BFF;
	s21 =	sshll.u32 s7, $0x1;
	s4 =	sadd.s32 s5, s19  }
0x9d: {  	s8 =	simm.s32 $0x0;
	s20 =	sshll.u32 s6, $0x1;
	s6 =	sadd.s32 s21, s4  }
0x9e: {  	[timem:s8], [sflag:s22] =	dma.local [hbm:s6], s20  }
0x9f: {  	_ =	swait.ge [sflag:s22], s20  }
0xa0: {  	s5 =	ssub.s32 $0x0, s20;
	[sflag:s22] =	ssyncset.done $0x0  }
0xa1: {  	[sflag:s22] =	ssyncadd.s32 s5;
	_ =	sdelay $0x1  }
0xa2: {  	s23 =	simm.s32 $0x1B8B  }
0xa3: {  	_ =	swait.ge [sflag:s23], $0x1  }
0xa4: {  	[sflag:s23] =	ssyncset.done $0x0  }
0xa5: {  	s25 =	simm.s32 $0x1B8E;
	s24 =	sld [smem:$0x3FFE];
	[sflag:s23] =	ssyncadd.s32 $0xFFFFFFFF  }
0xa6: {  	s26 =	simm.s32 $execute0_lowered;
	[smem:$0x3FD2] =	sst s25  }
0xa7: {  	s6 =	sshll.u32 s26, $0x1;
	_ =	strace $0x80000046;
	[dreg:$0x1] =	wrdreg $0xFFFFFFFF  }
0xa8: {  	s28 =	simm.s32 $_size_execute0_lowered;
	s4 =	sadd.s32 s4, s6;
	[dreg:$0x0] =	wrdreg $0x0  }
0xa9: {  	s6 =	sshll.u32 s28, $0x1;
	[dreg:$0x2] =	wrdreg s4  }
0xaa: {  	[dreg:$0x3] =	wrdreg s6  }
0xab: {  	[dreg:$0x4] =	wrdreg $0xC0  }
0xac: {  	_ =	task [dreg:s8], $0x5FFFF  }
0xad: {  	[dreg:$0x1] =	wrdreg $0xFFFFFFFF  }
0xae: {  	[dreg:$0x0] =	wrdreg $0x60  }
0xaf: {  	[dreg:$0x2] =	wrdreg s2  }
0xb0: {  	[dreg:$0x3] =	wrdreg s24  }
0xb1: {  	[dreg:$0x4] =	wrdreg s18  }
0xb2: {  	[dreg:$0x5] =	wrdreg $0xA4000  }
0xb3: {  	[dreg:$0x6] =	wrdreg $0x1E3000  }
0xb4: {  	[dreg:$0x7] =	wrdreg $0x9  }
0xb5: {  	_ =	task.clear_ibuf [dreg:s8], $0x8FFFF;
	_ =	strace $0x90000046  }
0xb6: {  	s29 =	simm.s32 $0x9;
	_ =	strace $0x80000048  }
0xb7: {  	_ =	swait.ge [sflag:s29], $0x1  }
0xb8: {  	[sflag:s29] =	ssyncadd.s32 $0xFFFFFFFF  }
0xb9: {  	_ =	strace $0x90000048  }
0xba: {  	_ =	sfence  }
0xbb: {  	s30 =	sld [smem:$0x0];
	_ =	sdelay $0x2  }
0xbc: {  	s31 =	sshll.u32 s1, $0xD;
	s1 =	sshrl.u32 s1, $0x2  }
0xbd: {  	s3 =	sand.u32 $0x4000, s31;
	s1 =	sadd.s32 s1, s30  }
0xbe: {  	s0 =	sor.u32 s3, s0;
	s1 =	sshll.u32 s1, $0x11  }
0xbf: {  	s0 =	sor.u32 s1, s0  }
0xc0: {  	s0 =	sadd.s32 $0x8F2B, s0  }
0xc1: {  	[sflag:s0] =	ssyncadd.remote.s32 $0x1  }
0xc2: {  	_ =	sfence.sel $0xFFFF  }
0xc3: {  	[dreg:$0x0] =	wrdreg $0xFFFFFFFF;
	(pc) =	sbr.abs _section_cstart, $3  }
0xc4: {  	[dreg:$0x1] =	wrdreg $0xFFFFFFFF  }
0xc5: {  	_ =	task.clear_ibuf [dreg:s8], $0x2FFFF;
	_ =	strace $0x9FFFFFFF  }
0xc6: {  	(tm) =	ssettm $0x7FFFFFFF  }
0xc7: {  	_ =	shalt  }
tec
execute0_lowered:
.L_overlay_start_1:
0x0: {  	(tag) =	ssettag $0x1  }
0x1: {  	s1 =	rddreg [dreg:$0x0]  }
0x2: {  	s0 =	rddreg [dreg:$0x1]  }
0x3: {  	s4 =	rddreg [dreg:$0x2]  }
0x4: {  	s2 =	rddreg [dreg:$0x3]  }
0x5: {  	s3 =	rddreg [dreg:$0x4];
	s14 =	stileid.u32  }
0x6: {  	s5 =	srdreg.scid;
	s28 =	simm.s32 $0x9;
	s9 =	smul.u32 $0x13C00, s14  }
0x7: {  	s29 =	simm.s32 $0x50;
	s30 =	simm.s32 $0x80;
	s11 =	smul.u32 $0x4F000, s14  }
0x8: {  	s31 =	simm.s32 $0x280;
	s10 =	sand.u32 $0x1, s5;
	s13 =	smul.u32 $0x278, s14  }
0x9: {  	s5 =	simm.s32 $0x0;
	s24 =	sshll.u32 s14, $0x1;
	s14 =	smul.u32 $0x4E20, s14  }
0xa: {  	s6 =	sadd.s32 $0xCE00, s0;
	s7 =	sadd.s32 $0x3000, s0;
	s8 =	smul.u32 $0x13C000, s10  }
0xb: {  	[smem:$0x7FF] =	sst s5;
	s12 =	ssub.s32 $0x2, s10;
	s16 =	smul.u32 $0x2780, s10  }
0xc: {  	s25 =	sor.u32 s10, s24;
	s10 =	smul.u32 $0x2710, s10;
	s11 =	sshrl.u32 s11, $0x2  }
0xd: {  	_ =	strace $0x80000047;
	s26 =	sshrl.u32 s12, $0x1;
	s21 =	sadd.s32 s11, s2  }
0xe: {  	s8 =	sadd.s32 s9, s8;
	s9 =	sadd.s32 s13, s3;
	[dreg:$0x6] =	wrdreg s21  }
0xf: {  	s12 =	ssub.s32 s12, s26;
	s11 =	sadd.s32 $0x2800, s21;
	[dreg:$0xe] =	wrdreg s9  }
0x10: {  	s10 =	sadd.s32 s10, s14;
	s15 =	sadd.s32 $0x5000, s21;
	[dreg:$0x7] =	wrdreg s11  }
0x11: {  	s14 =	simm.s32 $0x180;
	s17 =	sadd.s32 $0x7800, s21;
	[dreg:$0x8] =	wrdreg s15  }
0x12: {  	s8 =	sshrl.u32 s8, $0x3;
	s18 =	sadd.s32 $0xA000, s21;
	[dreg:$0x9] =	wrdreg s17  }
0x13: {  	s19 =	sadd.s32 $0xC800, s21;
	s20 =	sadd.s32 $0xF000, s21;
	[dreg:$0xa] =	wrdreg s18  }
0x14: {  	s22 =	sadd.s32 $0x11800, s21;
	s24 =	smax.u32 s12, $0x1;
	[dreg:$0xb] =	wrdreg s19  }
0x15: {  	s12 =	simm.s32 $0x1E080;
	s0 =	sadd.s32 s8, s0;
	[dreg:$0xc] =	wrdreg s20  }
0x16: {  	s8 =	smul.u32 $0x2710, s25;
	[dreg:$0xd] =	wrdreg s22;
	s11 =	sadd.s32 s13, s16  }
0x17: {  	[dreg:$0x11] =	wrdreg s24;
	s25 =	sshrl.u32 s10, $0x3;
	s24 =	simm.s32 $0xA  }
0x18: {  	s10 =	simm.s32 $0x100;
	s13 =	simm.s32 $0x8;
	s15 =	simm.s32 $0x380  }
0x19: {  	s16 =	simm.s32 $0x1;
	s18 =	simm.s32 $0x1E000;
	s19 =	simm.s32 $0x7C00  }
.Ltmp0:
0x1a: {  	s17 =	simm.s32 $0x0;
	s0 =	sadd.s32 $0x16C00, s0;
	(pc) =	sbr.rel .LBB2_1-.Ltmp0, $4  }
0x1b: {  	s23 =	sshrl.u32 s11, $0x3;
	s26 =	sadd.s32 s25, s7;
	[dreg:$0xf] =	wrdreg s0  }
0x1c: {  	s11 =	simm.s32 $0x300;
	s0 =	sadd.s32 s4, s23;
	[dreg:$0x12] =	wrdreg s26  }
0x1d: {  	s23 =	simm.s32 $0x400;
	[dreg:$0x10] =	wrdreg s0;
	s0 =	sadd.s32 s25, s6  }
0x1e: {  	v0 =	vimm.f32 $0.0e+00;
	v1 =	vimm.f32 $1.000000000e+00;
	v2 =	vimm.s32 $0x2710;
	s26 =	simm.s32 $0x200;
	s4 =	simm.s32 $0x7;
	[dreg:$0x13] =	wrdreg s0  }
.LBB2_13:
0x1f: {  	s0 =	simm.s32 $0x2  }
0x20: {  	_ =	swait.ge [sflag:s0], $0x2800  }
0x21: {  	[sflag:s0] =	ssyncset.done $0x0  }
0x22: {  	s22 =	simm.s32 $0x2C00;
	[sflag:s0] =	ssyncadd.s32 $0xFFFFD800  }
0x23: {  	[spmem:s2] =	stream.indirect.scatter.add.f32 [tilespmem:s22], [sflag:$0x6], $0x80, s31, s29, $0xb8;
	[tilespmem:$0x1E578] =	vst v63  }
0x24: {  	_ = 	snop  }
0x25: {  	[spmem:s3] =	stream.indirect.scatter.add.f32 [tilespmem:s18], [sflag:$0xA], $0x1, s31, s29, $0xb8;
	[tilespmem:$0x1E578] =	vst v63  }
0x26: {  	_ =	swait.ge [sflag:s24], $0x50  }
0x27: {  	[sflag:s24] =	ssyncset.done $0x0  }
0x28: {  	s25 =	simm.s32 $0x3;
	[sflag:s24] =	ssyncadd.s32 $0xFFFFFFB0  }
0x29: {  	_ =	swait.ge [sflag:s25], $0x2800  }
0x2a: {  	[sflag:s25] =	ssyncset.done $0x0  }
0x2b: {  	s9 =	simm.s32 $0x5400;
	[sflag:s25] =	ssyncadd.s32 $0xFFFFD800  }
0x2c: {  	[spmem:s2] =	stream.indirect.scatter.add.f32 [tilespmem:s9], [sflag:$0x7], $0x80, s11, s29, $0xb8;
	[tilespmem:$0x1E578] =	vst v63  }
0x2d: {  	_ = 	snop  }
0x2e: {  	[spmem:s3] =	stream.indirect.scatter.add.f32 [tilespmem:s18], [sflag:$0xA], $0x1, s11, s29, $0xb8;
	[tilespmem:$0x1E578] =	vst v63  }
0x2f: {  	_ =	swait.ge [sflag:s24], $0x50  }
0x30: {  	[sflag:s24] =	ssyncset.done $0x0  }
0x31: {  	s12 =	simm.s32 $0x4;
	[sflag:s24] =	ssyncadd.s32 $0xFFFFFFB0  }
0x32: {  	_ =	swait.ge [sflag:s12], $0x2800  }
0x33: {  	[sflag:s12] =	ssyncset.done $0x0  }
0x34: {  	[sflag:s12] =	ssyncadd.s32 $0xFFFFD800  }
0x35: {  	[spmem:s2] =	stream.indirect.scatter.add.f32 [tilespmem:s19], [sflag:$0x8], $0x80, s15, s29, $0xb8;
	[tilespmem:$0x1E578] =	vst v63  }
0x36: {  	_ = 	snop  }
0x37: {  	[spmem:s3] =	stream.indirect.scatter.add.f32 [tilespmem:s18], [sflag:$0xA], $0x1, s15, s29, $0xb8;
	[tilespmem:$0x1E578] =	vst v63  }
0x38: {  	_ =	swait.ge [sflag:s24], $0x50  }
0x39: {  	[sflag:s24] =	ssyncset.done $0x0  }
0x3a: {  	s17 =	simm.s32 $0x5;
	[sflag:s24] =	ssyncadd.s32 $0xFFFFFFB0  }
0x3b: {  	_ =	swait.ge [sflag:s17], $0x2800  }
0x3c: {  	[sflag:s17] =	ssyncset.done $0x0  }
0x3d: {  	s20 =	simm.s32 $0x6;
	[sflag:s17] =	ssyncadd.s32 $0xFFFFD800  }
0x3e: {  	_ =	swait.ge [sflag:s20], $0x2800  }
0x3f: {  	[sflag:s20] =	ssyncset.done $0x0  }
0x40: {  	[sflag:s20] =	ssyncadd.s32 $0xFFFFD800  }
0x41: {  	_ =	swait.ge [sflag:s4], $0x2800  }
0x42: {  	[sflag:s4] =	ssyncset.done $0x0  }
0x43: {  	[sflag:s4] =	ssyncadd.s32 $0xFFFFD800  }
0x44: {  	_ =	swait.ge [sflag:s13], $0x2800  }
0x45: {  	[sflag:s13] =	ssyncset.done $0x0  }
0x46: {  	[sflag:s13] =	ssyncadd.s32 $0xFFFFD800  }
0x47: {  	s21 =	stileid.u32;
	[bflag:$0x0] =	sbarrier.arrive $0xFFFF  }
0x48: {  	s0 =	sshll.u32 s21, $0x6;
	s21 =	rddreg [dreg:$0x6]  }
0x49: {  	s0 =	sor.u32 $0x1C0A, s0;
	s12 =	rddreg [dreg:$0xf];
	s9 =	sshrl.u32 s21, $0x3  }
0x4a: {  	[hbm:s12], [sflag:s0] =	dma.local [spmem:s9], $0x2780  }
0x4b: {  	_ =	swait.ge [sflag:s24], $0x2780  }
0x4c: {  	[sflag:s24] =	ssyncset.done $0x0  }
0x4d: {  	s12 =	simm.s32 $0x1E080;
	s9 =	rddreg [dreg:$0xe];
	[sflag:s24] =	ssyncadd.s32 $0xFFFFD880  }
0x4e: {  	[tilespmem:s12], [sflag:$0xA] =	stream.linear.gather [spmem:s9], $0x278, $0x38;
	[tilespmem:$0x1E578] =	vst v63  }
0x4f: {  	_ =	swait.ge [sflag:s24], $0x278  }
0x50: {  	[sflag:s24] =	ssyncset.done $0x0  }
0x51: {  	s22 =	rddreg [dreg:$0x10];
	[sflag:s24] =	ssyncadd.s32 $0xFFFFFD88  }
0x52: {  	[hbm4b:s22+s5] =	stream.linear.scatter [tilespmem:s12], [sflag:$0xA], $0x278, $0x38;
	[tilespmem:$0x1E578] =	vst v63  }
0x53: {  	_ =	swait.ge [sflag:s24], $0x278  }
0x54: {  	s17 =	rddreg [dreg:$0x14]  }
0x55: {  	s25 =	rddreg [dreg:$0x11];
	s17 =	sadd.s32 $0x1, s17  }
0x56: {  	p0 =	sne.s32 s17, s25  }
.Ltmp1:
0x57: {  	_ = 	snop;
	(pc) =	sbr.rel @!p0 .LBB2_14-.Ltmp1, $3  }
0x58: {  	_ =	sdelay $0x1  }
0x59: {  	[sflag:s24] =	ssyncset.done $0x0  }
0x5a: {  	[sflag:s24] =	ssyncadd.s32 $0xFFFFFD88  }
.LBB2_1:
0x5b: {  	[dreg:$0x14] =	wrdreg s17;
	s20 =	simm.s32 $0x0;
	s17 =	simm.s32 $0x200  }
.LBB2_2:
0x5c: {  	p0 =	sne.s32 s17, $0x9E00;
	[tilespmem:s20+$0x470] =	vst v0  }
0x5d: {  	[tilespmem:s20+$0x400] =	vst v0  }
0x5e: {  	[tilespmem:s20+$0x410] =	vst v0  }
.Ltmp2:
0x5f: {  	[tilespmem:s20+$0x420] =	vst v0;
	(pc) =	sbr.rel @p0 .LBB2_2-.Ltmp2, $4  }
0x60: {  	[tilespmem:s20+$0x430] =	vst v0  }
0x61: {  	[tilespmem:s20+$0x440] =	vst v0  }
0x62: {  	[tilespmem:s20+$0x450] =	vst v0  }
0x63: {  	[tilespmem:s20+$0x460] =	vst v0;
	s20 =	sshra.s32 s17, $0x2;
	s17 =	sadd.s32 $0x200, s17  }
0x64: {  	[tilespmem:s20+$0x470] =	vst v0  }
0x65: {  	[tilespmem:s20+$0x400] =	vst v0  }
0x66: {  	[tilespmem:s20+$0x410] =	vst v0  }
0x67: {  	[tilespmem:s20+$0x420] =	vst v0  }
0x68: {  	[tilespmem:s20+$0x430] =	vst v0  }
0x69: {  	[tilespmem:s20+$0x440] =	vst v0  }
0x6a: {  	[tilespmem:s20+$0x450] =	vst v0  }
0x6b: {  	[tilespmem:s20+$0x460] =	vst v0  }
0x6c: {  	[spmem:s21] =	stream.linear.scatter [tilespmem:s23], [sflag:$0xA], $0x2800, $0x38;
	[tilespmem:$0x1E578] =	vst v63  }
0x6d: {  	_ =	swait.ge [sflag:s24], $0x2800  }
0x6e: {  	[sflag:s24] =	ssyncset.done $0x0  }
0x6f: {  	s0 =	rddreg [dreg:$0x7];
	[sflag:s24] =	ssyncadd.s32 $0xFFFFD800  }
0x70: {  	[spmem:s0] =	stream.linear.scatter [tilespmem:s23], [sflag:$0xA], $0x2800, $0x38;
	[tilespmem:$0x1E578] =	vst v63  }
0x71: {  	_ =	swait.ge [sflag:s24], $0x2800  }
0x72: {  	[sflag:s24] =	ssyncset.done $0x0  }
0x73: {  	s25 =	rddreg [dreg:$0x8];
	[sflag:s24] =	ssyncadd.s32 $0xFFFFD800  }
0x74: {  	[spmem:s25] =	stream.linear.scatter [tilespmem:s23], [sflag:$0xA], $0x2800, $0x38;
	[tilespmem:$0x1E578] =	vst v63  }
0x75: {  	_ =	swait.ge [sflag:s24], $0x2800  }
0x76: {  	[sflag:s24] =	ssyncset.done $0x0  }
0x77: {  	s17 =	rddreg [dreg:$0x9];
	[sflag:s24] =	ssyncadd.s32 $0xFFFFD800  }
0x78: {  	[spmem:s17] =	stream.linear.scatter [tilespmem:s23], [sflag:$0xA], $0x2800, $0x38;
	[tilespmem:$0x1E578] =	vst v63  }
0x79: {  	_ =	swait.ge [sflag:s24], $0x2800  }
0x7a: {  	[sflag:s24] =	ssyncset.done $0x0  }
0x7b: {  	s20 =	rddreg [dreg:$0xa];
	[sflag:s24] =	ssyncadd.s32 $0xFFFFD800  }
0x7c: {  	[spmem:s20] =	stream.linear.scatter [tilespmem:s23], [sflag:$0xA], $0x2800, $0x38;
	[tilespmem:$0x1E578] =	vst v63  }
0x7d: {  	_ =	swait.ge [sflag:s24], $0x2800  }
0x7e: {  	[sflag:s24] =	ssyncset.done $0x0  }
0x7f: {  	s21 =	rddreg [dreg:$0xb];
	[sflag:s24] =	ssyncadd.s32 $0xFFFFD800  }
0x80: {  	[spmem:s21] =	stream.linear.scatter [tilespmem:s23], [sflag:$0xA], $0x2800, $0x38;
	[tilespmem:$0x1E578] =	vst v63  }
0x81: {  	_ =	swait.ge [sflag:s24], $0x2800  }
0x82: {  	[sflag:s24] =	ssyncset.done $0x0  }
0x83: {  	s22 =	rddreg [dreg:$0xc];
	[sflag:s24] =	ssyncadd.s32 $0xFFFFD800  }
0x84: {  	[spmem:s22] =	stream.linear.scatter [tilespmem:s23], [sflag:$0xA], $0x2800, $0x38;
	[tilespmem:$0x1E578] =	vst v63  }
0x85: {  	_ =	swait.ge [sflag:s24], $0x2800  }
0x86: {  	[sflag:s24] =	ssyncset.done $0x0  }
0x87: {  	s25 =	rddreg [dreg:$0xd];
	[sflag:s24] =	ssyncadd.s32 $0xFFFFD800  }
0x88: {  	[spmem:s25] =	stream.linear.scatter [tilespmem:s23], [sflag:$0xA], $0x2400, $0x38;
	[tilespmem:$0x1E578] =	vst v63  }
0x89: {  	_ =	swait.ge [sflag:s24], $0x2400  }
0x8a: {  	[sflag:s24] =	ssyncset.done $0x0  }
0x8b: {  	[sflag:s24] =	ssyncadd.s32 $0xFFFFDC00  }
0x8c: {  	[tilespmem:$0x1E000] =	vst v1  }
0x8d: {  	[tilespmem:$0x1E010] =	vst v1  }
0x8e: {  	[tilespmem:$0x1E020] =	vst v1  }
0x8f: {  	[tilespmem:$0x1E030] =	vst v1  }
0x90: {  	[tilespmem:$0x1E040] =	vst v1  }
0x91: {  	[tilespmem:$0x1E080] =	vst v0  }
0x92: {  	[tilespmem:$0x1E090] =	vst v0  }
0x93: {  	[tilespmem:$0x1E0A0] =	vst v0  }
0x94: {  	[tilespmem:$0x1E0B0] =	vst v0  }
0x95: {  	[tilespmem:$0x1E0C0] =	vst v0  }
0x96: {  	[tilespmem:$0x1E0D0] =	vst v0  }
0x97: {  	[tilespmem:$0x1E0E0] =	vst v0  }
0x98: {  	[tilespmem:$0x1E0F0] =	vst v0  }
0x99: {  	[tilespmem:$0x1E100] =	vst v0  }
0x9a: {  	[tilespmem:$0x1E110] =	vst v0  }
0x9b: {  	[tilespmem:$0x1E120] =	vst v0  }
0x9c: {  	[tilespmem:$0x1E130] =	vst v0  }
0x9d: {  	[tilespmem:$0x1E140] =	vst v0  }
0x9e: {  	[tilespmem:$0x1E150] =	vst v0  }
0x9f: {  	[tilespmem:$0x1E160] =	vst v0  }
0xa0: {  	[tilespmem:$0x1E170] =	vst v0  }
0xa1: {  	[tilespmem:$0x1E180] =	vst v0  }
0xa2: {  	[tilespmem:$0x1E190] =	vst v0  }
0xa3: {  	[tilespmem:$0x1E1A0] =	vst v0  }
0xa4: {  	[tilespmem:$0x1E1B0] =	vst v0  }
0xa5: {  	[tilespmem:$0x1E1C0] =	vst v0  }
0xa6: {  	[tilespmem:$0x1E1D0] =	vst v0  }
0xa7: {  	[tilespmem:$0x1E1E0] =	vst v0  }
0xa8: {  	[tilespmem:$0x1E1F0] =	vst v0  }
0xa9: {  	[tilespmem:$0x1E200] =	vst v0  }
0xaa: {  	[tilespmem:$0x1E210] =	vst v0  }
0xab: {  	[tilespmem:$0x1E220] =	vst v0  }
0xac: {  	[tilespmem:$0x1E230] =	vst v0  }
0xad: {  	[tilespmem:$0x1E240] =	vst v0  }
0xae: {  	[tilespmem:$0x1E250] =	vst v0  }
0xaf: {  	[tilespmem:$0x1E260] =	vst v0  }
0xb0: {  	[tilespmem:$0x1E270] =	vst v0  }
0xb1: {  	[tilespmem:$0x1E280] =	vst v0  }
0xb2: {  	[tilespmem:$0x1E290] =	vst v0  }
0xb3: {  	[tilespmem:$0x1E2A0] =	vst v0  }
0xb4: {  	[tilespmem:$0x1E2B0] =	vst v0  }
0xb5: {  	[tilespmem:$0x1E2C0] =	vst v0  }
0xb6: {  	[tilespmem:$0x1E2D0] =	vst v0  }
0xb7: {  	[tilespmem:$0x1E2E0] =	vst v0  }
0xb8: {  	[tilespmem:$0x1E2E8] =	vst v0  }
0xb9: {  	[spmem:s9] =	stream.linear.scatter [tilespmem:s12], [sflag:$0xA], $0x278, $0x38;
	[tilespmem:$0x1E578] =	vst v63  }
0xba: {  	_ =	swait.ge [sflag:s24], $0x278  }
.Ltmp3:
0xbb: {  	[sflag:s24] =	ssyncset.done $0x0;
	(pc) =	sbr.rel .LBB2_4-.Ltmp3, $4  }
0xbc: {  	[sflag:s24] =	ssyncadd.s32 $0xFFFFFD88  }
0xbd: {  	[bflag:$0x0] =	sbarrier.arrive $0xFFFF  }
0xbe: {  	s25 =	rddreg [dreg:$0x13]  }
0xbf: {  	s22 =	simm.s32 $0x3;
	s20 =	rddreg [dreg:$0x12]  }
.LBB2_9:
0xc0: {  	[tilespmem:$0x300] =	vst v2  }
0xc1: {  	[tilespmem:$0x310] =	vst v2  }
0xc2: {  	[tilespmem:$0x320] =	vst v2  }
0xc3: {  	[tilespmem:$0x330] =	vst v2  }
0xc4: {  	[tilespmem:$0x340] =	vst v2;
	s0 =	simm.s32 $0x5400;
	s17 =	simm.s32 $0x7F  }
0xc5: {  	[tilespmem:s0], [sflag:$0x3] =	stream.indirect.gather [hbm4b:s1+s29], $0x80, s10, s29, $0xb8;
	[tilespmem:$0x1E578] =	vst v63  }
.LBB2_11:
0xc6: {  	_ =	swait.ge [sflag:s13], $0x2800  }
0xc7: {  	[sflag:s13] =	ssyncset.done $0x0  }
0xc8: {  	[sflag:s13] =	ssyncadd.s32 $0xFFFFD800  }
.LBB2_12:
0xc9: {  	s0 =	smin.u32 s17, $0x7C  }
0xca: {  	s0 =	smul.u32 $0x50, s0;
	_ =	sdelay $0x1  }
0xcb: {  	s0 =	sadd.s32 s8, s0  }
0xcc: {  	s0 =	sshrl.u32 s0, $0x3  }
0xcd: {  	s9 =	sadd.s32 s6, s0  }
0xce: {  	[tilespmem:s14], [sflag:$0x9] =	stream.linear.gather [hbm4b:s9+s5], $0x50, $0x38;
	[tilespmem:$0x1E578] =	vst v63  }
0xcf: {  	s0 =	sadd.s32 s7, s0  }
0xd0: {  	[tilespmem:s15], [sflag:$0x9] =	stream.linear.gather [hbm4b:s0+s5], $0x50, $0x38;
	[tilespmem:$0x1E578] =	vst v63  }
0xd1: {  	_ =	swait.ge [sflag:s16], $0x2800  }
0xd2: {  	[sflag:s16] =	ssyncset.done $0x0  }
0xd3: {  	[sflag:s16] =	ssyncadd.s32 $0xFFFFD800  }
0xd4: {  	[spmem:s2] =	stream.indirect.scatter.add.f32 [tilespmem:s23], [sflag:$0x5], $0x80, s26, s29, $0xb8;
	[tilespmem:$0x1E578] =	vst v63  }
0xd5: {  	_ = 	snop  }
0xd6: {  	[spmem:s3] =	stream.indirect.scatter.add.f32 [tilespmem:s18], [sflag:$0xA], $0x1, s26, s29, $0xb8;
	[tilespmem:$0x1E578] =	vst v63  }
0xd7: {  	_ =	swait.ge [sflag:s24], $0x50  }
0xd8: {  	[sflag:s24] =	ssyncset.done $0x0  }
0xd9: {  	[sflag:s24] =	ssyncadd.s32 $0xFFFFFFB0  }
0xda: {  	_ =	swait.ge [sflag:s28], $0x50  }
0xdb: {  	[sflag:s28] =	ssyncset.done $0x0  }
0xdc: {  	[sflag:s28] =	ssyncadd.s32 $0xFFFFFFB0  }
0xdd: {  	_ =	swait.ge [sflag:s28], $0x50  }
0xde: {  	p0 =	slt.u32 s17, $0x7D;
	[sflag:s28] =	ssyncset.done $0x0  }
0xdf: {  	v3 =	vimm.s32 @!p0 $0x2710;
	[sflag:s28] =	ssyncadd.s32 $0xFFFFFFB0  }
0xe0: {  	[tilespmem:$0x380] =	vst @!p0 v3  }
0xe1: {  	[tilespmem:$0x390] =	vst @!p0 v3  }
0xe2: {  	[tilespmem:$0x3A0] =	vst @!p0 v3  }
0xe3: {  	s22 =	sadd.s32 $0x4, s22;
	[tilespmem:$0x3B0] =	vst @!p0 v3  }
0xe4: {  	[tilespmem:$0x3C0] =	vst @!p0 v3;
	p0 =	sne.s32 s22, $0x83  }
.Ltmp4:
0xe5: {  	_ = 	snop;
	(pc) =	sbr.rel @!p0 .LBB2_13-.Ltmp4, $3  }
0xe6: {  	_ =	sdelay $0x1  }
0xe7: {  	s20 =	sadd.s32 $0x28, s20;
	s25 =	sadd.s32 $0x28, s25  }
0xe8: {  	[tilespmem:s19], [sflag:$0x4] =	stream.indirect.gather [hbm4b:s1+s29], $0x80, s14, s29, $0xb8;
	[tilespmem:$0x1E578] =	vst v63  }
.LBB2_4:
0xe9: {  	p0 =	seq.s32 s22, $0x3  }
0xea: {  	s17 =	simm.s32 @!p0 $0x5  }
0xeb: {  	_ =	swait.ge @!p0 [sflag:s17], $0x2800  }
0xec: {  	[sflag:s17] =	ssyncset.done @!p0 $0x0  }
0xed: {  	[sflag:s17] =	ssyncadd.s32 @!p0 $0xFFFFD800  }
0xee: {  	[tilespmem:s5], [sflag:$0x9] =	stream.linear.gather [hbm4b:s25+s5], $0x50, $0x38;
	[tilespmem:$0x1E578] =	vst v63  }
0xef: {  	s17 =	simm.s32 @!p0 $0x2  }
0xf0: {  	[tilespmem:s26], [sflag:$0x9] =	stream.linear.gather [hbm4b:s20+s5], $0x50, $0x38;
	[tilespmem:$0x1E578] =	vst v63  }
0xf1: {  	_ =	swait.ge @!p0 [sflag:s17], $0x2800  }
0xf2: {  	s9 =	simm.s32 @!p0 $0x280;
	[sflag:s17] =	ssyncset.done @!p0 $0x0  }
0xf3: {  	s21 =	simm.s32 @!p0 $0x2C00;
	[sflag:s17] =	ssyncadd.s32 @!p0 $0xFFFFD800;
	s17 =	simm.s32 @!p0 $0x50  }
0xf4: {  	[spmem:s2] =	stream.indirect.scatter.add.f32 @!p0 [tilespmem:s21], [sflag:$0x6], $0x80, s9, s17, $0xb8;
	[tilespmem:$0x1E578] =	vst v63  }
0xf5: {  	s21 =	simm.s32 @!p0 $0x1E000  }
0xf6: {  	[spmem:s3] =	stream.indirect.scatter.add.f32 @!p0 [tilespmem:s21], [sflag:$0xA], $0x1, s9, s17, $0xb8;
	[tilespmem:$0x1E578] =	vst v63  }
0xf7: {  	s9 =	simm.s32 @!p0 $0xA  }
0xf8: {  	_ =	swait.ge @!p0 [sflag:s9], $0x50  }
0xf9: {  	[sflag:s9] =	ssyncset.done @!p0 $0x0  }
0xfa: {  	[sflag:s9] =	ssyncadd.s32 @!p0 $0xFFFFFFB0  }
0xfb: {  	_ =	swait.ge [sflag:s28], $0x50  }
0xfc: {  	[sflag:s28] =	ssyncset.done $0x0  }
0xfd: {  	[sflag:s28] =	ssyncadd.s32 $0xFFFFFFB0  }
0xfe: {  	s0 =	sadd.s32 $0xFFFFFFFE, s22;
	_ =	swait.ge [sflag:s28], $0x50  }
0xff: {  	s0 =	smin.u32 s0, $0x7C;
	[sflag:s28] =	ssyncset.done $0x0  }
0x100: {  	s12 =	simm.s32 @!p0 $0x6;
	s0 =	smul.u32 $0x50, s0;
	[sflag:s28] =	ssyncadd.s32 $0xFFFFFFB0  }
0x101: {  	[tilespmem:s23], [sflag:$0x1] =	stream.indirect.gather [hbm4b:s1+s29], $0x80, s5, s29, $0xb8;
	[tilespmem:$0x1E578] =	vst v63  }
0x102: {  	s0 =	sadd.s32 s8, s0;
	_ =	swait.ge @!p0 [sflag:s12], $0x2800  }
0x103: {  	s0 =	sshrl.u32 s0, $0x3;
	[sflag:s12] =	ssyncset.done @!p0 $0x0  }
0x104: {  	[sflag:s12] =	ssyncadd.s32 @!p0 $0xFFFFD800;
	s12 =	sadd.s32 s6, s0  }
0x105: {  	[tilespmem:s30], [sflag:$0x9] =	stream.linear.gather [hbm4b:s12+s5], $0x50, $0x38;
	[tilespmem:$0x1E578] =	vst v63  }
0x106: {  	s0 =	sadd.s32 s7, s0  }
0x107: {  	[tilespmem:s31], [sflag:$0x9] =	stream.linear.gather [hbm4b:s0+s5], $0x50, $0x38;
	[tilespmem:$0x1E578] =	vst v63  }
0x108: {  	s0 =	simm.s32 @!p0 $0x3  }
0x109: {  	_ =	swait.ge @!p0 [sflag:s0], $0x2800  }
0x10a: {  	[sflag:s0] =	ssyncset.done @!p0 $0x0  }
0x10b: {  	s12 =	simm.s32 @!p0 $0x5400;
	[sflag:s0] =	ssyncadd.s32 @!p0 $0xFFFFD800;
	s0 =	simm.s32 @!p0 $0x300  }
0x10c: {  	[spmem:s2] =	stream.indirect.scatter.add.f32 @!p0 [tilespmem:s12], [sflag:$0x7], $0x80, s0, s17, $0xb8;
	[tilespmem:$0x1E578] =	vst v63  }
0x10d: {  	_ = 	snop  }
0x10e: {  	[spmem:s3] =	stream.indirect.scatter.add.f32 @!p0 [tilespmem:s21], [sflag:$0xA], $0x1, s0, s17, $0xb8;
	[tilespmem:$0x1E578] =	vst v63  }
0x10f: {  	_ =	swait.ge @!p0 [sflag:s9], $0x50  }
0x110: {  	[sflag:s9] =	ssyncset.done @!p0 $0x0  }
0x111: {  	[sflag:s9] =	ssyncadd.s32 @!p0 $0xFFFFFFB0  }
0x112: {  	p1 =	sne.s32 s22, $0x7F;
	_ =	swait.ge [sflag:s28], $0x50  }
.Ltmp5:
0x113: {  	[sflag:s28] =	ssyncset.done $0x0;
	(pc) =	sbr.rel @p1 .LBB2_6-.Ltmp5, $4  }
0x114: {  	[sflag:s28] =	ssyncadd.s32 $0xFFFFFFB0  }
0x115: {  	_ =	swait.ge [sflag:s28], $0x50  }
0x116: {  	[sflag:s28] =	ssyncset.done $0x0  }
0x117: {  	[sflag:s28] =	ssyncadd.s32 $0xFFFFFFB0  }
0x118: {  	[tilespmem:$0x280] =	vst v2  }
.Ltmp6:
0x119: {  	[tilespmem:$0x290] =	vst v2;
	(pc) =	sbr.rel .LBB2_7-.Ltmp6, $4  }
0x11a: {  	[tilespmem:$0x2A0] =	vst v2  }
0x11b: {  	[tilespmem:$0x2B0] =	vst v2  }
0x11c: {  	[tilespmem:$0x2C0] =	vst v2;
	s0 =	simm.s32 $0x2C00;
	s17 =	simm.s32 $0x7E  }
0x11d: {  	[tilespmem:s0], [sflag:$0x2] =	stream.indirect.gather [hbm4b:s1+s29], $0x80, s30, s29, $0xb8;
	[tilespmem:$0x1E578] =	vst v63  }
.LBB2_6:
.Ltmp7:
0x11e: {  	(pc) =	sbr.rel @p0 .LBB2_8-.Ltmp7, $3  }
0x11f: {  	_ =	sdelay $0x1  }
0x120: {  	s0 =	simm.s32 $0x2C00;
	s17 =	sadd.s32 $0xFFFFFFFF, s22  }
0x121: {  	[tilespmem:s0], [sflag:$0x2] =	stream.indirect.gather [hbm4b:s1+s29], $0x80, s30, s29, $0xb8;
	[tilespmem:$0x1E578] =	vst v63  }
.LBB2_7:
0x122: {  	_ =	swait.ge [sflag:s4], $0x2800  }
0x123: {  	[sflag:s4] =	ssyncset.done $0x0  }
0x124: {  	[sflag:s4] =	ssyncadd.s32 $0xFFFFD800  }
.LBB2_8:
0x125: {  	s0 =	smin.u32 s17, $0x7C  }
0x126: {  	s0 =	smul.u32 $0x50, s0;
	_ =	sdelay $0x1  }
0x127: {  	s0 =	sadd.s32 s8, s0  }
0x128: {  	s0 =	sshrl.u32 s0, $0x3  }
0x129: {  	s9 =	sadd.s32 s6, s0  }
0x12a: {  	[tilespmem:s10], [sflag:$0x9] =	stream.linear.gather [hbm4b:s9+s5], $0x50, $0x38;
	[tilespmem:$0x1E578] =	vst v63  }
0x12b: {  	s0 =	sadd.s32 s7, s0  }
0x12c: {  	[tilespmem:s11], [sflag:$0x9] =	stream.linear.gather [hbm4b:s0+s5], $0x50, $0x38;
	[tilespmem:$0x1E578] =	vst v63  }
0x12d: {  	s0 =	simm.s32 @!p0 $0x4  }
0x12e: {  	_ =	swait.ge @!p0 [sflag:s0], $0x2800  }
0x12f: {  	s12 =	simm.s32 @!p0 $0x7C00;
	[sflag:s0] =	ssyncset.done @!p0 $0x0  }
0x130: {  	s9 =	simm.s32 @!p0 $0x380;
	[sflag:s0] =	ssyncadd.s32 @!p0 $0xFFFFD800;
	s0 =	simm.s32 @!p0 $0x50  }
0x131: {  	[spmem:s2] =	stream.indirect.scatter.add.f32 @!p0 [tilespmem:s12], [sflag:$0x8], $0x80, s9, s0, $0xb8;
	[tilespmem:$0x1E578] =	vst v63  }
0x132: {  	s12 =	simm.s32 @!p0 $0x1E000  }
0x133: {  	[spmem:s3] =	stream.indirect.scatter.add.f32 @!p0 [tilespmem:s12], [sflag:$0xA], $0x1, s9, s0, $0xb8;
	[tilespmem:$0x1E578] =	vst v63  }
0x134: {  	s0 =	simm.s32 @!p0 $0xA  }
0x135: {  	_ =	swait.ge @!p0 [sflag:s0], $0x50  }
0x136: {  	[sflag:s0] =	ssyncset.done @!p0 $0x0  }
0x137: {  	[sflag:s0] =	ssyncadd.s32 @!p0 $0xFFFFFFB0  }
0x138: {  	_ =	swait.ge [sflag:s28], $0x50  }
.Ltmp8:
0x139: {  	[sflag:s28] =	ssyncset.done $0x0;
	(pc) =	sbr.rel @!p1 .LBB2_9-.Ltmp8, $4  }
0x13a: {  	[sflag:s28] =	ssyncadd.s32 $0xFFFFFFB0  }
0x13b: {  	_ =	swait.ge [sflag:s28], $0x50  }
0x13c: {  	[sflag:s28] =	ssyncset.done $0x0  }
0x13d: {  	[sflag:s28] =	ssyncadd.s32 $0xFFFFFFB0  }
.Ltmp9:
0x13e: {  	(pc) =	sbr.rel @p0 .LBB2_12-.Ltmp9, $4  }
.Ltmp10:
0x13f: {  	(pc) =	sbr.rel @!p0 .LBB2_11-.Ltmp10, $4  }
0x140: {  	_ = 	snop  }
0x141: {  	s0 =	simm.s32 $0x5400;
	s17 =	smov.u32 s22  }
0x142: {  	[tilespmem:s0], [sflag:$0x3] =	stream.indirect.gather [hbm4b:s1+s29], $0x80, s10, s29, $0xb8;
	[tilespmem:$0x1E578] =	vst v63  }
0x143: {  	_ = 	snop  }
.LBB2_14:
0x144: {  	_ =	sfence.sel $0x180000  }
0x145: {  	[bflag:$0x0] =	sbarrier.arrive $0xFFFF  }
0x146: {  	_ =	strace $0x90000047  }
0x147: {  	s0 =	stileid.u32;
	[bflag:$0x2] =	sbarrier.arrive $0xFFFF  }
0x148: {  	p0 =	sne.s32 s0, $0x0;
	s0 =	rddreg [dreg:$0x5]  }
0x149: {  	s0 =	sadd.s32 @!p0 $0x100000, s0  }
0x14a: {  	[sflag:s0] =	ssyncadd.tile.s32 @!p0 $0x1;
	_ =	shalt  }
.Lfunc_end2:
_tile_overlayer_lowered:
.L_overlay_start_2:
0x14b: {  	(tag) =	ssettag $0x2  }
0x14c: {  	s0 =	rddreg [dreg:$0x0];
	s2 =	stileid.u32  }
0x14d: {  	s1 =	rddreg [dreg:$0x1];
	p0 =	sne.s32 s2, $0x0  }
0x14e: {  	s3 =	rddreg [dreg:$0x2];
	[bflag:$0x3] =	sbarrier.arrive $0xFFFF;
	s2 =	simm.s32 @!p0 $0x1C0A  }
0x14f: {  	[timem:s3], [sflag:s2] =	dma.local @!p0 [hbm:s0], s1  }
0x150: {  	s0 =	simm.s32 @!p0 $0xA  }
0x151: {  	_ =	swait.ge @!p0 [sflag:s0], s1  }
0x152: {  	s1 =	ssub.s32 @!p0 $0x0, s1;
	[sflag:s0] =	ssyncset.done @!p0 $0x0  }
0x153: {  	[sflag:s0] =	ssyncadd.s32 @!p0 s1  }
0x154: {  	[bflag:$0x3] =	sbarrier.arrive $0xFFFF  }
0x155: {  	_ =	shalt  }

</sc_bundles>
